<compile_context>
chip_gen: v7x
topology: tpu7x:2x2x1
jax: 0.10.2.dev20260603
libtpu: 0.0.44.dev20260713+nightly
codegen_flags: <defaults>
</compile_context>

<pallas_src>
import functools

import jax
import jax.numpy as jnp
from jax import lax
from jax.experimental import pallas as pl
from jax.experimental.pallas import tpu as pltpu
from jax.experimental.pallas import tpu_sc as plsc

_NUM_PATCHES = 2048
_NC = 2
_NS = 16
_CH = 64



def _cast_body(x_ref, o_ref):
    o_ref[...] = x_ref[...].astype(jnp.bfloat16)


def _cast(bytes):
    B, S, D = bytes.shape
    ST = 1024
    ns = S // ST
    return pl.pallas_call(
        _cast_body,
        grid=(B * ns,),
        in_specs=[pl.BlockSpec((1, ST, D), lambda i: (i // ns, i % ns, 0))],
        out_specs=pl.BlockSpec((1, ST, D), lambda i: (i // ns, i % ns, 0)),
        out_shape=jax.ShapeDtypeStruct((B, S, D), jnp.bfloat16),
    )(bytes)



_CH = 16
_PPT = 256
_PHP = 128


def _sc_body(bytesf_hbm, idsf_hbm, sumsf_hbm, cntsf_hbm,
             acc_v, cnt_v, rows0_v, rows1_v, idbuf_v, idx0_v, idx1_v,
             isem0, rsem0, isem1, rsem1, *, B, S, D, NP):
    c = lax.axis_index("c")
    s = lax.axis_index("s")
    w = c * _NS + s
    tiles_per_row = NP // _PPT
    row = w // tiles_per_row
    p0 = (w % tiles_per_row) * _PPT
    rbase = pl.multiple_of(row * S, 1024)

    def cnt_chunk(cb, carry):
        alo, amid, ahi = carry
        pltpu.sync_copy(idsf_hbm.at[pl.ds(rbase + cb * 1024, 1024)], idbuf_v)

        def cnt_vec(j, carry2):
            alo2, amid2, ahi2 = carry2
            v = idbuf_v[pl.ds(j * 16, 16)]
            one = jnp.ones((16,), jnp.int32)
            zero = jnp.zeros((16,), jnp.int32)
            alo2 = alo2 + jnp.where(v < p0, one, zero)
            amid2 = amid2 + jnp.where(v < p0 + _PHP, one, zero)
            ahi2 = ahi2 + jnp.where(v < p0 + _PPT, one, zero)
            return alo2, amid2, ahi2

        return lax.fori_loop(0, 1024 // 16, cnt_vec, (alo, amid, ahi))

    z16 = jnp.zeros((16,), jnp.int32)
    alo, amid, ahi = lax.fori_loop(0, S // 1024, cnt_chunk, (z16, z16, z16))
    lo = alo[0]
    mid = amid[0]
    hi = ahi[0]
    for l in range(1, 16):
        lo = lo + alo[l]
        mid = mid + amid[l]
        hi = hi + ahi[l]

    z16f = jnp.zeros((16,), jnp.float32)
    NW = (_PHP + 1) * D // 256

    rows_bufs = (rows0_v, rows1_v)
    idx_bufs = (idx0_v, idx1_v)
    sems = ((isem0, rsem0), (isem1, rsem1))

    def pass_q(q, _):
        pq = p0 + q * _PHP
        b0 = jnp.where(q == 0, lo, mid)
        b1 = jnp.where(q == 0, mid, hi)

        @plsc.parallel_loop(0, (_PHP + 1) * D, step=16, unroll=16)
        def _(i):
            acc_v[pl.ds(i, 16)] = z16f

        @plsc.parallel_loop(0, (_PHP + 1) * 16, step=16)
        def _(i):
            cnt_v[pl.ds(i, 16)] = z16f

        b016 = (b0 // 16) * 16
        ntp = b1 - b016
        nch = (ntp + _CH - 1) // _CH

        def t0c_of(k):
            return pl.multiple_of(jnp.minimum(b016 + k * _CH, S - _CH), 16)

        def start(k, slot):
            t0c = t0c_of(k)
            pltpu.async_copy(idsf_hbm.at[pl.ds(rbase + t0c, _CH)],
                             idx_bufs[slot], sems[slot][0])
            pltpu.async_copy(bytesf_hbm.at[pl.ds((rbase + t0c) * D, _CH * D)],
                             rows_bufs[slot], sems[slot][1])

        def wait(k, slot):
            t0c = t0c_of(k)
            pltpu.make_async_copy(idsf_hbm.at[pl.ds(rbase + t0c, _CH)],
                                  idx_bufs[slot], sems[slot][0]).wait()
            pltpu.make_async_copy(bytesf_hbm.at[pl.ds((rbase + t0c) * D, _CH * D)],
                                  rows_bufs[slot], sems[slot][1]).wait()

        def process(k, slot):
            t0c = t0c_of(k)
            off = b016 + k * _CH - t0c
            idx_v = idx_bufs[slot]
            rows_v = rows_bufs[slot]
            ones16f = jnp.ones((16,), jnp.float32)
            for g in range(_CH // 16):
                idv = idx_v[pl.ds(g * 16, 16)]
                for l in range(16):
                    pos = k * _CH + g * 16 + l
                    rel0 = idv[l] - pq
                    ok = (pos < ntp) & (rel0 >= 0) & (rel0 < _PHP)
                    rel = jnp.where(ok, rel0, _PHP)
                    bs = rel * D
                    bg = (off + g * 16 + l) * D
                    plsc.addupdate(cnt_v.at[pl.ds(rel * 16, 16)], ones16f)

                    @plsc.parallel_loop(0, D, step=16, unroll=8)
                    def _(j):
                        plsc.addupdate(acc_v.at[pl.ds(bs + j, 16)],
                                       rows_v[pl.ds(bg + j, 16)])

        @pl.when(nch > 0)
        def _():
            start(0, 0)

        def loop2(k2, _):
            k = k2 * 2

            @pl.when(k < nch)
            def _():
                wait(k, 0)

                @pl.when(k + 1 < nch)
                def _():
                    start(k + 1, 1)

                process(k, 0)

            @pl.when(k + 1 < nch)
            def _():
                wait(k + 1, 1)

                @pl.when(k + 2 < nch)
                def _():
                    start(k + 2, 0)

                process(k + 1, 1)

            return 0

        lax.fori_loop(0, (nch + 1) // 2, loop2, 0)

        pltpu.sync_copy(acc_v.at[pl.ds(0, _PHP * D)],
                        sumsf_hbm.at[pl.ds((row * NP + pq) * D, _PHP * D)])
        pltpu.sync_copy(cnt_v.at[pl.ds(0, _PHP * 16)],
                        cntsf_hbm.at[pl.ds((row * NP + pq) * 16, _PHP * 16)])
        return 0

    lax.fori_loop(0, 2, pass_q, 0)


def _sc_segsum(bytes, patch_ids):
    B, S, D = bytes.shape
    NP = _NUM_PATCHES
    body = functools.partial(_sc_body, B=B, S=S, D=D, NP=NP)
    f = pl.kernel(
        body,
        out_type=[jax.ShapeDtypeStruct((B * NP * D,), jnp.float32),
                  jax.ShapeDtypeStruct((B * NP * 16,), jnp.float32)],
        mesh=plsc.VectorSubcoreMesh(core_axis_name="c", subcore_axis_name="s"),
        compiler_params=pltpu.CompilerParams(needs_layout_passes=False),
        scratch_types=[
            pltpu.VMEM(((_PHP + 1) * D,), jnp.float32),
            pltpu.VMEM(((_PHP + 1) * 16,), jnp.float32),
            pltpu.VMEM((_CH * D,), jnp.float32),
            pltpu.VMEM((_CH * D,), jnp.float32),
            pltpu.VMEM((1024,), jnp.int32),
            pltpu.VMEM((_CH,), jnp.int32),
            pltpu.VMEM((_CH,), jnp.int32),
            pltpu.SemaphoreType.DMA,
            pltpu.SemaphoreType.DMA,
            pltpu.SemaphoreType.DMA,
            pltpu.SemaphoreType.DMA,
        ],
    )
    sumsf, cntsf = f(bytes.reshape(-1), patch_ids.reshape(-1).astype(jnp.int32))
    return sumsf.reshape(B, NP, D), cntsf.reshape(B, NP, 16)



def _proj_body(sums_ref, cnts_ref, whi_ref, wlo_ref, b_ref, o_ref):
    cnt = jnp.maximum(cnts_ref[0, :, 0], 1.0)[:, None]
    mean = (sums_ref[0] / cnt).astype(jnp.bfloat16)
    dn = (((1,), (0,)), ((), ()))
    acc = lax.dot_general(mean, whi_ref[...], dn,
                          preferred_element_type=jnp.float32)
    acc = acc + lax.dot_general(mean, wlo_ref[...], dn,
                                preferred_element_type=jnp.float32)
    o_ref[0] = acc + b_ref[0][None, :]


def _proj(sums, cnts, W, b):
    B, NP, D = sums.shape
    GD = W.shape[1]
    PB = 512
    npb = NP // PB
    whi = W.astype(jnp.bfloat16)
    wlo = (W - whi.astype(jnp.float32)).astype(jnp.bfloat16)
    return pl.pallas_call(
        _proj_body,
        grid=(B, npb),
        in_specs=[
            pl.BlockSpec((1, PB, D), lambda bb, pp: (bb, pp, 0)),
            pl.BlockSpec((1, PB, 16), lambda bb, pp: (bb, pp, 0)),
            pl.BlockSpec((D, GD), lambda bb, pp: (0, 0)),
            pl.BlockSpec((D, GD), lambda bb, pp: (0, 0)),
            pl.BlockSpec((1, GD), lambda bb, pp: (0, 0)),
        ],
        out_specs=pl.BlockSpec((1, PB, GD), lambda bb, pp: (bb, pp, 0)),
        out_shape=jax.ShapeDtypeStruct((B, NP, GD), jnp.float32),
    )(sums, cnts, whi, wlo, b.reshape(1, GD))


def kernel(bytes, patch_ids, W, b):
    B, S, D = bytes.shape
    sums, cnts = _sc_segsum(bytes, patch_ids)
    be = _cast(bytes)
    pe = _proj(sums, cnts, W, b)
    return (be, pe)

# --- scband reference (transcript-rebuilt; emitter-appended) ---
"""Pipeline reference for scband-local-encoder-with-pooling-9337258902408 (READ-ONLY COPY).

The authoritative reference and input builder live on the scoring server;
editing this copy changes nothing except your own understanding.
"""

import jax, jax.numpy as jnp
import numpy as np

B, S, D, GD, NUM_PATCHES = 4, 8192, 768, 1024, 2048


def setup_inputs(seed: int = 0) -> dict:
    key = jax.random.key(seed)
    k1, k2, k3 = jax.random.split(key, 3)
    bytes_ = jax.random.normal(k1, (B, S, D), dtype=jnp.float32)
    patch_ids = jnp.sort(jax.random.randint(k2, (B, S), 0, NUM_PATCHES), axis=-1)
    W = jax.random.normal(k3, (D, GD), dtype=jnp.float32) * (1.0 / np.sqrt(D))
    b = jnp.zeros((GD,), dtype=jnp.float32)
    return {"bytes": bytes_, "patch_ids": patch_ids, "W": W, "b": b}


def patch_reduce_mean(h, patch_ids, num_patches):
    # Equivalent of torch scatter_reduce(dim=1, reduce='mean', include_self=False)
    Bb, Ss, Dd = h.shape
    offsets = (jnp.arange(Bb, dtype=patch_ids.dtype) * num_patches)[:, None]
    seg = (patch_ids + offsets).reshape(-1)
    flat = h.reshape(-1, Dd)
    sums = jax.ops.segment_sum(flat, seg, num_segments=Bb * num_patches)
    counts = jax.ops.segment_sum(jnp.ones((Bb * Ss,), dtype=flat.dtype), seg, num_segments=Bb * num_patches)
    mean = sums / jnp.maximum(counts, 1)[:, None]
    return mean.reshape(Bb, num_patches, Dd)


def reference(bytes, patch_ids, W, b):
    # base_encoder = identity (pass-through), cross_attn_layers = None
    byte_embeds = bytes.astype(jnp.bfloat16)
    patch_embs = patch_reduce_mean(byte_embeds, patch_ids, NUM_PATCHES)
    # PatchToGlobalProjector: Linear(embed_dim -> global_dim), fp32 weights
    patch_embs = patch_embs.astype(jnp.float32) @ W + b
    return (byte_embeds, patch_embs)

if __name__ == "__main__":
    import jax
    _d = setup_inputs()
    print(jax.jit(kernel)(*tuple(_d.values())))

</pallas_src>

<mosaic_0001>
#map = affine_map<(d0, d1) -> (0)>
module attributes {stable_mosaic.version = 14 : i64} {
  func.func @_sc_body(%arg0: i32, %arg1: i32, %arg2: memref<25165824xf32, #tpu.memory_space<hbm>>, %arg3: memref<32768xi32, #tpu.memory_space<hbm>>, %arg4: memref<6291456xf32, #tpu.memory_space<hbm>>, %arg5: memref<131072xf32, #tpu.memory_space<hbm>>, %arg6: memref<99072xf32, #tpu.memory_space<vmem>>, %arg7: memref<2064xf32, #tpu.memory_space<vmem>>, %arg8: memref<12288xf32, #tpu.memory_space<vmem>>, %arg9: memref<12288xf32, #tpu.memory_space<vmem>>, %arg10: memref<1024xi32, #tpu.memory_space<vmem>>, %arg11: memref<16xi32, #tpu.memory_space<vmem>>, %arg12: memref<16xi32, #tpu.memory_space<vmem>>, %arg13: memref<!tpu.dma_semaphore, #tpu.memory_space<semaphore_mem>>, %arg14: memref<!tpu.dma_semaphore, #tpu.memory_space<semaphore_mem>>, %arg15: memref<!tpu.dma_semaphore, #tpu.memory_space<semaphore_mem>>, %arg16: memref<!tpu.dma_semaphore, #tpu.memory_space<semaphore_mem>>) attributes {dimension_semantics = [#tpu.dimension_semantics<core_parallel>, #tpu.dimension_semantics<subcore_parallel>], iteration_bounds = array<i64: 2, 16>, scalar_prefetch = 0 : i64, scratch_operands = 11 : i64, tpu.core_type = #tpu.core_type<sc_vector_subcore>, window_params = [{transform_indices = #map}, {transform_indices = #map}, {transform_indices = #map}, {transform_indices = #map}]} {
    %mul3A = arith.constant 16 : i32
    %mul3A_0 = arith.muli %arg0, %mul3A : i32
    %add3A = arith.addi %mul3A_0, %arg1 : i32
    %jit3A = arith.constant 8 : i32
    %div3A = arith.divsi %add3A, %jit3A : i32
    %sign3A = arith.constant 0 : i32
    %sign3A_1 = arith.cmpi sgt, %add3A, %sign3A : i32
    %sign3A_2 = arith.extui %sign3A_1 : i1 to i32
    %sign3A_3 = arith.constant 0 : i32
    %sign3A_4 = arith.cmpi slt, %add3A, %sign3A_3 : i32
    %sign3A_5 = arith.extui %sign3A_4 : i1 to i32
    %sign3A_6 = arith.subi %sign3A_2, %sign3A_5 : i32
    %sign3A_7 = arith.constant 0 : i32
    %sign3A_8 = arith.cmpi sgt, %jit3A, %sign3A_7 : i32
    %sign3A_9 = arith.extui %sign3A_8 : i1 to i32
    %sign3A_10 = arith.constant 0 : i32
    %sign3A_11 = arith.cmpi slt, %jit3A, %sign3A_10 : i32
    %sign3A_12 = arith.extui %sign3A_11 : i1 to i32
    %sign3A_13 = arith.subi %sign3A_9, %sign3A_12 : i32
    %ne3A = arith.cmpi ne, %sign3A_6, %sign3A_13 : i32
    %rem3A = arith.remsi %add3A, %jit3A : i32
    %ne3A_14 = arith.constant 0 : i32
    %ne3A_15 = arith.cmpi ne, %rem3A, %ne3A_14 : i32
    %and3A = arith.andi %ne3A, %ne3A_15 : i1
    %sub3A = arith.constant 1 : i32
    %sub3A_16 = arith.subi %div3A, %sub3A : i32
    %select_n3A = arith.select %and3A, %sub3A_16, %div3A : i32
    %jit3A_17 = arith.constant 8 : i32
    %eq3A = arith.constant 0 : i32
    %eq3A_18 = arith.cmpi eq, %jit3A_17, %eq3A : i32
    %jit3A_19 = arith.constant 1 : i32
    %select_n3A_20 = arith.select %eq3A_18, %jit3A_19, %jit3A_17 : i32
    %rem3A_21 = arith.remsi %add3A, %select_n3A_20 : i32
    %ne3A_22 = arith.constant 0 : i32
    %ne3A_23 = arith.cmpi ne, %rem3A_21, %ne3A_22 : i32
    %lt3A = arith.constant 0 : i32
    %lt3A_24 = arith.cmpi slt, %rem3A_21, %lt3A : i32
    %lt3A_25 = arith.constant 0 : i32
    %lt3A_26 = arith.cmpi slt, %select_n3A_20, %lt3A_25 : i32
    %ne3A_27 = arith.xori %lt3A_24, %lt3A_26 : i1
    %and3A_28 = arith.andi %ne3A_27, %ne3A_23 : i1
    %add3A_29 = arith.addi %rem3A_21, %select_n3A_20 : i32
    %select_n3A_30 = arith.select %and3A_28, %add3A_29, %rem3A_21 : i32
    %mul3A_31 = arith.constant 256 : i32
    %mul3A_32 = arith.muli %select_n3A_30, %mul3A_31 : i32
    %mul3A_33 = arith.constant 8192 : i32
    %mul3A_34 = arith.muli %select_n3A, %mul3A_33 : i32
    %multiple_of3A = tpu.assume_multiple %mul3A_34, 1024 : i32
    %broadcast_in_dim3A = arith.constant 0 : i32
    %broadcast_in_dim3A_35 = vector.broadcast %broadcast_in_dim3A : i32 to vector<16xi32>
    %scan3A = arith.constant 0 : i32
    %scan3A_36 = arith.constant 8 : i32
    %scan3A_37 = arith.addi %scan3A, %scan3A_36 : i32
    %scan3A_38 = arith.constant 1 : i32
    %scan3A_39:3 = scf.for %scan3A_189 = %scan3A to %scan3A_37 step %scan3A_38 iter_args(%scan3A_190 = %broadcast_in_dim3A_35, %scan3A_191 = %broadcast_in_dim3A_35, %scan3A_192 = %broadcast_in_dim3A_35) -> (vector<16xi32>, vector<16xi32>, vector<16xi32>)  : i32 {
      %mul3A_193 = arith.constant 1024 : i32
      %mul3A_194 = arith.muli %scan3A_189, %mul3A_193 : i32
      %add3A_195 = arith.addi %multiple_of3A, %mul3A_194 : i32
      "tpu.region"() ({
        %run_scoped3A = tpu.sem_alloc : memref<!tpu.dma_semaphore, #tpu.memory_space<semaphore_mem>>
        %dma_start3A = tpu.memref_slice %arg3[%add3A_195] : memref<32768xi32, #tpu.memory_space<hbm>> -> memref<1024xi32, #tpu.memory_space<hbm>>
        %dma_start3A_202 = tpu.memref_slice %arg3[%add3A_195] : memref<32768xi32, #tpu.memory_space<hbm>> -> memref<1024xi32, #tpu.memory_space<hbm>>
        tpu.enqueue_dma source(%dma_start3A_202 : memref<1024xi32, #tpu.memory_space<hbm>>) target(%arg10 : memref<1024xi32, #tpu.memory_space<vmem>>) target_semaphore(%run_scoped3A : memref<!tpu.dma_semaphore, #tpu.memory_space<semaphore_mem>>)
        %dma_wait3A = tpu.memref_slice %arg3[%add3A_195] : memref<32768xi32, #tpu.memory_space<hbm>> -> memref<1024xi32, #tpu.memory_space<hbm>>
        %dma_wait3A_203 = tpu.memref_slice %arg3[%add3A_195] : memref<32768xi32, #tpu.memory_space<hbm>> -> memref<1024xi32, #tpu.memory_space<hbm>>
        tpu.wait_dma2 semaphore(%run_scoped3A : memref<!tpu.dma_semaphore, #tpu.memory_space<semaphore_mem>>) src(%dma_wait3A_203 : memref<1024xi32, #tpu.memory_space<hbm>>) dst(%arg10 : memref<1024xi32, #tpu.memory_space<vmem>>)
        tpu.yield
      }) : () -> ()
      %scan3A_196 = arith.constant 0 : i32
      %scan3A_197 = arith.constant 64 : i32
      %scan3A_198 = arith.addi %scan3A_196, %scan3A_197 : i32
      %scan3A_199 = arith.constant 1 : i32
      %scan3A_200:3 = scf.for %scan3A_202 = %scan3A_196 to %scan3A_198 step %scan3A_199 iter_args(%scan3A_203 = %scan3A_190, %scan3A_204 = %scan3A_191, %scan3A_205 = %scan3A_192) -> (vector<16xi32>, vector<16xi32>, vector<16xi32>)  : i32 {
        %mul3A_206 = arith.constant 16 : i32
        %mul3A_207 = arith.muli %scan3A_202, %mul3A_206 : i32
        %get3A = arith.index_cast %mul3A_207 : i32 to index
        %get3A_208 = tpu.vector_load %arg10[%get3A] {strides = array<i32>} : memref<1024xi32, #tpu.memory_space<vmem>>, vector<16xi32>,
        %broadcast_in_dim3A_209 = arith.constant 1 : i32
        %broadcast_in_dim3A_210 = vector.broadcast %broadcast_in_dim3A_209 : i32 to vector<16xi32>
        %broadcast_in_dim3A_211 = arith.constant 0 : i32
        %broadcast_in_dim3A_212 = vector.broadcast %broadcast_in_dim3A_211 : i32 to vector<16xi32>
        %lt3A_213 = vector.broadcast %mul3A_32 : i32 to vector<16xi32>
        %lt3A_214 = arith.cmpi slt, %get3A_208, %lt3A_213 : vector<16xi32>
        %select_n3A_215 = arith.select %lt3A_214, %broadcast_in_dim3A_210, %broadcast_in_dim3A_212 : vector<16xi1>, vector<16xi32>
        %add3A_216 = arith.addi %scan3A_203, %select_n3A_215 : vector<16xi32>
        %add3A_217 = arith.constant 128 : i32
        %add3A_218 = arith.addi %mul3A_32, %add3A_217 : i32
        %lt3A_219 = vector.broadcast %add3A_218 : i32 to vector<16xi32>
        %lt3A_220 = arith.cmpi slt, %get3A_208, %lt3A_219 : vector<16xi32>
        %select_n3A_221 = arith.select %lt3A_220, %broadcast_in_dim3A_210, %broadcast_in_dim3A_212 : vector<16xi1>, vector<16xi32>
        %add3A_222 = arith.addi %scan3A_204, %select_n3A_221 : vector<16xi32>
        %add3A_223 = arith.constant 256 : i32
        %add3A_224 = arith.addi %mul3A_32, %add3A_223 : i32
        %lt3A_225 = vector.broadcast %add3A_224 : i32 to vector<16xi32>
        %lt3A_226 = arith.cmpi slt, %get3A_208, %lt3A_225 : vector<16xi32>
        %select_n3A_227 = arith.select %lt3A_226, %broadcast_in_dim3A_210, %broadcast_in_dim3A_212 : vector<16xi1>, vector<16xi32>
        %add3A_228 = arith.addi %scan3A_205, %select_n3A_227 : vector<16xi32>
        scf.yield %add3A_216, %add3A_222, %add3A_228 : vector<16xi32>, vector<16xi32>, vector<16xi32>
      }
      %scan3A_201 = arith.constant 64 : i32
      scf.yield %scan3A_200#0, %scan3A_200#1, %scan3A_200#2 : vector<16xi32>, vector<16xi32>, vector<16xi32>
    }
    %scan3A_40 = arith.constant 8 : i32
    %slice3A = vector.extract_strided_slice %scan3A_39#0 {offsets = [0], sizes = [1], strides = [1]} : vector<16xi32> to vector<1xi32>
    %squeeze3A = vector.extract %slice3A[0] : i32 from vector<1xi32>
    %slice3A_41 = vector.extract_strided_slice %scan3A_39#1 {offsets = [0], sizes = [1], strides = [1]} : vector<16xi32> to vector<1xi32>
    %squeeze3A_42 = vector.extract %slice3A_41[0] : i32 from vector<1xi32>
    %slice3A_43 = vector.extract_strided_slice %scan3A_39#2 {offsets = [0], sizes = [1], strides = [1]} : vector<16xi32> to vector<1xi32>
    %squeeze3A_44 = vector.extract %slice3A_43[0] : i32 from vector<1xi32>
    %slice3A_45 = vector.extract_strided_slice %scan3A_39#0 {offsets = [1], sizes = [1], strides = [1]} : vector<16xi32> to vector<1xi32>
    %squeeze3A_46 = vector.extract %slice3A_45[0] : i32 from vector<1xi32>
    %add3A_47 = arith.addi %squeeze3A, %squeeze3A_46 : i32
    %slice3A_48 = vector.extract_strided_slice %scan3A_39#1 {offsets = [1], sizes = [1], strides = [1]} : vector<16xi32> to vector<1xi32>
    %squeeze3A_49 = vector.extract %slice3A_48[0] : i32 from vector<1xi32>
    %add3A_50 = arith.addi %squeeze3A_42, %squeeze3A_49 : i32
    %slice3A_51 = vector.extract_strided_slice %scan3A_39#2 {offsets = [1], sizes = [1], strides = [1]} : vector<16xi32> to vector<1xi32>
    %squeeze3A_52 = vector.extract %slice3A_51[0] : i32 from vector<1xi32>
    %add3A_53 = arith.addi %squeeze3A_44, %squeeze3A_52 : i32
    %slice3A_54 = vector.extract_strided_slice %scan3A_39#0 {offsets = [2], sizes = [1], strides = [1]} : vector<16xi32> to vector<1xi32>
    %squeeze3A_55 = vector.extract %slice3A_54[0] : i32 from vector<1xi32>
    %add3A_56 = arith.addi %add3A_47, %squeeze3A_55 : i32
    %slice3A_57 = vector.extract_strided_slice %scan3A_39#1 {offsets = [2], sizes = [1], strides = [1]} : vector<16xi32> to vector<1xi32>
    %squeeze3A_58 = vector.extract %slice3A_57[0] : i32 from vector<1xi32>
    %add3A_59 = arith.addi %add3A_50, %squeeze3A_58 : i32
    %slice3A_60 = vector.extract_strided_slice %scan3A_39#2 {offsets = [2], sizes = [1], strides = [1]} : vector<16xi32> to vector<1xi32>
    %squeeze3A_61 = vector.extract %slice3A_60[0] : i32 from vector<1xi32>
    %add3A_62 = arith.addi %add3A_53, %squeeze3A_61 : i32
    %slice3A_63 = vector.extract_strided_slice %scan3A_39#0 {offsets = [3], sizes = [1], strides = [1]} : vector<16xi32> to vector<1xi32>
    %squeeze3A_64 = vector.extract %slice3A_63[0] : i32 from vector<1xi32>
    %add3A_65 = arith.addi %add3A_56, %squeeze3A_64 : i32
    %slice3A_66 = vector.extract_strided_slice %scan3A_39#1 {offsets = [3], sizes = [1], strides = [1]} : vector<16xi32> to vector<1xi32>
    %squeeze3A_67 = vector.extract %slice3A_66[0] : i32 from vector<1xi32>
    %add3A_68 = arith.addi %add3A_59, %squeeze3A_67 : i32
    %slice3A_69 = vector.extract_strided_slice %scan3A_39#2 {offsets = [3], sizes = [1], strides = [1]} : vector<16xi32> to vector<1xi32>
    %squeeze3A_70 = vector.extract %slice3A_69[0] : i32 from vector<1xi32>
    %add3A_71 = arith.addi %add3A_62, %squeeze3A_70 : i32
    %slice3A_72 = vector.extract_strided_slice %scan3A_39#0 {offsets = [4], sizes = [1], strides = [1]} : vector<16xi32> to vector<1xi32>
    %squeeze3A_73 = vector.extract %slice3A_72[0] : i32 from vector<1xi32>
    %add3A_74 = arith.addi %add3A_65, %squeeze3A_73 : i32
    %slice3A_75 = vector.extract_strided_slice %scan3A_39#1 {offsets = [4], sizes = [1], strides = [1]} : vector<16xi32> to vector<1xi32>
    %squeeze3A_76 = vector.extract %slice3A_75[0] : i32 from vector<1xi32>
    %add3A_77 = arith.addi %add3A_68, %squeeze3A_76 : i32
    %slice3A_78 = vector.extract_strided_slice %scan3A_39#2 {offsets = [4], sizes = [1], strides = [1]} : vector<16xi32> to vector<1xi32>
    %squeeze3A_79 = vector.extract %slice3A_78[0] : i32 from vector<1xi32>
    %add3A_80 = arith.addi %add3A_71, %squeeze3A_79 : i32
    %slice3A_81 = vector.extract_strided_slice %scan3A_39#0 {offsets = [5], sizes = [1], strides = [1]} : vector<16xi32> to vector<1xi32>
    %squeeze3A_82 = vector.extract %slice3A_81[0] : i32 from vector<1xi32>
    %add3A_83 = arith.addi %add3A_74, %squeeze3A_82 : i32
    %slice3A_84 = vector.extract_strided_slice %scan3A_39#1 {offsets = [5], sizes = [1], strides = [1]} : vector<16xi32> to vector<1xi32>
    %squeeze3A_85 = vector.extract %slice3A_84[0] : i32 from vector<1xi32>
    %add3A_86 = arith.addi %add3A_77, %squeeze3A_85 : i32
    %slice3A_87 = vector.extract_strided_slice %scan3A_39#2 {offsets = [5], sizes = [1], strides = [1]} : vector<16xi32> to vector<1xi32>
    %squeeze3A_88 = vector.extract %slice3A_87[0] : i32 from vector<1xi32>
    %add3A_89 = arith.addi %add3A_80, %squeeze3A_88 : i32
    %slice3A_90 = vector.extract_strided_slice %scan3A_39#0 {offsets = [6], sizes = [1], strides = [1]} : vector<16xi32> to vector<1xi32>
    %squeeze3A_91 = vector.extract %slice3A_90[0] : i32 from vector<1xi32>
    %add3A_92 = arith.addi %add3A_83, %squeeze3A_91 : i32
    %slice3A_93 = vector.extract_strided_slice %scan3A_39#1 {offsets = [6], sizes = [1], strides = [1]} : vector<16xi32> to vector<1xi32>
    %squeeze3A_94 = vector.extract %slice3A_93[0] : i32 from vector<1xi32>
    %add3A_95 = arith.addi %add3A_86, %squeeze3A_94 : i32
    %slice3A_96 = vector.extract_strided_slice %scan3A_39#2 {offsets = [6], sizes = [1], strides = [1]} : vector<16xi32> to vector<1xi32>
    %squeeze3A_97 = vector.extract %slice3A_96[0] : i32 from vector<1xi32>
    %add3A_98 = arith.addi %add3A_89, %squeeze3A_97 : i32
    %slice3A_99 = vector.extract_strided_slice %scan3A_39#0 {offsets = [7], sizes = [1], strides = [1]} : vector<16xi32> to vector<1xi32>
    %squeeze3A_100 = vector.extract %slice3A_99[0] : i32 from vector<1xi32>
    %add3A_101 = arith.addi %add3A_92, %squeeze3A_100 : i32
    %slice3A_102 = vector.extract_strided_slice %scan3A_39#1 {offsets = [7], sizes = [1], strides = [1]} : vector<16xi32> to vector<1xi32>
    %squeeze3A_103 = vector.extract %slice3A_102[0] : i32 from vector<1xi32>
    %add3A_104 = arith.addi %add3A_95, %squeeze3A_103 : i32
    %slice3A_105 = vector.extract_strided_slice %scan3A_39#2 {offsets = [7], sizes = [1], strides = [1]} : vector<16xi32> to vector<1xi32>
    %squeeze3A_106 = vector.extract %slice3A_105[0] : i32 from vector<1xi32>
    %add3A_107 = arith.addi %add3A_98, %squeeze3A_106 : i32
    %slice3A_108 = vector.extract_strided_slice %scan3A_39#0 {offsets = [8], sizes = [1], strides = [1]} : vector<16xi32> to vector<1xi32>
    %squeeze3A_109 = vector.extract %slice3A_108[0] : i32 from vector<1xi32>
    %add3A_110 = arith.addi %add3A_101, %squeeze3A_109 : i32
    %slice3A_111 = vector.extract_strided_slice %scan3A_39#1 {offsets = [8], sizes = [1], strides = [1]} : vector<16xi32> to vector<1xi32>
    %squeeze3A_112 = vector.extract %slice3A_111[0] : i32 from vector<1xi32>
    %add3A_113 = arith.addi %add3A_104, %squeeze3A_112 : i32
    %slice3A_114 = vector.extract_strided_slice %scan3A_39#2 {offsets = [8], sizes = [1], strides = [1]} : vector<16xi32> to vector<1xi32>
    %squeeze3A_115 = vector.extract %slice3A_114[0] : i32 from vector<1xi32>
    %add3A_116 = arith.addi %add3A_107, %squeeze3A_115 : i32
    %slice3A_117 = vector.extract_strided_slice %scan3A_39#0 {offsets = [9], sizes = [1], strides = [1]} : vector<16xi32> to vector<1xi32>
    %squeeze3A_118 = vector.extract %slice3A_117[0] : i32 from vector<1xi32>
    %add3A_119 = arith.addi %add3A_110, %squeeze3A_118 : i32
    %slice3A_120 = vector.extract_strided_slice %scan3A_39#1 {offsets = [9], sizes = [1], strides = [1]} : vector<16xi32> to vector<1xi32>
    %squeeze3A_121 = vector.extract %slice3A_120[0] : i32 from vector<1xi32>
    %add3A_122 = arith.addi %add3A_113, %squeeze3A_121 : i32
    %slice3A_123 = vector.extract_strided_slice %scan3A_39#2 {offsets = [9], sizes = [1], strides = [1]} : vector<16xi32> to vector<1xi32>
    %squeeze3A_124 = vector.extract %slice3A_123[0] : i32 from vector<1xi32>
    %add3A_125 = arith.addi %add3A_116, %squeeze3A_124 : i32
    %slice3A_126 = vector.extract_strided_slice %scan3A_39#0 {offsets = [10], sizes = [1], strides = [1]} : vector<16xi32> to vector<1xi32>
    %squeeze3A_127 = vector.extract %slice3A_126[0] : i32 from vector<1xi32>
    %add3A_128 = arith.addi %add3A_119, %squeeze3A_127 : i32
    %slice3A_129 = vector.extract_strided_slice %scan3A_39#1 {offsets = [10], sizes = [1], strides = [1]} : vector<16xi32> to vector<1xi32>
    %squeeze3A_130 = vector.extract %slice3A_129[0] : i32 from vector<1xi32>
    %add3A_131 = arith.addi %add3A_122, %squeeze3A_130 : i32
    %slice3A_132 = vector.extract_strided_slice %scan3A_39#2 {offsets = [10], sizes = [1], strides = [1]} : vector<16xi32> to vector<1xi32>
    %squeeze3A_133 = vector.extract %slice3A_132[0] : i32 from vector<1xi32>
    %add3A_134 = arith.addi %add3A_125, %squeeze3A_133 : i32
    %slice3A_135 = vector.extract_strided_slice %scan3A_39#0 {offsets = [11], sizes = [1], strides = [1]} : vector<16xi32> to vector<1xi32>
    %squeeze3A_136 = vector.extract %slice3A_135[0] : i32 from vector<1xi32>
    %add3A_137 = arith.addi %add3A_128, %squeeze3A_136 : i32
    %slice3A_138 = vector.extract_strided_slice %scan3A_39#1 {offsets = [11], sizes = [1], strides = [1]} : vector<16xi32> to vector<1xi32>
    %squeeze3A_139 = vector.extract %slice3A_138[0] : i32 from vector<1xi32>
    %add3A_140 = arith.addi %add3A_131, %squeeze3A_139 : i32
    %slice3A_141 = vector.extract_strided_slice %scan3A_39#2 {offsets = [11], sizes = [1], strides = [1]} : vector<16xi32> to vector<1xi32>
    %squeeze3A_142 = vector.extract %slice3A_141[0] : i32 from vector<1xi32>
    %add3A_143 = arith.addi %add3A_134, %squeeze3A_142 : i32
    %slice3A_144 = vector.extract_strided_slice %scan3A_39#0 {offsets = [12], sizes = [1], strides = [1]} : vector<16xi32> to vector<1xi32>
    %squeeze3A_145 = vector.extract %slice3A_144[0] : i32 from vector<1xi32>
    %add3A_146 = arith.addi %add3A_137, %squeeze3A_145 : i32
    %slice3A_147 = vector.extract_strided_slice %scan3A_39#1 {offsets = [12], sizes = [1], strides = [1]} : vector<16xi32> to vector<1xi32>
    %squeeze3A_148 = vector.extract %slice3A_147[0] : i32 from vector<1xi32>
    %add3A_149 = arith.addi %add3A_140, %squeeze3A_148 : i32
    %slice3A_150 = vector.extract_strided_slice %scan3A_39#2 {offsets = [12], sizes = [1], strides = [1]} : vector<16xi32> to vector<1xi32>
    %squeeze3A_151 = vector.extract %slice3A_150[0] : i32 from vector<1xi32>
    %add3A_152 = arith.addi %add3A_143, %squeeze3A_151 : i32
    %slice3A_153 = vector.extract_strided_slice %scan3A_39#0 {offsets = [13], sizes = [1], strides = [1]} : vector<16xi32> to vector<1xi32>
    %squeeze3A_154 = vector.extract %slice3A_153[0] : i32 from vector<1xi32>
    %add3A_155 = arith.addi %add3A_146, %squeeze3A_154 : i32
    %slice3A_156 = vector.extract_strided_slice %scan3A_39#1 {offsets = [13], sizes = [1], strides = [1]} : vector<16xi32> to vector<1xi32>
    %squeeze3A_157 = vector.extract %slice3A_156[0] : i32 from vector<1xi32>
    %add3A_158 = arith.addi %add3A_149, %squeeze3A_157 : i32
    %slice3A_159 = vector.extract_strided_slice %scan3A_39#2 {offsets = [13], sizes = [1], strides = [1]} : vector<16xi32> to vector<1xi32>
    %squeeze3A_160 = vector.extract %slice3A_159[0] : i32 from vector<1xi32>
    %add3A_161 = arith.addi %add3A_152, %squeeze3A_160 : i32
    %slice3A_162 = vector.extract_strided_slice %scan3A_39#0 {offsets = [14], sizes = [1], strides = [1]} : vector<16xi32> to vector<1xi32>
    %squeeze3A_163 = vector.extract %slice3A_162[0] : i32 from vector<1xi32>
    %add3A_164 = arith.addi %add3A_155, %squeeze3A_163 : i32
    %slice3A_165 = vector.extract_strided_slice %scan3A_39#1 {offsets = [14], sizes = [1], strides = [1]} : vector<16xi32> to vector<1xi32>
    %squeeze3A_166 = vector.extract %slice3A_165[0] : i32 from vector<1xi32>
    %add3A_167 = arith.addi %add3A_158, %squeeze3A_166 : i32
    %slice3A_168 = vector.extract_strided_slice %scan3A_39#2 {offsets = [14], sizes = [1], strides = [1]} : vector<16xi32> to vector<1xi32>
    %squeeze3A_169 = vector.extract %slice3A_168[0] : i32 from vector<1xi32>
    %add3A_170 = arith.addi %add3A_161, %squeeze3A_169 : i32
    %slice3A_171 = vector.extract_strided_slice %scan3A_39#0 {offsets = [15], sizes = [1], strides = [1]} : vector<16xi32> to vector<1xi32>
    %squeeze3A_172 = vector.extract %slice3A_171[0] : i32 from vector<1xi32>
    %add3A_173 = arith.addi %add3A_164, %squeeze3A_172 : i32
    %slice3A_174 = vector.extract_strided_slice %scan3A_39#1 {offsets = [15], sizes = [1], strides = [1]} : vector<16xi32> to vector<1xi32>
    %squeeze3A_175 = vector.extract %slice3A_174[0] : i32 from vector<1xi32>
    %add3A_176 = arith.addi %add3A_167, %squeeze3A_175 : i32
    %slice3A_177 = vector.extract_strided_slice %scan3A_39#2 {offsets = [15], sizes = [1], strides = [1]} : vector<16xi32> to vector<1xi32>
    %squeeze3A_178 = vector.extract %slice3A_177[0] : i32 from vector<1xi32>
    %add3A_179 = arith.addi %add3A_170, %squeeze3A_178 : i32
    %broadcast_in_dim3A_180 = arith.constant 0.000000e+00 : f32
    %broadcast_in_dim3A_181 = vector.broadcast %broadcast_in_dim3A_180 : f32 to vector<16xf32>
    %scan3A_182 = arith.constant 0 : i32
    %scan3A_183 = arith.constant 0 : i32
    %scan3A_184 = arith.constant 2 : i32
    %scan3A_185 = arith.addi %scan3A_183, %scan3A_184 : i32
    %scan3A_186 = arith.constant 1 : i32
    %scan3A_187 = scf.for %scan3A_189 = %scan3A_183 to %scan3A_185 step %scan3A_186 iter_args(%scan3A_190 = %scan3A_182) -> (i32)  : i32 {
      %mul3A_191 = arith.constant 128 : i32
      %mul3A_192 = arith.muli %scan3A_189, %mul3A_191 : i32
      %add3A_193 = arith.addi %mul3A_32, %mul3A_192 : i32
      %eq3A_194 = arith.constant 0 : i32
      %eq3A_195 = arith.cmpi eq, %scan3A_189, %eq3A_194 : i32
      %select_n3A_196 = arith.select %eq3A_195, %add3A_173, %add3A_176 : i32
      %eq3A_197 = arith.constant 0 : i32
      %eq3A_198 = arith.cmpi eq, %scan3A_189, %eq3A_197 : i32
      %select_n3A_199 = arith.select %eq3A_198, %add3A_176, %add3A_179 : i32
      %parallel_loop3A = arith.constant 0 : i32
      %parallel_loop3A_200 = arith.constant 99072 : i32
      %parallel_loop3A_201 = arith.constant 16 : i32
      scf.for %parallel_loop3A_310 = %parallel_loop3A to %parallel_loop3A_200 step %parallel_loop3A_201  : i32 {
        %parallel_loop3A_311 = arith.index_cast %parallel_loop3A_310 : i32 to index
        %parallel_loop3A_312 = tpu.vector_load %arg6[%parallel_loop3A_311] {strides = array<i32>} : memref<99072xf32, #tpu.memory_space<vmem>>, vector<16xf32>,
        tpu.vector_store %arg6[%parallel_loop3A_311], %broadcast_in_dim3A_181 {strides = array<i32>} : memref<99072xf32, #tpu.memory_space<vmem>>, vector<16xf32>,
      } {sc.loop_unroll_factor = 16 : i64, sc.parallel_access}
      %parallel_loop3A_202 = arith.constant 0 : i32
      %parallel_loop3A_203 = arith.constant 2064 : i32
      %parallel_loop3A_204 = arith.constant 16 : i32
      scf.for %parallel_loop3A_310 = %parallel_loop3A_202 to %parallel_loop3A_203 step %parallel_loop3A_204  : i32 {
        %parallel_loop3A_311 = arith.index_cast %parallel_loop3A_310 : i32 to index
        %parallel_loop3A_312 = tpu.vector_load %arg7[%parallel_loop3A_311] {strides = array<i32>} : memref<2064xf32, #tpu.memory_space<vmem>>, vector<16xf32>,
        tpu.vector_store %arg7[%parallel_loop3A_311], %broadcast_in_dim3A_181 {strides = array<i32>} : memref<2064xf32, #tpu.memory_space<vmem>>, vector<16xf32>,
      } {sc.loop_unroll_factor = 1 : i64, sc.parallel_access}
      %jit3A_205 = arith.constant 16 : i32
      %div3A_206 = arith.divsi %select_n3A_196, %jit3A_205 : i32
      %sign3A_207 = arith.constant 0 : i32
      %sign3A_208 = arith.cmpi sgt, %select_n3A_196, %sign3A_207 : i32
      %sign3A_209 = arith.extui %sign3A_208 : i1 to i32
      %sign3A_210 = arith.constant 0 : i32
      %sign3A_211 = arith.cmpi slt, %select_n3A_196, %sign3A_210 : i32
      %sign3A_212 = arith.extui %sign3A_211 : i1 to i32
      %sign3A_213 = arith.subi %sign3A_209, %sign3A_212 : i32
      %sign3A_214 = arith.constant 0 : i32
      %sign3A_215 = arith.cmpi sgt, %jit3A_205, %sign3A_214 : i32
      %sign3A_216 = arith.extui %sign3A_215 : i1 to i32
      %sign3A_217 = arith.constant 0 : i32
      %sign3A_218 = arith.cmpi slt, %jit3A_205, %sign3A_217 : i32
      %sign3A_219 = arith.extui %sign3A_218 : i1 to i32
      %sign3A_220 = arith.subi %sign3A_216, %sign3A_219 : i32
      %ne3A_221 = arith.cmpi ne, %sign3A_213, %sign3A_220 : i32
      %rem3A_222 = arith.remsi %select_n3A_196, %jit3A_205 : i32
      %ne3A_223 = arith.constant 0 : i32
      %ne3A_224 = arith.cmpi ne, %rem3A_222, %ne3A_223 : i32
      %and3A_225 = arith.andi %ne3A_221, %ne3A_224 : i1
      %sub3A_226 = arith.constant 1 : i32
      %sub3A_227 = arith.subi %div3A_206, %sub3A_226 : i32
      %select_n3A_228 = arith.select %and3A_225, %sub3A_227, %div3A_206 : i32
      %mul3A_229 = arith.constant 16 : i32
      %mul3A_230 = arith.muli %select_n3A_228, %mul3A_229 : i32
      %sub3A_231 = arith.subi %select_n3A_199, %mul3A_230 : i32
      %add3A_232 = arith.constant 16 : i32
      %add3A_233 = arith.addi %sub3A_231, %add3A_232 : i32
      %sub3A_234 = arith.constant 1 : i32
      %sub3A_235 = arith.subi %add3A_233, %sub3A_234 : i32
      %jit3A_236 = arith.constant 16 : i32
      %div3A_237 = arith.divsi %sub3A_235, %jit3A_236 : i32
      %sign3A_238 = arith.constant 0 : i32
      %sign3A_239 = arith.cmpi sgt, %sub3A_235, %sign3A_238 : i32
      %sign3A_240 = arith.extui %sign3A_239 : i1 to i32
      %sign3A_241 = arith.constant 0 : i32
      %sign3A_242 = arith.cmpi slt, %sub3A_235, %sign3A_241 : i32
      %sign3A_243 = arith.extui %sign3A_242 : i1 to i32
      %sign3A_244 = arith.subi %sign3A_240, %sign3A_243 : i32
      %sign3A_245 = arith.constant 0 : i32
      %sign3A_246 = arith.cmpi sgt, %jit3A_236, %sign3A_245 : i32
      %sign3A_247 = arith.extui %sign3A_246 : i1 to i32
      %sign3A_248 = arith.constant 0 : i32
      %sign3A_249 = arith.cmpi slt, %jit3A_236, %sign3A_248 : i32
      %sign3A_250 = arith.extui %sign3A_249 : i1 to i32
      %sign3A_251 = arith.subi %sign3A_247, %sign3A_250 : i32
      %ne3A_252 = arith.cmpi ne, %sign3A_244, %sign3A_251 : i32
      %rem3A_253 = arith.remsi %sub3A_235, %jit3A_236 : i32
      %ne3A_254 = arith.constant 0 : i32
      %ne3A_255 = arith.cmpi ne, %rem3A_253, %ne3A_254 : i32
      %and3A_256 = arith.andi %ne3A_252, %ne3A_255 : i1
      %sub3A_257 = arith.constant 1 : i32
      %sub3A_258 = arith.subi %div3A_237, %sub3A_257 : i32
      %select_n3A_259 = arith.select %and3A_256, %sub3A_258, %div3A_237 : i32
      %gt3A = arith.constant 0 : i32
      %gt3A_260 = arith.cmpi sgt, %select_n3A_259, %gt3A : i32
      %convert_element_type3A = arith.extui %gt3A_260 : i1 to i32
      %cond3A = arith.constant 0 : i32
      %cond3A_261 = arith.cmpi ne, %convert_element_type3A, %cond3A : i32
      scf.if %cond3A_261 {
        %add3A_310 = arith.constant 0 : i32
        %add3A_311 = arith.addi %mul3A_230, %add3A_310 : i32
        %min3A = arith.constant 8176 : i32
        %min3A_312 = arith.minsi %add3A_311, %min3A : i32
        %multiple_of3A_313 = tpu.assume_multiple %min3A_312, 16 : i32
        %add3A_314 = arith.addi %multiple_of3A, %multiple_of3A_313 : i32
        %dma_start3A = tpu.memref_slice %arg3[%add3A_314] : memref<32768xi32, #tpu.memory_space<hbm>> -> memref<16xi32, #tpu.memory_space<hbm>>
        %dma_start3A_315 = tpu.memref_slice %arg3[%add3A_314] : memref<32768xi32, #tpu.memory_space<hbm>> -> memref<16xi32, #tpu.memory_space<hbm>>
        tpu.enqueue_dma source(%dma_start3A_315 : memref<16xi32, #tpu.memory_space<hbm>>) target(%arg11 : memref<16xi32, #tpu.memory_space<vmem>>) target_semaphore(%arg13 : memref<!tpu.dma_semaphore, #tpu.memory_space<semaphore_mem>>)
        %add3A_316 = arith.addi %multiple_of3A, %multiple_of3A_313 : i32
        %mul3A_317 = arith.constant 768 : i32
        %mul3A_318 = arith.muli %add3A_316, %mul3A_317 : i32
        %dma_start3A_319 = tpu.memref_slice %arg2[%mul3A_318] : memref<25165824xf32, #tpu.memory_space<hbm>> -> memref<12288xf32, #tpu.memory_space<hbm>>
        %dma_start3A_320 = tpu.memref_slice %arg2[%mul3A_318] : memref<25165824xf32, #tpu.memory_space<hbm>> -> memref<12288xf32, #tpu.memory_space<hbm>>
        tpu.enqueue_dma source(%dma_start3A_320 : memref<12288xf32, #tpu.memory_space<hbm>>) target(%arg8 : memref<12288xf32, #tpu.memory_space<vmem>>) target_semaphore(%arg14 : memref<!tpu.dma_semaphore, #tpu.memory_space<semaphore_mem>>)
      } else {
      }
      %add3A_262 = arith.constant 1 : i32
      %add3A_263 = arith.addi %select_n3A_259, %add3A_262 : i32
      %jit3A_264 = arith.constant 2 : i32
      %div3A_265 = arith.divsi %add3A_263, %jit3A_264 : i32
      %sign3A_266 = arith.constant 0 : i32
      %sign3A_267 = arith.cmpi sgt, %add3A_263, %sign3A_266 : i32
      %sign3A_268 = arith.extui %sign3A_267 : i1 to i32
      %sign3A_269 = arith.constant 0 : i32
      %sign3A_270 = arith.cmpi slt, %add3A_263, %sign3A_269 : i32
      %sign3A_271 = arith.extui %sign3A_270 : i1 to i32
      %sign3A_272 = arith.subi %sign3A_268, %sign3A_271 : i32
      %sign3A_273 = arith.constant 0 : i32
      %sign3A_274 = arith.cmpi sgt, %jit3A_264, %sign3A_273 : i32
      %sign3A_275 = arith.extui %sign3A_274 : i1 to i32
      %sign3A_276 = arith.constant 0 : i32
      %sign3A_277 = arith.cmpi slt, %jit3A_264, %sign3A_276 : i32
      %sign3A_278 = arith.extui %sign3A_277 : i1 to i32
      %sign3A_279 = arith.subi %sign3A_275, %sign3A_278 : i32
      %ne3A_280 = arith.cmpi ne, %sign3A_272, %sign3A_279 : i32
      %rem3A_281 = arith.remsi %add3A_263, %jit3A_264 : i32
      %ne3A_282 = arith.constant 0 : i32
      %ne3A_283 = arith.cmpi ne, %rem3A_281, %ne3A_282 : i32
      %and3A_284 = arith.andi %ne3A_280, %ne3A_283 : i1
      %sub3A_285 = arith.constant 1 : i32
      %sub3A_286 = arith.subi %div3A_265, %sub3A_285 : i32
      %select_n3A_287 = arith.select %and3A_284, %sub3A_286, %div3A_265 : i32
      %while3A = arith.constant 0 : i32
      %while3A_288 = arith.constant 0 : i32
      %while3A_289 = arith.subi %select_n3A_287, %while3A : i32
      %while3A_290 = arith.addi %while3A, %while3A_289 : i32
      %while3A_291 = arith.constant 1 : i32
      %while3A_292 = arith.divsi %while3A_289, %while3A_291 : i32
      %while3A_293 = arith.muli %while3A_292, %while3A_291 : i32
      %while3A_294 = arith.addi %while3A, %while3A_293 : i32
      %while3A_295 = arith.constant 1 : i32
      %while3A_296 = scf.for %while3A_310 = %while3A to %while3A_294 step %while3A_295 iter_args(%while3A_311 = %while3A_288) -> (i32)  : i32 {
        %mul3A_312 = arith.constant 2 : i32
        %mul3A_313 = arith.muli %while3A_310, %mul3A_312 : i32
        %lt3A_314 = arith.cmpi slt, %mul3A_313, %select_n3A_259 : i32
        %convert_element_type3A_315 = arith.extui %lt3A_314 : i1 to i32
        %cond3A_316 = arith.constant 0 : i32
        %cond3A_317 = arith.cmpi ne, %convert_element_type3A_315, %cond3A_316 : i32
        scf.if %cond3A_317 {
          %mul3A_325 = arith.constant 16 : i32
          %mul3A_326 = arith.muli %mul3A_313, %mul3A_325 : i32
          %add3A_327 = arith.addi %mul3A_230, %mul3A_326 : i32
          %min3A = arith.constant 8176 : i32
          %min3A_328 = arith.minsi %add3A_327, %min3A : i32
          %multiple_of3A_329 = tpu.assume_multiple %min3A_328, 16 : i32
          %add3A_330 = arith.addi %multiple_of3A, %multiple_of3A_329 : i32
          %dma_wait3A = tpu.memref_slice %arg3[%add3A_330] : memref<32768xi32, #tpu.memory_space<hbm>> -> memref<16xi32, #tpu.memory_space<hbm>>
          %dma_wait3A_331 = tpu.memref_slice %arg3[%add3A_330] : memref<32768xi32, #tpu.memory_space<hbm>> -> memref<16xi32, #tpu.memory_space<hbm>>
          tpu.wait_dma2 semaphore(%arg13 : memref<!tpu.dma_semaphore, #tpu.memory_space<semaphore_mem>>) src(%dma_wait3A_331 : memref<16xi32, #tpu.memory_space<hbm>>) dst(%arg11 : memref<16xi32, #tpu.memory_space<vmem>>)
          %add3A_332 = arith.addi %multiple_of3A, %multiple_of3A_329 : i32
          %mul3A_333 = arith.constant 768 : i32
          %mul3A_334 = arith.muli %add3A_332, %mul3A_333 : i32
          %dma_wait3A_335 = tpu.memref_slice %arg2[%mul3A_334] : memref<25165824xf32, #tpu.memory_space<hbm>> -> memref<12288xf32, #tpu.memory_space<hbm>>
          %dma_wait3A_336 = tpu.memref_slice %arg2[%mul3A_334] : memref<25165824xf32, #tpu.memory_space<hbm>> -> memref<12288xf32, #tpu.memory_space<hbm>>
          tpu.wait_dma2 semaphore(%arg14 : memref<!tpu.dma_semaphore, #tpu.memory_space<semaphore_mem>>) src(%dma_wait3A_336 : memref<12288xf32, #tpu.memory_space<hbm>>) dst(%arg8 : memref<12288xf32, #tpu.memory_space<vmem>>)
          %add3A_337 = arith.constant 1 : i32
          %add3A_338 = arith.addi %mul3A_313, %add3A_337 : i32
          %lt3A_339 = arith.cmpi slt, %add3A_338, %select_n3A_259 : i32
          %convert_element_type3A_340 = arith.extui %lt3A_339 : i1 to i32
          %cond3A_341 = arith.constant 0 : i32
          %cond3A_342 = arith.cmpi ne, %convert_element_type3A_340, %cond3A_341 : i32
          scf.if %cond3A_342 {
            %add3A_882 = arith.constant 1 : i32
            %add3A_883 = arith.addi %mul3A_313, %add3A_882 : i32
            %mul3A_884 = arith.constant 16 : i32
            %mul3A_885 = arith.muli %add3A_883, %mul3A_884 : i32
            %add3A_886 = arith.addi %mul3A_230, %mul3A_885 : i32
            %min3A_887 = arith.constant 8176 : i32
            %min3A_888 = arith.minsi %add3A_886, %min3A_887 : i32
            %multiple_of3A_889 = tpu.assume_multiple %min3A_888, 16 : i32
            %add3A_890 = arith.addi %multiple_of3A, %multiple_of3A_889 : i32
            %dma_start3A = tpu.memref_slice %arg3[%add3A_890] : memref<32768xi32, #tpu.memory_space<hbm>> -> memref<16xi32, #tpu.memory_space<hbm>>
            %dma_start3A_891 = tpu.memref_slice %arg3[%add3A_890] : memref<32768xi32, #tpu.memory_space<hbm>> -> memref<16xi32, #tpu.memory_space<hbm>>
            tpu.enqueue_dma source(%dma_start3A_891 : memref<16xi32, #tpu.memory_space<hbm>>) target(%arg12 : memref<16xi32, #tpu.memory_space<vmem>>) target_semaphore(%arg15 : memref<!tpu.dma_semaphore, #tpu.memory_space<semaphore_mem>>)
            %add3A_892 = arith.addi %multiple_of3A, %multiple_of3A_889 : i32
            %mul3A_893 = arith.constant 768 : i32
            %mul3A_894 = arith.muli %add3A_892, %mul3A_893 : i32
            %dma_start3A_895 = tpu.memref_slice %arg2[%mul3A_894] : memref<25165824xf32, #tpu.memory_space<hbm>> -> memref<12288xf32, #tpu.memory_space<hbm>>
            %dma_start3A_896 = tpu.memref_slice %arg2[%mul3A_894] : memref<25165824xf32, #tpu.memory_space<hbm>> -> memref<12288xf32, #tpu.memory_space<hbm>>
            tpu.enqueue_dma source(%dma_start3A_896 : memref<12288xf32, #tpu.memory_space<hbm>>) target(%arg9 : memref<12288xf32, #tpu.memory_space<vmem>>) target_semaphore(%arg16 : memref<!tpu.dma_semaphore, #tpu.memory_space<semaphore_mem>>)
          } else {
          }
          %mul3A_343 = arith.constant 16 : i32
          %mul3A_344 = arith.muli %mul3A_313, %mul3A_343 : i32
          %add3A_345 = arith.addi %mul3A_230, %mul3A_344 : i32
          %min3A_346 = arith.constant 8176 : i32
          %min3A_347 = arith.minsi %add3A_345, %min3A_346 : i32
          %multiple_of3A_348 = tpu.assume_multiple %min3A_347, 16 : i32
          %mul3A_349 = arith.constant 16 : i32
          %mul3A_350 = arith.muli %mul3A_313, %mul3A_349 : i32
          %add3A_351 = arith.addi %mul3A_230, %mul3A_350 : i32
          %sub3A_352 = arith.subi %add3A_351, %multiple_of3A_348 : i32
          %broadcast_in_dim3A_353 = arith.constant 1.000000e+00 : f32
          %broadcast_in_dim3A_354 = vector.broadcast %broadcast_in_dim3A_353 : f32 to vector<16xf32>
          %get3A = arith.constant 0 : index
          %get3A_355 = tpu.vector_load %arg11[%get3A] {strides = array<i32>} : memref<16xi32, #tpu.memory_space<vmem>>, vector<16xi32>,
          %mul3A_356 = arith.constant 16 : i32
          %mul3A_357 = arith.muli %mul3A_313, %mul3A_356 : i32
          %add3A_358 = arith.constant 0 : i32
          %add3A_359 = arith.addi %mul3A_357, %add3A_358 : i32
          %add3A_360 = arith.constant 0 : i32
          %add3A_361 = arith.addi %add3A_359, %add3A_360 : i32
          %slice3A_362 = vector.extract_strided_slice %get3A_355 {offsets = [0], sizes = [1], strides = [1]} : vector<16xi32> to vector<1xi32>
          %squeeze3A_363 = vector.extract %slice3A_362[0] : i32 from vector<1xi32>
          %sub3A_364 = arith.subi %squeeze3A_363, %add3A_193 : i32
          %lt3A_365 = arith.cmpi slt, %add3A_361, %sub3A_231 : i32
          %ge3A = arith.constant 0 : i32
          %ge3A_366 = arith.cmpi sge, %sub3A_364, %ge3A : i32
          %and3A_367 = arith.andi %lt3A_365, %ge3A_366 : i1
          %lt3A_368 = arith.constant 128 : i32
          %lt3A_369 = arith.cmpi slt, %sub3A_364, %lt3A_368 : i32
          %and3A_370 = arith.andi %and3A_367, %lt3A_369 : i1
          %jit3A_371 = arith.constant 128 : i32
          %select_n3A_372 = arith.select %and3A_370, %sub3A_364, %jit3A_371 : i32
          %mul3A_373 = arith.constant 768 : i32
          %mul3A_374 = arith.muli %select_n3A_372, %mul3A_373 : i32
          %add3A_375 = arith.constant 0 : i32
          %add3A_376 = arith.addi %sub3A_352, %add3A_375 : i32
          %add3A_377 = arith.constant 0 : i32
          %add3A_378 = arith.addi %add3A_376, %add3A_377 : i32
          %mul3A_379 = arith.constant 768 : i32
          %mul3A_380 = arith.muli %add3A_378, %mul3A_379 : i32
          %mul3A_381 = arith.constant 16 : i32
          %mul3A_382 = arith.muli %select_n3A_372, %mul3A_381 : i32
          %swap3A = arith.index_cast %mul3A_382 : i32 to index
          %swap3A_383 = tpu.vector_load %arg7[%swap3A] {strides = array<i32>} : memref<2064xf32, #tpu.memory_space<vmem>>, vector<16xf32>,
          tpu.vector_store %arg7[%swap3A], %broadcast_in_dim3A_354 {add = true, strides = array<i32>} : memref<2064xf32, #tpu.memory_space<vmem>>, vector<16xf32>,
          %parallel_loop3A_384 = arith.constant 0 : i32
          %parallel_loop3A_385 = arith.constant 768 : i32
          %parallel_loop3A_386 = arith.constant 16 : i32
          scf.for %parallel_loop3A_882 = %parallel_loop3A_384 to %parallel_loop3A_385 step %parallel_loop3A_386  : i32 {
            %parallel_loop3A_883 = arith.addi %mul3A_374, %parallel_loop3A_882 : i32
            %parallel_loop3A_884 = arith.addi %mul3A_380, %parallel_loop3A_882 : i32
            %parallel_loop3A_885 = arith.index_cast %parallel_loop3A_884 : i32 to index
            %parallel_loop3A_886 = tpu.vector_load %arg8[%parallel_loop3A_885] {strides = array<i32>} : memref<12288xf32, #tpu.memory_space<vmem>>, vector<16xf32>,
            %parallel_loop3A_887 = arith.index_cast %parallel_loop3A_883 : i32 to index
            %parallel_loop3A_888 = tpu.vector_load %arg6[%parallel_loop3A_887] {strides = array<i32>} : memref<99072xf32, #tpu.memory_space<vmem>>, vector<16xf32>,
            tpu.vector_store %arg6[%parallel_loop3A_887], %parallel_loop3A_886 {add = true, strides = array<i32>} : memref<99072xf32, #tpu.memory_space<vmem>>, vector<16xf32>,
          } {sc.loop_unroll_factor = 8 : i64, sc.parallel_access}
          %mul3A_387 = arith.constant 16 : i32
          %mul3A_388 = arith.muli %mul3A_313, %mul3A_387 : i32
          %add3A_389 = arith.constant 0 : i32
          %add3A_390 = arith.addi %mul3A_388, %add3A_389 : i32
          %add3A_391 = arith.constant 1 : i32
          %add3A_392 = arith.addi %add3A_390, %add3A_391 : i32
          %slice3A_393 = vector.extract_strided_slice %get3A_355 {offsets = [1], sizes = [1], strides = [1]} : vector<16xi32> to vector<1xi32>
          %squeeze3A_394 = vector.extract %slice3A_393[0] : i32 from vector<1xi32>
          %sub3A_395 = arith.subi %squeeze3A_394, %add3A_193 : i32
          %lt3A_396 = arith.cmpi slt, %add3A_392, %sub3A_231 : i32
          %ge3A_397 = arith.constant 0 : i32
          %ge3A_398 = arith.cmpi sge, %sub3A_395, %ge3A_397 : i32
          %and3A_399 = arith.andi %lt3A_396, %ge3A_398 : i1
          %lt3A_400 = arith.constant 128 : i32
          %lt3A_401 = arith.cmpi slt, %sub3A_395, %lt3A_400 : i32
          %and3A_402 = arith.andi %and3A_399, %lt3A_401 : i1
          %jit3A_403 = arith.constant 128 : i32
          %select_n3A_404 = arith.select %and3A_402, %sub3A_395, %jit3A_403 : i32
          %mul3A_405 = arith.constant 768 : i32
          %mul3A_406 = arith.muli %select_n3A_404, %mul3A_405 : i32
          %add3A_407 = arith.constant 0 : i32
          %add3A_408 = arith.addi %sub3A_352, %add3A_407 : i32
          %add3A_409 = arith.constant 1 : i32
          %add3A_410 = arith.addi %add3A_408, %add3A_409 : i32
          %mul3A_411 = arith.constant 768 : i32
          %mul3A_412 = arith.muli %add3A_410, %mul3A_411 : i32
          %mul3A_413 = arith.constant 16 : i32
          %mul3A_414 = arith.muli %select_n3A_404, %mul3A_413 : i32
          %swap3A_415 = arith.index_cast %mul3A_414 : i32 to index
          %swap3A_416 = tpu.vector_load %arg7[%swap3A_415] {strides = array<i32>} : memref<2064xf32, #tpu.memory_space<vmem>>, vector<16xf32>,
          tpu.vector_store %arg7[%swap3A_415], %broadcast_in_dim3A_354 {add = true, strides = array<i32>} : memref<2064xf32, #tpu.memory_space<vmem>>, vector<16xf32>,
          %parallel_loop3A_417 = arith.constant 0 : i32
          %parallel_loop3A_418 = arith.constant 768 : i32
          %parallel_loop3A_419 = arith.constant 16 : i32
          scf.for %parallel_loop3A_882 = %parallel_loop3A_417 to %parallel_loop3A_418 step %parallel_loop3A_419  : i32 {
            %parallel_loop3A_883 = arith.addi %mul3A_406, %parallel_loop3A_882 : i32
            %parallel_loop3A_884 = arith.addi %mul3A_412, %parallel_loop3A_882 : i32
            %parallel_loop3A_885 = arith.index_cast %parallel_loop3A_884 : i32 to index
            %parallel_loop3A_886 = tpu.vector_load %arg8[%parallel_loop3A_885] {strides = array<i32>} : memref<12288xf32, #tpu.memory_space<vmem>>, vector<16xf32>,
            %parallel_loop3A_887 = arith.index_cast %parallel_loop3A_883 : i32 to index
            %parallel_loop3A_888 = tpu.vector_load %arg6[%parallel_loop3A_887] {strides = array<i32>} : memref<99072xf32, #tpu.memory_space<vmem>>, vector<16xf32>,
            tpu.vector_store %arg6[%parallel_loop3A_887], %parallel_loop3A_886 {add = true, strides = array<i32>} : memref<99072xf32, #tpu.memory_space<vmem>>, vector<16xf32>,
          } {sc.loop_unroll_factor = 8 : i64, sc.parallel_access}
          %mul3A_420 = arith.constant 16 : i32
          %mul3A_421 = arith.muli %mul3A_313, %mul3A_420 : i32
          %add3A_422 = arith.constant 0 : i32
          %add3A_423 = arith.addi %mul3A_421, %add3A_422 : i32
          %add3A_424 = arith.constant 2 : i32
          %add3A_425 = arith.addi %add3A_423, %add3A_424 : i32
          %slice3A_426 = vector.extract_strided_slice %get3A_355 {offsets = [2], sizes = [1], strides = [1]} : vector<16xi32> to vector<1xi32>
          %squeeze3A_427 = vector.extract %slice3A_426[0] : i32 from vector<1xi32>
          %sub3A_428 = arith.subi %squeeze3A_427, %add3A_193 : i32
          %lt3A_429 = arith.cmpi slt, %add3A_425, %sub3A_231 : i32
          %ge3A_430 = arith.constant 0 : i32
          %ge3A_431 = arith.cmpi sge, %sub3A_428, %ge3A_430 : i32
          %and3A_432 = arith.andi %lt3A_429, %ge3A_431 : i1
          %lt3A_433 = arith.constant 128 : i32
          %lt3A_434 = arith.cmpi slt, %sub3A_428, %lt3A_433 : i32
          %and3A_435 = arith.andi %and3A_432, %lt3A_434 : i1
          %jit3A_436 = arith.constant 128 : i32
          %select_n3A_437 = arith.select %and3A_435, %sub3A_428, %jit3A_436 : i32
          %mul3A_438 = arith.constant 768 : i32
          %mul3A_439 = arith.muli %select_n3A_437, %mul3A_438 : i32
          %add3A_440 = arith.constant 0 : i32
          %add3A_441 = arith.addi %sub3A_352, %add3A_440 : i32
          %add3A_442 = arith.constant 2 : i32
          %add3A_443 = arith.addi %add3A_441, %add3A_442 : i32
          %mul3A_444 = arith.constant 768 : i32
          %mul3A_445 = arith.muli %add3A_443, %mul3A_444 : i32
          %mul3A_446 = arith.constant 16 : i32
          %mul3A_447 = arith.muli %select_n3A_437, %mul3A_446 : i32
          %swap3A_448 = arith.index_cast %mul3A_447 : i32 to index
          %swap3A_449 = tpu.vector_load %arg7[%swap3A_448] {strides = array<i32>} : memref<2064xf32, #tpu.memory_space<vmem>>, vector<16xf32>,
          tpu.vector_store %arg7[%swap3A_448], %broadcast_in_dim3A_354 {add = true, strides = array<i32>} : memref<2064xf32, #tpu.memory_space<vmem>>, vector<16xf32>,
          %parallel_loop3A_450 = arith.constant 0 : i32
          %parallel_loop3A_451 = arith.constant 768 : i32
          %parallel_loop3A_452 = arith.constant 16 : i32
          scf.for %parallel_loop3A_882 = %parallel_loop3A_450 to %parallel_loop3A_451 step %parallel_loop3A_452  : i32 {
            %parallel_loop3A_883 = arith.addi %mul3A_439, %parallel_loop3A_882 : i32
            %parallel_loop3A_884 = arith.addi %mul3A_445, %parallel_loop3A_882 : i32
            %parallel_loop3A_885 = arith.index_cast %parallel_loop3A_884 : i32 to index
            %parallel_loop3A_886 = tpu.vector_load %arg8[%parallel_loop3A_885] {strides = array<i32>} : memref<12288xf32, #tpu.memory_space<vmem>>, vector<16xf32>,
            %parallel_loop3A_887 = arith.index_cast %parallel_loop3A_883 : i32 to index
            %parallel_loop3A_888 = tpu.vector_load %arg6[%parallel_loop3A_887] {strides = array<i32>} : memref<99072xf32, #tpu.memory_space<vmem>>, vector<16xf32>,
            tpu.vector_store %arg6[%parallel_loop3A_887], %parallel_loop3A_886 {add = true, strides = array<i32>} : memref<99072xf32, #tpu.memory_space<vmem>>, vector<16xf32>,
          } {sc.loop_unroll_factor = 8 : i64, sc.parallel_access}
          %mul3A_453 = arith.constant 16 : i32
          %mul3A_454 = arith.muli %mul3A_313, %mul3A_453 : i32
          %add3A_455 = arith.constant 0 : i32
          %add3A_456 = arith.addi %mul3A_454, %add3A_455 : i32
          %add3A_457 = arith.constant 3 : i32
          %add3A_458 = arith.addi %add3A_456, %add3A_457 : i32
          %slice3A_459 = vector.extract_strided_slice %get3A_355 {offsets = [3], sizes = [1], strides = [1]} : vector<16xi32> to vector<1xi32>
          %squeeze3A_460 = vector.extract %slice3A_459[0] : i32 from vector<1xi32>
          %sub3A_461 = arith.subi %squeeze3A_460, %add3A_193 : i32
          %lt3A_462 = arith.cmpi slt, %add3A_458, %sub3A_231 : i32
          %ge3A_463 = arith.constant 0 : i32
          %ge3A_464 = arith.cmpi sge, %sub3A_461, %ge3A_463 : i32
          %and3A_465 = arith.andi %lt3A_462, %ge3A_464 : i1
          %lt3A_466 = arith.constant 128 : i32
          %lt3A_467 = arith.cmpi slt, %sub3A_461, %lt3A_466 : i32
          %and3A_468 = arith.andi %and3A_465, %lt3A_467 : i1
          %jit3A_469 = arith.constant 128 : i32
          %select_n3A_470 = arith.select %and3A_468, %sub3A_461, %jit3A_469 : i32
          %mul3A_471 = arith.constant 768 : i32
          %mul3A_472 = arith.muli %select_n3A_470, %mul3A_471 : i32
          %add3A_473 = arith.constant 0 : i32
          %add3A_474 = arith.addi %sub3A_352, %add3A_473 : i32
          %add3A_475 = arith.constant 3 : i32
          %add3A_476 = arith.addi %add3A_474, %add3A_475 : i32
          %mul3A_477 = arith.constant 768 : i32
          %mul3A_478 = arith.muli %add3A_476, %mul3A_477 : i32
          %mul3A_479 = arith.constant 16 : i32
          %mul3A_480 = arith.muli %select_n3A_470, %mul3A_479 : i32
          %swap3A_481 = arith.index_cast %mul3A_480 : i32 to index
          %swap3A_482 = tpu.vector_load %arg7[%swap3A_481] {strides = array<i32>} : memref<2064xf32, #tpu.memory_space<vmem>>, vector<16xf32>,
          tpu.vector_store %arg7[%swap3A_481], %broadcast_in_dim3A_354 {add = true, strides = array<i32>} : memref<2064xf32, #tpu.memory_space<vmem>>, vector<16xf32>,
          %parallel_loop3A_483 = arith.constant 0 : i32
          %parallel_loop3A_484 = arith.constant 768 : i32
          %parallel_loop3A_485 = arith.constant 16 : i32
          scf.for %parallel_loop3A_882 = %parallel_loop3A_483 to %parallel_loop3A_484 step %parallel_loop3A_485  : i32 {
            %parallel_loop3A_883 = arith.addi %mul3A_472, %parallel_loop3A_882 : i32
            %parallel_loop3A_884 = arith.addi %mul3A_478, %parallel_loop3A_882 : i32
            %parallel_loop3A_885 = arith.index_cast %parallel_loop3A_884 : i32 to index
            %parallel_loop3A_886 = tpu.vector_load %arg8[%parallel_loop3A_885] {strides = array<i32>} : memref<12288xf32, #tpu.memory_space<vmem>>, vector<16xf32>,
            %parallel_loop3A_887 = arith.index_cast %parallel_loop3A_883 : i32 to index
            %parallel_loop3A_888 = tpu.vector_load %arg6[%parallel_loop3A_887] {strides = array<i32>} : memref<99072xf32, #tpu.memory_space<vmem>>, vector<16xf32>,
            tpu.vector_store %arg6[%parallel_loop3A_887], %parallel_loop3A_886 {add = true, strides = array<i32>} : memref<99072xf32, #tpu.memory_space<vmem>>, vector<16xf32>,
          } {sc.loop_unroll_factor = 8 : i64, sc.parallel_access}
          %mul3A_486 = arith.constant 16 : i32
          %mul3A_487 = arith.muli %mul3A_313, %mul3A_486 : i32
          %add3A_488 = arith.constant 0 : i32
          %add3A_489 = arith.addi %mul3A_487, %add3A_488 : i32
          %add3A_490 = arith.constant 4 : i32
          %add3A_491 = arith.addi %add3A_489, %add3A_490 : i32
          %slice3A_492 = vector.extract_strided_slice %get3A_355 {offsets = [4], sizes = [1], strides = [1]} : vector<16xi32> to vector<1xi32>
          %squeeze3A_493 = vector.extract %slice3A_492[0] : i32 from vector<1xi32>
          %sub3A_494 = arith.subi %squeeze3A_493, %add3A_193 : i32
          %lt3A_495 = arith.cmpi slt, %add3A_491, %sub3A_231 : i32
          %ge3A_496 = arith.constant 0 : i32
          %ge3A_497 = arith.cmpi sge, %sub3A_494, %ge3A_496 : i32
          %and3A_498 = arith.andi %lt3A_495, %ge3A_497 : i1
          %lt3A_499 = arith.constant 128 : i32
          %lt3A_500 = arith.cmpi slt, %sub3A_494, %lt3A_499 : i32
          %and3A_501 = arith.andi %and3A_498, %lt3A_500 : i1
          %jit3A_502 = arith.constant 128 : i32
          %select_n3A_503 = arith.select %and3A_501, %sub3A_494, %jit3A_502 : i32
          %mul3A_504 = arith.constant 768 : i32
          %mul3A_505 = arith.muli %select_n3A_503, %mul3A_504 : i32
          %add3A_506 = arith.constant 0 : i32
          %add3A_507 = arith.addi %sub3A_352, %add3A_506 : i32
          %add3A_508 = arith.constant 4 : i32
          %add3A_509 = arith.addi %add3A_507, %add3A_508 : i32
          %mul3A_510 = arith.constant 768 : i32
          %mul3A_511 = arith.muli %add3A_509, %mul3A_510 : i32
          %mul3A_512 = arith.constant 16 : i32
          %mul3A_513 = arith.muli %select_n3A_503, %mul3A_512 : i32
          %swap3A_514 = arith.index_cast %mul3A_513 : i32 to index
          %swap3A_515 = tpu.vector_load %arg7[%swap3A_514] {strides = array<i32>} : memref<2064xf32, #tpu.memory_space<vmem>>, vector<16xf32>,
          tpu.vector_store %arg7[%swap3A_514], %broadcast_in_dim3A_354 {add = true, strides = array<i32>} : memref<2064xf32, #tpu.memory_space<vmem>>, vector<16xf32>,
          %parallel_loop3A_516 = arith.constant 0 : i32
          %parallel_loop3A_517 = arith.constant 768 : i32
          %parallel_loop3A_518 = arith.constant 16 : i32
          scf.for %parallel_loop3A_882 = %parallel_loop3A_516 to %parallel_loop3A_517 step %parallel_loop3A_518  : i32 {
            %parallel_loop3A_883 = arith.addi %mul3A_505, %parallel_loop3A_882 : i32
            %parallel_loop3A_884 = arith.addi %mul3A_511, %parallel_loop3A_882 : i32
            %parallel_loop3A_885 = arith.index_cast %parallel_loop3A_884 : i32 to index
            %parallel_loop3A_886 = tpu.vector_load %arg8[%parallel_loop3A_885] {strides = array<i32>} : memref<12288xf32, #tpu.memory_space<vmem>>, vector<16xf32>,
            %parallel_loop3A_887 = arith.index_cast %parallel_loop3A_883 : i32 to index
            %parallel_loop3A_888 = tpu.vector_load %arg6[%parallel_loop3A_887] {strides = array<i32>} : memref<99072xf32, #tpu.memory_space<vmem>>, vector<16xf32>,
            tpu.vector_store %arg6[%parallel_loop3A_887], %parallel_loop3A_886 {add = true, strides = array<i32>} : memref<99072xf32, #tpu.memory_space<vmem>>, vector<16xf32>,
          } {sc.loop_unroll_factor = 8 : i64, sc.parallel_access}
          %mul3A_519 = arith.constant 16 : i32
          %mul3A_520 = arith.muli %mul3A_313, %mul3A_519 : i32
          %add3A_521 = arith.constant 0 : i32
          %add3A_522 = arith.addi %mul3A_520, %add3A_521 : i32
          %add3A_523 = arith.constant 5 : i32
          %add3A_524 = arith.addi %add3A_522, %add3A_523 : i32
          %slice3A_525 = vector.extract_strided_slice %get3A_355 {offsets = [5], sizes = [1], strides = [1]} : vector<16xi32> to vector<1xi32>
          %squeeze3A_526 = vector.extract %slice3A_525[0] : i32 from vector<1xi32>
          %sub3A_527 = arith.subi %squeeze3A_526, %add3A_193 : i32
          %lt3A_528 = arith.cmpi slt, %add3A_524, %sub3A_231 : i32
          %ge3A_529 = arith.constant 0 : i32
          %ge3A_530 = arith.cmpi sge, %sub3A_527, %ge3A_529 : i32
          %and3A_531 = arith.andi %lt3A_528, %ge3A_530 : i1
          %lt3A_532 = arith.constant 128 : i32
          %lt3A_533 = arith.cmpi slt, %sub3A_527, %lt3A_532 : i32
          %and3A_534 = arith.andi %and3A_531, %lt3A_533 : i1
          %jit3A_535 = arith.constant 128 : i32
          %select_n3A_536 = arith.select %and3A_534, %sub3A_527, %jit3A_535 : i32
          %mul3A_537 = arith.constant 768 : i32
          %mul3A_538 = arith.muli %select_n3A_536, %mul3A_537 : i32
          %add3A_539 = arith.constant 0 : i32
          %add3A_540 = arith.addi %sub3A_352, %add3A_539 : i32
          %add3A_541 = arith.constant 5 : i32
          %add3A_542 = arith.addi %add3A_540, %add3A_541 : i32
          %mul3A_543 = arith.constant 768 : i32
          %mul3A_544 = arith.muli %add3A_542, %mul3A_543 : i32
          %mul3A_545 = arith.constant 16 : i32
          %mul3A_546 = arith.muli %select_n3A_536, %mul3A_545 : i32
          %swap3A_547 = arith.index_cast %mul3A_546 : i32 to index
          %swap3A_548 = tpu.vector_load %arg7[%swap3A_547] {strides = array<i32>} : memref<2064xf32, #tpu.memory_space<vmem>>, vector<16xf32>,
          tpu.vector_store %arg7[%swap3A_547], %broadcast_in_dim3A_354 {add = true, strides = array<i32>} : memref<2064xf32, #tpu.memory_space<vmem>>, vector<16xf32>,
          %parallel_loop3A_549 = arith.constant 0 : i32
          %parallel_loop3A_550 = arith.constant 768 : i32
          %parallel_loop3A_551 = arith.constant 16 : i32
          scf.for %parallel_loop3A_882 = %parallel_loop3A_549 to %parallel_loop3A_550 step %parallel_loop3A_551  : i32 {
            %parallel_loop3A_883 = arith.addi %mul3A_538, %parallel_loop3A_882 : i32
            %parallel_loop3A_884 = arith.addi %mul3A_544, %parallel_loop3A_882 : i32
            %parallel_loop3A_885 = arith.index_cast %parallel_loop3A_884 : i32 to index
            %parallel_loop3A_886 = tpu.vector_load %arg8[%parallel_loop3A_885] {strides = array<i32>} : memref<12288xf32, #tpu.memory_space<vmem>>, vector<16xf32>,
            %parallel_loop3A_887 = arith.index_cast %parallel_loop3A_883 : i32 to index
            %parallel_loop3A_888 = tpu.vector_load %arg6[%parallel_loop3A_887] {strides = array<i32>} : memref<99072xf32, #tpu.memory_space<vmem>>, vector<16xf32>,
            tpu.vector_store %arg6[%parallel_loop3A_887], %parallel_loop3A_886 {add = true, strides = array<i32>} : memref<99072xf32, #tpu.memory_space<vmem>>, vector<16xf32>,
          } {sc.loop_unroll_factor = 8 : i64, sc.parallel_access}
          %mul3A_552 = arith.constant 16 : i32
          %mul3A_553 = arith.muli %mul3A_313, %mul3A_552 : i32
          %add3A_554 = arith.constant 0 : i32
          %add3A_555 = arith.addi %mul3A_553, %add3A_554 : i32
          %add3A_556 = arith.constant 6 : i32
          %add3A_557 = arith.addi %add3A_555, %add3A_556 : i32
          %slice3A_558 = vector.extract_strided_slice %get3A_355 {offsets = [6], sizes = [1], strides = [1]} : vector<16xi32> to vector<1xi32>
          %squeeze3A_559 = vector.extract %slice3A_558[0] : i32 from vector<1xi32>
          %sub3A_560 = arith.subi %squeeze3A_559, %add3A_193 : i32
          %lt3A_561 = arith.cmpi slt, %add3A_557, %sub3A_231 : i32
          %ge3A_562 = arith.constant 0 : i32
          %ge3A_563 = arith.cmpi sge, %sub3A_560, %ge3A_562 : i32
          %and3A_564 = arith.andi %lt3A_561, %ge3A_563 : i1
          %lt3A_565 = arith.constant 128 : i32
          %lt3A_566 = arith.cmpi slt, %sub3A_560, %lt3A_565 : i32
          %and3A_567 = arith.andi %and3A_564, %lt3A_566 : i1
          %jit3A_568 = arith.constant 128 : i32
          %select_n3A_569 = arith.select %and3A_567, %sub3A_560, %jit3A_568 : i32
          %mul3A_570 = arith.constant 768 : i32
          %mul3A_571 = arith.muli %select_n3A_569, %mul3A_570 : i32
          %add3A_572 = arith.constant 0 : i32
          %add3A_573 = arith.addi %sub3A_352, %add3A_572 : i32
          %add3A_574 = arith.constant 6 : i32
          %add3A_575 = arith.addi %add3A_573, %add3A_574 : i32
          %mul3A_576 = arith.constant 768 : i32
          %mul3A_577 = arith.muli %add3A_575, %mul3A_576 : i32
          %mul3A_578 = arith.constant 16 : i32
          %mul3A_579 = arith.muli %select_n3A_569, %mul3A_578 : i32
          %swap3A_580 = arith.index_cast %mul3A_579 : i32 to index
          %swap3A_581 = tpu.vector_load %arg7[%swap3A_580] {strides = array<i32>} : memref<2064xf32, #tpu.memory_space<vmem>>, vector<16xf32>,
          tpu.vector_store %arg7[%swap3A_580], %broadcast_in_dim3A_354 {add = true, strides = array<i32>} : memref<2064xf32, #tpu.memory_space<vmem>>, vector<16xf32>,
          %parallel_loop3A_582 = arith.constant 0 : i32
          %parallel_loop3A_583 = arith.constant 768 : i32
          %parallel_loop3A_584 = arith.constant 16 : i32
          scf.for %parallel_loop3A_882 = %parallel_loop3A_582 to %parallel_loop3A_583 step %parallel_loop3A_584  : i32 {
            %parallel_loop3A_883 = arith.addi %mul3A_571, %parallel_loop3A_882 : i32
            %parallel_loop3A_884 = arith.addi %mul3A_577, %parallel_loop3A_882 : i32
            %parallel_loop3A_885 = arith.index_cast %parallel_loop3A_884 : i32 to index
            %parallel_loop3A_886 = tpu.vector_load %arg8[%parallel_loop3A_885] {strides = array<i32>} : memref<12288xf32, #tpu.memory_space<vmem>>, vector<16xf32>,
            %parallel_loop3A_887 = arith.index_cast %parallel_loop3A_883 : i32 to index
            %parallel_loop3A_888 = tpu.vector_load %arg6[%parallel_loop3A_887] {strides = array<i32>} : memref<99072xf32, #tpu.memory_space<vmem>>, vector<16xf32>,
            tpu.vector_store %arg6[%parallel_loop3A_887], %parallel_loop3A_886 {add = true, strides = array<i32>} : memref<99072xf32, #tpu.memory_space<vmem>>, vector<16xf32>,
          } {sc.loop_unroll_factor = 8 : i64, sc.parallel_access}
          %mul3A_585 = arith.constant 16 : i32
          %mul3A_586 = arith.muli %mul3A_313, %mul3A_585 : i32
          %add3A_587 = arith.constant 0 : i32
          %add3A_588 = arith.addi %mul3A_586, %add3A_587 : i32
          %add3A_589 = arith.constant 7 : i32
          %add3A_590 = arith.addi %add3A_588, %add3A_589 : i32
          %slice3A_591 = vector.extract_strided_slice %get3A_355 {offsets = [7], sizes = [1], strides = [1]} : vector<16xi32> to vector<1xi32>
          %squeeze3A_592 = vector.extract %slice3A_591[0] : i32 from vector<1xi32>
          %sub3A_593 = arith.subi %squeeze3A_592, %add3A_193 : i32
          %lt3A_594 = arith.cmpi slt, %add3A_590, %sub3A_231 : i32
          %ge3A_595 = arith.constant 0 : i32
          %ge3A_596 = arith.cmpi sge, %sub3A_593, %ge3A_595 : i32
          %and3A_597 = arith.andi %lt3A_594, %ge3A_596 : i1
          %lt3A_598 = arith.constant 128 : i32
          %lt3A_599 = arith.cmpi slt, %sub3A_593, %lt3A_598 : i32
          %and3A_600 = arith.andi %and3A_597, %lt3A_599 : i1
          %jit3A_601 = arith.constant 128 : i32
          %select_n3A_602 = arith.select %and3A_600, %sub3A_593, %jit3A_601 : i32
          %mul3A_603 = arith.constant 768 : i32
          %mul3A_604 = arith.muli %select_n3A_602, %mul3A_603 : i32
          %add3A_605 = arith.constant 0 : i32
          %add3A_606 = arith.addi %sub3A_352, %add3A_605 : i32
          %add3A_607 = arith.constant 7 : i32
          %add3A_608 = arith.addi %add3A_606, %add3A_607 : i32
          %mul3A_609 = arith.constant 768 : i32
          %mul3A_610 = arith.muli %add3A_608, %mul3A_609 : i32
          %mul3A_611 = arith.constant 16 : i32
          %mul3A_612 = arith.muli %select_n3A_602, %mul3A_611 : i32
          %swap3A_613 = arith.index_cast %mul3A_612 : i32 to index
          %swap3A_614 = tpu.vector_load %arg7[%swap3A_613] {strides = array<i32>} : memref<2064xf32, #tpu.memory_space<vmem>>, vector<16xf32>,
          tpu.vector_store %arg7[%swap3A_613], %broadcast_in_dim3A_354 {add = true, strides = array<i32>} : memref<2064xf32, #tpu.memory_space<vmem>>, vector<16xf32>,
          %parallel_loop3A_615 = arith.constant 0 : i32
          %parallel_loop3A_616 = arith.constant 768 : i32
          %parallel_loop3A_617 = arith.constant 16 : i32
          scf.for %parallel_loop3A_882 = %parallel_loop3A_615 to %parallel_loop3A_616 step %parallel_loop3A_617  : i32 {
            %parallel_loop3A_883 = arith.addi %mul3A_604, %parallel_loop3A_882 : i32
            %parallel_loop3A_884 = arith.addi %mul3A_610, %parallel_loop3A_882 : i32
            %parallel_loop3A_885 = arith.index_cast %parallel_loop3A_884 : i32 to index
            %parallel_loop3A_886 = tpu.vector_load %arg8[%parallel_loop3A_885] {strides = array<i32>} : memref<12288xf32, #tpu.memory_space<vmem>>, vector<16xf32>,
            %parallel_loop3A_887 = arith.index_cast %parallel_loop3A_883 : i32 to index
            %parallel_loop3A_888 = tpu.vector_load %arg6[%parallel_loop3A_887] {strides = array<i32>} : memref<99072xf32, #tpu.memory_space<vmem>>, vector<16xf32>,
            tpu.vector_store %arg6[%parallel_loop3A_887], %parallel_loop3A_886 {add = true, strides = array<i32>} : memref<99072xf32, #tpu.memory_space<vmem>>, vector<16xf32>,
          } {sc.loop_unroll_factor = 8 : i64, sc.parallel_access}
          %mul3A_618 = arith.constant 16 : i32
          %mul3A_619 = arith.muli %mul3A_313, %mul3A_618 : i32
          %add3A_620 = arith.constant 0 : i32
          %add3A_621 = arith.addi %mul3A_619, %add3A_620 : i32
          %add3A_622 = arith.constant 8 : i32
          %add3A_623 = arith.addi %add3A_621, %add3A_622 : i32
          %slice3A_624 = vector.extract_strided_slice %get3A_355 {offsets = [8], sizes = [1], strides = [1]} : vector<16xi32> to vector<1xi32>
          %squeeze3A_625 = vector.extract %slice3A_624[0] : i32 from vector<1xi32>
          %sub3A_626 = arith.subi %squeeze3A_625, %add3A_193 : i32
          %lt3A_627 = arith.cmpi slt, %add3A_623, %sub3A_231 : i32
          %ge3A_628 = arith.constant 0 : i32
          %ge3A_629 = arith.cmpi sge, %sub3A_626, %ge3A_628 : i32
          %and3A_630 = arith.andi %lt3A_627, %ge3A_629 : i1
          %lt3A_631 = arith.constant 128 : i32
          %lt3A_632 = arith.cmpi slt, %sub3A_626, %lt3A_631 : i32
          %and3A_633 = arith.andi %and3A_630, %lt3A_632 : i1
          %jit3A_634 = arith.constant 128 : i32
          %select_n3A_635 = arith.select %and3A_633, %sub3A_626, %jit3A_634 : i32
          %mul3A_636 = arith.constant 768 : i32
          %mul3A_637 = arith.muli %select_n3A_635, %mul3A_636 : i32
          %add3A_638 = arith.constant 0 : i32
          %add3A_639 = arith.addi %sub3A_352, %add3A_638 : i32
          %add3A_640 = arith.constant 8 : i32
          %add3A_641 = arith.addi %add3A_639, %add3A_640 : i32
          %mul3A_642 = arith.constant 768 : i32
          %mul3A_643 = arith.muli %add3A_641, %mul3A_642 : i32
          %mul3A_644 = arith.constant 16 : i32
          %mul3A_645 = arith.muli %select_n3A_635, %mul3A_644 : i32
          %swap3A_646 = arith.index_cast %mul3A_645 : i32 to index
          %swap3A_647 = tpu.vector_load %arg7[%swap3A_646] {strides = array<i32>} : memref<2064xf32, #tpu.memory_space<vmem>>, vector<16xf32>,
          tpu.vector_store %arg7[%swap3A_646], %broadcast_in_dim3A_354 {add = true, strides = array<i32>} : memref<2064xf32, #tpu.memory_space<vmem>>, vector<16xf32>,
          %parallel_loop3A_648 = arith.constant 0 : i32
          %parallel_loop3A_649 = arith.constant 768 : i32
          %parallel_loop3A_650 = arith.constant 16 : i32
          scf.for %parallel_loop3A_882 = %parallel_loop3A_648 to %parallel_loop3A_649 step %parallel_loop3A_650  : i32 {
            %parallel_loop3A_883 = arith.addi %mul3A_637, %parallel_loop3A_882 : i32
            %parallel_loop3A_884 = arith.addi %mul3A_643, %parallel_loop3A_882 : i32
            %parallel_loop3A_885 = arith.index_cast %parallel_loop3A_884 : i32 to index
            %parallel_loop3A_886 = tpu.vector_load %arg8[%parallel_loop3A_885] {strides = array<i32>} : memref<12288xf32, #tpu.memory_space<vmem>>, vector<16xf32>,
            %parallel_loop3A_887 = arith.index_cast %parallel_loop3A_883 : i32 to index
            %parallel_loop3A_888 = tpu.vector_load %arg6[%parallel_loop3A_887] {strides = array<i32>} : memref<99072xf32, #tpu.memory_space<vmem>>, vector<16xf32>,
            tpu.vector_store %arg6[%parallel_loop3A_887], %parallel_loop3A_886 {add = true, strides = array<i32>} : memref<99072xf32, #tpu.memory_space<vmem>>, vector<16xf32>,
          } {sc.loop_unroll_factor = 8 : i64, sc.parallel_access}
          %mul3A_651 = arith.constant 16 : i32
          %mul3A_652 = arith.muli %mul3A_313, %mul3A_651 : i32
          %add3A_653 = arith.constant 0 : i32
          %add3A_654 = arith.addi %mul3A_652, %add3A_653 : i32
          %add3A_655 = arith.constant 9 : i32
          %add3A_656 = arith.addi %add3A_654, %add3A_655 : i32
          %slice3A_657 = vector.extract_strided_slice %get3A_355 {offsets = [9], sizes = [1], strides = [1]} : vector<16xi32> to vector<1xi32>
          %squeeze3A_658 = vector.extract %slice3A_657[0] : i32 from vector<1xi32>
          %sub3A_659 = arith.subi %squeeze3A_658, %add3A_193 : i32
          %lt3A_660 = arith.cmpi slt, %add3A_656, %sub3A_231 : i32
          %ge3A_661 = arith.constant 0 : i32
          %ge3A_662 = arith.cmpi sge, %sub3A_659, %ge3A_661 : i32
          %and3A_663 = arith.andi %lt3A_660, %ge3A_662 : i1
          %lt3A_664 = arith.constant 128 : i32
          %lt3A_665 = arith.cmpi slt, %sub3A_659, %lt3A_664 : i32
          %and3A_666 = arith.andi %and3A_663, %lt3A_665 : i1
          %jit3A_667 = arith.constant 128 : i32
          %select_n3A_668 = arith.select %and3A_666, %sub3A_659, %jit3A_667 : i32
          %mul3A_669 = arith.constant 768 : i32
          %mul3A_670 = arith.muli %select_n3A_668, %mul3A_669 : i32
          %add3A_671 = arith.constant 0 : i32
          %add3A_672 = arith.addi %sub3A_352, %add3A_671 : i32
          %add3A_673 = arith.constant 9 : i32
          %add3A_674 = arith.addi %add3A_672, %add3A_673 : i32
          %mul3A_675 = arith.constant 768 : i32
          %mul3A_676 = arith.muli %add3A_674, %mul3A_675 : i32
          %mul3A_677 = arith.constant 16 : i32
          %mul3A_678 = arith.muli %select_n3A_668, %mul3A_677 : i32
          %swap3A_679 = arith.index_cast %mul3A_678 : i32 to index
          %swap3A_680 = tpu.vector_load %arg7[%swap3A_679] {strides = array<i32>} : memref<2064xf32, #tpu.memory_space<vmem>>, vector<16xf32>,
          tpu.vector_store %arg7[%swap3A_679], %broadcast_in_dim3A_354 {add = true, strides = array<i32>} : memref<2064xf32, #tpu.memory_space<vmem>>, vector<16xf32>,
          %parallel_loop3A_681 = arith.constant 0 : i32
          %parallel_loop3A_682 = arith.constant 768 : i32
          %parallel_loop3A_683 = arith.constant 16 : i32
          scf.for %parallel_loop3A_882 = %parallel_loop3A_681 to %parallel_loop3A_682 step %parallel_loop3A_683  : i32 {
            %parallel_loop3A_883 = arith.addi %mul3A_670, %parallel_loop3A_882 : i32
            %parallel_loop3A_884 = arith.addi %mul3A_676, %parallel_loop3A_882 : i32
            %parallel_loop3A_885 = arith.index_cast %parallel_loop3A_884 : i32 to index
            %parallel_loop3A_886 = tpu.vector_load %arg8[%parallel_loop3A_885] {strides = array<i32>} : memref<12288xf32, #tpu.memory_space<vmem>>, vector<16xf32>,
            %parallel_loop3A_887 = arith.index_cast %parallel_loop3A_883 : i32 to index
            %parallel_loop3A_888 = tpu.vector_load %arg6[%parallel_loop3A_887] {strides = array<i32>} : memref<99072xf32, #tpu.memory_space<vmem>>, vector<16xf32>,
            tpu.vector_store %arg6[%parallel_loop3A_887], %parallel_loop3A_886 {add = true, strides = array<i32>} : memref<99072xf32, #tpu.memory_space<vmem>>, vector<16xf32>,
          } {sc.loop_unroll_factor = 8 : i64, sc.parallel_access}
          %mul3A_684 = arith.constant 16 : i32
          %mul3A_685 = arith.muli %mul3A_313, %mul3A_684 : i32
          %add3A_686 = arith.constant 0 : i32
          %add3A_687 = arith.addi %mul3A_685, %add3A_686 : i32
          %add3A_688 = arith.constant 10 : i32
          %add3A_689 = arith.addi %add3A_687, %add3A_688 : i32
          %slice3A_690 = vector.extract_strided_slice %get3A_355 {offsets = [10], sizes = [1], strides = [1]} : vector<16xi32> to vector<1xi32>
          %squeeze3A_691 = vector.extract %slice3A_690[0] : i32 from vector<1xi32>
          %sub3A_692 = arith.subi %squeeze3A_691, %add3A_193 : i32
          %lt3A_693 = arith.cmpi slt, %add3A_689, %sub3A_231 : i32
          %ge3A_694 = arith.constant 0 : i32
          %ge3A_695 = arith.cmpi sge, %sub3A_692, %ge3A_694 : i32
          %and3A_696 = arith.andi %lt3A_693, %ge3A_695 : i1
          %lt3A_697 = arith.constant 128 : i32
          %lt3A_698 = arith.cmpi slt, %sub3A_692, %lt3A_697 : i32
          %and3A_699 = arith.andi %and3A_696, %lt3A_698 : i1
          %jit3A_700 = arith.constant 128 : i32
          %select_n3A_701 = arith.select %and3A_699, %sub3A_692, %jit3A_700 : i32
          %mul3A_702 = arith.constant 768 : i32
          %mul3A_703 = arith.muli %select_n3A_701, %mul3A_702 : i32
          %add3A_704 = arith.constant 0 : i32
          %add3A_705 = arith.addi %sub3A_352, %add3A_704 : i32
          %add3A_706 = arith.constant 10 : i32
          %add3A_707 = arith.addi %add3A_705, %add3A_706 : i32
          %mul3A_708 = arith.constant 768 : i32
          %mul3A_709 = arith.muli %add3A_707, %mul3A_708 : i32
          %mul3A_710 = arith.constant 16 : i32
          %mul3A_711 = arith.muli %select_n3A_701, %mul3A_710 : i32
          %swap3A_712 = arith.index_cast %mul3A_711 : i32 to index
          %swap3A_713 = tpu.vector_load %arg7[%swap3A_712] {strides = array<i32>} : memref<2064xf32, #tpu.memory_space<vmem>>, vector<16xf32>,
          tpu.vector_store %arg7[%swap3A_712], %broadcast_in_dim3A_354 {add = true, strides = array<i32>} : memref<2064xf32, #tpu.memory_space<vmem>>, vector<16xf32>,
          %parallel_loop3A_714 = arith.constant 0 : i32
          %parallel_loop3A_715 = arith.constant 768 : i32
          %parallel_loop3A_716 = arith.constant 16 : i32
          scf.for %parallel_loop3A_882 = %parallel_loop3A_714 to %parallel_loop3A_715 step %parallel_loop3A_716  : i32 {
            %parallel_loop3A_883 = arith.addi %mul3A_703, %parallel_loop3A_882 : i32
            %parallel_loop3A_884 = arith.addi %mul3A_709, %parallel_loop3A_882 : i32
            %parallel_loop3A_885 = arith.index_cast %parallel_loop3A_884 : i32 to index
            %parallel_loop3A_886 = tpu.vector_load %arg8[%parallel_loop3A_885] {strides = array<i32>} : memref<12288xf32, #tpu.memory_space<vmem>>, vector<16xf32>,
            %parallel_loop3A_887 = arith.index_cast %parallel_loop3A_883 : i32 to index
            %parallel_loop3A_888 = tpu.vector_load %arg6[%parallel_loop3A_887] {strides = array<i32>} : memref<99072xf32, #tpu.memory_space<vmem>>, vector<16xf32>,
            tpu.vector_store %arg6[%parallel_loop3A_887], %parallel_loop3A_886 {add = true, strides = array<i32>} : memref<99072xf32, #tpu.memory_space<vmem>>, vector<16xf32>,
          } {sc.loop_unroll_factor = 8 : i64, sc.parallel_access}
          %mul3A_717 = arith.constant 16 : i32
          %mul3A_718 = arith.muli %mul3A_313, %mul3A_717 : i32
          %add3A_719 = arith.constant 0 : i32
          %add3A_720 = arith.addi %mul3A_718, %add3A_719 : i32
          %add3A_721 = arith.constant 11 : i32
          %add3A_722 = arith.addi %add3A_720, %add3A_721 : i32
          %slice3A_723 = vector.extract_strided_slice %get3A_355 {offsets = [11], sizes = [1], strides = [1]} : vector<16xi32> to vector<1xi32>
          %squeeze3A_724 = vector.extract %slice3A_723[0] : i32 from vector<1xi32>
          %sub3A_725 = arith.subi %squeeze3A_724, %add3A_193 : i32
          %lt3A_726 = arith.cmpi slt, %add3A_722, %sub3A_231 : i32
          %ge3A_727 = arith.constant 0 : i32
          %ge3A_728 = arith.cmpi sge, %sub3A_725, %ge3A_727 : i32
          %and3A_729 = arith.andi %lt3A_726, %ge3A_728 : i1
          %lt3A_730 = arith.constant 128 : i32
          %lt3A_731 = arith.cmpi slt, %sub3A_725, %lt3A_730 : i32
          %and3A_732 = arith.andi %and3A_729, %lt3A_731 : i1
          %jit3A_733 = arith.constant 128 : i32
          %select_n3A_734 = arith.select %and3A_732, %sub3A_725, %jit3A_733 : i32
          %mul3A_735 = arith.constant 768 : i32
          %mul3A_736 = arith.muli %select_n3A_734, %mul3A_735 : i32
          %add3A_737 = arith.constant 0 : i32
          %add3A_738 = arith.addi %sub3A_352, %add3A_737 : i32
          %add3A_739 = arith.constant 11 : i32
          %add3A_740 = arith.addi %add3A_738, %add3A_739 : i32
          %mul3A_741 = arith.constant 768 : i32
          %mul3A_742 = arith.muli %add3A_740, %mul3A_741 : i32
          %mul3A_743 = arith.constant 16 : i32
          %mul3A_744 = arith.muli %select_n3A_734, %mul3A_743 : i32
          %swap3A_745 = arith.index_cast %mul3A_744 : i32 to index
          %swap3A_746 = tpu.vector_load %arg7[%swap3A_745] {strides = array<i32>} : memref<2064xf32, #tpu.memory_space<vmem>>, vector<16xf32>,
          tpu.vector_store %arg7[%swap3A_745], %broadcast_in_dim3A_354 {add = true, strides = array<i32>} : memref<2064xf32, #tpu.memory_space<vmem>>, vector<16xf32>,
          %parallel_loop3A_747 = arith.constant 0 : i32
          %parallel_loop3A_748 = arith.constant 768 : i32
          %parallel_loop3A_749 = arith.constant 16 : i32
          scf.for %parallel_loop3A_882 = %parallel_loop3A_747 to %parallel_loop3A_748 step %parallel_loop3A_749  : i32 {
            %parallel_loop3A_883 = arith.addi %mul3A_736, %parallel_loop3A_882 : i32
            %parallel_loop3A_884 = arith.addi %mul3A_742, %parallel_loop3A_882 : i32
            %parallel_loop3A_885 = arith.index_cast %parallel_loop3A_884 : i32 to index
            %parallel_loop3A_886 = tpu.vector_load %arg8[%parallel_loop3A_885] {strides = array<i32>} : memref<12288xf32, #tpu.memory_space<vmem>>, vector<16xf32>,
            %parallel_loop3A_887 = arith.index_cast %parallel_loop3A_883 : i32 to index
            %parallel_loop3A_888 = tpu.vector_load %arg6[%parallel_loop3A_887] {strides = array<i32>} : memref<99072xf32, #tpu.memory_space<vmem>>, vector<16xf32>,
            tpu.vector_store %arg6[%parallel_loop3A_887], %parallel_loop3A_886 {add = true, strides = array<i32>} : memref<99072xf32, #tpu.memory_space<vmem>>, vector<16xf32>,
          } {sc.loop_unroll_factor = 8 : i64, sc.parallel_access}
          %mul3A_750 = arith.constant 16 : i32
          %mul3A_751 = arith.muli %mul3A_313, %mul3A_750 : i32
          %add3A_752 = arith.constant 0 : i32
          %add3A_753 = arith.addi %mul3A_751, %add3A_752 : i32
          %add3A_754 = arith.constant 12 : i32
          %add3A_755 = arith.addi %add3A_753, %add3A_754 : i32
          %slice3A_756 = vector.extract_strided_slice %get3A_355 {offsets = [12], sizes = [1], strides = [1]} : vector<16xi32> to vector<1xi32>
          %squeeze3A_757 = vector.extract %slice3A_756[0] : i32 from vector<1xi32>
          %sub3A_758 = arith.subi %squeeze3A_757, %add3A_193 : i32
          %lt3A_759 = arith.cmpi slt, %add3A_755, %sub3A_231 : i32
          %ge3A_760 = arith.constant 0 : i32
          %ge3A_761 = arith.cmpi sge, %sub3A_758, %ge3A_760 : i32
          %and3A_762 = arith.andi %lt3A_759, %ge3A_761 : i1
          %lt3A_763 = arith.constant 128 : i32
          %lt3A_764 = arith.cmpi slt, %sub3A_758, %lt3A_763 : i32
          %and3A_765 = arith.andi %and3A_762, %lt3A_764 : i1
          %jit3A_766 = arith.constant 128 : i32
          %select_n3A_767 = arith.select %and3A_765, %sub3A_758, %jit3A_766 : i32
          %mul3A_768 = arith.constant 768 : i32
          %mul3A_769 = arith.muli %select_n3A_767, %mul3A_768 : i32
          %add3A_770 = arith.constant 0 : i32
          %add3A_771 = arith.addi %sub3A_352, %add3A_770 : i32
          %add3A_772 = arith.constant 12 : i32
          %add3A_773 = arith.addi %add3A_771, %add3A_772 : i32
          %mul3A_774 = arith.constant 768 : i32
          %mul3A_775 = arith.muli %add3A_773, %mul3A_774 : i32
          %mul3A_776 = arith.constant 16 : i32
          %mul3A_777 = arith.muli %select_n3A_767, %mul3A_776 : i32
          %swap3A_778 = arith.index_cast %mul3A_777 : i32 to index
          %swap3A_779 = tpu.vector_load %arg7[%swap3A_778] {strides = array<i32>} : memref<2064xf32, #tpu.memory_space<vmem>>, vector<16xf32>,
          tpu.vector_store %arg7[%swap3A_778], %broadcast_in_dim3A_354 {add = true, strides = array<i32>} : memref<2064xf32, #tpu.memory_space<vmem>>, vector<16xf32>,
          %parallel_loop3A_780 = arith.constant 0 : i32
          %parallel_loop3A_781 = arith.constant 768 : i32
          %parallel_loop3A_782 = arith.constant 16 : i32
          scf.for %parallel_loop3A_882 = %parallel_loop3A_780 to %parallel_loop3A_781 step %parallel_loop3A_782  : i32 {
            %parallel_loop3A_883 = arith.addi %mul3A_769, %parallel_loop3A_882 : i32
            %parallel_loop3A_884 = arith.addi %mul3A_775, %parallel_loop3A_882 : i32
            %parallel_loop3A_885 = arith.index_cast %parallel_loop3A_884 : i32 to index
            %parallel_loop3A_886 = tpu.vector_load %arg8[%parallel_loop3A_885] {strides = array<i32>} : memref<12288xf32, #tpu.memory_space<vmem>>, vector<16xf32>,
            %parallel_loop3A_887 = arith.index_cast %parallel_loop3A_883 : i32 to index
            %parallel_loop3A_888 = tpu.vector_load %arg6[%parallel_loop3A_887] {strides = array<i32>} : memref<99072xf32, #tpu.memory_space<vmem>>, vector<16xf32>,
            tpu.vector_store %arg6[%parallel_loop3A_887], %parallel_loop3A_886 {add = true, strides = array<i32>} : memref<99072xf32, #tpu.memory_space<vmem>>, vector<16xf32>,
          } {sc.loop_unroll_factor = 8 : i64, sc.parallel_access}
          %mul3A_783 = arith.constant 16 : i32
          %mul3A_784 = arith.muli %mul3A_313, %mul3A_783 : i32
          %add3A_785 = arith.constant 0 : i32
          %add3A_786 = arith.addi %mul3A_784, %add3A_785 : i32
          %add3A_787 = arith.constant 13 : i32
          %add3A_788 = arith.addi %add3A_786, %add3A_787 : i32
          %slice3A_789 = vector.extract_strided_slice %get3A_355 {offsets = [13], sizes = [1], strides = [1]} : vector<16xi32> to vector<1xi32>
          %squeeze3A_790 = vector.extract %slice3A_789[0] : i32 from vector<1xi32>
          %sub3A_791 = arith.subi %squeeze3A_790, %add3A_193 : i32
          %lt3A_792 = arith.cmpi slt, %add3A_788, %sub3A_231 : i32
          %ge3A_793 = arith.constant 0 : i32
          %ge3A_794 = arith.cmpi sge, %sub3A_791, %ge3A_793 : i32
          %and3A_795 = arith.andi %lt3A_792, %ge3A_794 : i1
          %lt3A_796 = arith.constant 128 : i32
          %lt3A_797 = arith.cmpi slt, %sub3A_791, %lt3A_796 : i32
          %and3A_798 = arith.andi %and3A_795, %lt3A_797 : i1
          %jit3A_799 = arith.constant 128 : i32
          %select_n3A_800 = arith.select %and3A_798, %sub3A_791, %jit3A_799 : i32
          %mul3A_801 = arith.constant 768 : i32
          %mul3A_802 = arith.muli %select_n3A_800, %mul3A_801 : i32
          %add3A_803 = arith.constant 0 : i32
          %add3A_804 = arith.addi %sub3A_352, %add3A_803 : i32
          %add3A_805 = arith.constant 13 : i32
          %add3A_806 = arith.addi %add3A_804, %add3A_805 : i32
          %mul3A_807 = arith.constant 768 : i32
          %mul3A_808 = arith.muli %add3A_806, %mul3A_807 : i32
          %mul3A_809 = arith.constant 16 : i32
          %mul3A_810 = arith.muli %select_n3A_800, %mul3A_809 : i32
          %swap3A_811 = arith.index_cast %mul3A_810 : i32 to index
          %swap3A_812 = tpu.vector_load %arg7[%swap3A_811] {strides = array<i32>} : memref<2064xf32, #tpu.memory_space<vmem>>, vector<16xf32>,
          tpu.vector_store %arg7[%swap3A_811], %broadcast_in_dim3A_354 {add = true, strides = array<i32>} : memref<2064xf32, #tpu.memory_space<vmem>>, vector<16xf32>,
          %parallel_loop3A_813 = arith.constant 0 : i32
          %parallel_loop3A_814 = arith.constant 768 : i32
          %parallel_loop3A_815 = arith.constant 16 : i32
          scf.for %parallel_loop3A_882 = %parallel_loop3A_813 to %parallel_loop3A_814 step %parallel_loop3A_815  : i32 {
            %parallel_loop3A_883 = arith.addi %mul3A_802, %parallel_loop3A_882 : i32
            %parallel_loop3A_884 = arith.addi %mul3A_808, %parallel_loop3A_882 : i32
            %parallel_loop3A_885 = arith.index_cast %parallel_loop3A_884 : i32 to index
            %parallel_loop3A_886 = tpu.vector_load %arg8[%parallel_loop3A_885] {strides = array<i32>} : memref<12288xf32, #tpu.memory_space<vmem>>, vector<16xf32>,
            %parallel_loop3A_887 = arith.index_cast %parallel_loop3A_883 : i32 to index
            %parallel_loop3A_888 = tpu.vector_load %arg6[%parallel_loop3A_887] {strides = array<i32>} : memref<99072xf32, #tpu.memory_space<vmem>>, vector<16xf32>,
            tpu.vector_store %arg6[%parallel_loop3A_887], %parallel_loop3A_886 {add = true, strides = array<i32>} : memref<99072xf32, #tpu.memory_space<vmem>>, vector<16xf32>,
          } {sc.loop_unroll_factor = 8 : i64, sc.parallel_access}
          %mul3A_816 = arith.constant 16 : i32
          %mul3A_817 = arith.muli %mul3A_313, %mul3A_816 : i32
          %add3A_818 = arith.constant 0 : i32
          %add3A_819 = arith.addi %mul3A_817, %add3A_818 : i32
          %add3A_820 = arith.constant 14 : i32
          %add3A_821 = arith.addi %add3A_819, %add3A_820 : i32
          %slice3A_822 = vector.extract_strided_slice %get3A_355 {offsets = [14], sizes = [1], strides = [1]} : vector<16xi32> to vector<1xi32>
          %squeeze3A_823 = vector.extract %slice3A_822[0] : i32 from vector<1xi32>
          %sub3A_824 = arith.subi %squeeze3A_823, %add3A_193 : i32
          %lt3A_825 = arith.cmpi slt, %add3A_821, %sub3A_231 : i32
          %ge3A_826 = arith.constant 0 : i32
          %ge3A_827 = arith.cmpi sge, %sub3A_824, %ge3A_826 : i32
          %and3A_828 = arith.andi %lt3A_825, %ge3A_827 : i1
          %lt3A_829 = arith.constant 128 : i32
          %lt3A_830 = arith.cmpi slt, %sub3A_824, %lt3A_829 : i32
          %and3A_831 = arith.andi %and3A_828, %lt3A_830 : i1
          %jit3A_832 = arith.constant 128 : i32
          %select_n3A_833 = arith.select %and3A_831, %sub3A_824, %jit3A_832 : i32
          %mul3A_834 = arith.constant 768 : i32
          %mul3A_835 = arith.muli %select_n3A_833, %mul3A_834 : i32
          %add3A_836 = arith.constant 0 : i32
          %add3A_837 = arith.addi %sub3A_352, %add3A_836 : i32
          %add3A_838 = arith.constant 14 : i32
          %add3A_839 = arith.addi %add3A_837, %add3A_838 : i32
          %mul3A_840 = arith.constant 768 : i32
          %mul3A_841 = arith.muli %add3A_839, %mul3A_840 : i32
          %mul3A_842 = arith.constant 16 : i32
          %mul3A_843 = arith.muli %select_n3A_833, %mul3A_842 : i32
          %swap3A_844 = arith.index_cast %mul3A_843 : i32 to index
          %swap3A_845 = tpu.vector_load %arg7[%swap3A_844] {strides = array<i32>} : memref<2064xf32, #tpu.memory_space<vmem>>, vector<16xf32>,
          tpu.vector_store %arg7[%swap3A_844], %broadcast_in_dim3A_354 {add = true, strides = array<i32>} : memref<2064xf32, #tpu.memory_space<vmem>>, vector<16xf32>,
          %parallel_loop3A_846 = arith.constant 0 : i32
          %parallel_loop3A_847 = arith.constant 768 : i32
          %parallel_loop3A_848 = arith.constant 16 : i32
          scf.for %parallel_loop3A_882 = %parallel_loop3A_846 to %parallel_loop3A_847 step %parallel_loop3A_848  : i32 {
            %parallel_loop3A_883 = arith.addi %mul3A_835, %parallel_loop3A_882 : i32
            %parallel_loop3A_884 = arith.addi %mul3A_841, %parallel_loop3A_882 : i32
            %parallel_loop3A_885 = arith.index_cast %parallel_loop3A_884 : i32 to index
            %parallel_loop3A_886 = tpu.vector_load %arg8[%parallel_loop3A_885] {strides = array<i32>} : memref<12288xf32, #tpu.memory_space<vmem>>, vector<16xf32>,
            %parallel_loop3A_887 = arith.index_cast %parallel_loop3A_883 : i32 to index
            %parallel_loop3A_888 = tpu.vector_load %arg6[%parallel_loop3A_887] {strides = array<i32>} : memref<99072xf32, #tpu.memory_space<vmem>>, vector<16xf32>,
            tpu.vector_store %arg6[%parallel_loop3A_887], %parallel_loop3A_886 {add = true, strides = array<i32>} : memref<99072xf32, #tpu.memory_space<vmem>>, vector<16xf32>,
          } {sc.loop_unroll_factor = 8 : i64, sc.parallel_access}
          %mul3A_849 = arith.constant 16 : i32
          %mul3A_850 = arith.muli %mul3A_313, %mul3A_849 : i32
          %add3A_851 = arith.constant 0 : i32
          %add3A_852 = arith.addi %mul3A_850, %add3A_851 : i32
          %add3A_853 = arith.constant 15 : i32
          %add3A_854 = arith.addi %add3A_852, %add3A_853 : i32
          %slice3A_855 = vector.extract_strided_slice %get3A_355 {offsets = [15], sizes = [1], strides = [1]} : vector<16xi32> to vector<1xi32>
          %squeeze3A_856 = vector.extract %slice3A_855[0] : i32 from vector<1xi32>
          %sub3A_857 = arith.subi %squeeze3A_856, %add3A_193 : i32
          %lt3A_858 = arith.cmpi slt, %add3A_854, %sub3A_231 : i32
          %ge3A_859 = arith.constant 0 : i32
          %ge3A_860 = arith.cmpi sge, %sub3A_857, %ge3A_859 : i32
          %and3A_861 = arith.andi %lt3A_858, %ge3A_860 : i1
          %lt3A_862 = arith.constant 128 : i32
          %lt3A_863 = arith.cmpi slt, %sub3A_857, %lt3A_862 : i32
          %and3A_864 = arith.andi %and3A_861, %lt3A_863 : i1
          %jit3A_865 = arith.constant 128 : i32
          %select_n3A_866 = arith.select %and3A_864, %sub3A_857, %jit3A_865 : i32
          %mul3A_867 = arith.constant 768 : i32
          %mul3A_868 = arith.muli %select_n3A_866, %mul3A_867 : i32
          %add3A_869 = arith.constant 0 : i32
          %add3A_870 = arith.addi %sub3A_352, %add3A_869 : i32
          %add3A_871 = arith.constant 15 : i32
          %add3A_872 = arith.addi %add3A_870, %add3A_871 : i32
          %mul3A_873 = arith.constant 768 : i32
          %mul3A_874 = arith.muli %add3A_872, %mul3A_873 : i32
          %mul3A_875 = arith.constant 16 : i32
          %mul3A_876 = arith.muli %select_n3A_866, %mul3A_875 : i32
          %swap3A_877 = arith.index_cast %mul3A_876 : i32 to index
          %swap3A_878 = tpu.vector_load %arg7[%swap3A_877] {strides = array<i32>} : memref<2064xf32, #tpu.memory_space<vmem>>, vector<16xf32>,
          tpu.vector_store %arg7[%swap3A_877], %broadcast_in_dim3A_354 {add = true, strides = array<i32>} : memref<2064xf32, #tpu.memory_space<vmem>>, vector<16xf32>,
          %parallel_loop3A_879 = arith.constant 0 : i32
          %parallel_loop3A_880 = arith.constant 768 : i32
          %parallel_loop3A_881 = arith.constant 16 : i32
          scf.for %parallel_loop3A_882 = %parallel_loop3A_879 to %parallel_loop3A_880 step %parallel_loop3A_881  : i32 {
            %parallel_loop3A_883 = arith.addi %mul3A_868, %parallel_loop3A_882 : i32
            %parallel_loop3A_884 = arith.addi %mul3A_874, %parallel_loop3A_882 : i32
            %parallel_loop3A_885 = arith.index_cast %parallel_loop3A_884 : i32 to index
            %parallel_loop3A_886 = tpu.vector_load %arg8[%parallel_loop3A_885] {strides = array<i32>} : memref<12288xf32, #tpu.memory_space<vmem>>, vector<16xf32>,
            %parallel_loop3A_887 = arith.index_cast %parallel_loop3A_883 : i32 to index
            %parallel_loop3A_888 = tpu.vector_load %arg6[%parallel_loop3A_887] {strides = array<i32>} : memref<99072xf32, #tpu.memory_space<vmem>>, vector<16xf32>,
            tpu.vector_store %arg6[%parallel_loop3A_887], %parallel_loop3A_886 {add = true, strides = array<i32>} : memref<99072xf32, #tpu.memory_space<vmem>>, vector<16xf32>,
          } {sc.loop_unroll_factor = 8 : i64, sc.parallel_access}
        } else {
        }
        %add3A_318 = arith.constant 1 : i32
        %add3A_319 = arith.addi %mul3A_313, %add3A_318 : i32
        %lt3A_320 = arith.cmpi slt, %add3A_319, %select_n3A_259 : i32
        %convert_element_type3A_321 = arith.extui %lt3A_320 : i1 to i32
        %cond3A_322 = arith.constant 0 : i32
        %cond3A_323 = arith.cmpi ne, %convert_element_type3A_321, %cond3A_322 : i32
        scf.if %cond3A_323 {
          %add3A_325 = arith.constant 1 : i32
          %add3A_326 = arith.addi %mul3A_313, %add3A_325 : i32
          %mul3A_327 = arith.constant 16 : i32
          %mul3A_328 = arith.muli %add3A_326, %mul3A_327 : i32
          %add3A_329 = arith.addi %mul3A_230, %mul3A_328 : i32
          %min3A = arith.constant 8176 : i32
          %min3A_330 = arith.minsi %add3A_329, %min3A : i32
          %multiple_of3A_331 = tpu.assume_multiple %min3A_330, 16 : i32
          %add3A_332 = arith.addi %multiple_of3A, %multiple_of3A_331 : i32
          %dma_wait3A = tpu.memref_slice %arg3[%add3A_332] : memref<32768xi32, #tpu.memory_space<hbm>> -> memref<16xi32, #tpu.memory_space<hbm>>
          %dma_wait3A_333 = tpu.memref_slice %arg3[%add3A_332] : memref<32768xi32, #tpu.memory_space<hbm>> -> memref<16xi32, #tpu.memory_space<hbm>>
          tpu.wait_dma2 semaphore(%arg15 : memref<!tpu.dma_semaphore, #tpu.memory_space<semaphore_mem>>) src(%dma_wait3A_333 : memref<16xi32, #tpu.memory_space<hbm>>) dst(%arg12 : memref<16xi32, #tpu.memory_space<vmem>>)
          %add3A_334 = arith.addi %multiple_of3A, %multiple_of3A_331 : i32
          %mul3A_335 = arith.constant 768 : i32
          %mul3A_336 = arith.muli %add3A_334, %mul3A_335 : i32
          %dma_wait3A_337 = tpu.memref_slice %arg2[%mul3A_336] : memref<25165824xf32, #tpu.memory_space<hbm>> -> memref<12288xf32, #tpu.memory_space<hbm>>
          %dma_wait3A_338 = tpu.memref_slice %arg2[%mul3A_336] : memref<25165824xf32, #tpu.memory_space<hbm>> -> memref<12288xf32, #tpu.memory_space<hbm>>
          tpu.wait_dma2 semaphore(%arg16 : memref<!tpu.dma_semaphore, #tpu.memory_space<semaphore_mem>>) src(%dma_wait3A_338 : memref<12288xf32, #tpu.memory_space<hbm>>) dst(%arg9 : memref<12288xf32, #tpu.memory_space<vmem>>)
          %add3A_339 = arith.constant 2 : i32
          %add3A_340 = arith.addi %mul3A_313, %add3A_339 : i32
          %lt3A_341 = arith.cmpi slt, %add3A_340, %select_n3A_259 : i32
          %convert_element_type3A_342 = arith.extui %lt3A_341 : i1 to i32
          %cond3A_343 = arith.constant 0 : i32
          %cond3A_344 = arith.cmpi ne, %convert_element_type3A_342, %cond3A_343 : i32
          scf.if %cond3A_344 {
            %add3A_886 = arith.constant 2 : i32
            %add3A_887 = arith.addi %mul3A_313, %add3A_886 : i32
            %mul3A_888 = arith.constant 16 : i32
            %mul3A_889 = arith.muli %add3A_887, %mul3A_888 : i32
            %add3A_890 = arith.addi %mul3A_230, %mul3A_889 : i32
            %min3A_891 = arith.constant 8176 : i32
            %min3A_892 = arith.minsi %add3A_890, %min3A_891 : i32
            %multiple_of3A_893 = tpu.assume_multiple %min3A_892, 16 : i32
            %add3A_894 = arith.addi %multiple_of3A, %multiple_of3A_893 : i32
            %dma_start3A = tpu.memref_slice %arg3[%add3A_894] : memref<32768xi32, #tpu.memory_space<hbm>> -> memref<16xi32, #tpu.memory_space<hbm>>
            %dma_start3A_895 = tpu.memref_slice %arg3[%add3A_894] : memref<32768xi32, #tpu.memory_space<hbm>> -> memref<16xi32, #tpu.memory_space<hbm>>
            tpu.enqueue_dma source(%dma_start3A_895 : memref<16xi32, #tpu.memory_space<hbm>>) target(%arg11 : memref<16xi32, #tpu.memory_space<vmem>>) target_semaphore(%arg13 : memref<!tpu.dma_semaphore, #tpu.memory_space<semaphore_mem>>)
            %add3A_896 = arith.addi %multiple_of3A, %multiple_of3A_893 : i32
            %mul3A_897 = arith.constant 768 : i32
            %mul3A_898 = arith.muli %add3A_896, %mul3A_897 : i32
            %dma_start3A_899 = tpu.memref_slice %arg2[%mul3A_898] : memref<25165824xf32, #tpu.memory_space<hbm>> -> memref<12288xf32, #tpu.memory_space<hbm>>
            %dma_start3A_900 = tpu.memref_slice %arg2[%mul3A_898] : memref<25165824xf32, #tpu.memory_space<hbm>> -> memref<12288xf32, #tpu.memory_space<hbm>>
            tpu.enqueue_dma source(%dma_start3A_900 : memref<12288xf32, #tpu.memory_space<hbm>>) target(%arg8 : memref<12288xf32, #tpu.memory_space<vmem>>) target_semaphore(%arg14 : memref<!tpu.dma_semaphore, #tpu.memory_space<semaphore_mem>>)
          } else {
          }
          %add3A_345 = arith.constant 1 : i32
          %add3A_346 = arith.addi %mul3A_313, %add3A_345 : i32
          %mul3A_347 = arith.constant 16 : i32
          %mul3A_348 = arith.muli %add3A_346, %mul3A_347 : i32
          %add3A_349 = arith.addi %mul3A_230, %mul3A_348 : i32
          %min3A_350 = arith.constant 8176 : i32
          %min3A_351 = arith.minsi %add3A_349, %min3A_350 : i32
          %multiple_of3A_352 = tpu.assume_multiple %min3A_351, 16 : i32
          %mul3A_353 = arith.constant 16 : i32
          %mul3A_354 = arith.muli %add3A_346, %mul3A_353 : i32
          %add3A_355 = arith.addi %mul3A_230, %mul3A_354 : i32
          %sub3A_356 = arith.subi %add3A_355, %multiple_of3A_352 : i32
          %broadcast_in_dim3A_357 = arith.constant 1.000000e+00 : f32
          %broadcast_in_dim3A_358 = vector.broadcast %broadcast_in_dim3A_357 : f32 to vector<16xf32>
          %get3A = arith.constant 0 : index
          %get3A_359 = tpu.vector_load %arg12[%get3A] {strides = array<i32>} : memref<16xi32, #tpu.memory_space<vmem>>, vector<16xi32>,
          %mul3A_360 = arith.constant 16 : i32
          %mul3A_361 = arith.muli %add3A_346, %mul3A_360 : i32
          %add3A_362 = arith.constant 0 : i32
          %add3A_363 = arith.addi %mul3A_361, %add3A_362 : i32
          %add3A_364 = arith.constant 0 : i32
          %add3A_365 = arith.addi %add3A_363, %add3A_364 : i32
          %slice3A_366 = vector.extract_strided_slice %get3A_359 {offsets = [0], sizes = [1], strides = [1]} : vector<16xi32> to vector<1xi32>
          %squeeze3A_367 = vector.extract %slice3A_366[0] : i32 from vector<1xi32>
          %sub3A_368 = arith.subi %squeeze3A_367, %add3A_193 : i32
          %lt3A_369 = arith.cmpi slt, %add3A_365, %sub3A_231 : i32
          %ge3A = arith.constant 0 : i32
          %ge3A_370 = arith.cmpi sge, %sub3A_368, %ge3A : i32
          %and3A_371 = arith.andi %lt3A_369, %ge3A_370 : i1
          %lt3A_372 = arith.constant 128 : i32
          %lt3A_373 = arith.cmpi slt, %sub3A_368, %lt3A_372 : i32
          %and3A_374 = arith.andi %and3A_371, %lt3A_373 : i1
          %jit3A_375 = arith.constant 128 : i32
          %select_n3A_376 = arith.select %and3A_374, %sub3A_368, %jit3A_375 : i32
          %mul3A_377 = arith.constant 768 : i32
          %mul3A_378 = arith.muli %select_n3A_376, %mul3A_377 : i32
          %add3A_379 = arith.constant 0 : i32
          %add3A_380 = arith.addi %sub3A_356, %add3A_379 : i32
          %add3A_381 = arith.constant 0 : i32
          %add3A_382 = arith.addi %add3A_380, %add3A_381 : i32
          %mul3A_383 = arith.constant 768 : i32
          %mul3A_384 = arith.muli %add3A_382, %mul3A_383 : i32
          %mul3A_385 = arith.constant 16 : i32
          %mul3A_386 = arith.muli %select_n3A_376, %mul3A_385 : i32
          %swap3A = arith.index_cast %mul3A_386 : i32 to index
          %swap3A_387 = tpu.vector_load %arg7[%swap3A] {strides = array<i32>} : memref<2064xf32, #tpu.memory_space<vmem>>, vector<16xf32>,
          tpu.vector_store %arg7[%swap3A], %broadcast_in_dim3A_358 {add = true, strides = array<i32>} : memref<2064xf32, #tpu.memory_space<vmem>>, vector<16xf32>,
          %parallel_loop3A_388 = arith.constant 0 : i32
          %parallel_loop3A_389 = arith.constant 768 : i32
          %parallel_loop3A_390 = arith.constant 16 : i32
          scf.for %parallel_loop3A_886 = %parallel_loop3A_388 to %parallel_loop3A_389 step %parallel_loop3A_390  : i32 {
            %parallel_loop3A_887 = arith.addi %mul3A_378, %parallel_loop3A_886 : i32
            %parallel_loop3A_888 = arith.addi %mul3A_384, %parallel_loop3A_886 : i32
            %parallel_loop3A_889 = arith.index_cast %parallel_loop3A_888 : i32 to index
            %parallel_loop3A_890 = tpu.vector_load %arg9[%parallel_loop3A_889] {strides = array<i32>} : memref<12288xf32, #tpu.memory_space<vmem>>, vector<16xf32>,
            %parallel_loop3A_891 = arith.index_cast %parallel_loop3A_887 : i32 to index
            %parallel_loop3A_892 = tpu.vector_load %arg6[%parallel_loop3A_891] {strides = array<i32>} : memref<99072xf32, #tpu.memory_space<vmem>>, vector<16xf32>,
            tpu.vector_store %arg6[%parallel_loop3A_891], %parallel_loop3A_890 {add = true, strides = array<i32>} : memref<99072xf32, #tpu.memory_space<vmem>>, vector<16xf32>,
          } {sc.loop_unroll_factor = 8 : i64, sc.parallel_access}
          %mul3A_391 = arith.constant 16 : i32
          %mul3A_392 = arith.muli %add3A_346, %mul3A_391 : i32
          %add3A_393 = arith.constant 0 : i32
          %add3A_394 = arith.addi %mul3A_392, %add3A_393 : i32
          %add3A_395 = arith.constant 1 : i32
          %add3A_396 = arith.addi %add3A_394, %add3A_395 : i32
          %slice3A_397 = vector.extract_strided_slice %get3A_359 {offsets = [1], sizes = [1], strides = [1]} : vector<16xi32> to vector<1xi32>
          %squeeze3A_398 = vector.extract %slice3A_397[0] : i32 from vector<1xi32>
          %sub3A_399 = arith.subi %squeeze3A_398, %add3A_193 : i32
          %lt3A_400 = arith.cmpi slt, %add3A_396, %sub3A_231 : i32
          %ge3A_401 = arith.constant 0 : i32
          %ge3A_402 = arith.cmpi sge, %sub3A_399, %ge3A_401 : i32
          %and3A_403 = arith.andi %lt3A_400, %ge3A_402 : i1
          %lt3A_404 = arith.constant 128 : i32
          %lt3A_405 = arith.cmpi slt, %sub3A_399, %lt3A_404 : i32
          %and3A_406 = arith.andi %and3A_403, %lt3A_405 : i1
          %jit3A_407 = arith.constant 128 : i32
          %select_n3A_408 = arith.select %and3A_406, %sub3A_399, %jit3A_407 : i32
          %mul3A_409 = arith.constant 768 : i32
          %mul3A_410 = arith.muli %select_n3A_408, %mul3A_409 : i32
          %add3A_411 = arith.constant 0 : i32
          %add3A_412 = arith.addi %sub3A_356, %add3A_411 : i32
          %add3A_413 = arith.constant 1 : i32
          %add3A_414 = arith.addi %add3A_412, %add3A_413 : i32
          %mul3A_415 = arith.constant 768 : i32
          %mul3A_416 = arith.muli %add3A_414, %mul3A_415 : i32
          %mul3A_417 = arith.constant 16 : i32
          %mul3A_418 = arith.muli %select_n3A_408, %mul3A_417 : i32
          %swap3A_419 = arith.index_cast %mul3A_418 : i32 to index
          %swap3A_420 = tpu.vector_load %arg7[%swap3A_419] {strides = array<i32>} : memref<2064xf32, #tpu.memory_space<vmem>>, vector<16xf32>,
          tpu.vector_store %arg7[%swap3A_419], %broadcast_in_dim3A_358 {add = true, strides = array<i32>} : memref<2064xf32, #tpu.memory_space<vmem>>, vector<16xf32>,
          %parallel_loop3A_421 = arith.constant 0 : i32
          %parallel_loop3A_422 = arith.constant 768 : i32
          %parallel_loop3A_423 = arith.constant 16 : i32
          scf.for %parallel_loop3A_886 = %parallel_loop3A_421 to %parallel_loop3A_422 step %parallel_loop3A_423  : i32 {
            %parallel_loop3A_887 = arith.addi %mul3A_410, %parallel_loop3A_886 : i32
            %parallel_loop3A_888 = arith.addi %mul3A_416, %parallel_loop3A_886 : i32
            %parallel_loop3A_889 = arith.index_cast %parallel_loop3A_888 : i32 to index
            %parallel_loop3A_890 = tpu.vector_load %arg9[%parallel_loop3A_889] {strides = array<i32>} : memref<12288xf32, #tpu.memory_space<vmem>>, vector<16xf32>,
            %parallel_loop3A_891 = arith.index_cast %parallel_loop3A_887 : i32 to index
            %parallel_loop3A_892 = tpu.vector_load %arg6[%parallel_loop3A_891] {strides = array<i32>} : memref<99072xf32, #tpu.memory_space<vmem>>, vector<16xf32>,
            tpu.vector_store %arg6[%parallel_loop3A_891], %parallel_loop3A_890 {add = true, strides = array<i32>} : memref<99072xf32, #tpu.memory_space<vmem>>, vector<16xf32>,
          } {sc.loop_unroll_factor = 8 : i64, sc.parallel_access}
          %mul3A_424 = arith.constant 16 : i32
          %mul3A_425 = arith.muli %add3A_346, %mul3A_424 : i32
          %add3A_426 = arith.constant 0 : i32
          %add3A_427 = arith.addi %mul3A_425, %add3A_426 : i32
          %add3A_428 = arith.constant 2 : i32
          %add3A_429 = arith.addi %add3A_427, %add3A_428 : i32
          %slice3A_430 = vector.extract_strided_slice %get3A_359 {offsets = [2], sizes = [1], strides = [1]} : vector<16xi32> to vector<1xi32>
          %squeeze3A_431 = vector.extract %slice3A_430[0] : i32 from vector<1xi32>
          %sub3A_432 = arith.subi %squeeze3A_431, %add3A_193 : i32
          %lt3A_433 = arith.cmpi slt, %add3A_429, %sub3A_231 : i32
          %ge3A_434 = arith.constant 0 : i32
          %ge3A_435 = arith.cmpi sge, %sub3A_432, %ge3A_434 : i32
          %and3A_436 = arith.andi %lt3A_433, %ge3A_435 : i1
          %lt3A_437 = arith.constant 128 : i32
          %lt3A_438 = arith.cmpi slt, %sub3A_432, %lt3A_437 : i32
          %and3A_439 = arith.andi %and3A_436, %lt3A_438 : i1
          %jit3A_440 = arith.constant 128 : i32
          %select_n3A_441 = arith.select %and3A_439, %sub3A_432, %jit3A_440 : i32
          %mul3A_442 = arith.constant 768 : i32
          %mul3A_443 = arith.muli %select_n3A_441, %mul3A_442 : i32
          %add3A_444 = arith.constant 0 : i32
          %add3A_445 = arith.addi %sub3A_356, %add3A_444 : i32
          %add3A_446 = arith.constant 2 : i32
          %add3A_447 = arith.addi %add3A_445, %add3A_446 : i32
          %mul3A_448 = arith.constant 768 : i32
          %mul3A_449 = arith.muli %add3A_447, %mul3A_448 : i32
          %mul3A_450 = arith.constant 16 : i32
          %mul3A_451 = arith.muli %select_n3A_441, %mul3A_450 : i32
          %swap3A_452 = arith.index_cast %mul3A_451 : i32 to index
          %swap3A_453 = tpu.vector_load %arg7[%swap3A_452] {strides = array<i32>} : memref<2064xf32, #tpu.memory_space<vmem>>, vector<16xf32>,
          tpu.vector_store %arg7[%swap3A_452], %broadcast_in_dim3A_358 {add = true, strides = array<i32>} : memref<2064xf32, #tpu.memory_space<vmem>>, vector<16xf32>,
          %parallel_loop3A_454 = arith.constant 0 : i32
          %parallel_loop3A_455 = arith.constant 768 : i32
          %parallel_loop3A_456 = arith.constant 16 : i32
          scf.for %parallel_loop3A_886 = %parallel_loop3A_454 to %parallel_loop3A_455 step %parallel_loop3A_456  : i32 {
            %parallel_loop3A_887 = arith.addi %mul3A_443, %parallel_loop3A_886 : i32
            %parallel_loop3A_888 = arith.addi %mul3A_449, %parallel_loop3A_886 : i32
            %parallel_loop3A_889 = arith.index_cast %parallel_loop3A_888 : i32 to index
            %parallel_loop3A_890 = tpu.vector_load %arg9[%parallel_loop3A_889] {strides = array<i32>} : memref<12288xf32, #tpu.memory_space<vmem>>, vector<16xf32>,
            %parallel_loop3A_891 = arith.index_cast %parallel_loop3A_887 : i32 to index
            %parallel_loop3A_892 = tpu.vector_load %arg6[%parallel_loop3A_891] {strides = array<i32>} : memref<99072xf32, #tpu.memory_space<vmem>>, vector<16xf32>,
            tpu.vector_store %arg6[%parallel_loop3A_891], %parallel_loop3A_890 {add = true, strides = array<i32>} : memref<99072xf32, #tpu.memory_space<vmem>>, vector<16xf32>,
          } {sc.loop_unroll_factor = 8 : i64, sc.parallel_access}
          %mul3A_457 = arith.constant 16 : i32
          %mul3A_458 = arith.muli %add3A_346, %mul3A_457 : i32
          %add3A_459 = arith.constant 0 : i32
          %add3A_460 = arith.addi %mul3A_458, %add3A_459 : i32
          %add3A_461 = arith.constant 3 : i32
          %add3A_462 = arith.addi %add3A_460, %add3A_461 : i32
          %slice3A_463 = vector.extract_strided_slice %get3A_359 {offsets = [3], sizes = [1], strides = [1]} : vector<16xi32> to vector<1xi32>
          %squeeze3A_464 = vector.extract %slice3A_463[0] : i32 from vector<1xi32>
          %sub3A_465 = arith.subi %squeeze3A_464, %add3A_193 : i32
          %lt3A_466 = arith.cmpi slt, %add3A_462, %sub3A_231 : i32
          %ge3A_467 = arith.constant 0 : i32
          %ge3A_468 = arith.cmpi sge, %sub3A_465, %ge3A_467 : i32
          %and3A_469 = arith.andi %lt3A_466, %ge3A_468 : i1
          %lt3A_470 = arith.constant 128 : i32
          %lt3A_471 = arith.cmpi slt, %sub3A_465, %lt3A_470 : i32
          %and3A_472 = arith.andi %and3A_469, %lt3A_471 : i1
          %jit3A_473 = arith.constant 128 : i32
          %select_n3A_474 = arith.select %and3A_472, %sub3A_465, %jit3A_473 : i32
          %mul3A_475 = arith.constant 768 : i32
          %mul3A_476 = arith.muli %select_n3A_474, %mul3A_475 : i32
          %add3A_477 = arith.constant 0 : i32
          %add3A_478 = arith.addi %sub3A_356, %add3A_477 : i32
          %add3A_479 = arith.constant 3 : i32
          %add3A_480 = arith.addi %add3A_478, %add3A_479 : i32
          %mul3A_481 = arith.constant 768 : i32
          %mul3A_482 = arith.muli %add3A_480, %mul3A_481 : i32
          %mul3A_483 = arith.constant 16 : i32
          %mul3A_484 = arith.muli %select_n3A_474, %mul3A_483 : i32
          %swap3A_485 = arith.index_cast %mul3A_484 : i32 to index
          %swap3A_486 = tpu.vector_load %arg7[%swap3A_485] {strides = array<i32>} : memref<2064xf32, #tpu.memory_space<vmem>>, vector<16xf32>,
          tpu.vector_store %arg7[%swap3A_485], %broadcast_in_dim3A_358 {add = true, strides = array<i32>} : memref<2064xf32, #tpu.memory_space<vmem>>, vector<16xf32>,
          %parallel_loop3A_487 = arith.constant 0 : i32
          %parallel_loop3A_488 = arith.constant 768 : i32
          %parallel_loop3A_489 = arith.constant 16 : i32
          scf.for %parallel_loop3A_886 = %parallel_loop3A_487 to %parallel_loop3A_488 step %parallel_loop3A_489  : i32 {
            %parallel_loop3A_887 = arith.addi %mul3A_476, %parallel_loop3A_886 : i32
            %parallel_loop3A_888 = arith.addi %mul3A_482, %parallel_loop3A_886 : i32
            %parallel_loop3A_889 = arith.index_cast %parallel_loop3A_888 : i32 to index
            %parallel_loop3A_890 = tpu.vector_load %arg9[%parallel_loop3A_889] {strides = array<i32>} : memref<12288xf32, #tpu.memory_space<vmem>>, vector<16xf32>,
            %parallel_loop3A_891 = arith.index_cast %parallel_loop3A_887 : i32 to index
            %parallel_loop3A_892 = tpu.vector_load %arg6[%parallel_loop3A_891] {strides = array<i32>} : memref<99072xf32, #tpu.memory_space<vmem>>, vector<16xf32>,
            tpu.vector_store %arg6[%parallel_loop3A_891], %parallel_loop3A_890 {add = true, strides = array<i32>} : memref<99072xf32, #tpu.memory_space<vmem>>, vector<16xf32>,
          } {sc.loop_unroll_factor = 8 : i64, sc.parallel_access}
          %mul3A_490 = arith.constant 16 : i32
          %mul3A_491 = arith.muli %add3A_346, %mul3A_490 : i32
          %add3A_492 = arith.constant 0 : i32
          %add3A_493 = arith.addi %mul3A_491, %add3A_492 : i32
          %add3A_494 = arith.constant 4 : i32
          %add3A_495 = arith.addi %add3A_493, %add3A_494 : i32
          %slice3A_496 = vector.extract_strided_slice %get3A_359 {offsets = [4], sizes = [1], strides = [1]} : vector<16xi32> to vector<1xi32>
          %squeeze3A_497 = vector.extract %slice3A_496[0] : i32 from vector<1xi32>
          %sub3A_498 = arith.subi %squeeze3A_497, %add3A_193 : i32
          %lt3A_499 = arith.cmpi slt, %add3A_495, %sub3A_231 : i32
          %ge3A_500 = arith.constant 0 : i32
          %ge3A_501 = arith.cmpi sge, %sub3A_498, %ge3A_500 : i32
          %and3A_502 = arith.andi %lt3A_499, %ge3A_501 : i1
          %lt3A_503 = arith.constant 128 : i32
          %lt3A_504 = arith.cmpi slt, %sub3A_498, %lt3A_503 : i32
          %and3A_505 = arith.andi %and3A_502, %lt3A_504 : i1
          %jit3A_506 = arith.constant 128 : i32
          %select_n3A_507 = arith.select %and3A_505, %sub3A_498, %jit3A_506 : i32
          %mul3A_508 = arith.constant 768 : i32
          %mul3A_509 = arith.muli %select_n3A_507, %mul3A_508 : i32
          %add3A_510 = arith.constant 0 : i32
          %add3A_511 = arith.addi %sub3A_356, %add3A_510 : i32
          %add3A_512 = arith.constant 4 : i32
          %add3A_513 = arith.addi %add3A_511, %add3A_512 : i32
          %mul3A_514 = arith.constant 768 : i32
          %mul3A_515 = arith.muli %add3A_513, %mul3A_514 : i32
          %mul3A_516 = arith.constant 16 : i32
          %mul3A_517 = arith.muli %select_n3A_507, %mul3A_516 : i32
          %swap3A_518 = arith.index_cast %mul3A_517 : i32 to index
          %swap3A_519 = tpu.vector_load %arg7[%swap3A_518] {strides = array<i32>} : memref<2064xf32, #tpu.memory_space<vmem>>, vector<16xf32>,
          tpu.vector_store %arg7[%swap3A_518], %broadcast_in_dim3A_358 {add = true, strides = array<i32>} : memref<2064xf32, #tpu.memory_space<vmem>>, vector<16xf32>,
          %parallel_loop3A_520 = arith.constant 0 : i32
          %parallel_loop3A_521 = arith.constant 768 : i32
          %parallel_loop3A_522 = arith.constant 16 : i32
          scf.for %parallel_loop3A_886 = %parallel_loop3A_520 to %parallel_loop3A_521 step %parallel_loop3A_522  : i32 {
            %parallel_loop3A_887 = arith.addi %mul3A_509, %parallel_loop3A_886 : i32
            %parallel_loop3A_888 = arith.addi %mul3A_515, %parallel_loop3A_886 : i32
            %parallel_loop3A_889 = arith.index_cast %parallel_loop3A_888 : i32 to index
            %parallel_loop3A_890 = tpu.vector_load %arg9[%parallel_loop3A_889] {strides = array<i32>} : memref<12288xf32, #tpu.memory_space<vmem>>, vector<16xf32>,
            %parallel_loop3A_891 = arith.index_cast %parallel_loop3A_887 : i32 to index
            %parallel_loop3A_892 = tpu.vector_load %arg6[%parallel_loop3A_891] {strides = array<i32>} : memref<99072xf32, #tpu.memory_space<vmem>>, vector<16xf32>,
            tpu.vector_store %arg6[%parallel_loop3A_891], %parallel_loop3A_890 {add = true, strides = array<i32>} : memref<99072xf32, #tpu.memory_space<vmem>>, vector<16xf32>,
          } {sc.loop_unroll_factor = 8 : i64, sc.parallel_access}
          %mul3A_523 = arith.constant 16 : i32
          %mul3A_524 = arith.muli %add3A_346, %mul3A_523 : i32
          %add3A_525 = arith.constant 0 : i32
          %add3A_526 = arith.addi %mul3A_524, %add3A_525 : i32
          %add3A_527 = arith.constant 5 : i32
          %add3A_528 = arith.addi %add3A_526, %add3A_527 : i32
          %slice3A_529 = vector.extract_strided_slice %get3A_359 {offsets = [5], sizes = [1], strides = [1]} : vector<16xi32> to vector<1xi32>
          %squeeze3A_530 = vector.extract %slice3A_529[0] : i32 from vector<1xi32>
          %sub3A_531 = arith.subi %squeeze3A_530, %add3A_193 : i32
          %lt3A_532 = arith.cmpi slt, %add3A_528, %sub3A_231 : i32
          %ge3A_533 = arith.constant 0 : i32
          %ge3A_534 = arith.cmpi sge, %sub3A_531, %ge3A_533 : i32
          %and3A_535 = arith.andi %lt3A_532, %ge3A_534 : i1
          %lt3A_536 = arith.constant 128 : i32
          %lt3A_537 = arith.cmpi slt, %sub3A_531, %lt3A_536 : i32
          %and3A_538 = arith.andi %and3A_535, %lt3A_537 : i1
          %jit3A_539 = arith.constant 128 : i32
          %select_n3A_540 = arith.select %and3A_538, %sub3A_531, %jit3A_539 : i32
          %mul3A_541 = arith.constant 768 : i32
          %mul3A_542 = arith.muli %select_n3A_540, %mul3A_541 : i32
          %add3A_543 = arith.constant 0 : i32
          %add3A_544 = arith.addi %sub3A_356, %add3A_543 : i32
          %add3A_545 = arith.constant 5 : i32
          %add3A_546 = arith.addi %add3A_544, %add3A_545 : i32
          %mul3A_547 = arith.constant 768 : i32
          %mul3A_548 = arith.muli %add3A_546, %mul3A_547 : i32
          %mul3A_549 = arith.constant 16 : i32
          %mul3A_550 = arith.muli %select_n3A_540, %mul3A_549 : i32
          %swap3A_551 = arith.index_cast %mul3A_550 : i32 to index
          %swap3A_552 = tpu.vector_load %arg7[%swap3A_551] {strides = array<i32>} : memref<2064xf32, #tpu.memory_space<vmem>>, vector<16xf32>,
          tpu.vector_store %arg7[%swap3A_551], %broadcast_in_dim3A_358 {add = true, strides = array<i32>} : memref<2064xf32, #tpu.memory_space<vmem>>, vector<16xf32>,
          %parallel_loop3A_553 = arith.constant 0 : i32
          %parallel_loop3A_554 = arith.constant 768 : i32
          %parallel_loop3A_555 = arith.constant 16 : i32
          scf.for %parallel_loop3A_886 = %parallel_loop3A_553 to %parallel_loop3A_554 step %parallel_loop3A_555  : i32 {
            %parallel_loop3A_887 = arith.addi %mul3A_542, %parallel_loop3A_886 : i32
            %parallel_loop3A_888 = arith.addi %mul3A_548, %parallel_loop3A_886 : i32
            %parallel_loop3A_889 = arith.index_cast %parallel_loop3A_888 : i32 to index
            %parallel_loop3A_890 = tpu.vector_load %arg9[%parallel_loop3A_889] {strides = array<i32>} : memref<12288xf32, #tpu.memory_space<vmem>>, vector<16xf32>,
            %parallel_loop3A_891 = arith.index_cast %parallel_loop3A_887 : i32 to index
            %parallel_loop3A_892 = tpu.vector_load %arg6[%parallel_loop3A_891] {strides = array<i32>} : memref<99072xf32, #tpu.memory_space<vmem>>, vector<16xf32>,
            tpu.vector_store %arg6[%parallel_loop3A_891], %parallel_loop3A_890 {add = true, strides = array<i32>} : memref<99072xf32, #tpu.memory_space<vmem>>, vector<16xf32>,
          } {sc.loop_unroll_factor = 8 : i64, sc.parallel_access}
          %mul3A_556 = arith.constant 16 : i32
          %mul3A_557 = arith.muli %add3A_346, %mul3A_556 : i32
          %add3A_558 = arith.constant 0 : i32
          %add3A_559 = arith.addi %mul3A_557, %add3A_558 : i32
          %add3A_560 = arith.constant 6 : i32
          %add3A_561 = arith.addi %add3A_559, %add3A_560 : i32
          %slice3A_562 = vector.extract_strided_slice %get3A_359 {offsets = [6], sizes = [1], strides = [1]} : vector<16xi32> to vector<1xi32>
          %squeeze3A_563 = vector.extract %slice3A_562[0] : i32 from vector<1xi32>
          %sub3A_564 = arith.subi %squeeze3A_563, %add3A_193 : i32
          %lt3A_565 = arith.cmpi slt, %add3A_561, %sub3A_231 : i32
          %ge3A_566 = arith.constant 0 : i32
          %ge3A_567 = arith.cmpi sge, %sub3A_564, %ge3A_566 : i32
          %and3A_568 = arith.andi %lt3A_565, %ge3A_567 : i1
          %lt3A_569 = arith.constant 128 : i32
          %lt3A_570 = arith.cmpi slt, %sub3A_564, %lt3A_569 : i32
          %and3A_571 = arith.andi %and3A_568, %lt3A_570 : i1
          %jit3A_572 = arith.constant 128 : i32
          %select_n3A_573 = arith.select %and3A_571, %sub3A_564, %jit3A_572 : i32
          %mul3A_574 = arith.constant 768 : i32
          %mul3A_575 = arith.muli %select_n3A_573, %mul3A_574 : i32
          %add3A_576 = arith.constant 0 : i32
          %add3A_577 = arith.addi %sub3A_356, %add3A_576 : i32
          %add3A_578 = arith.constant 6 : i32
          %add3A_579 = arith.addi %add3A_577, %add3A_578 : i32
          %mul3A_580 = arith.constant 768 : i32
          %mul3A_581 = arith.muli %add3A_579, %mul3A_580 : i32
          %mul3A_582 = arith.constant 16 : i32
          %mul3A_583 = arith.muli %select_n3A_573, %mul3A_582 : i32
          %swap3A_584 = arith.index_cast %mul3A_583 : i32 to index
          %swap3A_585 = tpu.vector_load %arg7[%swap3A_584] {strides = array<i32>} : memref<2064xf32, #tpu.memory_space<vmem>>, vector<16xf32>,
          tpu.vector_store %arg7[%swap3A_584], %broadcast_in_dim3A_358 {add = true, strides = array<i32>} : memref<2064xf32, #tpu.memory_space<vmem>>, vector<16xf32>,
          %parallel_loop3A_586 = arith.constant 0 : i32
          %parallel_loop3A_587 = arith.constant 768 : i32
          %parallel_loop3A_588 = arith.constant 16 : i32
          scf.for %parallel_loop3A_886 = %parallel_loop3A_586 to %parallel_loop3A_587 step %parallel_loop3A_588  : i32 {
            %parallel_loop3A_887 = arith.addi %mul3A_575, %parallel_loop3A_886 : i32
            %parallel_loop3A_888 = arith.addi %mul3A_581, %parallel_loop3A_886 : i32
            %parallel_loop3A_889 = arith.index_cast %parallel_loop3A_888 : i32 to index
            %parallel_loop3A_890 = tpu.vector_load %arg9[%parallel_loop3A_889] {strides = array<i32>} : memref<12288xf32, #tpu.memory_space<vmem>>, vector<16xf32>,
            %parallel_loop3A_891 = arith.index_cast %parallel_loop3A_887 : i32 to index
            %parallel_loop3A_892 = tpu.vector_load %arg6[%parallel_loop3A_891] {strides = array<i32>} : memref<99072xf32, #tpu.memory_space<vmem>>, vector<16xf32>,
            tpu.vector_store %arg6[%parallel_loop3A_891], %parallel_loop3A_890 {add = true, strides = array<i32>} : memref<99072xf32, #tpu.memory_space<vmem>>, vector<16xf32>,
          } {sc.loop_unroll_factor = 8 : i64, sc.parallel_access}
          %mul3A_589 = arith.constant 16 : i32
          %mul3A_590 = arith.muli %add3A_346, %mul3A_589 : i32
          %add3A_591 = arith.constant 0 : i32
          %add3A_592 = arith.addi %mul3A_590, %add3A_591 : i32
          %add3A_593 = arith.constant 7 : i32
          %add3A_594 = arith.addi %add3A_592, %add3A_593 : i32
          %slice3A_595 = vector.extract_strided_slice %get3A_359 {offsets = [7], sizes = [1], strides = [1]} : vector<16xi32> to vector<1xi32>
          %squeeze3A_596 = vector.extract %slice3A_595[0] : i32 from vector<1xi32>
          %sub3A_597 = arith.subi %squeeze3A_596, %add3A_193 : i32
          %lt3A_598 = arith.cmpi slt, %add3A_594, %sub3A_231 : i32
          %ge3A_599 = arith.constant 0 : i32
          %ge3A_600 = arith.cmpi sge, %sub3A_597, %ge3A_599 : i32
          %and3A_601 = arith.andi %lt3A_598, %ge3A_600 : i1
          %lt3A_602 = arith.constant 128 : i32
          %lt3A_603 = arith.cmpi slt, %sub3A_597, %lt3A_602 : i32
          %and3A_604 = arith.andi %and3A_601, %lt3A_603 : i1
          %jit3A_605 = arith.constant 128 : i32
          %select_n3A_606 = arith.select %and3A_604, %sub3A_597, %jit3A_605 : i32
          %mul3A_607 = arith.constant 768 : i32
          %mul3A_608 = arith.muli %select_n3A_606, %mul3A_607 : i32
          %add3A_609 = arith.constant 0 : i32
          %add3A_610 = arith.addi %sub3A_356, %add3A_609 : i32
          %add3A_611 = arith.constant 7 : i32
          %add3A_612 = arith.addi %add3A_610, %add3A_611 : i32
          %mul3A_613 = arith.constant 768 : i32
          %mul3A_614 = arith.muli %add3A_612, %mul3A_613 : i32
          %mul3A_615 = arith.constant 16 : i32
          %mul3A_616 = arith.muli %select_n3A_606, %mul3A_615 : i32
          %swap3A_617 = arith.index_cast %mul3A_616 : i32 to index
          %swap3A_618 = tpu.vector_load %arg7[%swap3A_617] {strides = array<i32>} : memref<2064xf32, #tpu.memory_space<vmem>>, vector<16xf32>,
          tpu.vector_store %arg7[%swap3A_617], %broadcast_in_dim3A_358 {add = true, strides = array<i32>} : memref<2064xf32, #tpu.memory_space<vmem>>, vector<16xf32>,
          %parallel_loop3A_619 = arith.constant 0 : i32
          %parallel_loop3A_620 = arith.constant 768 : i32
          %parallel_loop3A_621 = arith.constant 16 : i32
          scf.for %parallel_loop3A_886 = %parallel_loop3A_619 to %parallel_loop3A_620 step %parallel_loop3A_621  : i32 {
            %parallel_loop3A_887 = arith.addi %mul3A_608, %parallel_loop3A_886 : i32
            %parallel_loop3A_888 = arith.addi %mul3A_614, %parallel_loop3A_886 : i32
            %parallel_loop3A_889 = arith.index_cast %parallel_loop3A_888 : i32 to index
            %parallel_loop3A_890 = tpu.vector_load %arg9[%parallel_loop3A_889] {strides = array<i32>} : memref<12288xf32, #tpu.memory_space<vmem>>, vector<16xf32>,
            %parallel_loop3A_891 = arith.index_cast %parallel_loop3A_887 : i32 to index
            %parallel_loop3A_892 = tpu.vector_load %arg6[%parallel_loop3A_891] {strides = array<i32>} : memref<99072xf32, #tpu.memory_space<vmem>>, vector<16xf32>,
            tpu.vector_store %arg6[%parallel_loop3A_891], %parallel_loop3A_890 {add = true, strides = array<i32>} : memref<99072xf32, #tpu.memory_space<vmem>>, vector<16xf32>,
          } {sc.loop_unroll_factor = 8 : i64, sc.parallel_access}
          %mul3A_622 = arith.constant 16 : i32
          %mul3A_623 = arith.muli %add3A_346, %mul3A_622 : i32
          %add3A_624 = arith.constant 0 : i32
          %add3A_625 = arith.addi %mul3A_623, %add3A_624 : i32
          %add3A_626 = arith.constant 8 : i32
          %add3A_627 = arith.addi %add3A_625, %add3A_626 : i32
          %slice3A_628 = vector.extract_strided_slice %get3A_359 {offsets = [8], sizes = [1], strides = [1]} : vector<16xi32> to vector<1xi32>
          %squeeze3A_629 = vector.extract %slice3A_628[0] : i32 from vector<1xi32>
          %sub3A_630 = arith.subi %squeeze3A_629, %add3A_193 : i32
          %lt3A_631 = arith.cmpi slt, %add3A_627, %sub3A_231 : i32
          %ge3A_632 = arith.constant 0 : i32
          %ge3A_633 = arith.cmpi sge, %sub3A_630, %ge3A_632 : i32
          %and3A_634 = arith.andi %lt3A_631, %ge3A_633 : i1
          %lt3A_635 = arith.constant 128 : i32
          %lt3A_636 = arith.cmpi slt, %sub3A_630, %lt3A_635 : i32
          %and3A_637 = arith.andi %and3A_634, %lt3A_636 : i1
          %jit3A_638 = arith.constant 128 : i32
          %select_n3A_639 = arith.select %and3A_637, %sub3A_630, %jit3A_638 : i32
          %mul3A_640 = arith.constant 768 : i32
          %mul3A_641 = arith.muli %select_n3A_639, %mul3A_640 : i32
          %add3A_642 = arith.constant 0 : i32
          %add3A_643 = arith.addi %sub3A_356, %add3A_642 : i32
          %add3A_644 = arith.constant 8 : i32
          %add3A_645 = arith.addi %add3A_643, %add3A_644 : i32
          %mul3A_646 = arith.constant 768 : i32
          %mul3A_647 = arith.muli %add3A_645, %mul3A_646 : i32
          %mul3A_648 = arith.constant 16 : i32
          %mul3A_649 = arith.muli %select_n3A_639, %mul3A_648 : i32
          %swap3A_650 = arith.index_cast %mul3A_649 : i32 to index
          %swap3A_651 = tpu.vector_load %arg7[%swap3A_650] {strides = array<i32>} : memref<2064xf32, #tpu.memory_space<vmem>>, vector<16xf32>,
          tpu.vector_store %arg7[%swap3A_650], %broadcast_in_dim3A_358 {add = true, strides = array<i32>} : memref<2064xf32, #tpu.memory_space<vmem>>, vector<16xf32>,
          %parallel_loop3A_652 = arith.constant 0 : i32
          %parallel_loop3A_653 = arith.constant 768 : i32
          %parallel_loop3A_654 = arith.constant 16 : i32
          scf.for %parallel_loop3A_886 = %parallel_loop3A_652 to %parallel_loop3A_653 step %parallel_loop3A_654  : i32 {
            %parallel_loop3A_887 = arith.addi %mul3A_641, %parallel_loop3A_886 : i32
            %parallel_loop3A_888 = arith.addi %mul3A_647, %parallel_loop3A_886 : i32
            %parallel_loop3A_889 = arith.index_cast %parallel_loop3A_888 : i32 to index
            %parallel_loop3A_890 = tpu.vector_load %arg9[%parallel_loop3A_889] {strides = array<i32>} : memref<12288xf32, #tpu.memory_space<vmem>>, vector<16xf32>,
            %parallel_loop3A_891 = arith.index_cast %parallel_loop3A_887 : i32 to index
            %parallel_loop3A_892 = tpu.vector_load %arg6[%parallel_loop3A_891] {strides = array<i32>} : memref<99072xf32, #tpu.memory_space<vmem>>, vector<16xf32>,
            tpu.vector_store %arg6[%parallel_loop3A_891], %parallel_loop3A_890 {add = true, strides = array<i32>} : memref<99072xf32, #tpu.memory_space<vmem>>, vector<16xf32>,
          } {sc.loop_unroll_factor = 8 : i64, sc.parallel_access}
          %mul3A_655 = arith.constant 16 : i32
          %mul3A_656 = arith.muli %add3A_346, %mul3A_655 : i32
          %add3A_657 = arith.constant 0 : i32
          %add3A_658 = arith.addi %mul3A_656, %add3A_657 : i32
          %add3A_659 = arith.constant 9 : i32
          %add3A_660 = arith.addi %add3A_658, %add3A_659 : i32
          %slice3A_661 = vector.extract_strided_slice %get3A_359 {offsets = [9], sizes = [1], strides = [1]} : vector<16xi32> to vector<1xi32>
          %squeeze3A_662 = vector.extract %slice3A_661[0] : i32 from vector<1xi32>
          %sub3A_663 = arith.subi %squeeze3A_662, %add3A_193 : i32
          %lt3A_664 = arith.cmpi slt, %add3A_660, %sub3A_231 : i32
          %ge3A_665 = arith.constant 0 : i32
          %ge3A_666 = arith.cmpi sge, %sub3A_663, %ge3A_665 : i32
          %and3A_667 = arith.andi %lt3A_664, %ge3A_666 : i1
          %lt3A_668 = arith.constant 128 : i32
          %lt3A_669 = arith.cmpi slt, %sub3A_663, %lt3A_668 : i32
          %and3A_670 = arith.andi %and3A_667, %lt3A_669 : i1
          %jit3A_671 = arith.constant 128 : i32
          %select_n3A_672 = arith.select %and3A_670, %sub3A_663, %jit3A_671 : i32
          %mul3A_673 = arith.constant 768 : i32
          %mul3A_674 = arith.muli %select_n3A_672, %mul3A_673 : i32
          %add3A_675 = arith.constant 0 : i32
          %add3A_676 = arith.addi %sub3A_356, %add3A_675 : i32
          %add3A_677 = arith.constant 9 : i32
          %add3A_678 = arith.addi %add3A_676, %add3A_677 : i32
          %mul3A_679 = arith.constant 768 : i32
          %mul3A_680 = arith.muli %add3A_678, %mul3A_679 : i32
          %mul3A_681 = arith.constant 16 : i32
          %mul3A_682 = arith.muli %select_n3A_672, %mul3A_681 : i32
          %swap3A_683 = arith.index_cast %mul3A_682 : i32 to index
          %swap3A_684 = tpu.vector_load %arg7[%swap3A_683] {strides = array<i32>} : memref<2064xf32, #tpu.memory_space<vmem>>, vector<16xf32>,
          tpu.vector_store %arg7[%swap3A_683], %broadcast_in_dim3A_358 {add = true, strides = array<i32>} : memref<2064xf32, #tpu.memory_space<vmem>>, vector<16xf32>,
          %parallel_loop3A_685 = arith.constant 0 : i32
          %parallel_loop3A_686 = arith.constant 768 : i32
          %parallel_loop3A_687 = arith.constant 16 : i32
          scf.for %parallel_loop3A_886 = %parallel_loop3A_685 to %parallel_loop3A_686 step %parallel_loop3A_687  : i32 {
            %parallel_loop3A_887 = arith.addi %mul3A_674, %parallel_loop3A_886 : i32
            %parallel_loop3A_888 = arith.addi %mul3A_680, %parallel_loop3A_886 : i32
            %parallel_loop3A_889 = arith.index_cast %parallel_loop3A_888 : i32 to index
            %parallel_loop3A_890 = tpu.vector_load %arg9[%parallel_loop3A_889] {strides = array<i32>} : memref<12288xf32, #tpu.memory_space<vmem>>, vector<16xf32>,
            %parallel_loop3A_891 = arith.index_cast %parallel_loop3A_887 : i32 to index
            %parallel_loop3A_892 = tpu.vector_load %arg6[%parallel_loop3A_891] {strides = array<i32>} : memref<99072xf32, #tpu.memory_space<vmem>>, vector<16xf32>,
            tpu.vector_store %arg6[%parallel_loop3A_891], %parallel_loop3A_890 {add = true, strides = array<i32>} : memref<99072xf32, #tpu.memory_space<vmem>>, vector<16xf32>,
          } {sc.loop_unroll_factor = 8 : i64, sc.parallel_access}
          %mul3A_688 = arith.constant 16 : i32
          %mul3A_689 = arith.muli %add3A_346, %mul3A_688 : i32
          %add3A_690 = arith.constant 0 : i32
          %add3A_691 = arith.addi %mul3A_689, %add3A_690 : i32
          %add3A_692 = arith.constant 10 : i32
          %add3A_693 = arith.addi %add3A_691, %add3A_692 : i32
          %slice3A_694 = vector.extract_strided_slice %get3A_359 {offsets = [10], sizes = [1], strides = [1]} : vector<16xi32> to vector<1xi32>
          %squeeze3A_695 = vector.extract %slice3A_694[0] : i32 from vector<1xi32>
          %sub3A_696 = arith.subi %squeeze3A_695, %add3A_193 : i32
          %lt3A_697 = arith.cmpi slt, %add3A_693, %sub3A_231 : i32
          %ge3A_698 = arith.constant 0 : i32
          %ge3A_699 = arith.cmpi sge, %sub3A_696, %ge3A_698 : i32
          %and3A_700 = arith.andi %lt3A_697, %ge3A_699 : i1
          %lt3A_701 = arith.constant 128 : i32
          %lt3A_702 = arith.cmpi slt, %sub3A_696, %lt3A_701 : i32
          %and3A_703 = arith.andi %and3A_700, %lt3A_702 : i1
          %jit3A_704 = arith.constant 128 : i32
          %select_n3A_705 = arith.select %and3A_703, %sub3A_696, %jit3A_704 : i32
          %mul3A_706 = arith.constant 768 : i32
          %mul3A_707 = arith.muli %select_n3A_705, %mul3A_706 : i32
          %add3A_708 = arith.constant 0 : i32
          %add3A_709 = arith.addi %sub3A_356, %add3A_708 : i32
          %add3A_710 = arith.constant 10 : i32
          %add3A_711 = arith.addi %add3A_709, %add3A_710 : i32
          %mul3A_712 = arith.constant 768 : i32
          %mul3A_713 = arith.muli %add3A_711, %mul3A_712 : i32
          %mul3A_714 = arith.constant 16 : i32
          %mul3A_715 = arith.muli %select_n3A_705, %mul3A_714 : i32
          %swap3A_716 = arith.index_cast %mul3A_715 : i32 to index
          %swap3A_717 = tpu.vector_load %arg7[%swap3A_716] {strides = array<i32>} : memref<2064xf32, #tpu.memory_space<vmem>>, vector<16xf32>,
          tpu.vector_store %arg7[%swap3A_716], %broadcast_in_dim3A_358 {add = true, strides = array<i32>} : memref<2064xf32, #tpu.memory_space<vmem>>, vector<16xf32>,
          %parallel_loop3A_718 = arith.constant 0 : i32
          %parallel_loop3A_719 = arith.constant 768 : i32
          %parallel_loop3A_720 = arith.constant 16 : i32
          scf.for %parallel_loop3A_886 = %parallel_loop3A_718 to %parallel_loop3A_719 step %parallel_loop3A_720  : i32 {
            %parallel_loop3A_887 = arith.addi %mul3A_707, %parallel_loop3A_886 : i32
            %parallel_loop3A_888 = arith.addi %mul3A_713, %parallel_loop3A_886 : i32
            %parallel_loop3A_889 = arith.index_cast %parallel_loop3A_888 : i32 to index
            %parallel_loop3A_890 = tpu.vector_load %arg9[%parallel_loop3A_889] {strides = array<i32>} : memref<12288xf32, #tpu.memory_space<vmem>>, vector<16xf32>,
            %parallel_loop3A_891 = arith.index_cast %parallel_loop3A_887 : i32 to index
            %parallel_loop3A_892 = tpu.vector_load %arg6[%parallel_loop3A_891] {strides = array<i32>} : memref<99072xf32, #tpu.memory_space<vmem>>, vector<16xf32>,
            tpu.vector_store %arg6[%parallel_loop3A_891], %parallel_loop3A_890 {add = true, strides = array<i32>} : memref<99072xf32, #tpu.memory_space<vmem>>, vector<16xf32>,
          } {sc.loop_unroll_factor = 8 : i64, sc.parallel_access}
          %mul3A_721 = arith.constant 16 : i32
          %mul3A_722 = arith.muli %add3A_346, %mul3A_721 : i32
          %add3A_723 = arith.constant 0 : i32
          %add3A_724 = arith.addi %mul3A_722, %add3A_723 : i32
          %add3A_725 = arith.constant 11 : i32
          %add3A_726 = arith.addi %add3A_724, %add3A_725 : i32
          %slice3A_727 = vector.extract_strided_slice %get3A_359 {offsets = [11], sizes = [1], strides = [1]} : vector<16xi32> to vector<1xi32>
          %squeeze3A_728 = vector.extract %slice3A_727[0] : i32 from vector<1xi32>
          %sub3A_729 = arith.subi %squeeze3A_728, %add3A_193 : i32
          %lt3A_730 = arith.cmpi slt, %add3A_726, %sub3A_231 : i32
          %ge3A_731 = arith.constant 0 : i32
          %ge3A_732 = arith.cmpi sge, %sub3A_729, %ge3A_731 : i32
          %and3A_733 = arith.andi %lt3A_730, %ge3A_732 : i1
          %lt3A_734 = arith.constant 128 : i32
          %lt3A_735 = arith.cmpi slt, %sub3A_729, %lt3A_734 : i32
          %and3A_736 = arith.andi %and3A_733, %lt3A_735 : i1
          %jit3A_737 = arith.constant 128 : i32
          %select_n3A_738 = arith.select %and3A_736, %sub3A_729, %jit3A_737 : i32
          %mul3A_739 = arith.constant 768 : i32
          %mul3A_740 = arith.muli %select_n3A_738, %mul3A_739 : i32
          %add3A_741 = arith.constant 0 : i32
          %add3A_742 = arith.addi %sub3A_356, %add3A_741 : i32
          %add3A_743 = arith.constant 11 : i32
          %add3A_744 = arith.addi %add3A_742, %add3A_743 : i32
          %mul3A_745 = arith.constant 768 : i32
          %mul3A_746 = arith.muli %add3A_744, %mul3A_745 : i32
          %mul3A_747 = arith.constant 16 : i32
          %mul3A_748 = arith.muli %select_n3A_738, %mul3A_747 : i32
          %swap3A_749 = arith.index_cast %mul3A_748 : i32 to index
          %swap3A_750 = tpu.vector_load %arg7[%swap3A_749] {strides = array<i32>} : memref<2064xf32, #tpu.memory_space<vmem>>, vector<16xf32>,
          tpu.vector_store %arg7[%swap3A_749], %broadcast_in_dim3A_358 {add = true, strides = array<i32>} : memref<2064xf32, #tpu.memory_space<vmem>>, vector<16xf32>,
          %parallel_loop3A_751 = arith.constant 0 : i32
          %parallel_loop3A_752 = arith.constant 768 : i32
          %parallel_loop3A_753 = arith.constant 16 : i32
          scf.for %parallel_loop3A_886 = %parallel_loop3A_751 to %parallel_loop3A_752 step %parallel_loop3A_753  : i32 {
            %parallel_loop3A_887 = arith.addi %mul3A_740, %parallel_loop3A_886 : i32
            %parallel_loop3A_888 = arith.addi %mul3A_746, %parallel_loop3A_886 : i32
            %parallel_loop3A_889 = arith.index_cast %parallel_loop3A_888 : i32 to index
            %parallel_loop3A_890 = tpu.vector_load %arg9[%parallel_loop3A_889] {strides = array<i32>} : memref<12288xf32, #tpu.memory_space<vmem>>, vector<16xf32>,
            %parallel_loop3A_891 = arith.index_cast %parallel_loop3A_887 : i32 to index
            %parallel_loop3A_892 = tpu.vector_load %arg6[%parallel_loop3A_891] {strides = array<i32>} : memref<99072xf32, #tpu.memory_space<vmem>>, vector<16xf32>,
            tpu.vector_store %arg6[%parallel_loop3A_891], %parallel_loop3A_890 {add = true, strides = array<i32>} : memref<99072xf32, #tpu.memory_space<vmem>>, vector<16xf32>,
          } {sc.loop_unroll_factor = 8 : i64, sc.parallel_access}
          %mul3A_754 = arith.constant 16 : i32
          %mul3A_755 = arith.muli %add3A_346, %mul3A_754 : i32
          %add3A_756 = arith.constant 0 : i32
          %add3A_757 = arith.addi %mul3A_755, %add3A_756 : i32
          %add3A_758 = arith.constant 12 : i32
          %add3A_759 = arith.addi %add3A_757, %add3A_758 : i32
          %slice3A_760 = vector.extract_strided_slice %get3A_359 {offsets = [12], sizes = [1], strides = [1]} : vector<16xi32> to vector<1xi32>
          %squeeze3A_761 = vector.extract %slice3A_760[0] : i32 from vector<1xi32>
          %sub3A_762 = arith.subi %squeeze3A_761, %add3A_193 : i32
          %lt3A_763 = arith.cmpi slt, %add3A_759, %sub3A_231 : i32
          %ge3A_764 = arith.constant 0 : i32
          %ge3A_765 = arith.cmpi sge, %sub3A_762, %ge3A_764 : i32
          %and3A_766 = arith.andi %lt3A_763, %ge3A_765 : i1
          %lt3A_767 = arith.constant 128 : i32
          %lt3A_768 = arith.cmpi slt, %sub3A_762, %lt3A_767 : i32
          %and3A_769 = arith.andi %and3A_766, %lt3A_768 : i1
          %jit3A_770 = arith.constant 128 : i32
          %select_n3A_771 = arith.select %and3A_769, %sub3A_762, %jit3A_770 : i32
          %mul3A_772 = arith.constant 768 : i32
          %mul3A_773 = arith.muli %select_n3A_771, %mul3A_772 : i32
          %add3A_774 = arith.constant 0 : i32
          %add3A_775 = arith.addi %sub3A_356, %add3A_774 : i32
          %add3A_776 = arith.constant 12 : i32
          %add3A_777 = arith.addi %add3A_775, %add3A_776 : i32
          %mul3A_778 = arith.constant 768 : i32
          %mul3A_779 = arith.muli %add3A_777, %mul3A_778 : i32
          %mul3A_780 = arith.constant 16 : i32
          %mul3A_781 = arith.muli %select_n3A_771, %mul3A_780 : i32
          %swap3A_782 = arith.index_cast %mul3A_781 : i32 to index
          %swap3A_783 = tpu.vector_load %arg7[%swap3A_782] {strides = array<i32>} : memref<2064xf32, #tpu.memory_space<vmem>>, vector<16xf32>,
          tpu.vector_store %arg7[%swap3A_782], %broadcast_in_dim3A_358 {add = true, strides = array<i32>} : memref<2064xf32, #tpu.memory_space<vmem>>, vector<16xf32>,
          %parallel_loop3A_784 = arith.constant 0 : i32
          %parallel_loop3A_785 = arith.constant 768 : i32
          %parallel_loop3A_786 = arith.constant 16 : i32
          scf.for %parallel_loop3A_886 = %parallel_loop3A_784 to %parallel_loop3A_785 step %parallel_loop3A_786  : i32 {
            %parallel_loop3A_887 = arith.addi %mul3A_773, %parallel_loop3A_886 : i32
            %parallel_loop3A_888 = arith.addi %mul3A_779, %parallel_loop3A_886 : i32
            %parallel_loop3A_889 = arith.index_cast %parallel_loop3A_888 : i32 to index
            %parallel_loop3A_890 = tpu.vector_load %arg9[%parallel_loop3A_889] {strides = array<i32>} : memref<12288xf32, #tpu.memory_space<vmem>>, vector<16xf32>,
            %parallel_loop3A_891 = arith.index_cast %parallel_loop3A_887 : i32 to index
            %parallel_loop3A_892 = tpu.vector_load %arg6[%parallel_loop3A_891] {strides = array<i32>} : memref<99072xf32, #tpu.memory_space<vmem>>, vector<16xf32>,
            tpu.vector_store %arg6[%parallel_loop3A_891], %parallel_loop3A_890 {add = true, strides = array<i32>} : memref<99072xf32, #tpu.memory_space<vmem>>, vector<16xf32>,
          } {sc.loop_unroll_factor = 8 : i64, sc.parallel_access}
          %mul3A_787 = arith.constant 16 : i32
          %mul3A_788 = arith.muli %add3A_346, %mul3A_787 : i32
          %add3A_789 = arith.constant 0 : i32
          %add3A_790 = arith.addi %mul3A_788, %add3A_789 : i32
          %add3A_791 = arith.constant 13 : i32
          %add3A_792 = arith.addi %add3A_790, %add3A_791 : i32
          %slice3A_793 = vector.extract_strided_slice %get3A_359 {offsets = [13], sizes = [1], strides = [1]} : vector<16xi32> to vector<1xi32>
          %squeeze3A_794 = vector.extract %slice3A_793[0] : i32 from vector<1xi32>
          %sub3A_795 = arith.subi %squeeze3A_794, %add3A_193 : i32
          %lt3A_796 = arith.cmpi slt, %add3A_792, %sub3A_231 : i32
          %ge3A_797 = arith.constant 0 : i32
          %ge3A_798 = arith.cmpi sge, %sub3A_795, %ge3A_797 : i32
          %and3A_799 = arith.andi %lt3A_796, %ge3A_798 : i1
          %lt3A_800 = arith.constant 128 : i32
          %lt3A_801 = arith.cmpi slt, %sub3A_795, %lt3A_800 : i32
          %and3A_802 = arith.andi %and3A_799, %lt3A_801 : i1
          %jit3A_803 = arith.constant 128 : i32
          %select_n3A_804 = arith.select %and3A_802, %sub3A_795, %jit3A_803 : i32
          %mul3A_805 = arith.constant 768 : i32
          %mul3A_806 = arith.muli %select_n3A_804, %mul3A_805 : i32
          %add3A_807 = arith.constant 0 : i32
          %add3A_808 = arith.addi %sub3A_356, %add3A_807 : i32
          %add3A_809 = arith.constant 13 : i32
          %add3A_810 = arith.addi %add3A_808, %add3A_809 : i32
          %mul3A_811 = arith.constant 768 : i32
          %mul3A_812 = arith.muli %add3A_810, %mul3A_811 : i32
          %mul3A_813 = arith.constant 16 : i32
          %mul3A_814 = arith.muli %select_n3A_804, %mul3A_813 : i32
          %swap3A_815 = arith.index_cast %mul3A_814 : i32 to index
          %swap3A_816 = tpu.vector_load %arg7[%swap3A_815] {strides = array<i32>} : memref<2064xf32, #tpu.memory_space<vmem>>, vector<16xf32>,
          tpu.vector_store %arg7[%swap3A_815], %broadcast_in_dim3A_358 {add = true, strides = array<i32>} : memref<2064xf32, #tpu.memory_space<vmem>>, vector<16xf32>,
          %parallel_loop3A_817 = arith.constant 0 : i32
          %parallel_loop3A_818 = arith.constant 768 : i32
          %parallel_loop3A_819 = arith.constant 16 : i32
          scf.for %parallel_loop3A_886 = %parallel_loop3A_817 to %parallel_loop3A_818 step %parallel_loop3A_819  : i32 {
            %parallel_loop3A_887 = arith.addi %mul3A_806, %parallel_loop3A_886 : i32
            %parallel_loop3A_888 = arith.addi %mul3A_812, %parallel_loop3A_886 : i32
            %parallel_loop3A_889 = arith.index_cast %parallel_loop3A_888 : i32 to index
            %parallel_loop3A_890 = tpu.vector_load %arg9[%parallel_loop3A_889] {strides = array<i32>} : memref<12288xf32, #tpu.memory_space<vmem>>, vector<16xf32>,
            %parallel_loop3A_891 = arith.index_cast %parallel_loop3A_887 : i32 to index
            %parallel_loop3A_892 = tpu.vector_load %arg6[%parallel_loop3A_891] {strides = array<i32>} : memref<99072xf32, #tpu.memory_space<vmem>>, vector<16xf32>,
            tpu.vector_store %arg6[%parallel_loop3A_891], %parallel_loop3A_890 {add = true, strides = array<i32>} : memref<99072xf32, #tpu.memory_space<vmem>>, vector<16xf32>,
          } {sc.loop_unroll_factor = 8 : i64, sc.parallel_access}
          %mul3A_820 = arith.constant 16 : i32
          %mul3A_821 = arith.muli %add3A_346, %mul3A_820 : i32
          %add3A_822 = arith.constant 0 : i32
          %add3A_823 = arith.addi %mul3A_821, %add3A_822 : i32
          %add3A_824 = arith.constant 14 : i32
          %add3A_825 = arith.addi %add3A_823, %add3A_824 : i32
          %slice3A_826 = vector.extract_strided_slice %get3A_359 {offsets = [14], sizes = [1], strides = [1]} : vector<16xi32> to vector<1xi32>
          %squeeze3A_827 = vector.extract %slice3A_826[0] : i32 from vector<1xi32>
          %sub3A_828 = arith.subi %squeeze3A_827, %add3A_193 : i32
          %lt3A_829 = arith.cmpi slt, %add3A_825, %sub3A_231 : i32
          %ge3A_830 = arith.constant 0 : i32
          %ge3A_831 = arith.cmpi sge, %sub3A_828, %ge3A_830 : i32
          %and3A_832 = arith.andi %lt3A_829, %ge3A_831 : i1
          %lt3A_833 = arith.constant 128 : i32
          %lt3A_834 = arith.cmpi slt, %sub3A_828, %lt3A_833 : i32
          %and3A_835 = arith.andi %and3A_832, %lt3A_834 : i1
          %jit3A_836 = arith.constant 128 : i32
          %select_n3A_837 = arith.select %and3A_835, %sub3A_828, %jit3A_836 : i32
          %mul3A_838 = arith.constant 768 : i32
          %mul3A_839 = arith.muli %select_n3A_837, %mul3A_838 : i32
          %add3A_840 = arith.constant 0 : i32
          %add3A_841 = arith.addi %sub3A_356, %add3A_840 : i32
          %add3A_842 = arith.constant 14 : i32
          %add3A_843 = arith.addi %add3A_841, %add3A_842 : i32
          %mul3A_844 = arith.constant 768 : i32
          %mul3A_845 = arith.muli %add3A_843, %mul3A_844 : i32
          %mul3A_846 = arith.constant 16 : i32
          %mul3A_847 = arith.muli %select_n3A_837, %mul3A_846 : i32
          %swap3A_848 = arith.index_cast %mul3A_847 : i32 to index
          %swap3A_849 = tpu.vector_load %arg7[%swap3A_848] {strides = array<i32>} : memref<2064xf32, #tpu.memory_space<vmem>>, vector<16xf32>,
          tpu.vector_store %arg7[%swap3A_848], %broadcast_in_dim3A_358 {add = true, strides = array<i32>} : memref<2064xf32, #tpu.memory_space<vmem>>, vector<16xf32>,
          %parallel_loop3A_850 = arith.constant 0 : i32
          %parallel_loop3A_851 = arith.constant 768 : i32
          %parallel_loop3A_852 = arith.constant 16 : i32
          scf.for %parallel_loop3A_886 = %parallel_loop3A_850 to %parallel_loop3A_851 step %parallel_loop3A_852  : i32 {
            %parallel_loop3A_887 = arith.addi %mul3A_839, %parallel_loop3A_886 : i32
            %parallel_loop3A_888 = arith.addi %mul3A_845, %parallel_loop3A_886 : i32
            %parallel_loop3A_889 = arith.index_cast %parallel_loop3A_888 : i32 to index
            %parallel_loop3A_890 = tpu.vector_load %arg9[%parallel_loop3A_889] {strides = array<i32>} : memref<12288xf32, #tpu.memory_space<vmem>>, vector<16xf32>,
            %parallel_loop3A_891 = arith.index_cast %parallel_loop3A_887 : i32 to index
            %parallel_loop3A_892 = tpu.vector_load %arg6[%parallel_loop3A_891] {strides = array<i32>} : memref<99072xf32, #tpu.memory_space<vmem>>, vector<16xf32>,
            tpu.vector_store %arg6[%parallel_loop3A_891], %parallel_loop3A_890 {add = true, strides = array<i32>} : memref<99072xf32, #tpu.memory_space<vmem>>, vector<16xf32>,
          } {sc.loop_unroll_factor = 8 : i64, sc.parallel_access}
          %mul3A_853 = arith.constant 16 : i32
          %mul3A_854 = arith.muli %add3A_346, %mul3A_853 : i32
          %add3A_855 = arith.constant 0 : i32
          %add3A_856 = arith.addi %mul3A_854, %add3A_855 : i32
          %add3A_857 = arith.constant 15 : i32
          %add3A_858 = arith.addi %add3A_856, %add3A_857 : i32
          %slice3A_859 = vector.extract_strided_slice %get3A_359 {offsets = [15], sizes = [1], strides = [1]} : vector<16xi32> to vector<1xi32>
          %squeeze3A_860 = vector.extract %slice3A_859[0] : i32 from vector<1xi32>
          %sub3A_861 = arith.subi %squeeze3A_860, %add3A_193 : i32
          %lt3A_862 = arith.cmpi slt, %add3A_858, %sub3A_231 : i32
          %ge3A_863 = arith.constant 0 : i32
          %ge3A_864 = arith.cmpi sge, %sub3A_861, %ge3A_863 : i32
          %and3A_865 = arith.andi %lt3A_862, %ge3A_864 : i1
          %lt3A_866 = arith.constant 128 : i32
          %lt3A_867 = arith.cmpi slt, %sub3A_861, %lt3A_866 : i32
          %and3A_868 = arith.andi %and3A_865, %lt3A_867 : i1
          %jit3A_869 = arith.constant 128 : i32
          %select_n3A_870 = arith.select %and3A_868, %sub3A_861, %jit3A_869 : i32
          %mul3A_871 = arith.constant 768 : i32
          %mul3A_872 = arith.muli %select_n3A_870, %mul3A_871 : i32
          %add3A_873 = arith.constant 0 : i32
          %add3A_874 = arith.addi %sub3A_356, %add3A_873 : i32
          %add3A_875 = arith.constant 15 : i32
          %add3A_876 = arith.addi %add3A_874, %add3A_875 : i32
          %mul3A_877 = arith.constant 768 : i32
          %mul3A_878 = arith.muli %add3A_876, %mul3A_877 : i32
          %mul3A_879 = arith.constant 16 : i32
          %mul3A_880 = arith.muli %select_n3A_870, %mul3A_879 : i32
          %swap3A_881 = arith.index_cast %mul3A_880 : i32 to index
          %swap3A_882 = tpu.vector_load %arg7[%swap3A_881] {strides = array<i32>} : memref<2064xf32, #tpu.memory_space<vmem>>, vector<16xf32>,
          tpu.vector_store %arg7[%swap3A_881], %broadcast_in_dim3A_358 {add = true, strides = array<i32>} : memref<2064xf32, #tpu.memory_space<vmem>>, vector<16xf32>,
          %parallel_loop3A_883 = arith.constant 0 : i32
          %parallel_loop3A_884 = arith.constant 768 : i32
          %parallel_loop3A_885 = arith.constant 16 : i32
          scf.for %parallel_loop3A_886 = %parallel_loop3A_883 to %parallel_loop3A_884 step %parallel_loop3A_885  : i32 {
            %parallel_loop3A_887 = arith.addi %mul3A_872, %parallel_loop3A_886 : i32
            %parallel_loop3A_888 = arith.addi %mul3A_878, %parallel_loop3A_886 : i32
            %parallel_loop3A_889 = arith.index_cast %parallel_loop3A_888 : i32 to index
            %parallel_loop3A_890 = tpu.vector_load %arg9[%parallel_loop3A_889] {strides = array<i32>} : memref<12288xf32, #tpu.memory_space<vmem>>, vector<16xf32>,
            %parallel_loop3A_891 = arith.index_cast %parallel_loop3A_887 : i32 to index
            %parallel_loop3A_892 = tpu.vector_load %arg6[%parallel_loop3A_891] {strides = array<i32>} : memref<99072xf32, #tpu.memory_space<vmem>>, vector<16xf32>,
            tpu.vector_store %arg6[%parallel_loop3A_891], %parallel_loop3A_890 {add = true, strides = array<i32>} : memref<99072xf32, #tpu.memory_space<vmem>>, vector<16xf32>,
          } {sc.loop_unroll_factor = 8 : i64, sc.parallel_access}
        } else {
        }
        %while3A_324 = arith.constant 0 : i32
        scf.yield %while3A_324 : i32
      }
      %while3A_297 = arith.constant 1 : i32
      %while3A_298 = scf.for %while3A_310 = %while3A_294 to %while3A_290 step %while3A_297 iter_args(%while3A_311 = %while3A_296) -> (i32)  : i32 {
        %mul3A_312 = arith.constant 2 : i32
        %mul3A_313 = arith.muli %while3A_310, %mul3A_312 : i32
        %lt3A_314 = arith.cmpi slt, %mul3A_313, %select_n3A_259 : i32
        %convert_element_type3A_315 = arith.extui %lt3A_314 : i1 to i32
        %cond3A_316 = arith.constant 0 : i32
        %cond3A_317 = arith.cmpi ne, %convert_element_type3A_315, %cond3A_316 : i32
        scf.if %cond3A_317 {
          %mul3A_325 = arith.constant 16 : i32
          %mul3A_326 = arith.muli %mul3A_313, %mul3A_325 : i32
          %add3A_327 = arith.addi %mul3A_230, %mul3A_326 : i32
          %min3A = arith.constant 8176 : i32
          %min3A_328 = arith.minsi %add3A_327, %min3A : i32
          %multiple_of3A_329 = tpu.assume_multiple %min3A_328, 16 : i32
          %add3A_330 = arith.addi %multiple_of3A, %multiple_of3A_329 : i32
          %dma_wait3A = tpu.memref_slice %arg3[%add3A_330] : memref<32768xi32, #tpu.memory_space<hbm>> -> memref<16xi32, #tpu.memory_space<hbm>>
          %dma_wait3A_331 = tpu.memref_slice %arg3[%add3A_330] : memref<32768xi32, #tpu.memory_space<hbm>> -> memref<16xi32, #tpu.memory_space<hbm>>
          tpu.wait_dma2 semaphore(%arg13 : memref<!tpu.dma_semaphore, #tpu.memory_space<semaphore_mem>>) src(%dma_wait3A_331 : memref<16xi32, #tpu.memory_space<hbm>>) dst(%arg11 : memref<16xi32, #tpu.memory_space<vmem>>)
          %add3A_332 = arith.addi %multiple_of3A, %multiple_of3A_329 : i32
          %mul3A_333 = arith.constant 768 : i32
          %mul3A_334 = arith.muli %add3A_332, %mul3A_333 : i32
          %dma_wait3A_335 = tpu.memref_slice %arg2[%mul3A_334] : memref<25165824xf32, #tpu.memory_space<hbm>> -> memref<12288xf32, #tpu.memory_space<hbm>>
          %dma_wait3A_336 = tpu.memref_slice %arg2[%mul3A_334] : memref<25165824xf32, #tpu.memory_space<hbm>> -> memref<12288xf32, #tpu.memory_space<hbm>>
          tpu.wait_dma2 semaphore(%arg14 : memref<!tpu.dma_semaphore, #tpu.memory_space<semaphore_mem>>) src(%dma_wait3A_336 : memref<12288xf32, #tpu.memory_space<hbm>>) dst(%arg8 : memref<12288xf32, #tpu.memory_space<vmem>>)
          %add3A_337 = arith.constant 1 : i32
          %add3A_338 = arith.addi %mul3A_313, %add3A_337 : i32
          %lt3A_339 = arith.cmpi slt, %add3A_338, %select_n3A_259 : i32
          %convert_element_type3A_340 = arith.extui %lt3A_339 : i1 to i32
          %cond3A_341 = arith.constant 0 : i32
          %cond3A_342 = arith.cmpi ne, %convert_element_type3A_340, %cond3A_341 : i32
          scf.if %cond3A_342 {
            %add3A_882 = arith.constant 1 : i32
            %add3A_883 = arith.addi %mul3A_313, %add3A_882 : i32
            %mul3A_884 = arith.constant 16 : i32
            %mul3A_885 = arith.muli %add3A_883, %mul3A_884 : i32
            %add3A_886 = arith.addi %mul3A_230, %mul3A_885 : i32
            %min3A_887 = arith.constant 8176 : i32
            %min3A_888 = arith.minsi %add3A_886, %min3A_887 : i32
            %multiple_of3A_889 = tpu.assume_multiple %min3A_888, 16 : i32
            %add3A_890 = arith.addi %multiple_of3A, %multiple_of3A_889 : i32
            %dma_start3A = tpu.memref_slice %arg3[%add3A_890] : memref<32768xi32, #tpu.memory_space<hbm>> -> memref<16xi32, #tpu.memory_space<hbm>>
            %dma_start3A_891 = tpu.memref_slice %arg3[%add3A_890] : memref<32768xi32, #tpu.memory_space<hbm>> -> memref<16xi32, #tpu.memory_space<hbm>>
            tpu.enqueue_dma source(%dma_start3A_891 : memref<16xi32, #tpu.memory_space<hbm>>) target(%arg12 : memref<16xi32, #tpu.memory_space<vmem>>) target_semaphore(%arg15 : memref<!tpu.dma_semaphore, #tpu.memory_space<semaphore_mem>>)
            %add3A_892 = arith.addi %multiple_of3A, %multiple_of3A_889 : i32
            %mul3A_893 = arith.constant 768 : i32
            %mul3A_894 = arith.muli %add3A_892, %mul3A_893 : i32
            %dma_start3A_895 = tpu.memref_slice %arg2[%mul3A_894] : memref<25165824xf32, #tpu.memory_space<hbm>> -> memref<12288xf32, #tpu.memory_space<hbm>>
            %dma_start3A_896 = tpu.memref_slice %arg2[%mul3A_894] : memref<25165824xf32, #tpu.memory_space<hbm>> -> memref<12288xf32, #tpu.memory_space<hbm>>
            tpu.enqueue_dma source(%dma_start3A_896 : memref<12288xf32, #tpu.memory_space<hbm>>) target(%arg9 : memref<12288xf32, #tpu.memory_space<vmem>>) target_semaphore(%arg16 : memref<!tpu.dma_semaphore, #tpu.memory_space<semaphore_mem>>)
          } else {
          }
          %mul3A_343 = arith.constant 16 : i32
          %mul3A_344 = arith.muli %mul3A_313, %mul3A_343 : i32
          %add3A_345 = arith.addi %mul3A_230, %mul3A_344 : i32
          %min3A_346 = arith.constant 8176 : i32
          %min3A_347 = arith.minsi %add3A_345, %min3A_346 : i32
          %multiple_of3A_348 = tpu.assume_multiple %min3A_347, 16 : i32
          %mul3A_349 = arith.constant 16 : i32
          %mul3A_350 = arith.muli %mul3A_313, %mul3A_349 : i32
          %add3A_351 = arith.addi %mul3A_230, %mul3A_350 : i32
          %sub3A_352 = arith.subi %add3A_351, %multiple_of3A_348 : i32
          %broadcast_in_dim3A_353 = arith.constant 1.000000e+00 : f32
          %broadcast_in_dim3A_354 = vector.broadcast %broadcast_in_dim3A_353 : f32 to vector<16xf32>
          %get3A = arith.constant 0 : index
          %get3A_355 = tpu.vector_load %arg11[%get3A] {strides = array<i32>} : memref<16xi32, #tpu.memory_space<vmem>>, vector<16xi32>,
          %mul3A_356 = arith.constant 16 : i32
          %mul3A_357 = arith.muli %mul3A_313, %mul3A_356 : i32
          %add3A_358 = arith.constant 0 : i32
          %add3A_359 = arith.addi %mul3A_357, %add3A_358 : i32
          %add3A_360 = arith.constant 0 : i32
          %add3A_361 = arith.addi %add3A_359, %add3A_360 : i32
          %slice3A_362 = vector.extract_strided_slice %get3A_355 {offsets = [0], sizes = [1], strides = [1]} : vector<16xi32> to vector<1xi32>
          %squeeze3A_363 = vector.extract %slice3A_362[0] : i32 from vector<1xi32>
          %sub3A_364 = arith.subi %squeeze3A_363, %add3A_193 : i32
          %lt3A_365 = arith.cmpi slt, %add3A_361, %sub3A_231 : i32
          %ge3A = arith.constant 0 : i32
          %ge3A_366 = arith.cmpi sge, %sub3A_364, %ge3A : i32
          %and3A_367 = arith.andi %lt3A_365, %ge3A_366 : i1
          %lt3A_368 = arith.constant 128 : i32
          %lt3A_369 = arith.cmpi slt, %sub3A_364, %lt3A_368 : i32
          %and3A_370 = arith.andi %and3A_367, %lt3A_369 : i1
          %jit3A_371 = arith.constant 128 : i32
          %select_n3A_372 = arith.select %and3A_370, %sub3A_364, %jit3A_371 : i32
          %mul3A_373 = arith.constant 768 : i32
          %mul3A_374 = arith.muli %select_n3A_372, %mul3A_373 : i32
          %add3A_375 = arith.constant 0 : i32
          %add3A_376 = arith.addi %sub3A_352, %add3A_375 : i32
          %add3A_377 = arith.constant 0 : i32
          %add3A_378 = arith.addi %add3A_376, %add3A_377 : i32
          %mul3A_379 = arith.constant 768 : i32
          %mul3A_380 = arith.muli %add3A_378, %mul3A_379 : i32
          %mul3A_381 = arith.constant 16 : i32
          %mul3A_382 = arith.muli %select_n3A_372, %mul3A_381 : i32
          %swap3A = arith.index_cast %mul3A_382 : i32 to index
          %swap3A_383 = tpu.vector_load %arg7[%swap3A] {strides = array<i32>} : memref<2064xf32, #tpu.memory_space<vmem>>, vector<16xf32>,
          tpu.vector_store %arg7[%swap3A], %broadcast_in_dim3A_354 {add = true, strides = array<i32>} : memref<2064xf32, #tpu.memory_space<vmem>>, vector<16xf32>,
          %parallel_loop3A_384 = arith.constant 0 : i32
          %parallel_loop3A_385 = arith.constant 768 : i32
          %parallel_loop3A_386 = arith.constant 16 : i32
          scf.for %parallel_loop3A_882 = %parallel_loop3A_384 to %parallel_loop3A_385 step %parallel_loop3A_386  : i32 {
            %parallel_loop3A_883 = arith.addi %mul3A_374, %parallel_loop3A_882 : i32
            %parallel_loop3A_884 = arith.addi %mul3A_380, %parallel_loop3A_882 : i32
            %parallel_loop3A_885 = arith.index_cast %parallel_loop3A_884 : i32 to index
            %parallel_loop3A_886 = tpu.vector_load %arg8[%parallel_loop3A_885] {strides = array<i32>} : memref<12288xf32, #tpu.memory_space<vmem>>, vector<16xf32>,
            %parallel_loop3A_887 = arith.index_cast %parallel_loop3A_883 : i32 to index
            %parallel_loop3A_888 = tpu.vector_load %arg6[%parallel_loop3A_887] {strides = array<i32>} : memref<99072xf32, #tpu.memory_space<vmem>>, vector<16xf32>,
            tpu.vector_store %arg6[%parallel_loop3A_887], %parallel_loop3A_886 {add = true, strides = array<i32>} : memref<99072xf32, #tpu.memory_space<vmem>>, vector<16xf32>,
          } {sc.loop_unroll_factor = 8 : i64, sc.parallel_access}
          %mul3A_387 = arith.constant 16 : i32
          %mul3A_388 = arith.muli %mul3A_313, %mul3A_387 : i32
          %add3A_389 = arith.constant 0 : i32
          %add3A_390 = arith.addi %mul3A_388, %add3A_389 : i32
          %add3A_391 = arith.constant 1 : i32
          %add3A_392 = arith.addi %add3A_390, %add3A_391 : i32
          %slice3A_393 = vector.extract_strided_slice %get3A_355 {offsets = [1], sizes = [1], strides = [1]} : vector<16xi32> to vector<1xi32>
          %squeeze3A_394 = vector.extract %slice3A_393[0] : i32 from vector<1xi32>
          %sub3A_395 = arith.subi %squeeze3A_394, %add3A_193 : i32
          %lt3A_396 = arith.cmpi slt, %add3A_392, %sub3A_231 : i32
          %ge3A_397 = arith.constant 0 : i32
          %ge3A_398 = arith.cmpi sge, %sub3A_395, %ge3A_397 : i32
          %and3A_399 = arith.andi %lt3A_396, %ge3A_398 : i1
          %lt3A_400 = arith.constant 128 : i32
          %lt3A_401 = arith.cmpi slt, %sub3A_395, %lt3A_400 : i32
          %and3A_402 = arith.andi %and3A_399, %lt3A_401 : i1
          %jit3A_403 = arith.constant 128 : i32
          %select_n3A_404 = arith.select %and3A_402, %sub3A_395, %jit3A_403 : i32
          %mul3A_405 = arith.constant 768 : i32
          %mul3A_406 = arith.muli %select_n3A_404, %mul3A_405 : i32
          %add3A_407 = arith.constant 0 : i32
          %add3A_408 = arith.addi %sub3A_352, %add3A_407 : i32
          %add3A_409 = arith.constant 1 : i32
          %add3A_410 = arith.addi %add3A_408, %add3A_409 : i32
          %mul3A_411 = arith.constant 768 : i32
          %mul3A_412 = arith.muli %add3A_410, %mul3A_411 : i32
          %mul3A_413 = arith.constant 16 : i32
          %mul3A_414 = arith.muli %select_n3A_404, %mul3A_413 : i32
          %swap3A_415 = arith.index_cast %mul3A_414 : i32 to index
          %swap3A_416 = tpu.vector_load %arg7[%swap3A_415] {strides = array<i32>} : memref<2064xf32, #tpu.memory_space<vmem>>, vector<16xf32>,
          tpu.vector_store %arg7[%swap3A_415], %broadcast_in_dim3A_354 {add = true, strides = array<i32>} : memref<2064xf32, #tpu.memory_space<vmem>>, vector<16xf32>,
          %parallel_loop3A_417 = arith.constant 0 : i32
          %parallel_loop3A_418 = arith.constant 768 : i32
          %parallel_loop3A_419 = arith.constant 16 : i32
          scf.for %parallel_loop3A_882 = %parallel_loop3A_417 to %parallel_loop3A_418 step %parallel_loop3A_419  : i32 {
            %parallel_loop3A_883 = arith.addi %mul3A_406, %parallel_loop3A_882 : i32
            %parallel_loop3A_884 = arith.addi %mul3A_412, %parallel_loop3A_882 : i32
            %parallel_loop3A_885 = arith.index_cast %parallel_loop3A_884 : i32 to index
            %parallel_loop3A_886 = tpu.vector_load %arg8[%parallel_loop3A_885] {strides = array<i32>} : memref<12288xf32, #tpu.memory_space<vmem>>, vector<16xf32>,
            %parallel_loop3A_887 = arith.index_cast %parallel_loop3A_883 : i32 to index
            %parallel_loop3A_888 = tpu.vector_load %arg6[%parallel_loop3A_887] {strides = array<i32>} : memref<99072xf32, #tpu.memory_space<vmem>>, vector<16xf32>,
            tpu.vector_store %arg6[%parallel_loop3A_887], %parallel_loop3A_886 {add = true, strides = array<i32>} : memref<99072xf32, #tpu.memory_space<vmem>>, vector<16xf32>,
          } {sc.loop_unroll_factor = 8 : i64, sc.parallel_access}
          %mul3A_420 = arith.constant 16 : i32
          %mul3A_421 = arith.muli %mul3A_313, %mul3A_420 : i32
          %add3A_422 = arith.constant 0 : i32
          %add3A_423 = arith.addi %mul3A_421, %add3A_422 : i32
          %add3A_424 = arith.constant 2 : i32
          %add3A_425 = arith.addi %add3A_423, %add3A_424 : i32
          %slice3A_426 = vector.extract_strided_slice %get3A_355 {offsets = [2], sizes = [1], strides = [1]} : vector<16xi32> to vector<1xi32>
          %squeeze3A_427 = vector.extract %slice3A_426[0] : i32 from vector<1xi32>
          %sub3A_428 = arith.subi %squeeze3A_427, %add3A_193 : i32
          %lt3A_429 = arith.cmpi slt, %add3A_425, %sub3A_231 : i32
          %ge3A_430 = arith.constant 0 : i32
          %ge3A_431 = arith.cmpi sge, %sub3A_428, %ge3A_430 : i32
          %and3A_432 = arith.andi %lt3A_429, %ge3A_431 : i1
          %lt3A_433 = arith.constant 128 : i32
          %lt3A_434 = arith.cmpi slt, %sub3A_428, %lt3A_433 : i32
          %and3A_435 = arith.andi %and3A_432, %lt3A_434 : i1
          %jit3A_436 = arith.constant 128 : i32
          %select_n3A_437 = arith.select %and3A_435, %sub3A_428, %jit3A_436 : i32
          %mul3A_438 = arith.constant 768 : i32
          %mul3A_439 = arith.muli %select_n3A_437, %mul3A_438 : i32
          %add3A_440 = arith.constant 0 : i32
          %add3A_441 = arith.addi %sub3A_352, %add3A_440 : i32
          %add3A_442 = arith.constant 2 : i32
          %add3A_443 = arith.addi %add3A_441, %add3A_442 : i32
          %mul3A_444 = arith.constant 768 : i32
          %mul3A_445 = arith.muli %add3A_443, %mul3A_444 : i32
          %mul3A_446 = arith.constant 16 : i32
          %mul3A_447 = arith.muli %select_n3A_437, %mul3A_446 : i32
          %swap3A_448 = arith.index_cast %mul3A_447 : i32 to index
          %swap3A_449 = tpu.vector_load %arg7[%swap3A_448] {strides = array<i32>} : memref<2064xf32, #tpu.memory_space<vmem>>, vector<16xf32>,
          tpu.vector_store %arg7[%swap3A_448], %broadcast_in_dim3A_354 {add = true, strides = array<i32>} : memref<2064xf32, #tpu.memory_space<vmem>>, vector<16xf32>,
          %parallel_loop3A_450 = arith.constant 0 : i32
          %parallel_loop3A_451 = arith.constant 768 : i32
          %parallel_loop3A_452 = arith.constant 16 : i32
          scf.for %parallel_loop3A_882 = %parallel_loop3A_450 to %parallel_loop3A_451 step %parallel_loop3A_452  : i32 {
            %parallel_loop3A_883 = arith.addi %mul3A_439, %parallel_loop3A_882 : i32
            %parallel_loop3A_884 = arith.addi %mul3A_445, %parallel_loop3A_882 : i32
            %parallel_loop3A_885 = arith.index_cast %parallel_loop3A_884 : i32 to index
            %parallel_loop3A_886 = tpu.vector_load %arg8[%parallel_loop3A_885] {strides = array<i32>} : memref<12288xf32, #tpu.memory_space<vmem>>, vector<16xf32>,
            %parallel_loop3A_887 = arith.index_cast %parallel_loop3A_883 : i32 to index
            %parallel_loop3A_888 = tpu.vector_load %arg6[%parallel_loop3A_887] {strides = array<i32>} : memref<99072xf32, #tpu.memory_space<vmem>>, vector<16xf32>,
            tpu.vector_store %arg6[%parallel_loop3A_887], %parallel_loop3A_886 {add = true, strides = array<i32>} : memref<99072xf32, #tpu.memory_space<vmem>>, vector<16xf32>,
          } {sc.loop_unroll_factor = 8 : i64, sc.parallel_access}
          %mul3A_453 = arith.constant 16 : i32
          %mul3A_454 = arith.muli %mul3A_313, %mul3A_453 : i32
          %add3A_455 = arith.constant 0 : i32
          %add3A_456 = arith.addi %mul3A_454, %add3A_455 : i32
          %add3A_457 = arith.constant 3 : i32
          %add3A_458 = arith.addi %add3A_456, %add3A_457 : i32
          %slice3A_459 = vector.extract_strided_slice %get3A_355 {offsets = [3], sizes = [1], strides = [1]} : vector<16xi32> to vector<1xi32>
          %squeeze3A_460 = vector.extract %slice3A_459[0] : i32 from vector<1xi32>
          %sub3A_461 = arith.subi %squeeze3A_460, %add3A_193 : i32
          %lt3A_462 = arith.cmpi slt, %add3A_458, %sub3A_231 : i32
          %ge3A_463 = arith.constant 0 : i32
          %ge3A_464 = arith.cmpi sge, %sub3A_461, %ge3A_463 : i32
          %and3A_465 = arith.andi %lt3A_462, %ge3A_464 : i1
          %lt3A_466 = arith.constant 128 : i32
          %lt3A_467 = arith.cmpi slt, %sub3A_461, %lt3A_466 : i32
          %and3A_468 = arith.andi %and3A_465, %lt3A_467 : i1
          %jit3A_469 = arith.constant 128 : i32
          %select_n3A_470 = arith.select %and3A_468, %sub3A_461, %jit3A_469 : i32
          %mul3A_471 = arith.constant 768 : i32
          %mul3A_472 = arith.muli %select_n3A_470, %mul3A_471 : i32
          %add3A_473 = arith.constant 0 : i32
          %add3A_474 = arith.addi %sub3A_352, %add3A_473 : i32
          %add3A_475 = arith.constant 3 : i32
          %add3A_476 = arith.addi %add3A_474, %add3A_475 : i32
          %mul3A_477 = arith.constant 768 : i32
          %mul3A_478 = arith.muli %add3A_476, %mul3A_477 : i32
          %mul3A_479 = arith.constant 16 : i32
          %mul3A_480 = arith.muli %select_n3A_470, %mul3A_479 : i32
          %swap3A_481 = arith.index_cast %mul3A_480 : i32 to index
          %swap3A_482 = tpu.vector_load %arg7[%swap3A_481] {strides = array<i32>} : memref<2064xf32, #tpu.memory_space<vmem>>, vector<16xf32>,
          tpu.vector_store %arg7[%swap3A_481], %broadcast_in_dim3A_354 {add = true, strides = array<i32>} : memref<2064xf32, #tpu.memory_space<vmem>>, vector<16xf32>,
          %parallel_loop3A_483 = arith.constant 0 : i32
          %parallel_loop3A_484 = arith.constant 768 : i32
          %parallel_loop3A_485 = arith.constant 16 : i32
          scf.for %parallel_loop3A_882 = %parallel_loop3A_483 to %parallel_loop3A_484 step %parallel_loop3A_485  : i32 {
            %parallel_loop3A_883 = arith.addi %mul3A_472, %parallel_loop3A_882 : i32
            %parallel_loop3A_884 = arith.addi %mul3A_478, %parallel_loop3A_882 : i32
            %parallel_loop3A_885 = arith.index_cast %parallel_loop3A_884 : i32 to index
            %parallel_loop3A_886 = tpu.vector_load %arg8[%parallel_loop3A_885] {strides = array<i32>} : memref<12288xf32, #tpu.memory_space<vmem>>, vector<16xf32>,
            %parallel_loop3A_887 = arith.index_cast %parallel_loop3A_883 : i32 to index
            %parallel_loop3A_888 = tpu.vector_load %arg6[%parallel_loop3A_887] {strides = array<i32>} : memref<99072xf32, #tpu.memory_space<vmem>>, vector<16xf32>,
            tpu.vector_store %arg6[%parallel_loop3A_887], %parallel_loop3A_886 {add = true, strides = array<i32>} : memref<99072xf32, #tpu.memory_space<vmem>>, vector<16xf32>,
          } {sc.loop_unroll_factor = 8 : i64, sc.parallel_access}
          %mul3A_486 = arith.constant 16 : i32
          %mul3A_487 = arith.muli %mul3A_313, %mul3A_486 : i32
          %add3A_488 = arith.constant 0 : i32
          %add3A_489 = arith.addi %mul3A_487, %add3A_488 : i32
          %add3A_490 = arith.constant 4 : i32
          %add3A_491 = arith.addi %add3A_489, %add3A_490 : i32
          %slice3A_492 = vector.extract_strided_slice %get3A_355 {offsets = [4], sizes = [1], strides = [1]} : vector<16xi32> to vector<1xi32>
          %squeeze3A_493 = vector.extract %slice3A_492[0] : i32 from vector<1xi32>
          %sub3A_494 = arith.subi %squeeze3A_493, %add3A_193 : i32
          %lt3A_495 = arith.cmpi slt, %add3A_491, %sub3A_231 : i32
          %ge3A_496 = arith.constant 0 : i32
          %ge3A_497 = arith.cmpi sge, %sub3A_494, %ge3A_496 : i32
          %and3A_498 = arith.andi %lt3A_495, %ge3A_497 : i1
          %lt3A_499 = arith.constant 128 : i32
          %lt3A_500 = arith.cmpi slt, %sub3A_494, %lt3A_499 : i32
          %and3A_501 = arith.andi %and3A_498, %lt3A_500 : i1
          %jit3A_502 = arith.constant 128 : i32
          %select_n3A_503 = arith.select %and3A_501, %sub3A_494, %jit3A_502 : i32
          %mul3A_504 = arith.constant 768 : i32
          %mul3A_505 = arith.muli %select_n3A_503, %mul3A_504 : i32
          %add3A_506 = arith.constant 0 : i32
          %add3A_507 = arith.addi %sub3A_352, %add3A_506 : i32
          %add3A_508 = arith.constant 4 : i32
          %add3A_509 = arith.addi %add3A_507, %add3A_508 : i32
          %mul3A_510 = arith.constant 768 : i32
          %mul3A_511 = arith.muli %add3A_509, %mul3A_510 : i32
          %mul3A_512 = arith.constant 16 : i32
          %mul3A_513 = arith.muli %select_n3A_503, %mul3A_512 : i32
          %swap3A_514 = arith.index_cast %mul3A_513 : i32 to index
          %swap3A_515 = tpu.vector_load %arg7[%swap3A_514] {strides = array<i32>} : memref<2064xf32, #tpu.memory_space<vmem>>, vector<16xf32>,
          tpu.vector_store %arg7[%swap3A_514], %broadcast_in_dim3A_354 {add = true, strides = array<i32>} : memref<2064xf32, #tpu.memory_space<vmem>>, vector<16xf32>,
          %parallel_loop3A_516 = arith.constant 0 : i32
          %parallel_loop3A_517 = arith.constant 768 : i32
          %parallel_loop3A_518 = arith.constant 16 : i32
          scf.for %parallel_loop3A_882 = %parallel_loop3A_516 to %parallel_loop3A_517 step %parallel_loop3A_518  : i32 {
            %parallel_loop3A_883 = arith.addi %mul3A_505, %parallel_loop3A_882 : i32
            %parallel_loop3A_884 = arith.addi %mul3A_511, %parallel_loop3A_882 : i32
            %parallel_loop3A_885 = arith.index_cast %parallel_loop3A_884 : i32 to index
            %parallel_loop3A_886 = tpu.vector_load %arg8[%parallel_loop3A_885] {strides = array<i32>} : memref<12288xf32, #tpu.memory_space<vmem>>, vector<16xf32>,
            %parallel_loop3A_887 = arith.index_cast %parallel_loop3A_883 : i32 to index
            %parallel_loop3A_888 = tpu.vector_load %arg6[%parallel_loop3A_887] {strides = array<i32>} : memref<99072xf32, #tpu.memory_space<vmem>>, vector<16xf32>,
            tpu.vector_store %arg6[%parallel_loop3A_887], %parallel_loop3A_886 {add = true, strides = array<i32>} : memref<99072xf32, #tpu.memory_space<vmem>>, vector<16xf32>,
          } {sc.loop_unroll_factor = 8 : i64, sc.parallel_access}
          %mul3A_519 = arith.constant 16 : i32
          %mul3A_520 = arith.muli %mul3A_313, %mul3A_519 : i32
          %add3A_521 = arith.constant 0 : i32
          %add3A_522 = arith.addi %mul3A_520, %add3A_521 : i32
          %add3A_523 = arith.constant 5 : i32
          %add3A_524 = arith.addi %add3A_522, %add3A_523 : i32
          %slice3A_525 = vector.extract_strided_slice %get3A_355 {offsets = [5], sizes = [1], strides = [1]} : vector<16xi32> to vector<1xi32>
          %squeeze3A_526 = vector.extract %slice3A_525[0] : i32 from vector<1xi32>
          %sub3A_527 = arith.subi %squeeze3A_526, %add3A_193 : i32
          %lt3A_528 = arith.cmpi slt, %add3A_524, %sub3A_231 : i32
          %ge3A_529 = arith.constant 0 : i32
          %ge3A_530 = arith.cmpi sge, %sub3A_527, %ge3A_529 : i32
          %and3A_531 = arith.andi %lt3A_528, %ge3A_530 : i1
          %lt3A_532 = arith.constant 128 : i32
          %lt3A_533 = arith.cmpi slt, %sub3A_527, %lt3A_532 : i32
          %and3A_534 = arith.andi %and3A_531, %lt3A_533 : i1
          %jit3A_535 = arith.constant 128 : i32
          %select_n3A_536 = arith.select %and3A_534, %sub3A_527, %jit3A_535 : i32
          %mul3A_537 = arith.constant 768 : i32
          %mul3A_538 = arith.muli %select_n3A_536, %mul3A_537 : i32
          %add3A_539 = arith.constant 0 : i32
          %add3A_540 = arith.addi %sub3A_352, %add3A_539 : i32
          %add3A_541 = arith.constant 5 : i32
          %add3A_542 = arith.addi %add3A_540, %add3A_541 : i32
          %mul3A_543 = arith.constant 768 : i32
          %mul3A_544 = arith.muli %add3A_542, %mul3A_543 : i32
          %mul3A_545 = arith.constant 16 : i32
          %mul3A_546 = arith.muli %select_n3A_536, %mul3A_545 : i32
          %swap3A_547 = arith.index_cast %mul3A_546 : i32 to index
          %swap3A_548 = tpu.vector_load %arg7[%swap3A_547] {strides = array<i32>} : memref<2064xf32, #tpu.memory_space<vmem>>, vector<16xf32>,
          tpu.vector_store %arg7[%swap3A_547], %broadcast_in_dim3A_354 {add = true, strides = array<i32>} : memref<2064xf32, #tpu.memory_space<vmem>>, vector<16xf32>,
          %parallel_loop3A_549 = arith.constant 0 : i32
          %parallel_loop3A_550 = arith.constant 768 : i32
          %parallel_loop3A_551 = arith.constant 16 : i32
          scf.for %parallel_loop3A_882 = %parallel_loop3A_549 to %parallel_loop3A_550 step %parallel_loop3A_551  : i32 {
            %parallel_loop3A_883 = arith.addi %mul3A_538, %parallel_loop3A_882 : i32
            %parallel_loop3A_884 = arith.addi %mul3A_544, %parallel_loop3A_882 : i32
            %parallel_loop3A_885 = arith.index_cast %parallel_loop3A_884 : i32 to index
            %parallel_loop3A_886 = tpu.vector_load %arg8[%parallel_loop3A_885] {strides = array<i32>} : memref<12288xf32, #tpu.memory_space<vmem>>, vector<16xf32>,
            %parallel_loop3A_887 = arith.index_cast %parallel_loop3A_883 : i32 to index
            %parallel_loop3A_888 = tpu.vector_load %arg6[%parallel_loop3A_887] {strides = array<i32>} : memref<99072xf32, #tpu.memory_space<vmem>>, vector<16xf32>,
            tpu.vector_store %arg6[%parallel_loop3A_887], %parallel_loop3A_886 {add = true, strides = array<i32>} : memref<99072xf32, #tpu.memory_space<vmem>>, vector<16xf32>,
          } {sc.loop_unroll_factor = 8 : i64, sc.parallel_access}
          %mul3A_552 = arith.constant 16 : i32
          %mul3A_553 = arith.muli %mul3A_313, %mul3A_552 : i32
          %add3A_554 = arith.constant 0 : i32
          %add3A_555 = arith.addi %mul3A_553, %add3A_554 : i32
          %add3A_556 = arith.constant 6 : i32
          %add3A_557 = arith.addi %add3A_555, %add3A_556 : i32
          %slice3A_558 = vector.extract_strided_slice %get3A_355 {offsets = [6], sizes = [1], strides = [1]} : vector<16xi32> to vector<1xi32>
          %squeeze3A_559 = vector.extract %slice3A_558[0] : i32 from vector<1xi32>
          %sub3A_560 = arith.subi %squeeze3A_559, %add3A_193 : i32
          %lt3A_561 = arith.cmpi slt, %add3A_557, %sub3A_231 : i32
          %ge3A_562 = arith.constant 0 : i32
          %ge3A_563 = arith.cmpi sge, %sub3A_560, %ge3A_562 : i32
          %and3A_564 = arith.andi %lt3A_561, %ge3A_563 : i1
          %lt3A_565 = arith.constant 128 : i32
          %lt3A_566 = arith.cmpi slt, %sub3A_560, %lt3A_565 : i32
          %and3A_567 = arith.andi %and3A_564, %lt3A_566 : i1
          %jit3A_568 = arith.constant 128 : i32
          %select_n3A_569 = arith.select %and3A_567, %sub3A_560, %jit3A_568 : i32
          %mul3A_570 = arith.constant 768 : i32
          %mul3A_571 = arith.muli %select_n3A_569, %mul3A_570 : i32
          %add3A_572 = arith.constant 0 : i32
          %add3A_573 = arith.addi %sub3A_352, %add3A_572 : i32
          %add3A_574 = arith.constant 6 : i32
          %add3A_575 = arith.addi %add3A_573, %add3A_574 : i32
          %mul3A_576 = arith.constant 768 : i32
          %mul3A_577 = arith.muli %add3A_575, %mul3A_576 : i32
          %mul3A_578 = arith.constant 16 : i32
          %mul3A_579 = arith.muli %select_n3A_569, %mul3A_578 : i32
          %swap3A_580 = arith.index_cast %mul3A_579 : i32 to index
          %swap3A_581 = tpu.vector_load %arg7[%swap3A_580] {strides = array<i32>} : memref<2064xf32, #tpu.memory_space<vmem>>, vector<16xf32>,
          tpu.vector_store %arg7[%swap3A_580], %broadcast_in_dim3A_354 {add = true, strides = array<i32>} : memref<2064xf32, #tpu.memory_space<vmem>>, vector<16xf32>,
          %parallel_loop3A_582 = arith.constant 0 : i32
          %parallel_loop3A_583 = arith.constant 768 : i32
          %parallel_loop3A_584 = arith.constant 16 : i32
          scf.for %parallel_loop3A_882 = %parallel_loop3A_582 to %parallel_loop3A_583 step %parallel_loop3A_584  : i32 {
            %parallel_loop3A_883 = arith.addi %mul3A_571, %parallel_loop3A_882 : i32
            %parallel_loop3A_884 = arith.addi %mul3A_577, %parallel_loop3A_882 : i32
            %parallel_loop3A_885 = arith.index_cast %parallel_loop3A_884 : i32 to index
            %parallel_loop3A_886 = tpu.vector_load %arg8[%parallel_loop3A_885] {strides = array<i32>} : memref<12288xf32, #tpu.memory_space<vmem>>, vector<16xf32>,
            %parallel_loop3A_887 = arith.index_cast %parallel_loop3A_883 : i32 to index
            %parallel_loop3A_888 = tpu.vector_load %arg6[%parallel_loop3A_887] {strides = array<i32>} : memref<99072xf32, #tpu.memory_space<vmem>>, vector<16xf32>,
            tpu.vector_store %arg6[%parallel_loop3A_887], %parallel_loop3A_886 {add = true, strides = array<i32>} : memref<99072xf32, #tpu.memory_space<vmem>>, vector<16xf32>,
          } {sc.loop_unroll_factor = 8 : i64, sc.parallel_access}
          %mul3A_585 = arith.constant 16 : i32
          %mul3A_586 = arith.muli %mul3A_313, %mul3A_585 : i32
          %add3A_587 = arith.constant 0 : i32
          %add3A_588 = arith.addi %mul3A_586, %add3A_587 : i32
          %add3A_589 = arith.constant 7 : i32
          %add3A_590 = arith.addi %add3A_588, %add3A_589 : i32
          %slice3A_591 = vector.extract_strided_slice %get3A_355 {offsets = [7], sizes = [1], strides = [1]} : vector<16xi32> to vector<1xi32>
          %squeeze3A_592 = vector.extract %slice3A_591[0] : i32 from vector<1xi32>
          %sub3A_593 = arith.subi %squeeze3A_592, %add3A_193 : i32
          %lt3A_594 = arith.cmpi slt, %add3A_590, %sub3A_231 : i32
          %ge3A_595 = arith.constant 0 : i32
          %ge3A_596 = arith.cmpi sge, %sub3A_593, %ge3A_595 : i32
          %and3A_597 = arith.andi %lt3A_594, %ge3A_596 : i1
          %lt3A_598 = arith.constant 128 : i32
          %lt3A_599 = arith.cmpi slt, %sub3A_593, %lt3A_598 : i32
          %and3A_600 = arith.andi %and3A_597, %lt3A_599 : i1
          %jit3A_601 = arith.constant 128 : i32
          %select_n3A_602 = arith.select %and3A_600, %sub3A_593, %jit3A_601 : i32
          %mul3A_603 = arith.constant 768 : i32
          %mul3A_604 = arith.muli %select_n3A_602, %mul3A_603 : i32
          %add3A_605 = arith.constant 0 : i32
          %add3A_606 = arith.addi %sub3A_352, %add3A_605 : i32
          %add3A_607 = arith.constant 7 : i32
          %add3A_608 = arith.addi %add3A_606, %add3A_607 : i32
          %mul3A_609 = arith.constant 768 : i32
          %mul3A_610 = arith.muli %add3A_608, %mul3A_609 : i32
          %mul3A_611 = arith.constant 16 : i32
          %mul3A_612 = arith.muli %select_n3A_602, %mul3A_611 : i32
          %swap3A_613 = arith.index_cast %mul3A_612 : i32 to index
          %swap3A_614 = tpu.vector_load %arg7[%swap3A_613] {strides = array<i32>} : memref<2064xf32, #tpu.memory_space<vmem>>, vector<16xf32>,
          tpu.vector_store %arg7[%swap3A_613], %broadcast_in_dim3A_354 {add = true, strides = array<i32>} : memref<2064xf32, #tpu.memory_space<vmem>>, vector<16xf32>,
          %parallel_loop3A_615 = arith.constant 0 : i32
          %parallel_loop3A_616 = arith.constant 768 : i32
          %parallel_loop3A_617 = arith.constant 16 : i32
          scf.for %parallel_loop3A_882 = %parallel_loop3A_615 to %parallel_loop3A_616 step %parallel_loop3A_617  : i32 {
            %parallel_loop3A_883 = arith.addi %mul3A_604, %parallel_loop3A_882 : i32
            %parallel_loop3A_884 = arith.addi %mul3A_610, %parallel_loop3A_882 : i32
            %parallel_loop3A_885 = arith.index_cast %parallel_loop3A_884 : i32 to index
            %parallel_loop3A_886 = tpu.vector_load %arg8[%parallel_loop3A_885] {strides = array<i32>} : memref<12288xf32, #tpu.memory_space<vmem>>, vector<16xf32>,
            %parallel_loop3A_887 = arith.index_cast %parallel_loop3A_883 : i32 to index
            %parallel_loop3A_888 = tpu.vector_load %arg6[%parallel_loop3A_887] {strides = array<i32>} : memref<99072xf32, #tpu.memory_space<vmem>>, vector<16xf32>,
            tpu.vector_store %arg6[%parallel_loop3A_887], %parallel_loop3A_886 {add = true, strides = array<i32>} : memref<99072xf32, #tpu.memory_space<vmem>>, vector<16xf32>,
          } {sc.loop_unroll_factor = 8 : i64, sc.parallel_access}
          %mul3A_618 = arith.constant 16 : i32
          %mul3A_619 = arith.muli %mul3A_313, %mul3A_618 : i32
          %add3A_620 = arith.constant 0 : i32
          %add3A_621 = arith.addi %mul3A_619, %add3A_620 : i32
          %add3A_622 = arith.constant 8 : i32
          %add3A_623 = arith.addi %add3A_621, %add3A_622 : i32
          %slice3A_624 = vector.extract_strided_slice %get3A_355 {offsets = [8], sizes = [1], strides = [1]} : vector<16xi32> to vector<1xi32>
          %squeeze3A_625 = vector.extract %slice3A_624[0] : i32 from vector<1xi32>
          %sub3A_626 = arith.subi %squeeze3A_625, %add3A_193 : i32
          %lt3A_627 = arith.cmpi slt, %add3A_623, %sub3A_231 : i32
          %ge3A_628 = arith.constant 0 : i32
          %ge3A_629 = arith.cmpi sge, %sub3A_626, %ge3A_628 : i32
          %and3A_630 = arith.andi %lt3A_627, %ge3A_629 : i1
          %lt3A_631 = arith.constant 128 : i32
          %lt3A_632 = arith.cmpi slt, %sub3A_626, %lt3A_631 : i32
          %and3A_633 = arith.andi %and3A_630, %lt3A_632 : i1
          %jit3A_634 = arith.constant 128 : i32
          %select_n3A_635 = arith.select %and3A_633, %sub3A_626, %jit3A_634 : i32
          %mul3A_636 = arith.constant 768 : i32
          %mul3A_637 = arith.muli %select_n3A_635, %mul3A_636 : i32
          %add3A_638 = arith.constant 0 : i32
          %add3A_639 = arith.addi %sub3A_352, %add3A_638 : i32
          %add3A_640 = arith.constant 8 : i32
          %add3A_641 = arith.addi %add3A_639, %add3A_640 : i32
          %mul3A_642 = arith.constant 768 : i32
          %mul3A_643 = arith.muli %add3A_641, %mul3A_642 : i32
          %mul3A_644 = arith.constant 16 : i32
          %mul3A_645 = arith.muli %select_n3A_635, %mul3A_644 : i32
          %swap3A_646 = arith.index_cast %mul3A_645 : i32 to index
          %swap3A_647 = tpu.vector_load %arg7[%swap3A_646] {strides = array<i32>} : memref<2064xf32, #tpu.memory_space<vmem>>, vector<16xf32>,
          tpu.vector_store %arg7[%swap3A_646], %broadcast_in_dim3A_354 {add = true, strides = array<i32>} : memref<2064xf32, #tpu.memory_space<vmem>>, vector<16xf32>,
          %parallel_loop3A_648 = arith.constant 0 : i32
          %parallel_loop3A_649 = arith.constant 768 : i32
          %parallel_loop3A_650 = arith.constant 16 : i32
          scf.for %parallel_loop3A_882 = %parallel_loop3A_648 to %parallel_loop3A_649 step %parallel_loop3A_650  : i32 {
            %parallel_loop3A_883 = arith.addi %mul3A_637, %parallel_loop3A_882 : i32
            %parallel_loop3A_884 = arith.addi %mul3A_643, %parallel_loop3A_882 : i32
            %parallel_loop3A_885 = arith.index_cast %parallel_loop3A_884 : i32 to index
            %parallel_loop3A_886 = tpu.vector_load %arg8[%parallel_loop3A_885] {strides = array<i32>} : memref<12288xf32, #tpu.memory_space<vmem>>, vector<16xf32>,
            %parallel_loop3A_887 = arith.index_cast %parallel_loop3A_883 : i32 to index
            %parallel_loop3A_888 = tpu.vector_load %arg6[%parallel_loop3A_887] {strides = array<i32>} : memref<99072xf32, #tpu.memory_space<vmem>>, vector<16xf32>,
            tpu.vector_store %arg6[%parallel_loop3A_887], %parallel_loop3A_886 {add = true, strides = array<i32>} : memref<99072xf32, #tpu.memory_space<vmem>>, vector<16xf32>,
          } {sc.loop_unroll_factor = 8 : i64, sc.parallel_access}
          %mul3A_651 = arith.constant 16 : i32
          %mul3A_652 = arith.muli %mul3A_313, %mul3A_651 : i32
          %add3A_653 = arith.constant 0 : i32
          %add3A_654 = arith.addi %mul3A_652, %add3A_653 : i32
          %add3A_655 = arith.constant 9 : i32
          %add3A_656 = arith.addi %add3A_654, %add3A_655 : i32
          %slice3A_657 = vector.extract_strided_slice %get3A_355 {offsets = [9], sizes = [1], strides = [1]} : vector<16xi32> to vector<1xi32>
          %squeeze3A_658 = vector.extract %slice3A_657[0] : i32 from vector<1xi32>
          %sub3A_659 = arith.subi %squeeze3A_658, %add3A_193 : i32
          %lt3A_660 = arith.cmpi slt, %add3A_656, %sub3A_231 : i32
          %ge3A_661 = arith.constant 0 : i32
          %ge3A_662 = arith.cmpi sge, %sub3A_659, %ge3A_661 : i32
          %and3A_663 = arith.andi %lt3A_660, %ge3A_662 : i1
          %lt3A_664 = arith.constant 128 : i32
          %lt3A_665 = arith.cmpi slt, %sub3A_659, %lt3A_664 : i32
          %and3A_666 = arith.andi %and3A_663, %lt3A_665 : i1
          %jit3A_667 = arith.constant 128 : i32
          %select_n3A_668 = arith.select %and3A_666, %sub3A_659, %jit3A_667 : i32
          %mul3A_669 = arith.constant 768 : i32
          %mul3A_670 = arith.muli %select_n3A_668, %mul3A_669 : i32
          %add3A_671 = arith.constant 0 : i32
          %add3A_672 = arith.addi %sub3A_352, %add3A_671 : i32
          %add3A_673 = arith.constant 9 : i32
          %add3A_674 = arith.addi %add3A_672, %add3A_673 : i32
          %mul3A_675 = arith.constant 768 : i32
          %mul3A_676 = arith.muli %add3A_674, %mul3A_675 : i32
          %mul3A_677 = arith.constant 16 : i32
          %mul3A_678 = arith.muli %select_n3A_668, %mul3A_677 : i32
          %swap3A_679 = arith.index_cast %mul3A_678 : i32 to index
          %swap3A_680 = tpu.vector_load %arg7[%swap3A_679] {strides = array<i32>} : memref<2064xf32, #tpu.memory_space<vmem>>, vector<16xf32>,
          tpu.vector_store %arg7[%swap3A_679], %broadcast_in_dim3A_354 {add = true, strides = array<i32>} : memref<2064xf32, #tpu.memory_space<vmem>>, vector<16xf32>,
          %parallel_loop3A_681 = arith.constant 0 : i32
          %parallel_loop3A_682 = arith.constant 768 : i32
          %parallel_loop3A_683 = arith.constant 16 : i32
          scf.for %parallel_loop3A_882 = %parallel_loop3A_681 to %parallel_loop3A_682 step %parallel_loop3A_683  : i32 {
            %parallel_loop3A_883 = arith.addi %mul3A_670, %parallel_loop3A_882 : i32
            %parallel_loop3A_884 = arith.addi %mul3A_676, %parallel_loop3A_882 : i32
            %parallel_loop3A_885 = arith.index_cast %parallel_loop3A_884 : i32 to index
            %parallel_loop3A_886 = tpu.vector_load %arg8[%parallel_loop3A_885] {strides = array<i32>} : memref<12288xf32, #tpu.memory_space<vmem>>, vector<16xf32>,
            %parallel_loop3A_887 = arith.index_cast %parallel_loop3A_883 : i32 to index
            %parallel_loop3A_888 = tpu.vector_load %arg6[%parallel_loop3A_887] {strides = array<i32>} : memref<99072xf32, #tpu.memory_space<vmem>>, vector<16xf32>,
            tpu.vector_store %arg6[%parallel_loop3A_887], %parallel_loop3A_886 {add = true, strides = array<i32>} : memref<99072xf32, #tpu.memory_space<vmem>>, vector<16xf32>,
          } {sc.loop_unroll_factor = 8 : i64, sc.parallel_access}
          %mul3A_684 = arith.constant 16 : i32
          %mul3A_685 = arith.muli %mul3A_313, %mul3A_684 : i32
          %add3A_686 = arith.constant 0 : i32
          %add3A_687 = arith.addi %mul3A_685, %add3A_686 : i32
          %add3A_688 = arith.constant 10 : i32
          %add3A_689 = arith.addi %add3A_687, %add3A_688 : i32
          %slice3A_690 = vector.extract_strided_slice %get3A_355 {offsets = [10], sizes = [1], strides = [1]} : vector<16xi32> to vector<1xi32>
          %squeeze3A_691 = vector.extract %slice3A_690[0] : i32 from vector<1xi32>
          %sub3A_692 = arith.subi %squeeze3A_691, %add3A_193 : i32
          %lt3A_693 = arith.cmpi slt, %add3A_689, %sub3A_231 : i32
          %ge3A_694 = arith.constant 0 : i32
          %ge3A_695 = arith.cmpi sge, %sub3A_692, %ge3A_694 : i32
          %and3A_696 = arith.andi %lt3A_693, %ge3A_695 : i1
          %lt3A_697 = arith.constant 128 : i32
          %lt3A_698 = arith.cmpi slt, %sub3A_692, %lt3A_697 : i32
          %and3A_699 = arith.andi %and3A_696, %lt3A_698 : i1
          %jit3A_700 = arith.constant 128 : i32
          %select_n3A_701 = arith.select %and3A_699, %sub3A_692, %jit3A_700 : i32
          %mul3A_702 = arith.constant 768 : i32
          %mul3A_703 = arith.muli %select_n3A_701, %mul3A_702 : i32
          %add3A_704 = arith.constant 0 : i32
          %add3A_705 = arith.addi %sub3A_352, %add3A_704 : i32
          %add3A_706 = arith.constant 10 : i32
          %add3A_707 = arith.addi %add3A_705, %add3A_706 : i32
          %mul3A_708 = arith.constant 768 : i32
          %mul3A_709 = arith.muli %add3A_707, %mul3A_708 : i32
          %mul3A_710 = arith.constant 16 : i32
          %mul3A_711 = arith.muli %select_n3A_701, %mul3A_710 : i32
          %swap3A_712 = arith.index_cast %mul3A_711 : i32 to index
          %swap3A_713 = tpu.vector_load %arg7[%swap3A_712] {strides = array<i32>} : memref<2064xf32, #tpu.memory_space<vmem>>, vector<16xf32>,
          tpu.vector_store %arg7[%swap3A_712], %broadcast_in_dim3A_354 {add = true, strides = array<i32>} : memref<2064xf32, #tpu.memory_space<vmem>>, vector<16xf32>,
          %parallel_loop3A_714 = arith.constant 0 : i32
          %parallel_loop3A_715 = arith.constant 768 : i32
          %parallel_loop3A_716 = arith.constant 16 : i32
          scf.for %parallel_loop3A_882 = %parallel_loop3A_714 to %parallel_loop3A_715 step %parallel_loop3A_716  : i32 {
            %parallel_loop3A_883 = arith.addi %mul3A_703, %parallel_loop3A_882 : i32
            %parallel_loop3A_884 = arith.addi %mul3A_709, %parallel_loop3A_882 : i32
            %parallel_loop3A_885 = arith.index_cast %parallel_loop3A_884 : i32 to index
            %parallel_loop3A_886 = tpu.vector_load %arg8[%parallel_loop3A_885] {strides = array<i32>} : memref<12288xf32, #tpu.memory_space<vmem>>, vector<16xf32>,
            %parallel_loop3A_887 = arith.index_cast %parallel_loop3A_883 : i32 to index
            %parallel_loop3A_888 = tpu.vector_load %arg6[%parallel_loop3A_887] {strides = array<i32>} : memref<99072xf32, #tpu.memory_space<vmem>>, vector<16xf32>,
            tpu.vector_store %arg6[%parallel_loop3A_887], %parallel_loop3A_886 {add = true, strides = array<i32>} : memref<99072xf32, #tpu.memory_space<vmem>>, vector<16xf32>,
          } {sc.loop_unroll_factor = 8 : i64, sc.parallel_access}
          %mul3A_717 = arith.constant 16 : i32
          %mul3A_718 = arith.muli %mul3A_313, %mul3A_717 : i32
          %add3A_719 = arith.constant 0 : i32
          %add3A_720 = arith.addi %mul3A_718, %add3A_719 : i32
          %add3A_721 = arith.constant 11 : i32
          %add3A_722 = arith.addi %add3A_720, %add3A_721 : i32
          %slice3A_723 = vector.extract_strided_slice %get3A_355 {offsets = [11], sizes = [1], strides = [1]} : vector<16xi32> to vector<1xi32>
          %squeeze3A_724 = vector.extract %slice3A_723[0] : i32 from vector<1xi32>
          %sub3A_725 = arith.subi %squeeze3A_724, %add3A_193 : i32
          %lt3A_726 = arith.cmpi slt, %add3A_722, %sub3A_231 : i32
          %ge3A_727 = arith.constant 0 : i32
          %ge3A_728 = arith.cmpi sge, %sub3A_725, %ge3A_727 : i32
          %and3A_729 = arith.andi %lt3A_726, %ge3A_728 : i1
          %lt3A_730 = arith.constant 128 : i32
          %lt3A_731 = arith.cmpi slt, %sub3A_725, %lt3A_730 : i32
          %and3A_732 = arith.andi %and3A_729, %lt3A_731 : i1
          %jit3A_733 = arith.constant 128 : i32
          %select_n3A_734 = arith.select %and3A_732, %sub3A_725, %jit3A_733 : i32
          %mul3A_735 = arith.constant 768 : i32
          %mul3A_736 = arith.muli %select_n3A_734, %mul3A_735 : i32
          %add3A_737 = arith.constant 0 : i32
          %add3A_738 = arith.addi %sub3A_352, %add3A_737 : i32
          %add3A_739 = arith.constant 11 : i32
          %add3A_740 = arith.addi %add3A_738, %add3A_739 : i32
          %mul3A_741 = arith.constant 768 : i32
          %mul3A_742 = arith.muli %add3A_740, %mul3A_741 : i32
          %mul3A_743 = arith.constant 16 : i32
          %mul3A_744 = arith.muli %select_n3A_734, %mul3A_743 : i32
          %swap3A_745 = arith.index_cast %mul3A_744 : i32 to index
          %swap3A_746 = tpu.vector_load %arg7[%swap3A_745] {strides = array<i32>} : memref<2064xf32, #tpu.memory_space<vmem>>, vector<16xf32>,
          tpu.vector_store %arg7[%swap3A_745], %broadcast_in_dim3A_354 {add = true, strides = array<i32>} : memref<2064xf32, #tpu.memory_space<vmem>>, vector<16xf32>,
          %parallel_loop3A_747 = arith.constant 0 : i32
          %parallel_loop3A_748 = arith.constant 768 : i32
          %parallel_loop3A_749 = arith.constant 16 : i32
          scf.for %parallel_loop3A_882 = %parallel_loop3A_747 to %parallel_loop3A_748 step %parallel_loop3A_749  : i32 {
            %parallel_loop3A_883 = arith.addi %mul3A_736, %parallel_loop3A_882 : i32
            %parallel_loop3A_884 = arith.addi %mul3A_742, %parallel_loop3A_882 : i32
            %parallel_loop3A_885 = arith.index_cast %parallel_loop3A_884 : i32 to index
            %parallel_loop3A_886 = tpu.vector_load %arg8[%parallel_loop3A_885] {strides = array<i32>} : memref<12288xf32, #tpu.memory_space<vmem>>, vector<16xf32>,
            %parallel_loop3A_887 = arith.index_cast %parallel_loop3A_883 : i32 to index
            %parallel_loop3A_888 = tpu.vector_load %arg6[%parallel_loop3A_887] {strides = array<i32>} : memref<99072xf32, #tpu.memory_space<vmem>>, vector<16xf32>,
            tpu.vector_store %arg6[%parallel_loop3A_887], %parallel_loop3A_886 {add = true, strides = array<i32>} : memref<99072xf32, #tpu.memory_space<vmem>>, vector<16xf32>,
          } {sc.loop_unroll_factor = 8 : i64, sc.parallel_access}
          %mul3A_750 = arith.constant 16 : i32
          %mul3A_751 = arith.muli %mul3A_313, %mul3A_750 : i32
          %add3A_752 = arith.constant 0 : i32
          %add3A_753 = arith.addi %mul3A_751, %add3A_752 : i32
          %add3A_754 = arith.constant 12 : i32
          %add3A_755 = arith.addi %add3A_753, %add3A_754 : i32
          %slice3A_756 = vector.extract_strided_slice %get3A_355 {offsets = [12], sizes = [1], strides = [1]} : vector<16xi32> to vector<1xi32>
          %squeeze3A_757 = vector.extract %slice3A_756[0] : i32 from vector<1xi32>
          %sub3A_758 = arith.subi %squeeze3A_757, %add3A_193 : i32
          %lt3A_759 = arith.cmpi slt, %add3A_755, %sub3A_231 : i32
          %ge3A_760 = arith.constant 0 : i32
          %ge3A_761 = arith.cmpi sge, %sub3A_758, %ge3A_760 : i32
          %and3A_762 = arith.andi %lt3A_759, %ge3A_761 : i1
          %lt3A_763 = arith.constant 128 : i32
          %lt3A_764 = arith.cmpi slt, %sub3A_758, %lt3A_763 : i32
          %and3A_765 = arith.andi %and3A_762, %lt3A_764 : i1
          %jit3A_766 = arith.constant 128 : i32
          %select_n3A_767 = arith.select %and3A_765, %sub3A_758, %jit3A_766 : i32
          %mul3A_768 = arith.constant 768 : i32
          %mul3A_769 = arith.muli %select_n3A_767, %mul3A_768 : i32
          %add3A_770 = arith.constant 0 : i32
          %add3A_771 = arith.addi %sub3A_352, %add3A_770 : i32
          %add3A_772 = arith.constant 12 : i32
          %add3A_773 = arith.addi %add3A_771, %add3A_772 : i32
          %mul3A_774 = arith.constant 768 : i32
          %mul3A_775 = arith.muli %add3A_773, %mul3A_774 : i32
          %mul3A_776 = arith.constant 16 : i32
          %mul3A_777 = arith.muli %select_n3A_767, %mul3A_776 : i32
          %swap3A_778 = arith.index_cast %mul3A_777 : i32 to index
          %swap3A_779 = tpu.vector_load %arg7[%swap3A_778] {strides = array<i32>} : memref<2064xf32, #tpu.memory_space<vmem>>, vector<16xf32>,
          tpu.vector_store %arg7[%swap3A_778], %broadcast_in_dim3A_354 {add = true, strides = array<i32>} : memref<2064xf32, #tpu.memory_space<vmem>>, vector<16xf32>,
          %parallel_loop3A_780 = arith.constant 0 : i32
          %parallel_loop3A_781 = arith.constant 768 : i32
          %parallel_loop3A_782 = arith.constant 16 : i32
          scf.for %parallel_loop3A_882 = %parallel_loop3A_780 to %parallel_loop3A_781 step %parallel_loop3A_782  : i32 {
            %parallel_loop3A_883 = arith.addi %mul3A_769, %parallel_loop3A_882 : i32
            %parallel_loop3A_884 = arith.addi %mul3A_775, %parallel_loop3A_882 : i32
            %parallel_loop3A_885 = arith.index_cast %parallel_loop3A_884 : i32 to index
            %parallel_loop3A_886 = tpu.vector_load %arg8[%parallel_loop3A_885] {strides = array<i32>} : memref<12288xf32, #tpu.memory_space<vmem>>, vector<16xf32>,
            %parallel_loop3A_887 = arith.index_cast %parallel_loop3A_883 : i32 to index
            %parallel_loop3A_888 = tpu.vector_load %arg6[%parallel_loop3A_887] {strides = array<i32>} : memref<99072xf32, #tpu.memory_space<vmem>>, vector<16xf32>,
            tpu.vector_store %arg6[%parallel_loop3A_887], %parallel_loop3A_886 {add = true, strides = array<i32>} : memref<99072xf32, #tpu.memory_space<vmem>>, vector<16xf32>,
          } {sc.loop_unroll_factor = 8 : i64, sc.parallel_access}
          %mul3A_783 = arith.constant 16 : i32
          %mul3A_784 = arith.muli %mul3A_313, %mul3A_783 : i32
          %add3A_785 = arith.constant 0 : i32
          %add3A_786 = arith.addi %mul3A_784, %add3A_785 : i32
          %add3A_787 = arith.constant 13 : i32
          %add3A_788 = arith.addi %add3A_786, %add3A_787 : i32
          %slice3A_789 = vector.extract_strided_slice %get3A_355 {offsets = [13], sizes = [1], strides = [1]} : vector<16xi32> to vector<1xi32>
          %squeeze3A_790 = vector.extract %slice3A_789[0] : i32 from vector<1xi32>
          %sub3A_791 = arith.subi %squeeze3A_790, %add3A_193 : i32
          %lt3A_792 = arith.cmpi slt, %add3A_788, %sub3A_231 : i32
          %ge3A_793 = arith.constant 0 : i32
          %ge3A_794 = arith.cmpi sge, %sub3A_791, %ge3A_793 : i32
          %and3A_795 = arith.andi %lt3A_792, %ge3A_794 : i1
          %lt3A_796 = arith.constant 128 : i32
          %lt3A_797 = arith.cmpi slt, %sub3A_791, %lt3A_796 : i32
          %and3A_798 = arith.andi %and3A_795, %lt3A_797 : i1
          %jit3A_799 = arith.constant 128 : i32
          %select_n3A_800 = arith.select %and3A_798, %sub3A_791, %jit3A_799 : i32
          %mul3A_801 = arith.constant 768 : i32
          %mul3A_802 = arith.muli %select_n3A_800, %mul3A_801 : i32
          %add3A_803 = arith.constant 0 : i32
          %add3A_804 = arith.addi %sub3A_352, %add3A_803 : i32
          %add3A_805 = arith.constant 13 : i32
          %add3A_806 = arith.addi %add3A_804, %add3A_805 : i32
          %mul3A_807 = arith.constant 768 : i32
          %mul3A_808 = arith.muli %add3A_806, %mul3A_807 : i32
          %mul3A_809 = arith.constant 16 : i32
          %mul3A_810 = arith.muli %select_n3A_800, %mul3A_809 : i32
          %swap3A_811 = arith.index_cast %mul3A_810 : i32 to index
          %swap3A_812 = tpu.vector_load %arg7[%swap3A_811] {strides = array<i32>} : memref<2064xf32, #tpu.memory_space<vmem>>, vector<16xf32>,
          tpu.vector_store %arg7[%swap3A_811], %broadcast_in_dim3A_354 {add = true, strides = array<i32>} : memref<2064xf32, #tpu.memory_space<vmem>>, vector<16xf32>,
          %parallel_loop3A_813 = arith.constant 0 : i32
          %parallel_loop3A_814 = arith.constant 768 : i32
          %parallel_loop3A_815 = arith.constant 16 : i32
          scf.for %parallel_loop3A_882 = %parallel_loop3A_813 to %parallel_loop3A_814 step %parallel_loop3A_815  : i32 {
            %parallel_loop3A_883 = arith.addi %mul3A_802, %parallel_loop3A_882 : i32
            %parallel_loop3A_884 = arith.addi %mul3A_808, %parallel_loop3A_882 : i32
            %parallel_loop3A_885 = arith.index_cast %parallel_loop3A_884 : i32 to index
            %parallel_loop3A_886 = tpu.vector_load %arg8[%parallel_loop3A_885] {strides = array<i32>} : memref<12288xf32, #tpu.memory_space<vmem>>, vector<16xf32>,
            %parallel_loop3A_887 = arith.index_cast %parallel_loop3A_883 : i32 to index
            %parallel_loop3A_888 = tpu.vector_load %arg6[%parallel_loop3A_887] {strides = array<i32>} : memref<99072xf32, #tpu.memory_space<vmem>>, vector<16xf32>,
            tpu.vector_store %arg6[%parallel_loop3A_887], %parallel_loop3A_886 {add = true, strides = array<i32>} : memref<99072xf32, #tpu.memory_space<vmem>>, vector<16xf32>,
          } {sc.loop_unroll_factor = 8 : i64, sc.parallel_access}
          %mul3A_816 = arith.constant 16 : i32
          %mul3A_817 = arith.muli %mul3A_313, %mul3A_816 : i32
          %add3A_818 = arith.constant 0 : i32
          %add3A_819 = arith.addi %mul3A_817, %add3A_818 : i32
          %add3A_820 = arith.constant 14 : i32
          %add3A_821 = arith.addi %add3A_819, %add3A_820 : i32
          %slice3A_822 = vector.extract_strided_slice %get3A_355 {offsets = [14], sizes = [1], strides = [1]} : vector<16xi32> to vector<1xi32>
          %squeeze3A_823 = vector.extract %slice3A_822[0] : i32 from vector<1xi32>
          %sub3A_824 = arith.subi %squeeze3A_823, %add3A_193 : i32
          %lt3A_825 = arith.cmpi slt, %add3A_821, %sub3A_231 : i32
          %ge3A_826 = arith.constant 0 : i32
          %ge3A_827 = arith.cmpi sge, %sub3A_824, %ge3A_826 : i32
          %and3A_828 = arith.andi %lt3A_825, %ge3A_827 : i1
          %lt3A_829 = arith.constant 128 : i32
          %lt3A_830 = arith.cmpi slt, %sub3A_824, %lt3A_829 : i32
          %and3A_831 = arith.andi %and3A_828, %lt3A_830 : i1
          %jit3A_832 = arith.constant 128 : i32
          %select_n3A_833 = arith.select %and3A_831, %sub3A_824, %jit3A_832 : i32
          %mul3A_834 = arith.constant 768 : i32
          %mul3A_835 = arith.muli %select_n3A_833, %mul3A_834 : i32
          %add3A_836 = arith.constant 0 : i32
          %add3A_837 = arith.addi %sub3A_352, %add3A_836 : i32
          %add3A_838 = arith.constant 14 : i32
          %add3A_839 = arith.addi %add3A_837, %add3A_838 : i32
          %mul3A_840 = arith.constant 768 : i32
          %mul3A_841 = arith.muli %add3A_839, %mul3A_840 : i32
          %mul3A_842 = arith.constant 16 : i32
          %mul3A_843 = arith.muli %select_n3A_833, %mul3A_842 : i32
          %swap3A_844 = arith.index_cast %mul3A_843 : i32 to index
          %swap3A_845 = tpu.vector_load %arg7[%swap3A_844] {strides = array<i32>} : memref<2064xf32, #tpu.memory_space<vmem>>, vector<16xf32>,
          tpu.vector_store %arg7[%swap3A_844], %broadcast_in_dim3A_354 {add = true, strides = array<i32>} : memref<2064xf32, #tpu.memory_space<vmem>>, vector<16xf32>,
          %parallel_loop3A_846 = arith.constant 0 : i32
          %parallel_loop3A_847 = arith.constant 768 : i32
          %parallel_loop3A_848 = arith.constant 16 : i32
          scf.for %parallel_loop3A_882 = %parallel_loop3A_846 to %parallel_loop3A_847 step %parallel_loop3A_848  : i32 {
            %parallel_loop3A_883 = arith.addi %mul3A_835, %parallel_loop3A_882 : i32
            %parallel_loop3A_884 = arith.addi %mul3A_841, %parallel_loop3A_882 : i32
            %parallel_loop3A_885 = arith.index_cast %parallel_loop3A_884 : i32 to index
            %parallel_loop3A_886 = tpu.vector_load %arg8[%parallel_loop3A_885] {strides = array<i32>} : memref<12288xf32, #tpu.memory_space<vmem>>, vector<16xf32>,
            %parallel_loop3A_887 = arith.index_cast %parallel_loop3A_883 : i32 to index
            %parallel_loop3A_888 = tpu.vector_load %arg6[%parallel_loop3A_887] {strides = array<i32>} : memref<99072xf32, #tpu.memory_space<vmem>>, vector<16xf32>,
            tpu.vector_store %arg6[%parallel_loop3A_887], %parallel_loop3A_886 {add = true, strides = array<i32>} : memref<99072xf32, #tpu.memory_space<vmem>>, vector<16xf32>,
          } {sc.loop_unroll_factor = 8 : i64, sc.parallel_access}
          %mul3A_849 = arith.constant 16 : i32
          %mul3A_850 = arith.muli %mul3A_313, %mul3A_849 : i32
          %add3A_851 = arith.constant 0 : i32
          %add3A_852 = arith.addi %mul3A_850, %add3A_851 : i32
          %add3A_853 = arith.constant 15 : i32
          %add3A_854 = arith.addi %add3A_852, %add3A_853 : i32
          %slice3A_855 = vector.extract_strided_slice %get3A_355 {offsets = [15], sizes = [1], strides = [1]} : vector<16xi32> to vector<1xi32>
          %squeeze3A_856 = vector.extract %slice3A_855[0] : i32 from vector<1xi32>
          %sub3A_857 = arith.subi %squeeze3A_856, %add3A_193 : i32
          %lt3A_858 = arith.cmpi slt, %add3A_854, %sub3A_231 : i32
          %ge3A_859 = arith.constant 0 : i32
          %ge3A_860 = arith.cmpi sge, %sub3A_857, %ge3A_859 : i32
          %and3A_861 = arith.andi %lt3A_858, %ge3A_860 : i1
          %lt3A_862 = arith.constant 128 : i32
          %lt3A_863 = arith.cmpi slt, %sub3A_857, %lt3A_862 : i32
          %and3A_864 = arith.andi %and3A_861, %lt3A_863 : i1
          %jit3A_865 = arith.constant 128 : i32
          %select_n3A_866 = arith.select %and3A_864, %sub3A_857, %jit3A_865 : i32
          %mul3A_867 = arith.constant 768 : i32
          %mul3A_868 = arith.muli %select_n3A_866, %mul3A_867 : i32
          %add3A_869 = arith.constant 0 : i32
          %add3A_870 = arith.addi %sub3A_352, %add3A_869 : i32
          %add3A_871 = arith.constant 15 : i32
          %add3A_872 = arith.addi %add3A_870, %add3A_871 : i32
          %mul3A_873 = arith.constant 768 : i32
          %mul3A_874 = arith.muli %add3A_872, %mul3A_873 : i32
          %mul3A_875 = arith.constant 16 : i32
          %mul3A_876 = arith.muli %select_n3A_866, %mul3A_875 : i32
          %swap3A_877 = arith.index_cast %mul3A_876 : i32 to index
          %swap3A_878 = tpu.vector_load %arg7[%swap3A_877] {strides = array<i32>} : memref<2064xf32, #tpu.memory_space<vmem>>, vector<16xf32>,
          tpu.vector_store %arg7[%swap3A_877], %broadcast_in_dim3A_354 {add = true, strides = array<i32>} : memref<2064xf32, #tpu.memory_space<vmem>>, vector<16xf32>,
          %parallel_loop3A_879 = arith.constant 0 : i32
          %parallel_loop3A_880 = arith.constant 768 : i32
          %parallel_loop3A_881 = arith.constant 16 : i32
          scf.for %parallel_loop3A_882 = %parallel_loop3A_879 to %parallel_loop3A_880 step %parallel_loop3A_881  : i32 {
            %parallel_loop3A_883 = arith.addi %mul3A_868, %parallel_loop3A_882 : i32
            %parallel_loop3A_884 = arith.addi %mul3A_874, %parallel_loop3A_882 : i32
            %parallel_loop3A_885 = arith.index_cast %parallel_loop3A_884 : i32 to index
            %parallel_loop3A_886 = tpu.vector_load %arg8[%parallel_loop3A_885] {strides = array<i32>} : memref<12288xf32, #tpu.memory_space<vmem>>, vector<16xf32>,
            %parallel_loop3A_887 = arith.index_cast %parallel_loop3A_883 : i32 to index
            %parallel_loop3A_888 = tpu.vector_load %arg6[%parallel_loop3A_887] {strides = array<i32>} : memref<99072xf32, #tpu.memory_space<vmem>>, vector<16xf32>,
            tpu.vector_store %arg6[%parallel_loop3A_887], %parallel_loop3A_886 {add = true, strides = array<i32>} : memref<99072xf32, #tpu.memory_space<vmem>>, vector<16xf32>,
          } {sc.loop_unroll_factor = 8 : i64, sc.parallel_access}
        } else {
        }
        %add3A_318 = arith.constant 1 : i32
        %add3A_319 = arith.addi %mul3A_313, %add3A_318 : i32
        %lt3A_320 = arith.cmpi slt, %add3A_319, %select_n3A_259 : i32
        %convert_element_type3A_321 = arith.extui %lt3A_320 : i1 to i32
        %cond3A_322 = arith.constant 0 : i32
        %cond3A_323 = arith.cmpi ne, %convert_element_type3A_321, %cond3A_322 : i32
        scf.if %cond3A_323 {
          %add3A_325 = arith.constant 1 : i32
          %add3A_326 = arith.addi %mul3A_313, %add3A_325 : i32
          %mul3A_327 = arith.constant 16 : i32
          %mul3A_328 = arith.muli %add3A_326, %mul3A_327 : i32
          %add3A_329 = arith.addi %mul3A_230, %mul3A_328 : i32
          %min3A = arith.constant 8176 : i32
          %min3A_330 = arith.minsi %add3A_329, %min3A : i32
          %multiple_of3A_331 = tpu.assume_multiple %min3A_330, 16 : i32
          %add3A_332 = arith.addi %multiple_of3A, %multiple_of3A_331 : i32
          %dma_wait3A = tpu.memref_slice %arg3[%add3A_332] : memref<32768xi32, #tpu.memory_space<hbm>> -> memref<16xi32, #tpu.memory_space<hbm>>
          %dma_wait3A_333 = tpu.memref_slice %arg3[%add3A_332] : memref<32768xi32, #tpu.memory_space<hbm>> -> memref<16xi32, #tpu.memory_space<hbm>>
          tpu.wait_dma2 semaphore(%arg15 : memref<!tpu.dma_semaphore, #tpu.memory_space<semaphore_mem>>) src(%dma_wait3A_333 : memref<16xi32, #tpu.memory_space<hbm>>) dst(%arg12 : memref<16xi32, #tpu.memory_space<vmem>>)
          %add3A_334 = arith.addi %multiple_of3A, %multiple_of3A_331 : i32
          %mul3A_335 = arith.constant 768 : i32
          %mul3A_336 = arith.muli %add3A_334, %mul3A_335 : i32
          %dma_wait3A_337 = tpu.memref_slice %arg2[%mul3A_336] : memref<25165824xf32, #tpu.memory_space<hbm>> -> memref<12288xf32, #tpu.memory_space<hbm>>
          %dma_wait3A_338 = tpu.memref_slice %arg2[%mul3A_336] : memref<25165824xf32, #tpu.memory_space<hbm>> -> memref<12288xf32, #tpu.memory_space<hbm>>
          tpu.wait_dma2 semaphore(%arg16 : memref<!tpu.dma_semaphore, #tpu.memory_space<semaphore_mem>>) src(%dma_wait3A_338 : memref<12288xf32, #tpu.memory_space<hbm>>) dst(%arg9 : memref<12288xf32, #tpu.memory_space<vmem>>)
          %add3A_339 = arith.constant 2 : i32
          %add3A_340 = arith.addi %mul3A_313, %add3A_339 : i32
          %lt3A_341 = arith.cmpi slt, %add3A_340, %select_n3A_259 : i32
          %convert_element_type3A_342 = arith.extui %lt3A_341 : i1 to i32
          %cond3A_343 = arith.constant 0 : i32
          %cond3A_344 = arith.cmpi ne, %convert_element_type3A_342, %cond3A_343 : i32
          scf.if %cond3A_344 {
            %add3A_886 = arith.constant 2 : i32
            %add3A_887 = arith.addi %mul3A_313, %add3A_886 : i32
            %mul3A_888 = arith.constant 16 : i32
            %mul3A_889 = arith.muli %add3A_887, %mul3A_888 : i32
            %add3A_890 = arith.addi %mul3A_230, %mul3A_889 : i32
            %min3A_891 = arith.constant 8176 : i32
            %min3A_892 = arith.minsi %add3A_890, %min3A_891 : i32
            %multiple_of3A_893 = tpu.assume_multiple %min3A_892, 16 : i32
            %add3A_894 = arith.addi %multiple_of3A, %multiple_of3A_893 : i32
            %dma_start3A = tpu.memref_slice %arg3[%add3A_894] : memref<32768xi32, #tpu.memory_space<hbm>> -> memref<16xi32, #tpu.memory_space<hbm>>
            %dma_start3A_895 = tpu.memref_slice %arg3[%add3A_894] : memref<32768xi32, #tpu.memory_space<hbm>> -> memref<16xi32, #tpu.memory_space<hbm>>
            tpu.enqueue_dma source(%dma_start3A_895 : memref<16xi32, #tpu.memory_space<hbm>>) target(%arg11 : memref<16xi32, #tpu.memory_space<vmem>>) target_semaphore(%arg13 : memref<!tpu.dma_semaphore, #tpu.memory_space<semaphore_mem>>)
            %add3A_896 = arith.addi %multiple_of3A, %multiple_of3A_893 : i32
            %mul3A_897 = arith.constant 768 : i32
            %mul3A_898 = arith.muli %add3A_896, %mul3A_897 : i32
            %dma_start3A_899 = tpu.memref_slice %arg2[%mul3A_898] : memref<25165824xf32, #tpu.memory_space<hbm>> -> memref<12288xf32, #tpu.memory_space<hbm>>
            %dma_start3A_900 = tpu.memref_slice %arg2[%mul3A_898] : memref<25165824xf32, #tpu.memory_space<hbm>> -> memref<12288xf32, #tpu.memory_space<hbm>>
            tpu.enqueue_dma source(%dma_start3A_900 : memref<12288xf32, #tpu.memory_space<hbm>>) target(%arg8 : memref<12288xf32, #tpu.memory_space<vmem>>) target_semaphore(%arg14 : memref<!tpu.dma_semaphore, #tpu.memory_space<semaphore_mem>>)
          } else {
          }
          %add3A_345 = arith.constant 1 : i32
          %add3A_346 = arith.addi %mul3A_313, %add3A_345 : i32
          %mul3A_347 = arith.constant 16 : i32
          %mul3A_348 = arith.muli %add3A_346, %mul3A_347 : i32
          %add3A_349 = arith.addi %mul3A_230, %mul3A_348 : i32
          %min3A_350 = arith.constant 8176 : i32
          %min3A_351 = arith.minsi %add3A_349, %min3A_350 : i32
          %multiple_of3A_352 = tpu.assume_multiple %min3A_351, 16 : i32
          %mul3A_353 = arith.constant 16 : i32
          %mul3A_354 = arith.muli %add3A_346, %mul3A_353 : i32
          %add3A_355 = arith.addi %mul3A_230, %mul3A_354 : i32
          %sub3A_356 = arith.subi %add3A_355, %multiple_of3A_352 : i32
          %broadcast_in_dim3A_357 = arith.constant 1.000000e+00 : f32
          %broadcast_in_dim3A_358 = vector.broadcast %broadcast_in_dim3A_357 : f32 to vector<16xf32>
          %get3A = arith.constant 0 : index
          %get3A_359 = tpu.vector_load %arg12[%get3A] {strides = array<i32>} : memref<16xi32, #tpu.memory_space<vmem>>, vector<16xi32>,
          %mul3A_360 = arith.constant 16 : i32
          %mul3A_361 = arith.muli %add3A_346, %mul3A_360 : i32
          %add3A_362 = arith.constant 0 : i32
          %add3A_363 = arith.addi %mul3A_361, %add3A_362 : i32
          %add3A_364 = arith.constant 0 : i32
          %add3A_365 = arith.addi %add3A_363, %add3A_364 : i32
          %slice3A_366 = vector.extract_strided_slice %get3A_359 {offsets = [0], sizes = [1], strides = [1]} : vector<16xi32> to vector<1xi32>
          %squeeze3A_367 = vector.extract %slice3A_366[0] : i32 from vector<1xi32>
          %sub3A_368 = arith.subi %squeeze3A_367, %add3A_193 : i32
          %lt3A_369 = arith.cmpi slt, %add3A_365, %sub3A_231 : i32
          %ge3A = arith.constant 0 : i32
          %ge3A_370 = arith.cmpi sge, %sub3A_368, %ge3A : i32
          %and3A_371 = arith.andi %lt3A_369, %ge3A_370 : i1
          %lt3A_372 = arith.constant 128 : i32
          %lt3A_373 = arith.cmpi slt, %sub3A_368, %lt3A_372 : i32
          %and3A_374 = arith.andi %and3A_371, %lt3A_373 : i1
          %jit3A_375 = arith.constant 128 : i32
          %select_n3A_376 = arith.select %and3A_374, %sub3A_368, %jit3A_375 : i32
          %mul3A_377 = arith.constant 768 : i32
          %mul3A_378 = arith.muli %select_n3A_376, %mul3A_377 : i32
          %add3A_379 = arith.constant 0 : i32
          %add3A_380 = arith.addi %sub3A_356, %add3A_379 : i32
          %add3A_381 = arith.constant 0 : i32
          %add3A_382 = arith.addi %add3A_380, %add3A_381 : i32
          %mul3A_383 = arith.constant 768 : i32
          %mul3A_384 = arith.muli %add3A_382, %mul3A_383 : i32
          %mul3A_385 = arith.constant 16 : i32
          %mul3A_386 = arith.muli %select_n3A_376, %mul3A_385 : i32
          %swap3A = arith.index_cast %mul3A_386 : i32 to index
          %swap3A_387 = tpu.vector_load %arg7[%swap3A] {strides = array<i32>} : memref<2064xf32, #tpu.memory_space<vmem>>, vector<16xf32>,
          tpu.vector_store %arg7[%swap3A], %broadcast_in_dim3A_358 {add = true, strides = array<i32>} : memref<2064xf32, #tpu.memory_space<vmem>>, vector<16xf32>,
          %parallel_loop3A_388 = arith.constant 0 : i32
          %parallel_loop3A_389 = arith.constant 768 : i32
          %parallel_loop3A_390 = arith.constant 16 : i32
          scf.for %parallel_loop3A_886 = %parallel_loop3A_388 to %parallel_loop3A_389 step %parallel_loop3A_390  : i32 {
            %parallel_loop3A_887 = arith.addi %mul3A_378, %parallel_loop3A_886 : i32
            %parallel_loop3A_888 = arith.addi %mul3A_384, %parallel_loop3A_886 : i32
            %parallel_loop3A_889 = arith.index_cast %parallel_loop3A_888 : i32 to index
            %parallel_loop3A_890 = tpu.vector_load %arg9[%parallel_loop3A_889] {strides = array<i32>} : memref<12288xf32, #tpu.memory_space<vmem>>, vector<16xf32>,
            %parallel_loop3A_891 = arith.index_cast %parallel_loop3A_887 : i32 to index
            %parallel_loop3A_892 = tpu.vector_load %arg6[%parallel_loop3A_891] {strides = array<i32>} : memref<99072xf32, #tpu.memory_space<vmem>>, vector<16xf32>,
            tpu.vector_store %arg6[%parallel_loop3A_891], %parallel_loop3A_890 {add = true, strides = array<i32>} : memref<99072xf32, #tpu.memory_space<vmem>>, vector<16xf32>,
          } {sc.loop_unroll_factor = 8 : i64, sc.parallel_access}
          %mul3A_391 = arith.constant 16 : i32
          %mul3A_392 = arith.muli %add3A_346, %mul3A_391 : i32
          %add3A_393 = arith.constant 0 : i32
          %add3A_394 = arith.addi %mul3A_392, %add3A_393 : i32
          %add3A_395 = arith.constant 1 : i32
          %add3A_396 = arith.addi %add3A_394, %add3A_395 : i32
          %slice3A_397 = vector.extract_strided_slice %get3A_359 {offsets = [1], sizes = [1], strides = [1]} : vector<16xi32> to vector<1xi32>
          %squeeze3A_398 = vector.extract %slice3A_397[0] : i32 from vector<1xi32>
          %sub3A_399 = arith.subi %squeeze3A_398, %add3A_193 : i32
          %lt3A_400 = arith.cmpi slt, %add3A_396, %sub3A_231 : i32
          %ge3A_401 = arith.constant 0 : i32
          %ge3A_402 = arith.cmpi sge, %sub3A_399, %ge3A_401 : i32
          %and3A_403 = arith.andi %lt3A_400, %ge3A_402 : i1
          %lt3A_404 = arith.constant 128 : i32
          %lt3A_405 = arith.cmpi slt, %sub3A_399, %lt3A_404 : i32
          %and3A_406 = arith.andi %and3A_403, %lt3A_405 : i1
          %jit3A_407 = arith.constant 128 : i32
          %select_n3A_408 = arith.select %and3A_406, %sub3A_399, %jit3A_407 : i32
          %mul3A_409 = arith.constant 768 : i32
          %mul3A_410 = arith.muli %select_n3A_408, %mul3A_409 : i32
          %add3A_411 = arith.constant 0 : i32
          %add3A_412 = arith.addi %sub3A_356, %add3A_411 : i32
          %add3A_413 = arith.constant 1 : i32
          %add3A_414 = arith.addi %add3A_412, %add3A_413 : i32
          %mul3A_415 = arith.constant 768 : i32
          %mul3A_416 = arith.muli %add3A_414, %mul3A_415 : i32
          %mul3A_417 = arith.constant 16 : i32
          %mul3A_418 = arith.muli %select_n3A_408, %mul3A_417 : i32
          %swap3A_419 = arith.index_cast %mul3A_418 : i32 to index
          %swap3A_420 = tpu.vector_load %arg7[%swap3A_419] {strides = array<i32>} : memref<2064xf32, #tpu.memory_space<vmem>>, vector<16xf32>,
          tpu.vector_store %arg7[%swap3A_419], %broadcast_in_dim3A_358 {add = true, strides = array<i32>} : memref<2064xf32, #tpu.memory_space<vmem>>, vector<16xf32>,
          %parallel_loop3A_421 = arith.constant 0 : i32
          %parallel_loop3A_422 = arith.constant 768 : i32
          %parallel_loop3A_423 = arith.constant 16 : i32
          scf.for %parallel_loop3A_886 = %parallel_loop3A_421 to %parallel_loop3A_422 step %parallel_loop3A_423  : i32 {
            %parallel_loop3A_887 = arith.addi %mul3A_410, %parallel_loop3A_886 : i32
            %parallel_loop3A_888 = arith.addi %mul3A_416, %parallel_loop3A_886 : i32
            %parallel_loop3A_889 = arith.index_cast %parallel_loop3A_888 : i32 to index
            %parallel_loop3A_890 = tpu.vector_load %arg9[%parallel_loop3A_889] {strides = array<i32>} : memref<12288xf32, #tpu.memory_space<vmem>>, vector<16xf32>,
            %parallel_loop3A_891 = arith.index_cast %parallel_loop3A_887 : i32 to index
            %parallel_loop3A_892 = tpu.vector_load %arg6[%parallel_loop3A_891] {strides = array<i32>} : memref<99072xf32, #tpu.memory_space<vmem>>, vector<16xf32>,
            tpu.vector_store %arg6[%parallel_loop3A_891], %parallel_loop3A_890 {add = true, strides = array<i32>} : memref<99072xf32, #tpu.memory_space<vmem>>, vector<16xf32>,
          } {sc.loop_unroll_factor = 8 : i64, sc.parallel_access}
          %mul3A_424 = arith.constant 16 : i32
          %mul3A_425 = arith.muli %add3A_346, %mul3A_424 : i32
          %add3A_426 = arith.constant 0 : i32
          %add3A_427 = arith.addi %mul3A_425, %add3A_426 : i32
          %add3A_428 = arith.constant 2 : i32
          %add3A_429 = arith.addi %add3A_427, %add3A_428 : i32
          %slice3A_430 = vector.extract_strided_slice %get3A_359 {offsets = [2], sizes = [1], strides = [1]} : vector<16xi32> to vector<1xi32>
          %squeeze3A_431 = vector.extract %slice3A_430[0] : i32 from vector<1xi32>
          %sub3A_432 = arith.subi %squeeze3A_431, %add3A_193 : i32
          %lt3A_433 = arith.cmpi slt, %add3A_429, %sub3A_231 : i32
          %ge3A_434 = arith.constant 0 : i32
          %ge3A_435 = arith.cmpi sge, %sub3A_432, %ge3A_434 : i32
          %and3A_436 = arith.andi %lt3A_433, %ge3A_435 : i1
          %lt3A_437 = arith.constant 128 : i32
          %lt3A_438 = arith.cmpi slt, %sub3A_432, %lt3A_437 : i32
          %and3A_439 = arith.andi %and3A_436, %lt3A_438 : i1
          %jit3A_440 = arith.constant 128 : i32
          %select_n3A_441 = arith.select %and3A_439, %sub3A_432, %jit3A_440 : i32
          %mul3A_442 = arith.constant 768 : i32
          %mul3A_443 = arith.muli %select_n3A_441, %mul3A_442 : i32
          %add3A_444 = arith.constant 0 : i32
          %add3A_445 = arith.addi %sub3A_356, %add3A_444 : i32
          %add3A_446 = arith.constant 2 : i32
          %add3A_447 = arith.addi %add3A_445, %add3A_446 : i32
          %mul3A_448 = arith.constant 768 : i32
          %mul3A_449 = arith.muli %add3A_447, %mul3A_448 : i32
          %mul3A_450 = arith.constant 16 : i32
          %mul3A_451 = arith.muli %select_n3A_441, %mul3A_450 : i32
          %swap3A_452 = arith.index_cast %mul3A_451 : i32 to index
          %swap3A_453 = tpu.vector_load %arg7[%swap3A_452] {strides = array<i32>} : memref<2064xf32, #tpu.memory_space<vmem>>, vector<16xf32>,
          tpu.vector_store %arg7[%swap3A_452], %broadcast_in_dim3A_358 {add = true, strides = array<i32>} : memref<2064xf32, #tpu.memory_space<vmem>>, vector<16xf32>,
          %parallel_loop3A_454 = arith.constant 0 : i32
          %parallel_loop3A_455 = arith.constant 768 : i32
          %parallel_loop3A_456 = arith.constant 16 : i32
          scf.for %parallel_loop3A_886 = %parallel_loop3A_454 to %parallel_loop3A_455 step %parallel_loop3A_456  : i32 {
            %parallel_loop3A_887 = arith.addi %mul3A_443, %parallel_loop3A_886 : i32
            %parallel_loop3A_888 = arith.addi %mul3A_449, %parallel_loop3A_886 : i32
            %parallel_loop3A_889 = arith.index_cast %parallel_loop3A_888 : i32 to index
            %parallel_loop3A_890 = tpu.vector_load %arg9[%parallel_loop3A_889] {strides = array<i32>} : memref<12288xf32, #tpu.memory_space<vmem>>, vector<16xf32>,
            %parallel_loop3A_891 = arith.index_cast %parallel_loop3A_887 : i32 to index
            %parallel_loop3A_892 = tpu.vector_load %arg6[%parallel_loop3A_891] {strides = array<i32>} : memref<99072xf32, #tpu.memory_space<vmem>>, vector<16xf32>,
            tpu.vector_store %arg6[%parallel_loop3A_891], %parallel_loop3A_890 {add = true, strides = array<i32>} : memref<99072xf32, #tpu.memory_space<vmem>>, vector<16xf32>,
          } {sc.loop_unroll_factor = 8 : i64, sc.parallel_access}
          %mul3A_457 = arith.constant 16 : i32
          %mul3A_458 = arith.muli %add3A_346, %mul3A_457 : i32
          %add3A_459 = arith.constant 0 : i32
          %add3A_460 = arith.addi %mul3A_458, %add3A_459 : i32
          %add3A_461 = arith.constant 3 : i32
          %add3A_462 = arith.addi %add3A_460, %add3A_461 : i32
          %slice3A_463 = vector.extract_strided_slice %get3A_359 {offsets = [3], sizes = [1], strides = [1]} : vector<16xi32> to vector<1xi32>
          %squeeze3A_464 = vector.extract %slice3A_463[0] : i32 from vector<1xi32>
          %sub3A_465 = arith.subi %squeeze3A_464, %add3A_193 : i32
          %lt3A_466 = arith.cmpi slt, %add3A_462, %sub3A_231 : i32
          %ge3A_467 = arith.constant 0 : i32
          %ge3A_468 = arith.cmpi sge, %sub3A_465, %ge3A_467 : i32
          %and3A_469 = arith.andi %lt3A_466, %ge3A_468 : i1
          %lt3A_470 = arith.constant 128 : i32
          %lt3A_471 = arith.cmpi slt, %sub3A_465, %lt3A_470 : i32
          %and3A_472 = arith.andi %and3A_469, %lt3A_471 : i1
          %jit3A_473 = arith.constant 128 : i32
          %select_n3A_474 = arith.select %and3A_472, %sub3A_465, %jit3A_473 : i32
          %mul3A_475 = arith.constant 768 : i32
          %mul3A_476 = arith.muli %select_n3A_474, %mul3A_475 : i32
          %add3A_477 = arith.constant 0 : i32
          %add3A_478 = arith.addi %sub3A_356, %add3A_477 : i32
          %add3A_479 = arith.constant 3 : i32
          %add3A_480 = arith.addi %add3A_478, %add3A_479 : i32
          %mul3A_481 = arith.constant 768 : i32
          %mul3A_482 = arith.muli %add3A_480, %mul3A_481 : i32
          %mul3A_483 = arith.constant 16 : i32
          %mul3A_484 = arith.muli %select_n3A_474, %mul3A_483 : i32
          %swap3A_485 = arith.index_cast %mul3A_484 : i32 to index
          %swap3A_486 = tpu.vector_load %arg7[%swap3A_485] {strides = array<i32>} : memref<2064xf32, #tpu.memory_space<vmem>>, vector<16xf32>,
          tpu.vector_store %arg7[%swap3A_485], %broadcast_in_dim3A_358 {add = true, strides = array<i32>} : memref<2064xf32, #tpu.memory_space<vmem>>, vector<16xf32>,
          %parallel_loop3A_487 = arith.constant 0 : i32
          %parallel_loop3A_488 = arith.constant 768 : i32
          %parallel_loop3A_489 = arith.constant 16 : i32
          scf.for %parallel_loop3A_886 = %parallel_loop3A_487 to %parallel_loop3A_488 step %parallel_loop3A_489  : i32 {
            %parallel_loop3A_887 = arith.addi %mul3A_476, %parallel_loop3A_886 : i32
            %parallel_loop3A_888 = arith.addi %mul3A_482, %parallel_loop3A_886 : i32
            %parallel_loop3A_889 = arith.index_cast %parallel_loop3A_888 : i32 to index
            %parallel_loop3A_890 = tpu.vector_load %arg9[%parallel_loop3A_889] {strides = array<i32>} : memref<12288xf32, #tpu.memory_space<vmem>>, vector<16xf32>,
            %parallel_loop3A_891 = arith.index_cast %parallel_loop3A_887 : i32 to index
            %parallel_loop3A_892 = tpu.vector_load %arg6[%parallel_loop3A_891] {strides = array<i32>} : memref<99072xf32, #tpu.memory_space<vmem>>, vector<16xf32>,
            tpu.vector_store %arg6[%parallel_loop3A_891], %parallel_loop3A_890 {add = true, strides = array<i32>} : memref<99072xf32, #tpu.memory_space<vmem>>, vector<16xf32>,
          } {sc.loop_unroll_factor = 8 : i64, sc.parallel_access}
          %mul3A_490 = arith.constant 16 : i32
          %mul3A_491 = arith.muli %add3A_346, %mul3A_490 : i32
          %add3A_492 = arith.constant 0 : i32
          %add3A_493 = arith.addi %mul3A_491, %add3A_492 : i32
          %add3A_494 = arith.constant 4 : i32
          %add3A_495 = arith.addi %add3A_493, %add3A_494 : i32
          %slice3A_496 = vector.extract_strided_slice %get3A_359 {offsets = [4], sizes = [1], strides = [1]} : vector<16xi32> to vector<1xi32>
          %squeeze3A_497 = vector.extract %slice3A_496[0] : i32 from vector<1xi32>
          %sub3A_498 = arith.subi %squeeze3A_497, %add3A_193 : i32
          %lt3A_499 = arith.cmpi slt, %add3A_495, %sub3A_231 : i32
          %ge3A_500 = arith.constant 0 : i32
          %ge3A_501 = arith.cmpi sge, %sub3A_498, %ge3A_500 : i32
          %and3A_502 = arith.andi %lt3A_499, %ge3A_501 : i1
          %lt3A_503 = arith.constant 128 : i32
          %lt3A_504 = arith.cmpi slt, %sub3A_498, %lt3A_503 : i32
          %and3A_505 = arith.andi %and3A_502, %lt3A_504 : i1
          %jit3A_506 = arith.constant 128 : i32
          %select_n3A_507 = arith.select %and3A_505, %sub3A_498, %jit3A_506 : i32
          %mul3A_508 = arith.constant 768 : i32
          %mul3A_509 = arith.muli %select_n3A_507, %mul3A_508 : i32
          %add3A_510 = arith.constant 0 : i32
          %add3A_511 = arith.addi %sub3A_356, %add3A_510 : i32
          %add3A_512 = arith.constant 4 : i32
          %add3A_513 = arith.addi %add3A_511, %add3A_512 : i32
          %mul3A_514 = arith.constant 768 : i32
          %mul3A_515 = arith.muli %add3A_513, %mul3A_514 : i32
          %mul3A_516 = arith.constant 16 : i32
          %mul3A_517 = arith.muli %select_n3A_507, %mul3A_516 : i32
          %swap3A_518 = arith.index_cast %mul3A_517 : i32 to index
          %swap3A_519 = tpu.vector_load %arg7[%swap3A_518] {strides = array<i32>} : memref<2064xf32, #tpu.memory_space<vmem>>, vector<16xf32>,
          tpu.vector_store %arg7[%swap3A_518], %broadcast_in_dim3A_358 {add = true, strides = array<i32>} : memref<2064xf32, #tpu.memory_space<vmem>>, vector<16xf32>,
          %parallel_loop3A_520 = arith.constant 0 : i32
          %parallel_loop3A_521 = arith.constant 768 : i32
          %parallel_loop3A_522 = arith.constant 16 : i32
          scf.for %parallel_loop3A_886 = %parallel_loop3A_520 to %parallel_loop3A_521 step %parallel_loop3A_522  : i32 {
            %parallel_loop3A_887 = arith.addi %mul3A_509, %parallel_loop3A_886 : i32
            %parallel_loop3A_888 = arith.addi %mul3A_515, %parallel_loop3A_886 : i32
            %parallel_loop3A_889 = arith.index_cast %parallel_loop3A_888 : i32 to index
            %parallel_loop3A_890 = tpu.vector_load %arg9[%parallel_loop3A_889] {strides = array<i32>} : memref<12288xf32, #tpu.memory_space<vmem>>, vector<16xf32>,
            %parallel_loop3A_891 = arith.index_cast %parallel_loop3A_887 : i32 to index
            %parallel_loop3A_892 = tpu.vector_load %arg6[%parallel_loop3A_891] {strides = array<i32>} : memref<99072xf32, #tpu.memory_space<vmem>>, vector<16xf32>,
            tpu.vector_store %arg6[%parallel_loop3A_891], %parallel_loop3A_890 {add = true, strides = array<i32>} : memref<99072xf32, #tpu.memory_space<vmem>>, vector<16xf32>,
          } {sc.loop_unroll_factor = 8 : i64, sc.parallel_access}
          %mul3A_523 = arith.constant 16 : i32
          %mul3A_524 = arith.muli %add3A_346, %mul3A_523 : i32
          %add3A_525 = arith.constant 0 : i32
          %add3A_526 = arith.addi %mul3A_524, %add3A_525 : i32
          %add3A_527 = arith.constant 5 : i32
          %add3A_528 = arith.addi %add3A_526, %add3A_527 : i32
          %slice3A_529 = vector.extract_strided_slice %get3A_359 {offsets = [5], sizes = [1], strides = [1]} : vector<16xi32> to vector<1xi32>
          %squeeze3A_530 = vector.extract %slice3A_529[0] : i32 from vector<1xi32>
          %sub3A_531 = arith.subi %squeeze3A_530, %add3A_193 : i32
          %lt3A_532 = arith.cmpi slt, %add3A_528, %sub3A_231 : i32
          %ge3A_533 = arith.constant 0 : i32
          %ge3A_534 = arith.cmpi sge, %sub3A_531, %ge3A_533 : i32
          %and3A_535 = arith.andi %lt3A_532, %ge3A_534 : i1
          %lt3A_536 = arith.constant 128 : i32
          %lt3A_537 = arith.cmpi slt, %sub3A_531, %lt3A_536 : i32
          %and3A_538 = arith.andi %and3A_535, %lt3A_537 : i1
          %jit3A_539 = arith.constant 128 : i32
          %select_n3A_540 = arith.select %and3A_538, %sub3A_531, %jit3A_539 : i32
          %mul3A_541 = arith.constant 768 : i32
          %mul3A_542 = arith.muli %select_n3A_540, %mul3A_541 : i32
          %add3A_543 = arith.constant 0 : i32
          %add3A_544 = arith.addi %sub3A_356, %add3A_543 : i32
          %add3A_545 = arith.constant 5 : i32
          %add3A_546 = arith.addi %add3A_544, %add3A_545 : i32
          %mul3A_547 = arith.constant 768 : i32
          %mul3A_548 = arith.muli %add3A_546, %mul3A_547 : i32
          %mul3A_549 = arith.constant 16 : i32
          %mul3A_550 = arith.muli %select_n3A_540, %mul3A_549 : i32
          %swap3A_551 = arith.index_cast %mul3A_550 : i32 to index
          %swap3A_552 = tpu.vector_load %arg7[%swap3A_551] {strides = array<i32>} : memref<2064xf32, #tpu.memory_space<vmem>>, vector<16xf32>,
          tpu.vector_store %arg7[%swap3A_551], %broadcast_in_dim3A_358 {add = true, strides = array<i32>} : memref<2064xf32, #tpu.memory_space<vmem>>, vector<16xf32>,
          %parallel_loop3A_553 = arith.constant 0 : i32
          %parallel_loop3A_554 = arith.constant 768 : i32
          %parallel_loop3A_555 = arith.constant 16 : i32
          scf.for %parallel_loop3A_886 = %parallel_loop3A_553 to %parallel_loop3A_554 step %parallel_loop3A_555  : i32 {
            %parallel_loop3A_887 = arith.addi %mul3A_542, %parallel_loop3A_886 : i32
            %parallel_loop3A_888 = arith.addi %mul3A_548, %parallel_loop3A_886 : i32
            %parallel_loop3A_889 = arith.index_cast %parallel_loop3A_888 : i32 to index
            %parallel_loop3A_890 = tpu.vector_load %arg9[%parallel_loop3A_889] {strides = array<i32>} : memref<12288xf32, #tpu.memory_space<vmem>>, vector<16xf32>,
            %parallel_loop3A_891 = arith.index_cast %parallel_loop3A_887 : i32 to index
            %parallel_loop3A_892 = tpu.vector_load %arg6[%parallel_loop3A_891] {strides = array<i32>} : memref<99072xf32, #tpu.memory_space<vmem>>, vector<16xf32>,
            tpu.vector_store %arg6[%parallel_loop3A_891], %parallel_loop3A_890 {add = true, strides = array<i32>} : memref<99072xf32, #tpu.memory_space<vmem>>, vector<16xf32>,
          } {sc.loop_unroll_factor = 8 : i64, sc.parallel_access}
          %mul3A_556 = arith.constant 16 : i32
          %mul3A_557 = arith.muli %add3A_346, %mul3A_556 : i32
          %add3A_558 = arith.constant 0 : i32
          %add3A_559 = arith.addi %mul3A_557, %add3A_558 : i32
          %add3A_560 = arith.constant 6 : i32
          %add3A_561 = arith.addi %add3A_559, %add3A_560 : i32
          %slice3A_562 = vector.extract_strided_slice %get3A_359 {offsets = [6], sizes = [1], strides = [1]} : vector<16xi32> to vector<1xi32>
          %squeeze3A_563 = vector.extract %slice3A_562[0] : i32 from vector<1xi32>
          %sub3A_564 = arith.subi %squeeze3A_563, %add3A_193 : i32
          %lt3A_565 = arith.cmpi slt, %add3A_561, %sub3A_231 : i32
          %ge3A_566 = arith.constant 0 : i32
          %ge3A_567 = arith.cmpi sge, %sub3A_564, %ge3A_566 : i32
          %and3A_568 = arith.andi %lt3A_565, %ge3A_567 : i1
          %lt3A_569 = arith.constant 128 : i32
          %lt3A_570 = arith.cmpi slt, %sub3A_564, %lt3A_569 : i32
          %and3A_571 = arith.andi %and3A_568, %lt3A_570 : i1
          %jit3A_572 = arith.constant 128 : i32
          %select_n3A_573 = arith.select %and3A_571, %sub3A_564, %jit3A_572 : i32
          %mul3A_574 = arith.constant 768 : i32
          %mul3A_575 = arith.muli %select_n3A_573, %mul3A_574 : i32
          %add3A_576 = arith.constant 0 : i32
          %add3A_577 = arith.addi %sub3A_356, %add3A_576 : i32
          %add3A_578 = arith.constant 6 : i32
          %add3A_579 = arith.addi %add3A_577, %add3A_578 : i32
          %mul3A_580 = arith.constant 768 : i32
          %mul3A_581 = arith.muli %add3A_579, %mul3A_580 : i32
          %mul3A_582 = arith.constant 16 : i32
          %mul3A_583 = arith.muli %select_n3A_573, %mul3A_582 : i32
          %swap3A_584 = arith.index_cast %mul3A_583 : i32 to index
          %swap3A_585 = tpu.vector_load %arg7[%swap3A_584] {strides = array<i32>} : memref<2064xf32, #tpu.memory_space<vmem>>, vector<16xf32>,
          tpu.vector_store %arg7[%swap3A_584], %broadcast_in_dim3A_358 {add = true, strides = array<i32>} : memref<2064xf32, #tpu.memory_space<vmem>>, vector<16xf32>,
          %parallel_loop3A_586 = arith.constant 0 : i32
          %parallel_loop3A_587 = arith.constant 768 : i32
          %parallel_loop3A_588 = arith.constant 16 : i32
          scf.for %parallel_loop3A_886 = %parallel_loop3A_586 to %parallel_loop3A_587 step %parallel_loop3A_588  : i32 {
            %parallel_loop3A_887 = arith.addi %mul3A_575, %parallel_loop3A_886 : i32
            %parallel_loop3A_888 = arith.addi %mul3A_581, %parallel_loop3A_886 : i32
            %parallel_loop3A_889 = arith.index_cast %parallel_loop3A_888 : i32 to index
            %parallel_loop3A_890 = tpu.vector_load %arg9[%parallel_loop3A_889] {strides = array<i32>} : memref<12288xf32, #tpu.memory_space<vmem>>, vector<16xf32>,
            %parallel_loop3A_891 = arith.index_cast %parallel_loop3A_887 : i32 to index
            %parallel_loop3A_892 = tpu.vector_load %arg6[%parallel_loop3A_891] {strides = array<i32>} : memref<99072xf32, #tpu.memory_space<vmem>>, vector<16xf32>,
            tpu.vector_store %arg6[%parallel_loop3A_891], %parallel_loop3A_890 {add = true, strides = array<i32>} : memref<99072xf32, #tpu.memory_space<vmem>>, vector<16xf32>,
          } {sc.loop_unroll_factor = 8 : i64, sc.parallel_access}
          %mul3A_589 = arith.constant 16 : i32
          %mul3A_590 = arith.muli %add3A_346, %mul3A_589 : i32
          %add3A_591 = arith.constant 0 : i32
          %add3A_592 = arith.addi %mul3A_590, %add3A_591 : i32
          %add3A_593 = arith.constant 7 : i32
          %add3A_594 = arith.addi %add3A_592, %add3A_593 : i32
          %slice3A_595 = vector.extract_strided_slice %get3A_359 {offsets = [7], sizes = [1], strides = [1]} : vector<16xi32> to vector<1xi32>
          %squeeze3A_596 = vector.extract %slice3A_595[0] : i32 from vector<1xi32>
          %sub3A_597 = arith.subi %squeeze3A_596, %add3A_193 : i32
          %lt3A_598 = arith.cmpi slt, %add3A_594, %sub3A_231 : i32
          %ge3A_599 = arith.constant 0 : i32
          %ge3A_600 = arith.cmpi sge, %sub3A_597, %ge3A_599 : i32
          %and3A_601 = arith.andi %lt3A_598, %ge3A_600 : i1
          %lt3A_602 = arith.constant 128 : i32
          %lt3A_603 = arith.cmpi slt, %sub3A_597, %lt3A_602 : i32
          %and3A_604 = arith.andi %and3A_601, %lt3A_603 : i1
          %jit3A_605 = arith.constant 128 : i32
          %select_n3A_606 = arith.select %and3A_604, %sub3A_597, %jit3A_605 : i32
          %mul3A_607 = arith.constant 768 : i32
          %mul3A_608 = arith.muli %select_n3A_606, %mul3A_607 : i32
          %add3A_609 = arith.constant 0 : i32
          %add3A_610 = arith.addi %sub3A_356, %add3A_609 : i32
          %add3A_611 = arith.constant 7 : i32
          %add3A_612 = arith.addi %add3A_610, %add3A_611 : i32
          %mul3A_613 = arith.constant 768 : i32
          %mul3A_614 = arith.muli %add3A_612, %mul3A_613 : i32
          %mul3A_615 = arith.constant 16 : i32
          %mul3A_616 = arith.muli %select_n3A_606, %mul3A_615 : i32
          %swap3A_617 = arith.index_cast %mul3A_616 : i32 to index
          %swap3A_618 = tpu.vector_load %arg7[%swap3A_617] {strides = array<i32>} : memref<2064xf32, #tpu.memory_space<vmem>>, vector<16xf32>,
          tpu.vector_store %arg7[%swap3A_617], %broadcast_in_dim3A_358 {add = true, strides = array<i32>} : memref<2064xf32, #tpu.memory_space<vmem>>, vector<16xf32>,
          %parallel_loop3A_619 = arith.constant 0 : i32
          %parallel_loop3A_620 = arith.constant 768 : i32
          %parallel_loop3A_621 = arith.constant 16 : i32
          scf.for %parallel_loop3A_886 = %parallel_loop3A_619 to %parallel_loop3A_620 step %parallel_loop3A_621  : i32 {
            %parallel_loop3A_887 = arith.addi %mul3A_608, %parallel_loop3A_886 : i32
            %parallel_loop3A_888 = arith.addi %mul3A_614, %parallel_loop3A_886 : i32
            %parallel_loop3A_889 = arith.index_cast %parallel_loop3A_888 : i32 to index
            %parallel_loop3A_890 = tpu.vector_load %arg9[%parallel_loop3A_889] {strides = array<i32>} : memref<12288xf32, #tpu.memory_space<vmem>>, vector<16xf32>,
            %parallel_loop3A_891 = arith.index_cast %parallel_loop3A_887 : i32 to index
            %parallel_loop3A_892 = tpu.vector_load %arg6[%parallel_loop3A_891] {strides = array<i32>} : memref<99072xf32, #tpu.memory_space<vmem>>, vector<16xf32>,
            tpu.vector_store %arg6[%parallel_loop3A_891], %parallel_loop3A_890 {add = true, strides = array<i32>} : memref<99072xf32, #tpu.memory_space<vmem>>, vector<16xf32>,
          } {sc.loop_unroll_factor = 8 : i64, sc.parallel_access}
          %mul3A_622 = arith.constant 16 : i32
          %mul3A_623 = arith.muli %add3A_346, %mul3A_622 : i32
          %add3A_624 = arith.constant 0 : i32
          %add3A_625 = arith.addi %mul3A_623, %add3A_624 : i32
          %add3A_626 = arith.constant 8 : i32
          %add3A_627 = arith.addi %add3A_625, %add3A_626 : i32
          %slice3A_628 = vector.extract_strided_slice %get3A_359 {offsets = [8], sizes = [1], strides = [1]} : vector<16xi32> to vector<1xi32>
          %squeeze3A_629 = vector.extract %slice3A_628[0] : i32 from vector<1xi32>
          %sub3A_630 = arith.subi %squeeze3A_629, %add3A_193 : i32
          %lt3A_631 = arith.cmpi slt, %add3A_627, %sub3A_231 : i32
          %ge3A_632 = arith.constant 0 : i32
          %ge3A_633 = arith.cmpi sge, %sub3A_630, %ge3A_632 : i32
          %and3A_634 = arith.andi %lt3A_631, %ge3A_633 : i1
          %lt3A_635 = arith.constant 128 : i32
          %lt3A_636 = arith.cmpi slt, %sub3A_630, %lt3A_635 : i32
          %and3A_637 = arith.andi %and3A_634, %lt3A_636 : i1
          %jit3A_638 = arith.constant 128 : i32
          %select_n3A_639 = arith.select %and3A_637, %sub3A_630, %jit3A_638 : i32
          %mul3A_640 = arith.constant 768 : i32
          %mul3A_641 = arith.muli %select_n3A_639, %mul3A_640 : i32
          %add3A_642 = arith.constant 0 : i32
          %add3A_643 = arith.addi %sub3A_356, %add3A_642 : i32
          %add3A_644 = arith.constant 8 : i32
          %add3A_645 = arith.addi %add3A_643, %add3A_644 : i32
          %mul3A_646 = arith.constant 768 : i32
          %mul3A_647 = arith.muli %add3A_645, %mul3A_646 : i32
          %mul3A_648 = arith.constant 16 : i32
          %mul3A_649 = arith.muli %select_n3A_639, %mul3A_648 : i32
          %swap3A_650 = arith.index_cast %mul3A_649 : i32 to index
          %swap3A_651 = tpu.vector_load %arg7[%swap3A_650] {strides = array<i32>} : memref<2064xf32, #tpu.memory_space<vmem>>, vector<16xf32>,
          tpu.vector_store %arg7[%swap3A_650], %broadcast_in_dim3A_358 {add = true, strides = array<i32>} : memref<2064xf32, #tpu.memory_space<vmem>>, vector<16xf32>,
          %parallel_loop3A_652 = arith.constant 0 : i32
          %parallel_loop3A_653 = arith.constant 768 : i32
          %parallel_loop3A_654 = arith.constant 16 : i32
          scf.for %parallel_loop3A_886 = %parallel_loop3A_652 to %parallel_loop3A_653 step %parallel_loop3A_654  : i32 {
            %parallel_loop3A_887 = arith.addi %mul3A_641, %parallel_loop3A_886 : i32
            %parallel_loop3A_888 = arith.addi %mul3A_647, %parallel_loop3A_886 : i32
            %parallel_loop3A_889 = arith.index_cast %parallel_loop3A_888 : i32 to index
            %parallel_loop3A_890 = tpu.vector_load %arg9[%parallel_loop3A_889] {strides = array<i32>} : memref<12288xf32, #tpu.memory_space<vmem>>, vector<16xf32>,
            %parallel_loop3A_891 = arith.index_cast %parallel_loop3A_887 : i32 to index
            %parallel_loop3A_892 = tpu.vector_load %arg6[%parallel_loop3A_891] {strides = array<i32>} : memref<99072xf32, #tpu.memory_space<vmem>>, vector<16xf32>,
            tpu.vector_store %arg6[%parallel_loop3A_891], %parallel_loop3A_890 {add = true, strides = array<i32>} : memref<99072xf32, #tpu.memory_space<vmem>>, vector<16xf32>,
          } {sc.loop_unroll_factor = 8 : i64, sc.parallel_access}
          %mul3A_655 = arith.constant 16 : i32
          %mul3A_656 = arith.muli %add3A_346, %mul3A_655 : i32
          %add3A_657 = arith.constant 0 : i32
          %add3A_658 = arith.addi %mul3A_656, %add3A_657 : i32
          %add3A_659 = arith.constant 9 : i32
          %add3A_660 = arith.addi %add3A_658, %add3A_659 : i32
          %slice3A_661 = vector.extract_strided_slice %get3A_359 {offsets = [9], sizes = [1], strides = [1]} : vector<16xi32> to vector<1xi32>
          %squeeze3A_662 = vector.extract %slice3A_661[0] : i32 from vector<1xi32>
          %sub3A_663 = arith.subi %squeeze3A_662, %add3A_193 : i32
          %lt3A_664 = arith.cmpi slt, %add3A_660, %sub3A_231 : i32
          %ge3A_665 = arith.constant 0 : i32
          %ge3A_666 = arith.cmpi sge, %sub3A_663, %ge3A_665 : i32
          %and3A_667 = arith.andi %lt3A_664, %ge3A_666 : i1
          %lt3A_668 = arith.constant 128 : i32
          %lt3A_669 = arith.cmpi slt, %sub3A_663, %lt3A_668 : i32
          %and3A_670 = arith.andi %and3A_667, %lt3A_669 : i1
          %jit3A_671 = arith.constant 128 : i32
          %select_n3A_672 = arith.select %and3A_670, %sub3A_663, %jit3A_671 : i32
          %mul3A_673 = arith.constant 768 : i32
          %mul3A_674 = arith.muli %select_n3A_672, %mul3A_673 : i32
          %add3A_675 = arith.constant 0 : i32
          %add3A_676 = arith.addi %sub3A_356, %add3A_675 : i32
          %add3A_677 = arith.constant 9 : i32
          %add3A_678 = arith.addi %add3A_676, %add3A_677 : i32
          %mul3A_679 = arith.constant 768 : i32
          %mul3A_680 = arith.muli %add3A_678, %mul3A_679 : i32
          %mul3A_681 = arith.constant 16 : i32
          %mul3A_682 = arith.muli %select_n3A_672, %mul3A_681 : i32
          %swap3A_683 = arith.index_cast %mul3A_682 : i32 to index
          %swap3A_684 = tpu.vector_load %arg7[%swap3A_683] {strides = array<i32>} : memref<2064xf32, #tpu.memory_space<vmem>>, vector<16xf32>,
          tpu.vector_store %arg7[%swap3A_683], %broadcast_in_dim3A_358 {add = true, strides = array<i32>} : memref<2064xf32, #tpu.memory_space<vmem>>, vector<16xf32>,
          %parallel_loop3A_685 = arith.constant 0 : i32
          %parallel_loop3A_686 = arith.constant 768 : i32
          %parallel_loop3A_687 = arith.constant 16 : i32
          scf.for %parallel_loop3A_886 = %parallel_loop3A_685 to %parallel_loop3A_686 step %parallel_loop3A_687  : i32 {
            %parallel_loop3A_887 = arith.addi %mul3A_674, %parallel_loop3A_886 : i32
            %parallel_loop3A_888 = arith.addi %mul3A_680, %parallel_loop3A_886 : i32
            %parallel_loop3A_889 = arith.index_cast %parallel_loop3A_888 : i32 to index
            %parallel_loop3A_890 = tpu.vector_load %arg9[%parallel_loop3A_889] {strides = array<i32>} : memref<12288xf32, #tpu.memory_space<vmem>>, vector<16xf32>,
            %parallel_loop3A_891 = arith.index_cast %parallel_loop3A_887 : i32 to index
            %parallel_loop3A_892 = tpu.vector_load %arg6[%parallel_loop3A_891] {strides = array<i32>} : memref<99072xf32, #tpu.memory_space<vmem>>, vector<16xf32>,
            tpu.vector_store %arg6[%parallel_loop3A_891], %parallel_loop3A_890 {add = true, strides = array<i32>} : memref<99072xf32, #tpu.memory_space<vmem>>, vector<16xf32>,
          } {sc.loop_unroll_factor = 8 : i64, sc.parallel_access}
          %mul3A_688 = arith.constant 16 : i32
          %mul3A_689 = arith.muli %add3A_346, %mul3A_688 : i32
          %add3A_690 = arith.constant 0 : i32
          %add3A_691 = arith.addi %mul3A_689, %add3A_690 : i32
          %add3A_692 = arith.constant 10 : i32
          %add3A_693 = arith.addi %add3A_691, %add3A_692 : i32
          %slice3A_694 = vector.extract_strided_slice %get3A_359 {offsets = [10], sizes = [1], strides = [1]} : vector<16xi32> to vector<1xi32>
          %squeeze3A_695 = vector.extract %slice3A_694[0] : i32 from vector<1xi32>
          %sub3A_696 = arith.subi %squeeze3A_695, %add3A_193 : i32
          %lt3A_697 = arith.cmpi slt, %add3A_693, %sub3A_231 : i32
          %ge3A_698 = arith.constant 0 : i32
          %ge3A_699 = arith.cmpi sge, %sub3A_696, %ge3A_698 : i32
          %and3A_700 = arith.andi %lt3A_697, %ge3A_699 : i1
          %lt3A_701 = arith.constant 128 : i32
          %lt3A_702 = arith.cmpi slt, %sub3A_696, %lt3A_701 : i32
          %and3A_703 = arith.andi %and3A_700, %lt3A_702 : i1
          %jit3A_704 = arith.constant 128 : i32
          %select_n3A_705 = arith.select %and3A_703, %sub3A_696, %jit3A_704 : i32
          %mul3A_706 = arith.constant 768 : i32
          %mul3A_707 = arith.muli %select_n3A_705, %mul3A_706 : i32
          %add3A_708 = arith.constant 0 : i32
          %add3A_709 = arith.addi %sub3A_356, %add3A_708 : i32
          %add3A_710 = arith.constant 10 : i32
          %add3A_711 = arith.addi %add3A_709, %add3A_710 : i32
          %mul3A_712 = arith.constant 768 : i32
          %mul3A_713 = arith.muli %add3A_711, %mul3A_712 : i32
          %mul3A_714 = arith.constant 16 : i32
          %mul3A_715 = arith.muli %select_n3A_705, %mul3A_714 : i32
          %swap3A_716 = arith.index_cast %mul3A_715 : i32 to index
          %swap3A_717 = tpu.vector_load %arg7[%swap3A_716] {strides = array<i32>} : memref<2064xf32, #tpu.memory_space<vmem>>, vector<16xf32>,
          tpu.vector_store %arg7[%swap3A_716], %broadcast_in_dim3A_358 {add = true, strides = array<i32>} : memref<2064xf32, #tpu.memory_space<vmem>>, vector<16xf32>,
          %parallel_loop3A_718 = arith.constant 0 : i32
          %parallel_loop3A_719 = arith.constant 768 : i32
          %parallel_loop3A_720 = arith.constant 16 : i32
          scf.for %parallel_loop3A_886 = %parallel_loop3A_718 to %parallel_loop3A_719 step %parallel_loop3A_720  : i32 {
            %parallel_loop3A_887 = arith.addi %mul3A_707, %parallel_loop3A_886 : i32
            %parallel_loop3A_888 = arith.addi %mul3A_713, %parallel_loop3A_886 : i32
            %parallel_loop3A_889 = arith.index_cast %parallel_loop3A_888 : i32 to index
            %parallel_loop3A_890 = tpu.vector_load %arg9[%parallel_loop3A_889] {strides = array<i32>} : memref<12288xf32, #tpu.memory_space<vmem>>, vector<16xf32>,
            %parallel_loop3A_891 = arith.index_cast %parallel_loop3A_887 : i32 to index
            %parallel_loop3A_892 = tpu.vector_load %arg6[%parallel_loop3A_891] {strides = array<i32>} : memref<99072xf32, #tpu.memory_space<vmem>>, vector<16xf32>,
            tpu.vector_store %arg6[%parallel_loop3A_891], %parallel_loop3A_890 {add = true, strides = array<i32>} : memref<99072xf32, #tpu.memory_space<vmem>>, vector<16xf32>,
          } {sc.loop_unroll_factor = 8 : i64, sc.parallel_access}
          %mul3A_721 = arith.constant 16 : i32
          %mul3A_722 = arith.muli %add3A_346, %mul3A_721 : i32
          %add3A_723 = arith.constant 0 : i32
          %add3A_724 = arith.addi %mul3A_722, %add3A_723 : i32
          %add3A_725 = arith.constant 11 : i32
          %add3A_726 = arith.addi %add3A_724, %add3A_725 : i32
          %slice3A_727 = vector.extract_strided_slice %get3A_359 {offsets = [11], sizes = [1], strides = [1]} : vector<16xi32> to vector<1xi32>
          %squeeze3A_728 = vector.extract %slice3A_727[0] : i32 from vector<1xi32>
          %sub3A_729 = arith.subi %squeeze3A_728, %add3A_193 : i32
          %lt3A_730 = arith.cmpi slt, %add3A_726, %sub3A_231 : i32
          %ge3A_731 = arith.constant 0 : i32
          %ge3A_732 = arith.cmpi sge, %sub3A_729, %ge3A_731 : i32
          %and3A_733 = arith.andi %lt3A_730, %ge3A_732 : i1
          %lt3A_734 = arith.constant 128 : i32
          %lt3A_735 = arith.cmpi slt, %sub3A_729, %lt3A_734 : i32
          %and3A_736 = arith.andi %and3A_733, %lt3A_735 : i1
          %jit3A_737 = arith.constant 128 : i32
          %select_n3A_738 = arith.select %and3A_736, %sub3A_729, %jit3A_737 : i32
          %mul3A_739 = arith.constant 768 : i32
          %mul3A_740 = arith.muli %select_n3A_738, %mul3A_739 : i32
          %add3A_741 = arith.constant 0 : i32
          %add3A_742 = arith.addi %sub3A_356, %add3A_741 : i32
          %add3A_743 = arith.constant 11 : i32
          %add3A_744 = arith.addi %add3A_742, %add3A_743 : i32
          %mul3A_745 = arith.constant 768 : i32
          %mul3A_746 = arith.muli %add3A_744, %mul3A_745 : i32
          %mul3A_747 = arith.constant 16 : i32
          %mul3A_748 = arith.muli %select_n3A_738, %mul3A_747 : i32
          %swap3A_749 = arith.index_cast %mul3A_748 : i32 to index
          %swap3A_750 = tpu.vector_load %arg7[%swap3A_749] {strides = array<i32>} : memref<2064xf32, #tpu.memory_space<vmem>>, vector<16xf32>,
          tpu.vector_store %arg7[%swap3A_749], %broadcast_in_dim3A_358 {add = true, strides = array<i32>} : memref<2064xf32, #tpu.memory_space<vmem>>, vector<16xf32>,
          %parallel_loop3A_751 = arith.constant 0 : i32
          %parallel_loop3A_752 = arith.constant 768 : i32
          %parallel_loop3A_753 = arith.constant 16 : i32
          scf.for %parallel_loop3A_886 = %parallel_loop3A_751 to %parallel_loop3A_752 step %parallel_loop3A_753  : i32 {
            %parallel_loop3A_887 = arith.addi %mul3A_740, %parallel_loop3A_886 : i32
            %parallel_loop3A_888 = arith.addi %mul3A_746, %parallel_loop3A_886 : i32
            %parallel_loop3A_889 = arith.index_cast %parallel_loop3A_888 : i32 to index
            %parallel_loop3A_890 = tpu.vector_load %arg9[%parallel_loop3A_889] {strides = array<i32>} : memref<12288xf32, #tpu.memory_space<vmem>>, vector<16xf32>,
            %parallel_loop3A_891 = arith.index_cast %parallel_loop3A_887 : i32 to index
            %parallel_loop3A_892 = tpu.vector_load %arg6[%parallel_loop3A_891] {strides = array<i32>} : memref<99072xf32, #tpu.memory_space<vmem>>, vector<16xf32>,
            tpu.vector_store %arg6[%parallel_loop3A_891], %parallel_loop3A_890 {add = true, strides = array<i32>} : memref<99072xf32, #tpu.memory_space<vmem>>, vector<16xf32>,
          } {sc.loop_unroll_factor = 8 : i64, sc.parallel_access}
          %mul3A_754 = arith.constant 16 : i32
          %mul3A_755 = arith.muli %add3A_346, %mul3A_754 : i32
          %add3A_756 = arith.constant 0 : i32
          %add3A_757 = arith.addi %mul3A_755, %add3A_756 : i32
          %add3A_758 = arith.constant 12 : i32
          %add3A_759 = arith.addi %add3A_757, %add3A_758 : i32
          %slice3A_760 = vector.extract_strided_slice %get3A_359 {offsets = [12], sizes = [1], strides = [1]} : vector<16xi32> to vector<1xi32>
          %squeeze3A_761 = vector.extract %slice3A_760[0] : i32 from vector<1xi32>
          %sub3A_762 = arith.subi %squeeze3A_761, %add3A_193 : i32
          %lt3A_763 = arith.cmpi slt, %add3A_759, %sub3A_231 : i32
          %ge3A_764 = arith.constant 0 : i32
          %ge3A_765 = arith.cmpi sge, %sub3A_762, %ge3A_764 : i32
          %and3A_766 = arith.andi %lt3A_763, %ge3A_765 : i1
          %lt3A_767 = arith.constant 128 : i32
          %lt3A_768 = arith.cmpi slt, %sub3A_762, %lt3A_767 : i32
          %and3A_769 = arith.andi %and3A_766, %lt3A_768 : i1
          %jit3A_770 = arith.constant 128 : i32
          %select_n3A_771 = arith.select %and3A_769, %sub3A_762, %jit3A_770 : i32
          %mul3A_772 = arith.constant 768 : i32
          %mul3A_773 = arith.muli %select_n3A_771, %mul3A_772 : i32
          %add3A_774 = arith.constant 0 : i32
          %add3A_775 = arith.addi %sub3A_356, %add3A_774 : i32
          %add3A_776 = arith.constant 12 : i32
          %add3A_777 = arith.addi %add3A_775, %add3A_776 : i32
          %mul3A_778 = arith.constant 768 : i32
          %mul3A_779 = arith.muli %add3A_777, %mul3A_778 : i32
          %mul3A_780 = arith.constant 16 : i32
          %mul3A_781 = arith.muli %select_n3A_771, %mul3A_780 : i32
          %swap3A_782 = arith.index_cast %mul3A_781 : i32 to index
          %swap3A_783 = tpu.vector_load %arg7[%swap3A_782] {strides = array<i32>} : memref<2064xf32, #tpu.memory_space<vmem>>, vector<16xf32>,
          tpu.vector_store %arg7[%swap3A_782], %broadcast_in_dim3A_358 {add = true, strides = array<i32>} : memref<2064xf32, #tpu.memory_space<vmem>>, vector<16xf32>,
          %parallel_loop3A_784 = arith.constant 0 : i32
          %parallel_loop3A_785 = arith.constant 768 : i32
          %parallel_loop3A_786 = arith.constant 16 : i32
          scf.for %parallel_loop3A_886 = %parallel_loop3A_784 to %parallel_loop3A_785 step %parallel_loop3A_786  : i32 {
            %parallel_loop3A_887 = arith.addi %mul3A_773, %parallel_loop3A_886 : i32
            %parallel_loop3A_888 = arith.addi %mul3A_779, %parallel_loop3A_886 : i32
            %parallel_loop3A_889 = arith.index_cast %parallel_loop3A_888 : i32 to index
            %parallel_loop3A_890 = tpu.vector_load %arg9[%parallel_loop3A_889] {strides = array<i32>} : memref<12288xf32, #tpu.memory_space<vmem>>, vector<16xf32>,
            %parallel_loop3A_891 = arith.index_cast %parallel_loop3A_887 : i32 to index
            %parallel_loop3A_892 = tpu.vector_load %arg6[%parallel_loop3A_891] {strides = array<i32>} : memref<99072xf32, #tpu.memory_space<vmem>>, vector<16xf32>,
            tpu.vector_store %arg6[%parallel_loop3A_891], %parallel_loop3A_890 {add = true, strides = array<i32>} : memref<99072xf32, #tpu.memory_space<vmem>>, vector<16xf32>,
          } {sc.loop_unroll_factor = 8 : i64, sc.parallel_access}
          %mul3A_787 = arith.constant 16 : i32
          %mul3A_788 = arith.muli %add3A_346, %mul3A_787 : i32
          %add3A_789 = arith.constant 0 : i32
          %add3A_790 = arith.addi %mul3A_788, %add3A_789 : i32
          %add3A_791 = arith.constant 13 : i32
          %add3A_792 = arith.addi %add3A_790, %add3A_791 : i32
          %slice3A_793 = vector.extract_strided_slice %get3A_359 {offsets = [13], sizes = [1], strides = [1]} : vector<16xi32> to vector<1xi32>
          %squeeze3A_794 = vector.extract %slice3A_793[0] : i32 from vector<1xi32>
          %sub3A_795 = arith.subi %squeeze3A_794, %add3A_193 : i32
          %lt3A_796 = arith.cmpi slt, %add3A_792, %sub3A_231 : i32
          %ge3A_797 = arith.constant 0 : i32
          %ge3A_798 = arith.cmpi sge, %sub3A_795, %ge3A_797 : i32
          %and3A_799 = arith.andi %lt3A_796, %ge3A_798 : i1
          %lt3A_800 = arith.constant 128 : i32
          %lt3A_801 = arith.cmpi slt, %sub3A_795, %lt3A_800 : i32
          %and3A_802 = arith.andi %and3A_799, %lt3A_801 : i1
          %jit3A_803 = arith.constant 128 : i32
          %select_n3A_804 = arith.select %and3A_802, %sub3A_795, %jit3A_803 : i32
          %mul3A_805 = arith.constant 768 : i32
          %mul3A_806 = arith.muli %select_n3A_804, %mul3A_805 : i32
          %add3A_807 = arith.constant 0 : i32
          %add3A_808 = arith.addi %sub3A_356, %add3A_807 : i32
          %add3A_809 = arith.constant 13 : i32
          %add3A_810 = arith.addi %add3A_808, %add3A_809 : i32
          %mul3A_811 = arith.constant 768 : i32
          %mul3A_812 = arith.muli %add3A_810, %mul3A_811 : i32
          %mul3A_813 = arith.constant 16 : i32
          %mul3A_814 = arith.muli %select_n3A_804, %mul3A_813 : i32
          %swap3A_815 = arith.index_cast %mul3A_814 : i32 to index
          %swap3A_816 = tpu.vector_load %arg7[%swap3A_815] {strides = array<i32>} : memref<2064xf32, #tpu.memory_space<vmem>>, vector<16xf32>,
          tpu.vector_store %arg7[%swap3A_815], %broadcast_in_dim3A_358 {add = true, strides = array<i32>} : memref<2064xf32, #tpu.memory_space<vmem>>, vector<16xf32>,
          %parallel_loop3A_817 = arith.constant 0 : i32
          %parallel_loop3A_818 = arith.constant 768 : i32
          %parallel_loop3A_819 = arith.constant 16 : i32
          scf.for %parallel_loop3A_886 = %parallel_loop3A_817 to %parallel_loop3A_818 step %parallel_loop3A_819  : i32 {
            %parallel_loop3A_887 = arith.addi %mul3A_806, %parallel_loop3A_886 : i32
            %parallel_loop3A_888 = arith.addi %mul3A_812, %parallel_loop3A_886 : i32
            %parallel_loop3A_889 = arith.index_cast %parallel_loop3A_888 : i32 to index
            %parallel_loop3A_890 = tpu.vector_load %arg9[%parallel_loop3A_889] {strides = array<i32>} : memref<12288xf32, #tpu.memory_space<vmem>>, vector<16xf32>,
            %parallel_loop3A_891 = arith.index_cast %parallel_loop3A_887 : i32 to index
            %parallel_loop3A_892 = tpu.vector_load %arg6[%parallel_loop3A_891] {strides = array<i32>} : memref<99072xf32, #tpu.memory_space<vmem>>, vector<16xf32>,
            tpu.vector_store %arg6[%parallel_loop3A_891], %parallel_loop3A_890 {add = true, strides = array<i32>} : memref<99072xf32, #tpu.memory_space<vmem>>, vector<16xf32>,
          } {sc.loop_unroll_factor = 8 : i64, sc.parallel_access}
          %mul3A_820 = arith.constant 16 : i32
          %mul3A_821 = arith.muli %add3A_346, %mul3A_820 : i32
          %add3A_822 = arith.constant 0 : i32
          %add3A_823 = arith.addi %mul3A_821, %add3A_822 : i32
          %add3A_824 = arith.constant 14 : i32
          %add3A_825 = arith.addi %add3A_823, %add3A_824 : i32
          %slice3A_826 = vector.extract_strided_slice %get3A_359 {offsets = [14], sizes = [1], strides = [1]} : vector<16xi32> to vector<1xi32>
          %squeeze3A_827 = vector.extract %slice3A_826[0] : i32 from vector<1xi32>
          %sub3A_828 = arith.subi %squeeze3A_827, %add3A_193 : i32
          %lt3A_829 = arith.cmpi slt, %add3A_825, %sub3A_231 : i32
          %ge3A_830 = arith.constant 0 : i32
          %ge3A_831 = arith.cmpi sge, %sub3A_828, %ge3A_830 : i32
          %and3A_832 = arith.andi %lt3A_829, %ge3A_831 : i1
          %lt3A_833 = arith.constant 128 : i32
          %lt3A_834 = arith.cmpi slt, %sub3A_828, %lt3A_833 : i32
          %and3A_835 = arith.andi %and3A_832, %lt3A_834 : i1
          %jit3A_836 = arith.constant 128 : i32
          %select_n3A_837 = arith.select %and3A_835, %sub3A_828, %jit3A_836 : i32
          %mul3A_838 = arith.constant 768 : i32
          %mul3A_839 = arith.muli %select_n3A_837, %mul3A_838 : i32
          %add3A_840 = arith.constant 0 : i32
          %add3A_841 = arith.addi %sub3A_356, %add3A_840 : i32
          %add3A_842 = arith.constant 14 : i32
          %add3A_843 = arith.addi %add3A_841, %add3A_842 : i32
          %mul3A_844 = arith.constant 768 : i32
          %mul3A_845 = arith.muli %add3A_843, %mul3A_844 : i32
          %mul3A_846 = arith.constant 16 : i32
          %mul3A_847 = arith.muli %select_n3A_837, %mul3A_846 : i32
          %swap3A_848 = arith.index_cast %mul3A_847 : i32 to index
          %swap3A_849 = tpu.vector_load %arg7[%swap3A_848] {strides = array<i32>} : memref<2064xf32, #tpu.memory_space<vmem>>, vector<16xf32>,
          tpu.vector_store %arg7[%swap3A_848], %broadcast_in_dim3A_358 {add = true, strides = array<i32>} : memref<2064xf32, #tpu.memory_space<vmem>>, vector<16xf32>,
          %parallel_loop3A_850 = arith.constant 0 : i32
          %parallel_loop3A_851 = arith.constant 768 : i32
          %parallel_loop3A_852 = arith.constant 16 : i32
          scf.for %parallel_loop3A_886 = %parallel_loop3A_850 to %parallel_loop3A_851 step %parallel_loop3A_852  : i32 {
            %parallel_loop3A_887 = arith.addi %mul3A_839, %parallel_loop3A_886 : i32
            %parallel_loop3A_888 = arith.addi %mul3A_845, %parallel_loop3A_886 : i32
            %parallel_loop3A_889 = arith.index_cast %parallel_loop3A_888 : i32 to index
            %parallel_loop3A_890 = tpu.vector_load %arg9[%parallel_loop3A_889] {strides = array<i32>} : memref<12288xf32, #tpu.memory_space<vmem>>, vector<16xf32>,
            %parallel_loop3A_891 = arith.index_cast %parallel_loop3A_887 : i32 to index
            %parallel_loop3A_892 = tpu.vector_load %arg6[%parallel_loop3A_891] {strides = array<i32>} : memref<99072xf32, #tpu.memory_space<vmem>>, vector<16xf32>,
            tpu.vector_store %arg6[%parallel_loop3A_891], %parallel_loop3A_890 {add = true, strides = array<i32>} : memref<99072xf32, #tpu.memory_space<vmem>>, vector<16xf32>,
          } {sc.loop_unroll_factor = 8 : i64, sc.parallel_access}
          %mul3A_853 = arith.constant 16 : i32
          %mul3A_854 = arith.muli %add3A_346, %mul3A_853 : i32
          %add3A_855 = arith.constant 0 : i32
          %add3A_856 = arith.addi %mul3A_854, %add3A_855 : i32
          %add3A_857 = arith.constant 15 : i32
          %add3A_858 = arith.addi %add3A_856, %add3A_857 : i32
          %slice3A_859 = vector.extract_strided_slice %get3A_359 {offsets = [15], sizes = [1], strides = [1]} : vector<16xi32> to vector<1xi32>
          %squeeze3A_860 = vector.extract %slice3A_859[0] : i32 from vector<1xi32>
          %sub3A_861 = arith.subi %squeeze3A_860, %add3A_193 : i32
          %lt3A_862 = arith.cmpi slt, %add3A_858, %sub3A_231 : i32
          %ge3A_863 = arith.constant 0 : i32
          %ge3A_864 = arith.cmpi sge, %sub3A_861, %ge3A_863 : i32
          %and3A_865 = arith.andi %lt3A_862, %ge3A_864 : i1
          %lt3A_866 = arith.constant 128 : i32
          %lt3A_867 = arith.cmpi slt, %sub3A_861, %lt3A_866 : i32
          %and3A_868 = arith.andi %and3A_865, %lt3A_867 : i1
          %jit3A_869 = arith.constant 128 : i32
          %select_n3A_870 = arith.select %and3A_868, %sub3A_861, %jit3A_869 : i32
          %mul3A_871 = arith.constant 768 : i32
          %mul3A_872 = arith.muli %select_n3A_870, %mul3A_871 : i32
          %add3A_873 = arith.constant 0 : i32
          %add3A_874 = arith.addi %sub3A_356, %add3A_873 : i32
          %add3A_875 = arith.constant 15 : i32
          %add3A_876 = arith.addi %add3A_874, %add3A_875 : i32
          %mul3A_877 = arith.constant 768 : i32
          %mul3A_878 = arith.muli %add3A_876, %mul3A_877 : i32
          %mul3A_879 = arith.constant 16 : i32
          %mul3A_880 = arith.muli %select_n3A_870, %mul3A_879 : i32
          %swap3A_881 = arith.index_cast %mul3A_880 : i32 to index
          %swap3A_882 = tpu.vector_load %arg7[%swap3A_881] {strides = array<i32>} : memref<2064xf32, #tpu.memory_space<vmem>>, vector<16xf32>,
          tpu.vector_store %arg7[%swap3A_881], %broadcast_in_dim3A_358 {add = true, strides = array<i32>} : memref<2064xf32, #tpu.memory_space<vmem>>, vector<16xf32>,
          %parallel_loop3A_883 = arith.constant 0 : i32
          %parallel_loop3A_884 = arith.constant 768 : i32
          %parallel_loop3A_885 = arith.constant 16 : i32
          scf.for %parallel_loop3A_886 = %parallel_loop3A_883 to %parallel_loop3A_884 step %parallel_loop3A_885  : i32 {
            %parallel_loop3A_887 = arith.addi %mul3A_872, %parallel_loop3A_886 : i32
            %parallel_loop3A_888 = arith.addi %mul3A_878, %parallel_loop3A_886 : i32
            %parallel_loop3A_889 = arith.index_cast %parallel_loop3A_888 : i32 to index
            %parallel_loop3A_890 = tpu.vector_load %arg9[%parallel_loop3A_889] {strides = array<i32>} : memref<12288xf32, #tpu.memory_space<vmem>>, vector<16xf32>,
            %parallel_loop3A_891 = arith.index_cast %parallel_loop3A_887 : i32 to index
            %parallel_loop3A_892 = tpu.vector_load %arg6[%parallel_loop3A_891] {strides = array<i32>} : memref<99072xf32, #tpu.memory_space<vmem>>, vector<16xf32>,
            tpu.vector_store %arg6[%parallel_loop3A_891], %parallel_loop3A_890 {add = true, strides = array<i32>} : memref<99072xf32, #tpu.memory_space<vmem>>, vector<16xf32>,
          } {sc.loop_unroll_factor = 8 : i64, sc.parallel_access}
        } else {
        }
        %while3A_324 = arith.constant 0 : i32
        scf.yield %while3A_324 : i32
      }
      %mul3A_299 = arith.constant 2048 : i32
      %mul3A_300 = arith.muli %select_n3A, %mul3A_299 : i32
      %add3A_301 = arith.addi %mul3A_300, %add3A_193 : i32
      %mul3A_302 = arith.constant 768 : i32
      %mul3A_303 = arith.muli %add3A_301, %mul3A_302 : i32
      "tpu.region"() ({
        %run_scoped3A = tpu.sem_alloc : memref<!tpu.dma_semaphore, #tpu.memory_space<semaphore_mem>>
        %dma_start3A = arith.constant 0 : i32
        %dma_start3A_310 = tpu.memref_slice %arg6[%dma_start3A] : memref<99072xf32, #tpu.memory_space<vmem>> -> memref<98304xf32, #tpu.memory_space<vmem>>
        %dma_start3A_311 = tpu.memref_slice %arg4[%mul3A_303] : memref<6291456xf32, #tpu.memory_space<hbm>> -> memref<98304xf32, #tpu.memory_space<hbm>>
        %dma_start3A_312 = tpu.memref_slice %arg4[%mul3A_303] : memref<6291456xf32, #tpu.memory_space<hbm>> -> memref<98304xf32, #tpu.memory_space<hbm>>
        %dma_start3A_313 = arith.constant 0 : i32
        %dma_start3A_314 = tpu.memref_slice %arg6[%dma_start3A_313] : memref<99072xf32, #tpu.memory_space<vmem>> -> memref<98304xf32, #tpu.memory_space<vmem>>
        tpu.enqueue_dma source(%dma_start3A_314 : memref<98304xf32, #tpu.memory_space<vmem>>) target(%dma_start3A_312 : memref<98304xf32, #tpu.memory_space<hbm>>) target_semaphore(%run_scoped3A : memref<!tpu.dma_semaphore, #tpu.memory_space<semaphore_mem>>)
        %dma_wait3A = arith.constant 0 : i32
        %dma_wait3A_315 = tpu.memref_slice %arg6[%dma_wait3A] : memref<99072xf32, #tpu.memory_space<vmem>> -> memref<98304xf32, #tpu.memory_space<vmem>>
        %dma_wait3A_316 = tpu.memref_slice %arg4[%mul3A_303] : memref<6291456xf32, #tpu.memory_space<hbm>> -> memref<98304xf32, #tpu.memory_space<hbm>>
        %dma_wait3A_317 = tpu.memref_slice %arg4[%mul3A_303] : memref<6291456xf32, #tpu.memory_space<hbm>> -> memref<98304xf32, #tpu.memory_space<hbm>>
        %dma_wait3A_318 = arith.constant 0 : i32
        %dma_wait3A_319 = tpu.memref_slice %arg6[%dma_wait3A_318] : memref<99072xf32, #tpu.memory_space<vmem>> -> memref<98304xf32, #tpu.memory_space<vmem>>
        tpu.wait_dma2 semaphore(%run_scoped3A : memref<!tpu.dma_semaphore, #tpu.memory_space<semaphore_mem>>) src(%dma_wait3A_319 : memref<98304xf32, #tpu.memory_space<vmem>>) dst(%dma_wait3A_317 : memref<98304xf32, #tpu.memory_space<hbm>>)
        tpu.yield
      }) : () -> ()
      %mul3A_304 = arith.constant 2048 : i32
      %mul3A_305 = arith.muli %select_n3A, %mul3A_304 : i32
      %add3A_306 = arith.addi %mul3A_305, %add3A_193 : i32
      %mul3A_307 = arith.constant 16 : i32
      %mul3A_308 = arith.muli %add3A_306, %mul3A_307 : i32
      "tpu.region"() ({
        %run_scoped3A = tpu.sem_alloc : memref<!tpu.dma_semaphore, #tpu.memory_space<semaphore_mem>>
        %dma_start3A = arith.constant 0 : i32
        %dma_start3A_310 = tpu.memref_slice %arg7[%dma_start3A] : memref<2064xf32, #tpu.memory_space<vmem>> -> memref<2048xf32, #tpu.memory_space<vmem>>
        %dma_start3A_311 = tpu.memref_slice %arg5[%mul3A_308] : memref<131072xf32, #tpu.memory_space<hbm>> -> memref<2048xf32, #tpu.memory_space<hbm>>
        %dma_start3A_312 = tpu.memref_slice %arg5[%mul3A_308] : memref<131072xf32, #tpu.memory_space<hbm>> -> memref<2048xf32, #tpu.memory_space<hbm>>
        %dma_start3A_313 = arith.constant 0 : i32
        %dma_start3A_314 = tpu.memref_slice %arg7[%dma_start3A_313] : memref<2064xf32, #tpu.memory_space<vmem>> -> memref<2048xf32, #tpu.memory_space<vmem>>
        tpu.enqueue_dma source(%dma_start3A_314 : memref<2048xf32, #tpu.memory_space<vmem>>) target(%dma_start3A_312 : memref<2048xf32, #tpu.memory_space<hbm>>) target_semaphore(%run_scoped3A : memref<!tpu.dma_semaphore, #tpu.memory_space<semaphore_mem>>)
        %dma_wait3A = arith.constant 0 : i32
        %dma_wait3A_315 = tpu.memref_slice %arg7[%dma_wait3A] : memref<2064xf32, #tpu.memory_space<vmem>> -> memref<2048xf32, #tpu.memory_space<vmem>>
        %dma_wait3A_316 = tpu.memref_slice %arg5[%mul3A_308] : memref<131072xf32, #tpu.memory_space<hbm>> -> memref<2048xf32, #tpu.memory_space<hbm>>
        %dma_wait3A_317 = tpu.memref_slice %arg5[%mul3A_308] : memref<131072xf32, #tpu.memory_space<hbm>> -> memref<2048xf32, #tpu.memory_space<hbm>>
        %dma_wait3A_318 = arith.constant 0 : i32
        %dma_wait3A_319 = tpu.memref_slice %arg7[%dma_wait3A_318] : memref<2064xf32, #tpu.memory_space<vmem>> -> memref<2048xf32, #tpu.memory_space<vmem>>
        tpu.wait_dma2 semaphore(%run_scoped3A : memref<!tpu.dma_semaphore, #tpu.memory_space<semaphore_mem>>) src(%dma_wait3A_319 : memref<2048xf32, #tpu.memory_space<vmem>>) dst(%dma_wait3A_317 : memref<2048xf32, #tpu.memory_space<hbm>>)
        tpu.yield
      }) : () -> ()
      %scan3A_309 = arith.constant 0 : i32
      scf.yield %scan3A_309 : i32
    }
    %scan3A_188 = arith.constant 2 : i32
    return
  }
}

module attributes {stable_mosaic.version = 14 : i64} {
  func.func @_cast_body(%arg0: i32, %arg1: memref<1x1024x768xf32, #tpu.memory_space<vmem>>, %arg2: memref<1x1024x768xbf16, #tpu.memory_space<vmem>>) attributes {dimension_semantics = [#tpu.dimension_semantics<arbitrary>], iteration_bounds = array<i64: 32>, scalar_prefetch = 0 : i64, scratch_operands = 0 : i64, tpu.core_type = #tpu.core_type<tc>, window_params = [{transform_indices = @transform_0, window_bounds = array<i64: 1, 1024, 768>}, {transform_indices = @transform_1, window_bounds = array<i64: 1, 1024, 768>}]} {
    %get3A = arith.constant 0 : index
    %get3A_0 = arith.constant 0 : index
    %get3A_1 = arith.constant 0 : index
    %get3A_2 = vector.load %arg1[%get3A, %get3A_0, %get3A_1] : memref<1x1024x768xf32, #tpu.memory_space<vmem>>, vector<1x1024x768xf32>
    %convert_element_type3A = arith.truncf %get3A_2 : vector<1x1024x768xf32> to vector<1x1024x768xbf16>
    %swap3A = arith.constant 0 : index
    %swap3A_3 = arith.constant 0 : index
    %swap3A_4 = arith.constant 0 : index
    %swap3A_5 = vector.load %arg2[%swap3A, %swap3A_3, %swap3A_4] : memref<1x1024x768xbf16, #tpu.memory_space<vmem>>, vector<1x1024x768xbf16>
    tpu.vector_store %arg2[%swap3A, %swap3A_3, %swap3A_4], %convert_element_type3A {strides = array<i32>} : memref<1x1024x768xbf16, #tpu.memory_space<vmem>>, vector<1x1024x768xbf16>,
    return
  }
  func.func @transform_0(%arg0: i32) -> (i32, i32, i32) {
    %jit3A = arith.constant 8 : i32
    %div3A = arith.divsi %arg0, %jit3A : i32
    %sign3A = arith.constant 0 : i32
    %sign3A_0 = arith.cmpi sgt, %arg0, %sign3A : i32
    %sign3A_1 = arith.extui %sign3A_0 : i1 to i32
    %sign3A_2 = arith.constant 0 : i32
    %sign3A_3 = arith.cmpi slt, %arg0, %sign3A_2 : i32
    %sign3A_4 = arith.extui %sign3A_3 : i1 to i32
    %sign3A_5 = arith.subi %sign3A_1, %sign3A_4 : i32
    %sign3A_6 = arith.constant 0 : i32
    %sign3A_7 = arith.cmpi sgt, %jit3A, %sign3A_6 : i32
    %sign3A_8 = arith.extui %sign3A_7 : i1 to i32
    %sign3A_9 = arith.constant 0 : i32
    %sign3A_10 = arith.cmpi slt, %jit3A, %sign3A_9 : i32
    %sign3A_11 = arith.extui %sign3A_10 : i1 to i32
    %sign3A_12 = arith.subi %sign3A_8, %sign3A_11 : i32
    %ne3A = arith.cmpi ne, %sign3A_5, %sign3A_12 : i32
    %rem3A = arith.remsi %arg0, %jit3A : i32
    %ne3A_13 = arith.constant 0 : i32
    %ne3A_14 = arith.cmpi ne, %rem3A, %ne3A_13 : i32
    %and3A = arith.andi %ne3A, %ne3A_14 : i1
    %sub3A = arith.constant 1 : i32
    %sub3A_15 = arith.subi %div3A, %sub3A : i32
    %select_n3A = arith.select %and3A, %sub3A_15, %div3A : i32
    %jit3A_16 = arith.constant 8 : i32
    %eq3A = arith.constant 0 : i32
    %eq3A_17 = arith.cmpi eq, %jit3A_16, %eq3A : i32
    %jit3A_18 = arith.constant 1 : i32
    %select_n3A_19 = arith.select %eq3A_17, %jit3A_18, %jit3A_16 : i32
    %rem3A_20 = arith.remsi %arg0, %select_n3A_19 : i32
    %ne3A_21 = arith.constant 0 : i32
    %ne3A_22 = arith.cmpi ne, %rem3A_20, %ne3A_21 : i32
    %lt3A = arith.constant 0 : i32
    %lt3A_23 = arith.cmpi slt, %rem3A_20, %lt3A : i32
    %lt3A_24 = arith.constant 0 : i32
    %lt3A_25 = arith.cmpi slt, %select_n3A_19, %lt3A_24 : i32
    %ne3A_26 = arith.xori %lt3A_23, %lt3A_25 : i1
    %and3A_27 = arith.andi %ne3A_26, %ne3A_22 : i1
    %add3A = arith.addi %rem3A_20, %select_n3A_19 : i32
    %select_n3A_28 = arith.select %and3A_27, %add3A, %rem3A_20 : i32
    %c0_i32 = arith.constant 0 : i32
    %c0_i32_29 = arith.constant 0 : i32
    return %select_n3A, %select_n3A_28, %c0_i32 : i32, i32, i32
  }
  func.func @transform_1(%arg0: i32) -> (i32, i32, i32) {
    %jit3A = arith.constant 8 : i32
    %div3A = arith.divsi %arg0, %jit3A : i32
    %sign3A = arith.constant 0 : i32
    %sign3A_0 = arith.cmpi sgt, %arg0, %sign3A : i32
    %sign3A_1 = arith.extui %sign3A_0 : i1 to i32
    %sign3A_2 = arith.constant 0 : i32
    %sign3A_3 = arith.cmpi slt, %arg0, %sign3A_2 : i32
    %sign3A_4 = arith.extui %sign3A_3 : i1 to i32
    %sign3A_5 = arith.subi %sign3A_1, %sign3A_4 : i32
    %sign3A_6 = arith.constant 0 : i32
    %sign3A_7 = arith.cmpi sgt, %jit3A, %sign3A_6 : i32
    %sign3A_8 = arith.extui %sign3A_7 : i1 to i32
    %sign3A_9 = arith.constant 0 : i32
    %sign3A_10 = arith.cmpi slt, %jit3A, %sign3A_9 : i32
    %sign3A_11 = arith.extui %sign3A_10 : i1 to i32
    %sign3A_12 = arith.subi %sign3A_8, %sign3A_11 : i32
    %ne3A = arith.cmpi ne, %sign3A_5, %sign3A_12 : i32
    %rem3A = arith.remsi %arg0, %jit3A : i32
    %ne3A_13 = arith.constant 0 : i32
    %ne3A_14 = arith.cmpi ne, %rem3A, %ne3A_13 : i32
    %and3A = arith.andi %ne3A, %ne3A_14 : i1
    %sub3A = arith.constant 1 : i32
    %sub3A_15 = arith.subi %div3A, %sub3A : i32
    %select_n3A = arith.select %and3A, %sub3A_15, %div3A : i32
    %jit3A_16 = arith.constant 8 : i32
    %eq3A = arith.constant 0 : i32
    %eq3A_17 = arith.cmpi eq, %jit3A_16, %eq3A : i32
    %jit3A_18 = arith.constant 1 : i32
    %select_n3A_19 = arith.select %eq3A_17, %jit3A_18, %jit3A_16 : i32
    %rem3A_20 = arith.remsi %arg0, %select_n3A_19 : i32
    %ne3A_21 = arith.constant 0 : i32
    %ne3A_22 = arith.cmpi ne, %rem3A_20, %ne3A_21 : i32
    %lt3A = arith.constant 0 : i32
    %lt3A_23 = arith.cmpi slt, %rem3A_20, %lt3A : i32
    %lt3A_24 = arith.constant 0 : i32
    %lt3A_25 = arith.cmpi slt, %select_n3A_19, %lt3A_24 : i32
    %ne3A_26 = arith.xori %lt3A_23, %lt3A_25 : i1
    %and3A_27 = arith.andi %ne3A_26, %ne3A_22 : i1
    %add3A = arith.addi %rem3A_20, %select_n3A_19 : i32
    %select_n3A_28 = arith.select %and3A_27, %add3A, %rem3A_20 : i32
    %c0_i32 = arith.constant 0 : i32
    %c0_i32_29 = arith.constant 0 : i32
    return %select_n3A, %select_n3A_28, %c0_i32 : i32, i32, i32
  }
}

module attributes {stable_mosaic.version = 14 : i64} {
  func.func @_proj_body(%arg0: i32, %arg1: i32, %arg2: memref<1x512x768xf32, #tpu.memory_space<vmem>>, %arg3: memref<1x512x16xf32, #tpu.memory_space<vmem>>, %arg4: memref<768x1024xbf16, #tpu.memory_space<vmem>>, %arg5: memref<768x1024xbf16, #tpu.memory_space<vmem>>, %arg6: memref<1x1024xf32, #tpu.memory_space<vmem>>, %arg7: memref<1x512x1024xf32, #tpu.memory_space<vmem>>) attributes {dimension_semantics = [#tpu.dimension_semantics<arbitrary>, #tpu.dimension_semantics<arbitrary>], iteration_bounds = array<i64: 4, 4>, scalar_prefetch = 0 : i64, scratch_operands = 0 : i64, tpu.core_type = #tpu.core_type<tc>, window_params = [{transform_indices = @transform_0, window_bounds = array<i64: 1, 512, 768>}, {transform_indices = @transform_1, window_bounds = array<i64: 1, 512, 16>}, {pipeline_mode = #tpu.pipeline_mode<synchronous>, transform_indices = @transform_2, window_bounds = array<i64: 768, 1024>}, {pipeline_mode = #tpu.pipeline_mode<synchronous>, transform_indices = @transform_3, window_bounds = array<i64: 768, 1024>}, {pipeline_mode = #tpu.pipeline_mode<synchronous>, transform_indices = @transform_4, window_bounds = array<i64: 1, 1024>}, {transform_indices = @transform_5, window_bounds = array<i64: 1, 512, 1024>}]} {
    %get3A = arith.constant 0 : index
    %get3A_0 = arith.constant 0 : index
    %get3A_1 = arith.constant 0 : index
    %get3A_2 = vector.load %arg3[%get3A, %get3A_0, %get3A_1] : memref<1x512x16xf32, #tpu.memory_space<vmem>>, vector<1x512x1xf32>
    %get3A_3 = vector.shape_cast %get3A_2 : vector<1x512x1xf32> to vector<512xf32>
    %max3A = arith.constant 1.000000e+00 : f32
    %max3A_4 = vector.broadcast %max3A : f32 to vector<512xf32>
    %max3A_5 = arith.maximumf %get3A_3, %max3A_4 : vector<512xf32>
    %broadcast_in_dim3A = vector.shape_cast %max3A_5 : vector<512xf32> to vector<512x1xf32>
    %get3A_6 = arith.constant 0 : index
    %get3A_7 = arith.constant 0 : index
    %get3A_8 = arith.constant 0 : index
    %get3A_9 = vector.load %arg2[%get3A_6, %get3A_7, %get3A_8] : memref<1x512x768xf32, #tpu.memory_space<vmem>>, vector<1x512x768xf32>
    %get3A_10 = vector.shape_cast %get3A_9 : vector<1x512x768xf32> to vector<512x768xf32>
    %div3A = vector.broadcast %broadcast_in_dim3A : vector<512x1xf32> to vector<512x768xf32>
    %div3A_11 = arith.divf %get3A_10, %div3A : vector<512x768xf32>
    %convert_element_type3A = arith.truncf %div3A_11 : vector<512x768xf32> to vector<512x768xbf16>
    %get3A_12 = arith.constant 0 : index
    %get3A_13 = arith.constant 0 : index
    %get3A_14 = vector.load %arg4[%get3A_12, %get3A_13] : memref<768x1024xbf16, #tpu.memory_space<vmem>>, vector<768x1024xbf16>
    %dot_general3A = arith.constant dense<0.000000e+00> : vector<512x1024xf32>
    %dot_general3A_15 = tpu.matmul %convert_element_type3A, %get3A_14, %dot_general3A {dimension_numbers = #tpu.dot_dimension_numbers<[1], [0], [0], [1], [0, 0, 1, 1], [], []>, transpose_lhs_hint = false} : vector<512x768xbf16>, vector<768x1024xbf16>, vector<512x1024xf32> -> vector<512x1024xf32>
    %get3A_16 = arith.constant 0 : index
    %get3A_17 = arith.constant 0 : index
    %get3A_18 = vector.load %arg5[%get3A_16, %get3A_17] : memref<768x1024xbf16, #tpu.memory_space<vmem>>, vector<768x1024xbf16>
    %dot_general3A_19 = arith.constant dense<0.000000e+00> : vector<512x1024xf32>
    %dot_general3A_20 = tpu.matmul %convert_element_type3A, %get3A_18, %dot_general3A_19 {dimension_numbers = #tpu.dot_dimension_numbers<[1], [0], [0], [1], [0, 0, 1, 1], [], []>, transpose_lhs_hint = false} : vector<512x768xbf16>, vector<768x1024xbf16>, vector<512x1024xf32> -> vector<512x1024xf32>
    %add3A = arith.addf %dot_general3A_15, %dot_general3A_20 : vector<512x1024xf32>
    %get3A_21 = arith.constant 0 : index
    %get3A_22 = arith.constant 0 : index
    %get3A_23 = vector.load %arg6[%get3A_21, %get3A_22] : memref<1x1024xf32, #tpu.memory_space<vmem>>, vector<1x1024xf32>
    %get3A_24 = vector.shape_cast %get3A_23 : vector<1x1024xf32> to vector<1024xf32>
    %broadcast_in_dim3A_25 = vector.shape_cast %get3A_24 : vector<1024xf32> to vector<1x1024xf32>
    %add3A_26 = vector.broadcast %broadcast_in_dim3A_25 : vector<1x1024xf32> to vector<512x1024xf32>
    %add3A_27 = arith.addf %add3A, %add3A_26 : vector<512x1024xf32>
    %swap3A = arith.constant 0 : index
    %swap3A_28 = arith.constant 0 : index
    %swap3A_29 = arith.constant 0 : index
    %swap3A_30 = vector.load %arg7[%swap3A, %swap3A_28, %swap3A_29] : memref<1x512x1024xf32, #tpu.memory_space<vmem>>, vector<1x512x1024xf32>
    %swap3A_31 = vector.shape_cast %swap3A_30 : vector<1x512x1024xf32> to vector<512x1024xf32>
    %swap3A_32 = vector.shape_cast %add3A_27 : vector<512x1024xf32> to vector<1x512x1024xf32>
    tpu.vector_store %arg7[%swap3A, %swap3A_28, %swap3A_29], %swap3A_32 {strides = array<i32>} : memref<1x512x1024xf32, #tpu.memory_space<vmem>>, vector<1x512x1024xf32>,
    return
  }
  func.func @transform_0(%arg0: i32, %arg1: i32) -> (i32, i32, i32) {
    %c0_i32 = arith.constant 0 : i32
    %c0_i32_0 = arith.constant 0 : i32
    return %arg0, %arg1, %c0_i32 : i32, i32, i32
  }
  func.func @transform_1(%arg0: i32, %arg1: i32) -> (i32, i32, i32) {
    %c0_i32 = arith.constant 0 : i32
    %c0_i32_0 = arith.constant 0 : i32
    return %arg0, %arg1, %c0_i32 : i32, i32, i32
  }
  func.func @transform_2(%arg0: i32, %arg1: i32) -> (i32, i32) {
    %c0_i32 = arith.constant 0 : i32
    %c0_i32_0 = arith.constant 0 : i32
    %c0_i32_1 = arith.constant 0 : i32
    return %c0_i32, %c0_i32_0 : i32, i32
  }
  func.func @transform_3(%arg0: i32, %arg1: i32) -> (i32, i32) {
    %c0_i32 = arith.constant 0 : i32
    %c0_i32_0 = arith.constant 0 : i32
    %c0_i32_1 = arith.constant 0 : i32
    return %c0_i32, %c0_i32_0 : i32, i32
  }
  func.func @transform_4(%arg0: i32, %arg1: i32) -> (i32, i32) {
    %c0_i32 = arith.constant 0 : i32
    %c0_i32_0 = arith.constant 0 : i32
    %c0_i32_1 = arith.constant 0 : i32
    return %c0_i32, %c0_i32_0 : i32, i32
  }
  func.func @transform_5(%arg0: i32, %arg1: i32) -> (i32, i32, i32) {
    %c0_i32 = arith.constant 0 : i32
    %c0_i32_0 = arith.constant 0 : i32
    return %arg0, %arg1, %c0_i32 : i32, i32, i32
  }
}

</mosaic_0001>

<sc_bundles>
// kernel: kernel.5.cloned.1.call-start
scs
__scs_entry_jumppad:
0x0: {  	(pc) =	sbr.rel $0x88, $3  }
0x1: {  	(tag) =	ssettag $0x0;
	lr =	simm.s32 $0x1  }
0x2: {  	[smem:$0x3F9D] =	sst lr;
	_ =	strace $0xD0000000  }
0x3: {  	_ = 	snop  }
0x4: {  	_ = 	snop  }
0x5: {  	_ = 	snop  }
0x6: {  	_ = 	snop  }
0x7: {  	_ = 	snop  }
__scs_overlays_trampoline_lowered:
0x8: {  	[smem:$0x3FAC] =	sst s0  }
0x9: {  	[smem:$0x3FAD] =	sst s1  }
0xa: {  	[smem:$0x3FAE] =	sst s2  }
0xb: {  	[smem:$0x3FAF] =	sst s3  }
0xc: {  	[smem:$0x3FB0] =	sst s4  }
0xd: {  	[smem:$0x3FB1] =	sst s5  }
0xe: {  	[smem:$0x3FB2] =	sst s6  }
0xf: {  	[smem:$0x3FB3] =	sst s7  }
0x10: {  	[smem:$0x3FB4] =	sst s8  }
0x11: {  	[smem:$0x3FB5] =	sst s9;
	s0 =	simm.s32 @!p0 $0x0  }
0x12: {  	s1 =	sld [smem:$0x3F9B];
	s0 =	simm.s32 @p0 $0x1  }
0x13: {  	[smem:$0x3FB6] =	sst s0;
	s0 =	simm.s32 @!p1 $0x0  }
0x14: {  	s2 =	sld [smem:$0x3F9A];
	s0 =	simm.s32 @p1 $0x1  }
0x15: {  	[smem:$0x3FB7] =	sst s0;
	s0 =	simm.s32 @!p2 $0x0  }
0x16: {  	s3 =	sld [smem:$0x3FDB];
	s0 =	simm.s32 @p2 $0x1  }
0x17: {  	s4 =	simm.s32 $0x1BF5;
	[smem:$0x3FB9] =	sst s0  }
0x18: {  	s0 =	sld [smem:$0x3F9C];
	_ =	swait.ge [sflag:s4], $0x0  }
0x19: {  	s7 =	sld [smem:$0x3F9D]  }
0x1a: {  	s8 =	sadd.s32 $0xFFFFE003, lr  }
0x1b: {  	s9 =	sadd.s32 $0xFFFFFEF7, lr;
	s5 =	simm.s32 $0xFFFFFFFF;
	p2 =	slt.u32 s8, $0xFFFFF086  }
0x1c: {  	p1 =	slt.u32 s9, $0xF7A;
	s5 =	simm.s32 @!p2 $0x0  }
0x1d: {  	s5 =	simm.s32 @p1 $0x1;
	p0 =	seq.s32 s7, s2  }
0x1e: {  	s7 =	smul.u32 @!p0 $0xF7A, s2;
	p2 =	seq.s32 @!p0 s5, $0x0  }
0x1f: {  	s9 =	smul.u32 $0xF7A, s1;
	s8 =	simm.s32 @!p0 $0x1BF5;
	p2 =	por !p2, p0  }
0x20: {  	[sflag:s8] =	ssyncset.s32 @!p0 $0xFFFFF086;
	s6 =	sadd.s32 @!p0 s3, s7;
	s7 =	simm.s32 @!p0 $0x108  }
0x21: {  	s3 =	sadd.s32 s3, s9;
	s6 =	sadd.s32 @!p0 $0x88, s6;
	s7 =	simm.s32 @p2 $0x1082  }
0x22: {  	[simem:s7], [sflag:s8] =	dma.local @!p0 [hbm:s6], $0xF7A  }
0x23: {  	s9 =	sor.u32 $0xD0000000, s2;
	s6 =	simm.s32 $0x108;
	_ =	swait.ge @!p0 [sflag:s8], $0x0  }
0x24: {  	s3 =	sadd.s32 $0x88, s3;
	s6 =	simm.s32 @!p1 $0x1082;
	[sflag:s4] =	ssyncset.s32 $0xFFFFF086  }
0x25: {  	[simem:s6], [sflag:s4] =	dma.local [hbm:s3], $0xF7A  }
0x26: {  	[smem:$0x3F9D] =	sst s1;
	(tag) =	ssettag s2;
	_ =	strace s9  }
0x27: {  	s1 =	sld [smem:$0x3FAD]  }
0x28: {  	s2 =	sld [smem:$0x3FAE]  }
0x29: {  	s4 =	sld [smem:$0x3FB0]  }
0x2a: {  	p0 =	seq.s32 s5, $0x0;
	s5 =	sld [smem:$0x3FB1]  }
0x2b: {  	s6 =	sld [smem:$0x3FB2]  }
0x2c: {  	s7 =	sld [smem:$0x3FB3]  }
0x2d: {  	s3 =	simm.s32 $0x108;
	s8 =	sld [smem:$0x3FB4]  }
0x2e: {  	s3 =	simm.s32 @!p0 $0x1082;
	s9 =	sld [smem:$0x3FB5]  }
0x2f: {  	lr =	sadd.s32 s0, s3;
	s0 =	sld [smem:$0x3FAC]  }
0x30: {  	s3 =	sld [smem:$0x3FAF]  }
0x31: {  	[smem:$0x3FB8] =	sst s10  }
0x32: {  	s10 =	sld [smem:$0x3FB6];
	_ =	sdelay $0x3  }
0x33: {  	p0 =	seq.s32 s10, $0x1;
	s10 =	sld [smem:$0x3FB8];
	_ =	sdelay $0x3  }
0x34: {  	[smem:$0x3FB8] =	sst s10  }
0x35: {  	s10 =	sld [smem:$0x3FB7];
	_ =	sdelay $0x3  }
0x36: {  	p1 =	seq.s32 s10, $0x1;
	s10 =	sld [smem:$0x3FB8];
	_ =	sdelay $0x3  }
0x37: {  	[smem:$0x3FB8] =	sst s10  }
0x38: {  	s10 =	sld [smem:$0x3FB9]  }
0x39: {  	_ = 	snop;
	(pc) =	sbr.ind lr, $3  }
0x3a: {  	_ = 	snop  }
0x3b: {  	_ = 	snop  }
0x3c: {  	p2 =	seq.s32 s10, $0x1;
	s10 =	sld [smem:$0x3FB8]  }
0x3d: {  	_ =	shalt  }
0x3e: {  	_ =	shalt  }
0x3f: {  	_ =	shalt  }
0x40: {  	_ =	shalt  }
0x41: {  	_ =	shalt  }
0x42: {  	_ =	shalt  }
0x43: {  	_ =	shalt  }
0x44: {  	_ =	shalt  }
0x45: {  	_ =	shalt  }
0x46: {  	_ =	shalt  }
0x47: {  	_ =	shalt  }
0x48: {  	_ =	shalt  }
0x49: {  	_ =	shalt  }
0x4a: {  	_ =	shalt  }
0x4b: {  	_ =	shalt  }
0x4c: {  	_ =	shalt  }
0x4d: {  	_ =	shalt  }
0x4e: {  	_ =	shalt  }
0x4f: {  	_ =	shalt  }
0x50: {  	_ =	shalt  }
0x51: {  	_ =	shalt  }
0x52: {  	_ =	shalt  }
0x53: {  	_ =	shalt  }
0x54: {  	_ =	shalt  }
0x55: {  	_ =	shalt  }
0x56: {  	_ =	shalt  }
0x57: {  	_ =	shalt  }
0x58: {  	_ =	shalt  }
0x59: {  	_ =	shalt  }
0x5a: {  	_ =	shalt  }
0x5b: {  	_ =	shalt  }
0x5c: {  	_ =	shalt  }
0x5d: {  	_ =	shalt  }
0x5e: {  	_ =	shalt  }
0x5f: {  	_ =	shalt  }
0x60: {  	_ =	shalt  }
0x61: {  	_ =	shalt  }
0x62: {  	_ =	shalt  }
0x63: {  	_ =	shalt  }
0x64: {  	_ =	shalt  }
0x65: {  	_ =	shalt  }
0x66: {  	_ =	shalt  }
0x67: {  	_ =	shalt  }
0x68: {  	_ =	shalt  }
0x69: {  	_ =	shalt  }
0x6a: {  	_ =	shalt  }
0x6b: {  	_ =	shalt  }
0x6c: {  	_ =	shalt  }
0x6d: {  	_ =	shalt  }
0x6e: {  	_ =	shalt  }
0x6f: {  	_ =	shalt  }
0x70: {  	_ =	shalt  }
0x71: {  	_ =	shalt  }
0x72: {  	_ =	shalt  }
0x73: {  	_ =	shalt  }
0x74: {  	_ =	shalt  }
0x75: {  	_ =	shalt  }
0x76: {  	_ =	shalt  }
0x77: {  	_ =	shalt  }
0x78: {  	_ =	shalt  }
0x79: {  	_ =	shalt  }
0x7a: {  	_ =	shalt  }
0x7b: {  	_ =	shalt  }
0x7c: {  	_ =	shalt  }
0x7d: {  	_ =	shalt  }
0x7e: {  	_ =	shalt  }
0x7f: {  	_ =	shalt  }
0x80: {  	_ =	shalt  }
0x81: {  	_ =	shalt  }
0x82: {  	_ =	shalt  }
0x83: {  	_ =	shalt  }
0x84: {  	_ =	shalt  }
0x85: {  	_ =	shalt  }
0x86: {  	_ =	shalt  }
0x87: {  	_ =	shalt  }
.Lfunc_end0:
.L_simem_size_0:
called_computation_lowered:
.L_overlay_start_0:
0x88: {  	s2 =	sld [smem:$0x3FD9]  }
0x89: {  	s3 =	sld [smem:$0x3FFE];
	_ =	sdelay $0x1  }
0x8a: {  	s1 =	srdreg.scid  }
0x8b: {  	s0 =	sand.u32 $0x1, s1  }
0x8c: {  	s14 =	sshll.u32 s0, $0xA;
	s2 =	sadd.s32 s3, s2  }
0x8d: {  	s2 =	sadd.s32 s2, s14  }
0x8e: {  	[smem:$0x3FC4] =	sst s2  }
0x8f: {  	_ = 	snop  }
0x90: {  	s2 =	sld [smem:$0x3FD0];
	_ =	sdelay $0x2  }
0x91: {  	s15 =	simm.s32 $0xA;
	s4 =	simm.s32 $0x10  }
0x92: {  	[smem:s4], [sflag:s15] =	dma.local [hbm:s2], $0x1  }
0x93: {  	_ =	swait.eq [sflag:s15], $0x1  }
0x94: {  	[sflag:s15] =	ssyncset.done $0x0  }
0x95: {  	[sflag:s15] =	ssyncadd.s32 $0xFFFFFFFF  }
0x96: {  	s16 =	sld [smem:$0x11];
	(tm) =	ssettm $0x1  }
0x97: {  	s17 =	sld [smem:$0x3FFB];
	_ =	sdelay $0x3  }
0x98: {  	_ =	strace s17  }
0x99: {  	s3 =	sld [smem:$0x3FFC];
	_ =	sdelay $0x3  }
0x9a: {  	_ =	strace s3  }
0x9b: {  	s3 =	sld [smem:$0x3FFD];
	_ =	sdelay $0x3  }
0x9c: {  	_ =	strace s3  }
0x9d: {  	_ =	strace $0x8FFFFFFF  }
0x9e: {  	s18 =	sld [smem:$0x3FDB];
	_ =	sdelay $0x1  }
0x9f: {  	s19 =	simm.s32 $_scs_section_size  }
0xa0: {  	s5 =	simm.s32 $_size__tile_overlayer_lowered;
	s6 =	simm.s32 $_tile_overlayer_lowered  }
0xa1: {  	s22 =	simm.s32 $0x1BFF;
	s21 =	sshll.u32 s6, $0x1;
	s3 =	sadd.s32 s19, s18  }
0xa2: {  	s7 =	simm.s32 $0x0;
	s20 =	sshll.u32 s5, $0x1;
	s5 =	sadd.s32 s21, s3  }
0xa3: {  	[timem:s7], [sflag:s22] =	dma.local [hbm:s5], s20  }
0xa4: {  	_ =	swait.ge [sflag:s22], s20  }
0xa5: {  	s4 =	ssub.s32 $0x0, s20;
	[sflag:s22] =	ssyncset.done $0x0  }
0xa6: {  	[sflag:s22] =	ssyncadd.s32 s4;
	_ =	sdelay $0x1  }
0xa7: {  	s23 =	simm.s32 $0x1B8B  }
0xa8: {  	_ =	swait.ge [sflag:s23], $0x1  }
0xa9: {  	[sflag:s23] =	ssyncset.done $0x0  }
0xaa: {  	s25 =	simm.s32 $0x1B8E;
	s24 =	sld [smem:$0x3FFE];
	[sflag:s23] =	ssyncadd.s32 $0xFFFFFFFF  }
0xab: {  	s26 =	simm.s32 $execute0_lowered;
	[smem:$0x3FD2] =	sst s25  }
0xac: {  	s5 =	sshll.u32 s26, $0x1;
	_ =	strace $0x80000046;
	[dreg:$0x1] =	wrdreg $0xFFFFFFFF  }
0xad: {  	s28 =	simm.s32 $_size_execute0_lowered;
	s3 =	sadd.s32 s3, s5;
	[dreg:$0x0] =	wrdreg $0x0  }
0xae: {  	s5 =	sshll.u32 s28, $0x1;
	[dreg:$0x2] =	wrdreg s3  }
0xaf: {  	[dreg:$0x3] =	wrdreg s5  }
0xb0: {  	[dreg:$0x4] =	wrdreg $0xC0  }
0xb1: {  	_ =	task [dreg:s7], $0x5FFFF  }
0xb2: {  	[dreg:$0x1] =	wrdreg $0xFFFFFFFF  }
0xb3: {  	[dreg:$0x0] =	wrdreg $0x60  }
0xb4: {  	[dreg:$0x2] =	wrdreg s24  }
0xb5: {  	[dreg:$0x3] =	wrdreg s16  }
0xb6: {  	[dreg:$0x4] =	wrdreg $0x9  }
0xb7: {  	_ =	task.clear_ibuf [dreg:s7], $0x5FFFF;
	_ =	strace $0x90000046  }
0xb8: {  	s29 =	simm.s32 $0x9;
	_ =	strace $0x80000048  }
0xb9: {  	_ =	swait.ge [sflag:s29], $0x1  }
0xba: {  	[sflag:s29] =	ssyncadd.s32 $0xFFFFFFFF  }
0xbb: {  	_ =	strace $0x90000048  }
0xbc: {  	_ =	sfence  }
0xbd: {  	s30 =	sld [smem:$0x0];
	_ =	sdelay $0x2  }
0xbe: {  	s31 =	sshll.u32 s1, $0xD;
	s1 =	sshrl.u32 s1, $0x2  }
0xbf: {  	s3 =	sand.u32 $0x4000, s31;
	s1 =	sadd.s32 s1, s30  }
0xc0: {  	s0 =	sor.u32 s3, s0;
	s1 =	sshll.u32 s1, $0x11  }
0xc1: {  	s0 =	sor.u32 s1, s0  }
0xc2: {  	s0 =	sadd.s32 $0x8F2B, s0  }
0xc3: {  	[sflag:s0] =	ssyncadd.remote.s32 $0x1  }
0xc4: {  	_ =	sfence.sel $0xFFFF  }
0xc5: {  	[dreg:$0x0] =	wrdreg $0xFFFFFFFF;
	(pc) =	sbr.abs _section_cstart, $3  }
0xc6: {  	[dreg:$0x1] =	wrdreg $0xFFFFFFFF  }
0xc7: {  	_ =	task.clear_ibuf [dreg:s7], $0x2FFFF;
	_ =	strace $0x9FFFFFFF  }
0xc8: {  	(tm) =	ssettm $0x7FFFFFFF  }
0xc9: {  	_ =	shalt  }
tec
execute0_lowered:
.L_overlay_start_1:
0x0: {  	(tag) =	ssettag $0x1  }
0x1: {  	s0 =	rddreg [dreg:$0x0];
	s2 =	simm.s32 $0x0;
	s1 =	srdreg.scid  }
0x2: {  	s3 =	stileid.u32;
	s6 =	simm.s32 $0x1;
	s7 =	simm.s32 $0x1  }
0x3: {  	s8 =	simm.s32 $0x1EB80;
	s13 =	simm.s32 $0x5;
	s14 =	simm.s32 $0x2  }
0x4: {  	s15 =	simm.s32 $0x3;
	[smem:$0x7FF] =	sst s2;
	s1 =	sand.u32 $0x1, s1  }
0x5: {  	s4 =	sadd.s32 $0x1200, s0;
	s5 =	sadd.s32 $0x301200, s0;
	s0 =	sadd.s32 $0x302200, s0  }
0x6: {  	_ =	strace $0x80000047;
	s26 =	sshll.u32 s1, $0x4;
	[dreg:$0x3] =	wrdreg s0  }
0x7: {  	s28 =	ssub.s32 $0x2, s1;
	s2 =	sor.u32 s3, s26;
	s3 =	sand.u32 $0x7, s3  }
0x8: {  	s1 =	sshrl.u32 s28, $0x1;
	p0 =	seq.s32 s2, $0x0;
	p1 =	sne.s32 s3, $0x0  }
0x9: {  	s0 =	ssub.s32 s28, s1;
	s29 =	sshrl.u32 s2, $0x3;
	p0 =	por !p1, !p0  }
.Ltmp0:
0xa: {  	s30 =	sshll.u32 s3, $0x8;
	p0 =	por !p0, !p0;
	(pc) =	sbr.rel .LBB2_1-.Ltmp0, $4  }
0xb: {  	s31 =	sor.u32 $0x80, s30;
	s3 =	sadd.s32 $0x100, s30;
	s6 =	simm.s32 @!p0 $0x0  }
0xc: {  	s0 =	smax.u32 s0, $0x1;
	[dreg:$0x4] =	wrdreg s30;
	s1 =	ssub.s32 s29, s6  }
0xd: {  	v3 =	vimm.s32 $0x0;
	v4 =	vimm.f32 $0.0e+00;
	v5 =	vimm.f32 $1.000000000e+00;
	[dreg:$0x6] =	wrdreg s0;
	s9 =	sshll.u32 s1, $0xD;
	s1 =	sshll.u32 s1, $0xB  }
0xe: {  	s16 =	simm.s32 $0x4;
	v0 =	vmov s30;
	v1 =	vmov s31;
	v2 =	vmov s3;
	[dreg:$0x5] =	wrdreg s1;
	s1 =	simm.s32 $0x0  }
.LBB2_82:
0xf: {  	s1 =	rddreg [dreg:$0x7]  }
0x10: {  	s0 =	rddreg [dreg:$0x6];
	s1 =	sadd.s32 $0x1, s1  }
0x11: {  	p0 =	sne.s32 s1, s0  }
.Ltmp1:
0x12: {  	_ = 	snop;
	(pc) =	sbr.rel @!p0 .LBB2_83-.Ltmp1, $2  }
0x13: {  	_ =	sdelay $0x2  }
0x14: {  	s8 =	simm.s32 $0x1EB80  }
.LBB2_1:
0x15: {  	[dreg:$0x7] =	wrdreg s1;
	v6 =	vimm.s32 $0x0;
	v7 =	vimm.s32 $0x0;
	v8 =	vimm.s32 $0x0;
	s0 =	simm.s32 $0x0  }
.LBB2_2:
0x16: {  	s1 =	sshll.u32 s0, $0xA  }
0x17: {  	s1 =	sadd.s32 s9, s1  }
0x18: {  	s1 =	sshrl.u32 s1, $0x3  }
0x19: {  	s2 =	simm.s32 $0x0;
	s1 =	sadd.s32 s5, s1  }
0x1a: {  	[tilespmem:s8], [sflag:$0x5] =	stream.linear.gather [hbm4b:s1+s2], $0x400, $0x38;
	[tilespmem:$0x1F080] =	vst v63  }
0x1b: {  	_ =	swait.ge [sflag:s13], $0x400  }
0x1c: {  	[sflag:s13] =	ssyncset.done $0x0  }
0x1d: {  	s31 =	simm.s32 $0x0;
	[sflag:s13] =	ssyncadd.s32 $0xFFFFFC00  }
0x1e: {  	v9 =	vld [tilespmem:s31+$0x1EB80]  }
0x1f: {  	s1 =	simm.s32 $0x40  }
.LBB2_3:
0x20: {  	p0 =	sne.s32 s1, $0xFC0  }
.Ltmp2:
0x21: {  	_ = 	snop;
	(pc) =	sbr.rel @p0 .LBB2_3-.Ltmp2, $4  }
0x22: {  	_ = 	snop  }
0x23: {  	s2 =	sshra.s32 s1, $0x2;
	s1 =	sadd.s32 $0x40, s1;
	vm0 =	vlt.s32 v9, v0;
	vm1 =	vlt.s32 v9, v1;
	vm2 =	vlt.s32 v9, v2  }
0x24: {  	v9 =	vld [tilespmem:s2+$0x1EB80];
	v10 =	vsel vm0, $0x1, v3;
	v11 =	vsel vm1, $0x1, v3;
	v12 =	vsel vm2, $0x1, v3  }
0x25: {  	v8 =	vadd.s32 v10, v8;
	v7 =	vadd.s32 v11, v7;
	v6 =	vadd.s32 v12, v6  }
0x26: {  	s0 =	sadd.s32 $0x1, s0  }
0x27: {  	p0 =	sne.s32 s0, $0x8  }
.Ltmp3:
0x28: {  	_ = 	snop;
	(pc) =	sbr.rel @p0 .LBB2_2-.Ltmp3, $4  }
0x29: {  	_ = 	snop  }
0x2a: {  	vm0 =	vlt.s32 v9, v0;
	vm1 =	vlt.s32 v9, v1;
	vm2 =	vlt.s32 v9, v2  }
0x2b: {  	v9 =	vsel vm0, $0x1, v3;
	v10 =	vsel vm1, $0x1, v3;
	v11 =	vsel vm2, $0x1, v3  }
0x2c: {  	v8 =	vadd.s32 v9, v8;
	v7 =	vadd.s32 v10, v7;
	v6 =	vadd.s32 v11, v6  }
0x2d: {  	(v2sf) =	vpush v8, $0x0  }
0x2e: {  	(v2sf) =	vpush v7, $0x0  }
0x2f: {  	(v2sf) =	vpush v6, $0x0  }
0x30: {  	(v2sf) =	vpush v8, $0x1  }
0x31: {  	(v2sf) =	vpush v7, $0x1  }
0x32: {  	(v2sf) =	vpush v6, $0x1  }
0x33: {  	(v2sf) =	vpush v8, $0x2  }
0x34: {  	(v2sf) =	vpush v7, $0x2  }
0x35: {  	(v2sf) =	vpush v6, $0x2  }
0x36: {  	(v2sf) =	vpush v8, $0x3  }
0x37: {  	(v2sf) =	vpush v7, $0x3  }
0x38: {  	(v2sf) =	vpush v6, $0x3  }
0x39: {  	(v2sf) =	vpush v8, $0x4  }
0x3a: {  	(v2sf) =	vpush v7, $0x4  }
0x3b: {  	(v2sf) =	vpush v6, $0x4  }
0x3c: {  	s0 =	spop (v2sf);
	(v2sf) =	vpush v8, $0x5  }
0x3d: {  	s1 =	spop (v2sf);
	(v2sf) =	vpush v7, $0x5  }
0x3e: {  	s6 =	spop (v2sf);
	(v2sf) =	vpush v6, $0x5  }
0x3f: {  	s3 =	spop (v2sf);
	(v2sf) =	vpush v8, $0x6  }
0x40: {  	[dreg:$0x8] =	wrdreg s6;
	s6 =	spop (v2sf);
	(v2sf) =	vpush v7, $0x6  }
0x41: {  	s8 =	spop (v2sf);
	(v2sf) =	vpush v6, $0x6  }
0x42: {  	s12 =	spop (v2sf);
	(v2sf) =	vpush v8, $0x7  }
0x43: {  	s10 =	spop (v2sf);
	(v2sf) =	vpush v7, $0x7  }
0x44: {  	s17 =	spop (v2sf);
	(v2sf) =	vpush v6, $0x7  }
0x45: {  	s11 =	spop (v2sf);
	(v2sf) =	vpush v8, $0x8  }
0x46: {  	s19 =	spop (v2sf);
	(v2sf) =	vpush v7, $0x8  }
0x47: {  	s20 =	spop (v2sf);
	(v2sf) =	vpush v6, $0x8  }
0x48: {  	s21 =	spop (v2sf);
	(v2sf) =	vpush v8, $0x9  }
0x49: {  	s22 =	spop (v2sf);
	(v2sf) =	vpush v7, $0x9  }
0x4a: {  	s23 =	spop (v2sf);
	(v2sf) =	vpush v6, $0x9  }
0x4b: {  	s24 =	spop (v2sf);
	(v2sf) =	vpush v8, $0xA  }
0x4c: {  	s25 =	spop (v2sf);
	(v2sf) =	vpush v7, $0xA  }
0x4d: {  	s26 =	spop (v2sf);
	(v2sf) =	vpush v6, $0xA  }
0x4e: {  	s28 =	spop (v2sf);
	(v2sf) =	vpush v8, $0xB  }
0x4f: {  	[dreg:$0x9] =	wrdreg s1;
	s29 =	spop (v2sf);
	(v2sf) =	vpush v7, $0xB  }
0x50: {  	s18 =	rddreg [dreg:$0x9];
	s30 =	spop (v2sf);
	(v2sf) =	vpush v6, $0xB  }
0x51: {  	s3 =	sadd.s32 s3, s0;
	s0 =	rddreg [dreg:$0x8];
	s31 =	spop (v2sf);
	(v2sf) =	vpush v8, $0xC  }
0x52: {  	[dreg:$0xc] =	wrdreg s11;
	s11 =	spop (v2sf);
	(v2sf) =	vpush v7, $0xC  }
0x53: {  	[dreg:$0xb] =	wrdreg s10;
	s10 =	spop (v2sf);
	(v2sf) =	vpush v6, $0xC  }
0x54: {  	p1 =	por $0x1, $0x1;
	[dreg:$0xa] =	wrdreg s8;
	s2 =	spop (v2sf);
	(v2sf) =	vpush v8, $0xD  }
0x55: {  	s6 =	sadd.s32 s6, s18;
	s18 =	rddreg [dreg:$0xa];
	s8 =	spop (v2sf);
	(v2sf) =	vpush v7, $0xD  }
0x56: {  	s3 =	sadd.s32 s12, s3;
	s0 =	sadd.s32 s18, s0;
	s1 =	spop (v2sf);
	(v2sf) =	vpush v6, $0xD  }
0x57: {  	s18 =	rddreg [dreg:$0xb];
	s0 =	sadd.s32 s17, s0;
	s12 =	spop (v2sf);
	(v2sf) =	vpush v8, $0xE  }
0x58: {  	s6 =	sadd.s32 s18, s6;
	s18 =	rddreg [dreg:$0xc];
	s17 =	spop (v2sf);
	(v2sf) =	vpush v7, $0xE  }
0x59: {  	s6 =	sadd.s32 s19, s6;
	s3 =	sadd.s32 s18, s3;
	s19 =	spop (v2sf);
	(v2sf) =	vpush v6, $0xE  }
0x5a: {  	s0 =	sadd.s32 s20, s0;
	s3 =	sadd.s32 s21, s3;
	s21 =	spop (v2sf);
	(v2sf) =	vpush v8, $0xF  }
0x5b: {  	s6 =	sadd.s32 s22, s6;
	s0 =	sadd.s32 s23, s0;
	s23 =	spop (v2sf);
	(v2sf) =	vpush v7, $0xF  }
0x5c: {  	s3 =	sadd.s32 s24, s3;
	s6 =	sadd.s32 s25, s6;
	s25 =	spop (v2sf);
	(v2sf) =	vpush v6, $0xF  }
0x5d: {  	s0 =	sadd.s32 s26, s0;
	s3 =	sadd.s32 s28, s3;
	s28 =	spop (v2sf)  }
0x5e: {  	s6 =	sadd.s32 s29, s6;
	s0 =	sadd.s32 s30, s0;
	s29 =	spop (v2sf)  }
0x5f: {  	s3 =	sadd.s32 s31, s3;
	s6 =	sadd.s32 s11, s6;
	s30 =	spop (v2sf)  }
0x60: {  	s0 =	sadd.s32 s10, s0;
	s2 =	sadd.s32 s2, s3;
	s31 =	spop (v2sf)  }
0x61: {  	s6 =	sadd.s32 s8, s6;
	s0 =	sadd.s32 s1, s0;
	s10 =	spop (v2sf)  }
0x62: {  	s2 =	sadd.s32 s12, s2;
	s6 =	sadd.s32 s17, s6;
	s17 =	spop (v2sf)  }
0x63: {  	s0 =	sadd.s32 s19, s0;
	s2 =	sadd.s32 s21, s2;
	s19 =	spop (v2sf)  }
0x64: {  	s6 =	sadd.s32 s23, s6;
	s0 =	sadd.s32 s25, s0;
	s21 =	spop (v2sf)  }
0x65: {  	s2 =	sadd.s32 s28, s2;
	s6 =	sadd.s32 s29, s6;
	s24 =	spop (v2sf)  }
0x66: {  	s0 =	sadd.s32 s30, s0;
	s2 =	sadd.s32 s31, s2;
	s25 =	spop (v2sf)  }
0x67: {  	s1 =	sadd.s32 s10, s6;
	s0 =	sadd.s32 s17, s0;
	s26 =	spop (v2sf)  }
.Ltmp4:
0x68: {  	s2 =	sadd.s32 s19, s2;
	s28 =	spop (v2sf);
	(pc) =	sbr.rel .LBB2_6-.Ltmp4, $4  }
0x69: {  	s1 =	sadd.s32 s21, s1;
	s0 =	sadd.s32 s24, s0;
	s29 =	spop (v2sf)  }
0x6a: {  	s2 =	sadd.s32 s25, s2;
	s1 =	sadd.s32 s26, s1;
	s30 =	spop (v2sf)  }
0x6b: {  	s0 =	sadd.s32 s28, s0;
	s19 =	sadd.s32 s29, s2;
	s31 =	spop (v2sf)  }
0x6c: {  	s20 =	sadd.s32 s30, s1;
	s21 =	sadd.s32 s31, s0;
	s0 =	simm.s32 $0x0  }
.LBB2_81:
0x6d: {  	s0 =	rddreg [dreg:$0x5]  }
0x6e: {  	s0 =	sor.u32 s0, s28  }
0x6f: {  	s1 =	smul.u32 $0x300, s0;
	_ =	sdelay $0x1  }
0x70: {  	s2 =	rddreg [dreg:$0x1];
	s1 =	sshrl.u32 s1, $0x3  }
0x71: {  	s29 =	simm.s32 $0x0;
	s1 =	sadd.s32 s2, s1  }
0x72: {  	[hbm4b:s1+s29] =	stream.linear.scatter [tilespmem:s29], [sflag:$0x5], $0x18000, $0x38;
	[tilespmem:$0x1F080] =	vst v63  }
0x73: {  	s31 =	simm.s32 $0x18300;
	s0 =	sshll.u32 s0, $0x1;
	_ =	swait.ge [sflag:s13], $0x18000  }
0x74: {  	s0 =	sand.u32 $0x1FFFFF00, s0;
	[sflag:s13] =	ssyncset.done $0x0;
	s30 =	rddreg [dreg:$0x3]  }
.Ltmp5:
0x75: {  	[sflag:s13] =	ssyncadd.s32 $0xFFFE8000;
	s0 =	sadd.s32 s30, s0;
	(pc) =	sbr.rel @!p0 .LBB2_82-.Ltmp5, $4  }
0x76: {  	[hbm4b:s0+s29] =	stream.linear.scatter [tilespmem:s31], [sflag:$0x5], $0x800, $0x38;
	[tilespmem:$0x1F080] =	vst v63  }
0x77: {  	_ =	swait.ge [sflag:s13], $0x800  }
0x78: {  	[sflag:s13] =	ssyncset.done $0x0  }
0x79: {  	p1 =	por $0x0, $0x0;
	s0 =	simm.s32 $0x80;
	[sflag:s13] =	ssyncadd.s32 $0xFFFFF800  }
.LBB2_6:
0x7a: {  	s1 =	simm.s32 $0x80  }
0x7b: {  	[tilespmem:s1+$0xFFFFFF80] =	vst v4  }
0x7c: {  	[tilespmem:s1+$0x70] =	vst v4  }
0x7d: {  	[tilespmem:s1+$0x60] =	vst v4  }
0x7e: {  	[tilespmem:s1+$0x50] =	vst v4  }
0x7f: {  	[tilespmem:s1+$0x40] =	vst v4  }
0x80: {  	[tilespmem:s1+$0x30] =	vst v4  }
0x81: {  	[tilespmem:s1+$0x20] =	vst v4  }
0x82: {  	[tilespmem:s1+$0x10] =	vst v4  }
0x83: {  	[tilespmem:s1+$0x0] =	vst v4  }
0x84: {  	[tilespmem:s1+$0xFFFFFFF0] =	vst v4  }
0x85: {  	[tilespmem:s1+$0xFFFFFFE0] =	vst v4  }
0x86: {  	[tilespmem:s1+$0xFFFFFFD0] =	vst v4  }
0x87: {  	[tilespmem:s1+$0xFFFFFFC0] =	vst v4  }
0x88: {  	[tilespmem:s1+$0xFFFFFFB0] =	vst v4  }
0x89: {  	p0 =	por p1, p1;
	s2 =	simm.s32 $0x0;
	[tilespmem:s1+$0xFFFFFFA0] =	vst v4  }
.LBB2_7:
0x8a: {  	s2 =	sadd.s32 $0x100, s2;
	[tilespmem:s1+$0xFFFFFF90] =	vst v4;
	s1 =	sadd.s32 $0x100, s1  }
0x8b: {  	[tilespmem:s1+$0xFFFFFF80] =	vst v4;
	p1 =	slt.u32 s2, $0x18200  }
0x8c: {  	[tilespmem:s1+$0x70] =	vst v4  }
0x8d: {  	[tilespmem:s1+$0x60] =	vst v4  }
0x8e: {  	[tilespmem:s1+$0x50] =	vst v4  }
0x8f: {  	[tilespmem:s1+$0x40] =	vst v4  }
0x90: {  	[tilespmem:s1+$0x30] =	vst v4  }
0x91: {  	[tilespmem:s1+$0x20] =	vst v4  }
0x92: {  	[tilespmem:s1+$0x10] =	vst v4  }
0x93: {  	[tilespmem:s1+$0x0] =	vst v4  }
0x94: {  	[tilespmem:s1+$0xFFFFFFF0] =	vst v4  }
.Ltmp6:
0x95: {  	[tilespmem:s1+$0xFFFFFFE0] =	vst v4;
	(pc) =	sbr.rel @p1 .LBB2_7-.Ltmp6, $4  }
0x96: {  	[tilespmem:s1+$0xFFFFFFD0] =	vst v4  }
0x97: {  	[tilespmem:s1+$0xFFFFFFC0] =	vst v4  }
0x98: {  	[tilespmem:s1+$0xFFFFFFB0] =	vst v4  }
0x99: {  	s3 =	simm.s32 $0x18300;
	[tilespmem:s1+$0xFFFFFFA0] =	vst v4  }
0x9a: {  	[tilespmem:s1+$0xFFFFFF90] =	vst v4  }
0x9b: {  	s1 =	simm.s32 $0x0;
	[tilespmem:s3+$0x0] =	vst v4  }
.LBB2_9:
0x9c: {  	s1 =	sadd.s32 $0x10, s1  }
0x9d: {  	p1 =	slt.u32 s1, $0x800  }
.Ltmp7:
0x9e: {  	_ = 	snop;
	(pc) =	sbr.rel @p1 .LBB2_9-.Ltmp7, $3  }
0x9f: {  	_ =	sdelay $0x1  }
0xa0: {  	s3 =	sadd.s32 $0x10, s3  }
0xa1: {  	[tilespmem:s3+$0x0] =	vst v4  }
0xa2: {  	s1 =	smov.u32 s20  }
0xa3: {  	s1 =	smov.u32 @p0 s19  }
0xa4: {  	s2 =	sand.u32 $0xF, s1  }
0xa5: {  	s3 =	sshra.s32 s1, $0x1F;
	p1 =	slt.s32 s1, $0x1;
	p2 =	sne.s32 s2, $0x0  }
0xa6: {  	s12 =	sshrl.u32 s3, $0x1C;
	p1 =	por !p1, !p2  }
0xa7: {  	s2 =	simm.s32 $0x1;
	s1 =	sadd.s32 s12, s1;
	p1 =	por !p1, !p1  }
0xa8: {  	s1 =	sshra.s32 s1, $0x4;
	s2 =	simm.s32 @!p1 $0x0  }
0xa9: {  	s3 =	smov.u32 s21;
	s22 =	ssub.s32 s1, s2  }
0xaa: {  	s3 =	smov.u32 @p0 s20;
	s23 =	sshll.u32 s22, $0x4  }
0xab: {  	s24 =	ssub.s32 s3, s23  }
0xac: {  	s17 =	sadd.s32 $0xF, s24  }
0xad: {  	s18 =	sand.u32 $0xF, s17  }
0xae: {  	s6 =	sshra.s32 s17, $0x1F;
	p4 =	slt.s32 s17, $0x1;
	p3 =	sne.s32 s18, $0x0  }
0xaf: {  	s25 =	sshrl.u32 s6, $0x1C;
	p2 =	por !p4, !p3  }
0xb0: {  	s3 =	simm.s32 $0x1;
	s2 =	sadd.s32 s25, s17;
	p2 =	por !p2, !p2  }
0xb1: {  	s2 =	sshra.s32 s2, $0x4;
	s3 =	simm.s32 @!p2 $0x0  }
0xb2: {  	s25 =	ssub.s32 s2, s3  }
0xb3: {  	p2 =	slt.s32 s25, $0x1  }
0xb4: {  	p3 =	slt.s32 @!p2 s23, $0x1FF0  }
0xb5: {  	s2 =	smov.u32 s23;
	p3 =	por !p3, p2  }
0xb6: {  	s2 =	simm.s32 @p3 $0x1FF0  }
0xb7: {  	s2 =	sadd.s32 @!p2 s9, s2  }
0xb8: {  	s26 =	sadd.s32 $0x1, s25;
	s6 =	simm.s32 @!p2 $0x0;
	s3 =	sshrl.u32 @!p2 s2, $0x3  }
0xb9: {  	s8 =	simm.s32 @!p2 $0x1EF80;
	s2 =	smul.u32 @!p2 $0x300, s2;
	s3 =	sadd.s32 @!p2 s5, s3  }
0xba: {  	[tilespmem:s8], [sflag:$0x1] =	stream.linear.gather @!p2 [hbm4b:s3+s6], $0x10, $0x38;
	[tilespmem:$0x1F080] =	vst v63  }
0xbb: {  	p5 =	slt.s32 s25, $0x0;
	s29 =	sand.u32 $0x1, s26;
	s2 =	sshrl.u32 @!p2 s2, $0x3  }
0xbc: {  	p6 =	seq.s32 s29, $0x1;
	s3 =	simm.s32 @!p2 $0x18B80;
	s2 =	sadd.s32 @!p2 s4, s2  }
0xbd: {  	[tilespmem:s3], [sflag:$0x2] =	stream.linear.gather @!p2 [hbm4b:s2+s6], $0x3000, $0x38;
	[tilespmem:$0x1F080] =	vst v63  }
0xbe: {  	s30 =	sshrl.u32 s26, $0x1F;
	p2 =	por !p5, !p6  }
0xbf: {  	s2 =	sadd.s32 s30, s26;
	s3 =	simm.s32 $0x1;
	p2 =	por !p2, !p2  }
0xc0: {  	s2 =	sshra.s32 s2, $0x1;
	s3 =	simm.s32 @!p2 $0x0  }
0xc1: {  	s26 =	ssub.s32 s2, s3  }
0xc2: {  	p2 =	slt.s32 s26, $0x1  }
.Ltmp8:
0xc3: {  	_ = 	snop;
	(pc) =	sbr.rel @p2 .LBB2_81-.Ltmp8, $3  }
0xc4: {  	_ =	sdelay $0x1  }
0xc5: {  	s31 =	rddreg [dreg:$0x4]  }
0xc6: {  	s28 =	sor.u32 s31, s0  }
0xc7: {  	s0 =	simm.s32 $0xFFFFFFFF;
	s1 =	smul.u32 $0xC000, s1  }
0xc8: {  	s2 =	smul.u32 $0xC000, s22;
	s0 =	simm.s32 @!p1 $0x0  }
0xc9: {  	s0 =	smul.u32 $0xC000, s0  }
.Ltmp9:
0xca: {  	_ = 	snop;
	(pc) =	sbr.rel .LBB2_12-.Ltmp9, $4  }
0xcb: {  	_ = 	snop  }
0xcc: {  	s18 =	sshra.s32 s2, $0x2;
	s0 =	sadd.s32 s0, s1  }
0xcd: {  	s3 =	simm.s32 $0x0;
	s29 =	sadd.s32 $0x18BC0, s18;
	s0 =	sshra.s32 s0, $0x2  }
0xce: {  	s30 =	sadd.s32 $0x18B80, s0;
	s31 =	sadd.s32 $0x1BB80, s0;
	s0 =	sadd.s32 $0x10, s23  }
.LBB2_79:
0xcf: {  	[tilespmem:s6+$0x60] =	vst.add.f32.msk $0xffff, v7  }
.LBB2_80:
0xd0: {  	s3 =	sadd.s32 $0x1, s3  }
0xd1: {  	p1 =	sne.s32 s3, s26  }
.Ltmp10:
0xd2: {  	_ = 	snop;
	(pc) =	sbr.rel @!p1 .LBB2_81-.Ltmp10, $3  }
0xd3: {  	_ =	sdelay $0x1  }
0xd4: {  	s29 =	sadd.s32 $0x6000, s29;
	s23 =	sadd.s32 $0x20, s23  }
0xd5: {  	s30 =	sadd.s32 $0x6000, s30;
	s31 =	sadd.s32 $0x6000, s31;
	s0 =	sadd.s32 $0x20, s0  }
.LBB2_12:
0xd6: {  	s18 =	sshll.u32 s3, $0x1  }
0xd7: {  	p1 =	slt.s32 s18, s25  }
.Ltmp11:
0xd8: {  	_ = 	snop;
	(pc) =	sbr.rel @!p1 .LBB2_46-.Ltmp11, $2  }
0xd9: {  	_ =	sdelay $0x2  }
0xda: {  	s11 =	sor.u32 $0x1, s18  }
0xdb: {  	p1 =	sge.s32 s11, s25  }
0xdc: {  	s1 =	sadd.s32 @!p1 s22, s11  }
0xdd: {  	s1 =	sshll.u32 @!p1 s1, $0x4  }
0xde: {  	_ =	swait.ge [sflag:s7], $0x10;
	p2 =	slt.s32 @!p1 s1, $0x1FF0  }
0xdf: {  	[sflag:s7] =	ssyncset.done $0x0;
	p2 =	por !p2, p1  }
0xe0: {  	[sflag:s7] =	ssyncadd.s32 $0xFFFFFFF0;
	s1 =	simm.s32 @p2 $0x1FF0  }
0xe1: {  	s6 =	simm.s32 @!p1 $0x0;
	_ =	swait.ge [sflag:s14], $0x3000;
	s1 =	sadd.s32 @!p1 s9, s1  }
0xe2: {  	s8 =	simm.s32 @!p1 $0x1F000;
	[sflag:s14] =	ssyncset.done $0x0;
	s2 =	sshrl.u32 @!p1 s1, $0x3  }
0xe3: {  	[sflag:s14] =	ssyncadd.s32 $0xFFFFD000;
	s1 =	smul.u32 @!p1 $0x300, s1;
	s2 =	sadd.s32 @!p1 s5, s2  }
0xe4: {  	[tilespmem:s8], [sflag:$0x3] =	stream.linear.gather @!p1 [hbm4b:s2+s6], $0x10, $0x38;
	[tilespmem:$0x1F080] =	vst v63  }
0xe5: {  	s1 =	sshrl.u32 @!p1 s1, $0x3  }
0xe6: {  	s2 =	simm.s32 @!p1 $0x1BB80;
	s1 =	sadd.s32 @!p1 s4, s1  }
0xe7: {  	[tilespmem:s2], [sflag:$0x4] =	stream.linear.gather @!p1 [hbm4b:s1+s6], $0x3000, $0x38;
	[tilespmem:$0x1F080] =	vst v63  }
0xe8: {  	v6 =	vld [tilespmem:$0x1EF80];
	_ =	sdelay $0x4  }
0xe9: {  	(v2sf) =	vpush v6, $0x0;
	_ =	sdelay $0x9  }
0xea: {  	p1 =	slt.s32 s23, $0x1FF0;
	s1 =	smov.u32 s23  }
0xeb: {  	s1 =	simm.s32 @!p1 $0x1FF0  }
0xec: {  	s1 =	smul.u32 $0xFFFFF400, s1;
	_ =	sdelay $0x1  }
0xed: {  	s2 =	sshra.s32 s1, $0x2  }
0xee: {  	s10 =	sadd.s32 s2, s29;
	s12 =	spop (v2sf)  }
0xef: {  	s1 =	sshll.u32 s3, $0x5;
	v7 =	vmov s10;
	s8 =	ssub.s32 s12, s28  }
0xf0: {  	p1 =	slt.s32 s1, s24;
	s6 =	smin.u32 s8, $0x80  }
0xf1: {  	s6 =	simm.s32 @!p1 $0x80  }
0xf2: {  	s17 =	sshll.u32 s6, $0x4  }
0xf3: {  	s10 =	simm.s32 $0x0;
	[tilespmem:s17+$0x18300] =	vst.add.f32.msk $0xffff, v5  }
0xf4: {  	v8 =	vld.idx.msk [tilespmem:v7+s10+$0x30 ss:$0x1], $0xffff  }
0xf5: {  	v9 =	vld.idx.msk [tilespmem:v7+s10+$0xFFFFFFC0 ss:$0x1], $0xffff  }
0xf6: {  	v10 =	vld.idx.msk [tilespmem:v7+s10+$0xFFFFFFD0 ss:$0x1], $0xffff  }
0xf7: {  	s6 =	smul.u32 $0xC00, s6;
	v11 =	vld.idx.msk [tilespmem:v7+s10+$0xFFFFFFE0 ss:$0x1], $0xffff  }
0xf8: {  	v12 =	vld.idx.msk [tilespmem:v7+s10+$0xFFFFFFF0 ss:$0x1], $0xffff  }
0xf9: {  	s12 =	sshrl.u32 s6, $0x2;
	v13 =	vld.idx.msk [tilespmem:v7+s10+$0x0 ss:$0x1], $0xffff  }
0xfa: {  	v14 =	vld.idx.msk [tilespmem:v7+s10+$0x10 ss:$0x1], $0xffff;
	s17 =	sadd.s32 $0x0, s12  }
0xfb: {  	[tilespmem:s17+$0x70] =	vst.add.f32.msk $0xffff, v8  }
0xfc: {  	v8 =	vld.idx.msk [tilespmem:v7+s10+$0x20 ss:$0x1], $0xffff  }
0xfd: {  	[tilespmem:s17+$0x0] =	vst.add.f32.msk $0xffff, v9  }
0xfe: {  	[tilespmem:s17+$0x10] =	vst.add.f32.msk $0xffff, v10  }
0xff: {  	[tilespmem:s17+$0x20] =	vst.add.f32.msk $0xffff, v11  }
0x100: {  	[tilespmem:s17+$0x30] =	vst.add.f32.msk $0xffff, v12  }
0x101: {  	[tilespmem:s17+$0x40] =	vst.add.f32.msk $0xffff, v13  }
0x102: {  	s2 =	sadd.s32 s2, s30;
	s6 =	simm.s32 $0x0;
	[tilespmem:s17+$0x50] =	vst.add.f32.msk $0xffff, v14;
	s10 =	simm.s32 $0x200  }
.LBB2_14:
0x103: {  	s8 =	sshra.s32 s10, $0x2;
	s6 =	sadd.s32 $0x80, s6;
	[tilespmem:s17+$0x60] =	vst.add.f32.msk $0xffff, v8  }
0x104: {  	v8 =	vld.idx.msk [tilespmem:v7+s8+$0x30 ss:$0x1], $0xffff;
	p1 =	slt.u32 s6, $0x280  }
0x105: {  	v9 =	vld.idx.msk [tilespmem:v7+s8+$0xFFFFFFC0 ss:$0x1], $0xffff  }
0x106: {  	v10 =	vld.idx.msk [tilespmem:v7+s8+$0xFFFFFFD0 ss:$0x1], $0xffff  }
0x107: {  	v11 =	vld.idx.msk [tilespmem:v7+s8+$0xFFFFFFE0 ss:$0x1], $0xffff  }
0x108: {  	v12 =	vld.idx.msk [tilespmem:v7+s8+$0xFFFFFFF0 ss:$0x1], $0xffff  }
0x109: {  	s17 =	sadd.s32 s8, s12;
	v13 =	vld.idx.msk [tilespmem:v7+s8+$0x0 ss:$0x1], $0xffff  }
0x10a: {  	[tilespmem:s17+$0x70] =	vst.add.f32.msk $0xffff, v8  }
0x10b: {  	v14 =	vld.idx.msk [tilespmem:v7+s8+$0x10 ss:$0x1], $0xffff  }
0x10c: {  	v8 =	vld.idx.msk [tilespmem:v7+s8+$0x20 ss:$0x1], $0xffff  }
0x10d: {  	[tilespmem:s17+$0x0] =	vst.add.f32.msk $0xffff, v9  }
.Ltmp12:
0x10e: {  	[tilespmem:s17+$0x10] =	vst.add.f32.msk $0xffff, v10;
	(pc) =	sbr.rel @p1 .LBB2_14-.Ltmp12, $4  }
0x10f: {  	[tilespmem:s17+$0x20] =	vst.add.f32.msk $0xffff, v11  }
0x110: {  	[tilespmem:s17+$0x30] =	vst.add.f32.msk $0xffff, v12  }
0x111: {  	[tilespmem:s17+$0x40] =	vst.add.f32.msk $0xffff, v13  }
0x112: {  	s10 =	sadd.s32 $0x200, s10;
	[tilespmem:s17+$0x50] =	vst.add.f32.msk $0xffff, v14  }
0x113: {  	(v2sf) =	vpush v6, $0x1;
	_ =	sdelay $0xe  }
0x114: {  	s6 =	spop (v2sf)  }
0x115: {  	s8 =	sor.u32 $0x1, s1;
	v7 =	vmov s2;
	s6 =	ssub.s32 s6, s28  }
0x116: {  	p1 =	slt.s32 s8, s24;
	s2 =	smin.u32 s6, $0x80  }
0x117: {  	s2 =	simm.s32 @!p1 $0x80  }
0x118: {  	[tilespmem:s17+$0x60] =	vst.add.f32.msk $0xffff, v8;
	s12 =	sshll.u32 s2, $0x4  }
0x119: {  	s17 =	simm.s32 $0x0;
	[tilespmem:s12+$0x18300] =	vst.add.f32.msk $0xffff, v5  }
0x11a: {  	v8 =	vld.idx.msk [tilespmem:v7+s17+$0x370 ss:$0x1], $0xffff  }
0x11b: {  	v9 =	vld.idx.msk [tilespmem:v7+s17+$0x300 ss:$0x1], $0xffff  }
0x11c: {  	v10 =	vld.idx.msk [tilespmem:v7+s17+$0x310 ss:$0x1], $0xffff  }
0x11d: {  	s2 =	smul.u32 $0xC00, s2;
	v11 =	vld.idx.msk [tilespmem:v7+s17+$0x320 ss:$0x1], $0xffff  }
0x11e: {  	v12 =	vld.idx.msk [tilespmem:v7+s17+$0x330 ss:$0x1], $0xffff  }
0x11f: {  	s12 =	sshrl.u32 s2, $0x2;
	v13 =	vld.idx.msk [tilespmem:v7+s17+$0x340 ss:$0x1], $0xffff  }
0x120: {  	v14 =	vld.idx.msk [tilespmem:v7+s17+$0x350 ss:$0x1], $0xffff;
	s2 =	sadd.s32 $0x0, s12  }
0x121: {  	[tilespmem:s2+$0x70] =	vst.add.f32.msk $0xffff, v8  }
0x122: {  	v8 =	vld.idx.msk [tilespmem:v7+s17+$0x360 ss:$0x1], $0xffff  }
0x123: {  	[tilespmem:s2+$0x0] =	vst.add.f32.msk $0xffff, v9  }
0x124: {  	[tilespmem:s2+$0x10] =	vst.add.f32.msk $0xffff, v10  }
0x125: {  	[tilespmem:s2+$0x20] =	vst.add.f32.msk $0xffff, v11  }
0x126: {  	[tilespmem:s2+$0x30] =	vst.add.f32.msk $0xffff, v12  }
0x127: {  	[tilespmem:s2+$0x40] =	vst.add.f32.msk $0xffff, v13  }
0x128: {  	s10 =	simm.s32 $0x200;
	s6 =	simm.s32 $0x0;
	[tilespmem:s2+$0x50] =	vst.add.f32.msk $0xffff, v14  }
.LBB2_16:
0x129: {  	s8 =	sshra.s32 s10, $0x2;
	s6 =	sadd.s32 $0x80, s6;
	[tilespmem:s2+$0x60] =	vst.add.f32.msk $0xffff, v8  }
0x12a: {  	v8 =	vld.idx.msk [tilespmem:v7+s8+$0x370 ss:$0x1], $0xffff;
	p1 =	slt.u32 s6, $0x280  }
0x12b: {  	v9 =	vld.idx.msk [tilespmem:v7+s8+$0x300 ss:$0x1], $0xffff  }
0x12c: {  	v10 =	vld.idx.msk [tilespmem:v7+s8+$0x310 ss:$0x1], $0xffff  }
0x12d: {  	v11 =	vld.idx.msk [tilespmem:v7+s8+$0x320 ss:$0x1], $0xffff  }
0x12e: {  	v12 =	vld.idx.msk [tilespmem:v7+s8+$0x330 ss:$0x1], $0xffff  }
0x12f: {  	s2 =	sadd.s32 s8, s12;
	v13 =	vld.idx.msk [tilespmem:v7+s8+$0x340 ss:$0x1], $0xffff  }
0x130: {  	[tilespmem:s2+$0x70] =	vst.add.f32.msk $0xffff, v8  }
0x131: {  	v14 =	vld.idx.msk [tilespmem:v7+s8+$0x350 ss:$0x1], $0xffff  }
0x132: {  	v8 =	vld.idx.msk [tilespmem:v7+s8+$0x360 ss:$0x1], $0xffff  }
0x133: {  	[tilespmem:s2+$0x0] =	vst.add.f32.msk $0xffff, v9  }
.Ltmp13:
0x134: {  	[tilespmem:s2+$0x10] =	vst.add.f32.msk $0xffff, v10;
	(pc) =	sbr.rel @p1 .LBB2_16-.Ltmp13, $4  }
0x135: {  	[tilespmem:s2+$0x20] =	vst.add.f32.msk $0xffff, v11  }
0x136: {  	[tilespmem:s2+$0x30] =	vst.add.f32.msk $0xffff, v12  }
0x137: {  	[tilespmem:s2+$0x40] =	vst.add.f32.msk $0xffff, v13  }
0x138: {  	s10 =	sadd.s32 $0x200, s10;
	[tilespmem:s2+$0x50] =	vst.add.f32.msk $0xffff, v14  }
0x139: {  	(v2sf) =	vpush v6, $0x2;
	_ =	sdelay $0xe  }
0x13a: {  	s6 =	spop (v2sf)  }
0x13b: {  	s8 =	sor.u32 $0x2, s1;
	s6 =	ssub.s32 s6, s28  }
0x13c: {  	p1 =	slt.s32 s8, s24;
	s6 =	smin.u32 s6, $0x80  }
0x13d: {  	s6 =	simm.s32 @!p1 $0x80  }
0x13e: {  	[tilespmem:s2+$0x60] =	vst.add.f32.msk $0xffff, v8;
	s8 =	sshll.u32 s6, $0x4  }
0x13f: {  	s10 =	simm.s32 $0x0;
	[tilespmem:s8+$0x18300] =	vst.add.f32.msk $0xffff, v5  }
0x140: {  	v8 =	vld.idx.msk [tilespmem:v7+s10+$0x670 ss:$0x1], $0xffff  }
0x141: {  	v9 =	vld.idx.msk [tilespmem:v7+s10+$0x600 ss:$0x1], $0xffff  }
0x142: {  	v10 =	vld.idx.msk [tilespmem:v7+s10+$0x610 ss:$0x1], $0xffff  }
0x143: {  	s17 =	smul.u32 $0xC00, s6;
	v11 =	vld.idx.msk [tilespmem:v7+s10+$0x620 ss:$0x1], $0xffff  }
0x144: {  	v12 =	vld.idx.msk [tilespmem:v7+s10+$0x630 ss:$0x1], $0xffff  }
0x145: {  	s12 =	sshrl.u32 s17, $0x2;
	v13 =	vld.idx.msk [tilespmem:v7+s10+$0x640 ss:$0x1], $0xffff  }
0x146: {  	v14 =	vld.idx.msk [tilespmem:v7+s10+$0x650 ss:$0x1], $0xffff;
	s2 =	sadd.s32 $0x0, s12  }
0x147: {  	[tilespmem:s2+$0x70] =	vst.add.f32.msk $0xffff, v8  }
0x148: {  	v8 =	vld.idx.msk [tilespmem:v7+s10+$0x660 ss:$0x1], $0xffff  }
0x149: {  	[tilespmem:s2+$0x0] =	vst.add.f32.msk $0xffff, v9  }
0x14a: {  	[tilespmem:s2+$0x10] =	vst.add.f32.msk $0xffff, v10  }
0x14b: {  	[tilespmem:s2+$0x20] =	vst.add.f32.msk $0xffff, v11  }
0x14c: {  	[tilespmem:s2+$0x30] =	vst.add.f32.msk $0xffff, v12  }
0x14d: {  	[tilespmem:s2+$0x40] =	vst.add.f32.msk $0xffff, v13  }
0x14e: {  	s6 =	simm.s32 $0x0;
	[tilespmem:s2+$0x50] =	vst.add.f32.msk $0xffff, v14;
	s10 =	simm.s32 $0x200  }
.LBB2_18:
0x14f: {  	s8 =	sshra.s32 s10, $0x2;
	s6 =	sadd.s32 $0x80, s6;
	[tilespmem:s2+$0x60] =	vst.add.f32.msk $0xffff, v8  }
0x150: {  	v8 =	vld.idx.msk [tilespmem:v7+s8+$0x670 ss:$0x1], $0xffff;
	p1 =	slt.u32 s6, $0x280  }
0x151: {  	v9 =	vld.idx.msk [tilespmem:v7+s8+$0x600 ss:$0x1], $0xffff  }
0x152: {  	v10 =	vld.idx.msk [tilespmem:v7+s8+$0x610 ss:$0x1], $0xffff  }
0x153: {  	v11 =	vld.idx.msk [tilespmem:v7+s8+$0x620 ss:$0x1], $0xffff  }
0x154: {  	v12 =	vld.idx.msk [tilespmem:v7+s8+$0x630 ss:$0x1], $0xffff  }
0x155: {  	s2 =	sadd.s32 s8, s12;
	v13 =	vld.idx.msk [tilespmem:v7+s8+$0x640 ss:$0x1], $0xffff  }
0x156: {  	[tilespmem:s2+$0x70] =	vst.add.f32.msk $0xffff, v8  }
0x157: {  	v14 =	vld.idx.msk [tilespmem:v7+s8+$0x650 ss:$0x1], $0xffff  }
0x158: {  	v8 =	vld.idx.msk [tilespmem:v7+s8+$0x660 ss:$0x1], $0xffff  }
0x159: {  	[tilespmem:s2+$0x0] =	vst.add.f32.msk $0xffff, v9  }
.Ltmp14:
0x15a: {  	[tilespmem:s2+$0x10] =	vst.add.f32.msk $0xffff, v10;
	(pc) =	sbr.rel @p1 .LBB2_18-.Ltmp14, $4  }
0x15b: {  	[tilespmem:s2+$0x20] =	vst.add.f32.msk $0xffff, v11  }
0x15c: {  	[tilespmem:s2+$0x30] =	vst.add.f32.msk $0xffff, v12  }
0x15d: {  	[tilespmem:s2+$0x40] =	vst.add.f32.msk $0xffff, v13  }
0x15e: {  	s10 =	sadd.s32 $0x200, s10;
	[tilespmem:s2+$0x50] =	vst.add.f32.msk $0xffff, v14  }
0x15f: {  	(v2sf) =	vpush v6, $0x3;
	_ =	sdelay $0xe  }
0x160: {  	s6 =	spop (v2sf)  }
0x161: {  	s8 =	sor.u32 $0x3, s1;
	s6 =	ssub.s32 s6, s28  }
0x162: {  	p1 =	slt.s32 s8, s24;
	s6 =	smin.u32 s6, $0x80  }
0x163: {  	s6 =	simm.s32 @!p1 $0x80  }
0x164: {  	[tilespmem:s2+$0x60] =	vst.add.f32.msk $0xffff, v8;
	s8 =	sshll.u32 s6, $0x4  }
0x165: {  	s10 =	simm.s32 $0x0;
	[tilespmem:s8+$0x18300] =	vst.add.f32.msk $0xffff, v5  }
0x166: {  	v8 =	vld.idx.msk [tilespmem:v7+s10+$0x970 ss:$0x1], $0xffff  }
0x167: {  	v9 =	vld.idx.msk [tilespmem:v7+s10+$0x900 ss:$0x1], $0xffff  }
0x168: {  	v10 =	vld.idx.msk [tilespmem:v7+s10+$0x910 ss:$0x1], $0xffff  }
0x169: {  	s17 =	smul.u32 $0xC00, s6;
	v11 =	vld.idx.msk [tilespmem:v7+s10+$0x920 ss:$0x1], $0xffff  }
0x16a: {  	v12 =	vld.idx.msk [tilespmem:v7+s10+$0x930 ss:$0x1], $0xffff  }
0x16b: {  	s12 =	sshrl.u32 s17, $0x2;
	v13 =	vld.idx.msk [tilespmem:v7+s10+$0x940 ss:$0x1], $0xffff  }
0x16c: {  	v14 =	vld.idx.msk [tilespmem:v7+s10+$0x950 ss:$0x1], $0xffff;
	s2 =	sadd.s32 $0x0, s12  }
0x16d: {  	[tilespmem:s2+$0x70] =	vst.add.f32.msk $0xffff, v8  }
0x16e: {  	v8 =	vld.idx.msk [tilespmem:v7+s10+$0x960 ss:$0x1], $0xffff  }
0x16f: {  	[tilespmem:s2+$0x0] =	vst.add.f32.msk $0xffff, v9  }
0x170: {  	[tilespmem:s2+$0x10] =	vst.add.f32.msk $0xffff, v10  }
0x171: {  	[tilespmem:s2+$0x20] =	vst.add.f32.msk $0xffff, v11  }
0x172: {  	[tilespmem:s2+$0x30] =	vst.add.f32.msk $0xffff, v12  }
0x173: {  	[tilespmem:s2+$0x40] =	vst.add.f32.msk $0xffff, v13  }
0x174: {  	s6 =	simm.s32 $0x0;
	[tilespmem:s2+$0x50] =	vst.add.f32.msk $0xffff, v14;
	s10 =	simm.s32 $0x200  }
.LBB2_20:
0x175: {  	s8 =	sshra.s32 s10, $0x2;
	s6 =	sadd.s32 $0x80, s6;
	[tilespmem:s2+$0x60] =	vst.add.f32.msk $0xffff, v8  }
0x176: {  	v8 =	vld.idx.msk [tilespmem:v7+s8+$0x970 ss:$0x1], $0xffff;
	p1 =	slt.u32 s6, $0x280  }
0x177: {  	v9 =	vld.idx.msk [tilespmem:v7+s8+$0x900 ss:$0x1], $0xffff  }
0x178: {  	v10 =	vld.idx.msk [tilespmem:v7+s8+$0x910 ss:$0x1], $0xffff  }
0x179: {  	v11 =	vld.idx.msk [tilespmem:v7+s8+$0x920 ss:$0x1], $0xffff  }
0x17a: {  	v12 =	vld.idx.msk [tilespmem:v7+s8+$0x930 ss:$0x1], $0xffff  }
0x17b: {  	s2 =	sadd.s32 s8, s12;
	v13 =	vld.idx.msk [tilespmem:v7+s8+$0x940 ss:$0x1], $0xffff  }
0x17c: {  	[tilespmem:s2+$0x70] =	vst.add.f32.msk $0xffff, v8  }
0x17d: {  	v14 =	vld.idx.msk [tilespmem:v7+s8+$0x950 ss:$0x1], $0xffff  }
0x17e: {  	v8 =	vld.idx.msk [tilespmem:v7+s8+$0x960 ss:$0x1], $0xffff  }
0x17f: {  	[tilespmem:s2+$0x0] =	vst.add.f32.msk $0xffff, v9  }
.Ltmp15:
0x180: {  	[tilespmem:s2+$0x10] =	vst.add.f32.msk $0xffff, v10;
	(pc) =	sbr.rel @p1 .LBB2_20-.Ltmp15, $4  }
0x181: {  	[tilespmem:s2+$0x20] =	vst.add.f32.msk $0xffff, v11  }
0x182: {  	[tilespmem:s2+$0x30] =	vst.add.f32.msk $0xffff, v12  }
0x183: {  	[tilespmem:s2+$0x40] =	vst.add.f32.msk $0xffff, v13  }
0x184: {  	s10 =	sadd.s32 $0x200, s10;
	[tilespmem:s2+$0x50] =	vst.add.f32.msk $0xffff, v14  }
0x185: {  	(v2sf) =	vpush v6, $0x4;
	_ =	sdelay $0xe  }
0x186: {  	s6 =	spop (v2sf)  }
0x187: {  	s8 =	sor.u32 $0x4, s1;
	s6 =	ssub.s32 s6, s28  }
0x188: {  	p1 =	slt.s32 s8, s24;
	s6 =	smin.u32 s6, $0x80  }
0x189: {  	s6 =	simm.s32 @!p1 $0x80  }
0x18a: {  	[tilespmem:s2+$0x60] =	vst.add.f32.msk $0xffff, v8;
	s8 =	sshll.u32 s6, $0x4  }
0x18b: {  	s10 =	simm.s32 $0x0;
	[tilespmem:s8+$0x18300] =	vst.add.f32.msk $0xffff, v5  }
0x18c: {  	v8 =	vld.idx.msk [tilespmem:v7+s10+$0xC70 ss:$0x1], $0xffff  }
0x18d: {  	v9 =	vld.idx.msk [tilespmem:v7+s10+$0xC00 ss:$0x1], $0xffff  }
0x18e: {  	v10 =	vld.idx.msk [tilespmem:v7+s10+$0xC10 ss:$0x1], $0xffff  }
0x18f: {  	s17 =	smul.u32 $0xC00, s6;
	v11 =	vld.idx.msk [tilespmem:v7+s10+$0xC20 ss:$0x1], $0xffff  }
0x190: {  	v12 =	vld.idx.msk [tilespmem:v7+s10+$0xC30 ss:$0x1], $0xffff  }
0x191: {  	s12 =	sshrl.u32 s17, $0x2;
	v13 =	vld.idx.msk [tilespmem:v7+s10+$0xC40 ss:$0x1], $0xffff  }
0x192: {  	v14 =	vld.idx.msk [tilespmem:v7+s10+$0xC50 ss:$0x1], $0xffff;
	s2 =	sadd.s32 $0x0, s12  }
0x193: {  	[tilespmem:s2+$0x70] =	vst.add.f32.msk $0xffff, v8  }
0x194: {  	v8 =	vld.idx.msk [tilespmem:v7+s10+$0xC60 ss:$0x1], $0xffff  }
0x195: {  	[tilespmem:s2+$0x0] =	vst.add.f32.msk $0xffff, v9  }
0x196: {  	[tilespmem:s2+$0x10] =	vst.add.f32.msk $0xffff, v10  }
0x197: {  	[tilespmem:s2+$0x20] =	vst.add.f32.msk $0xffff, v11  }
0x198: {  	[tilespmem:s2+$0x30] =	vst.add.f32.msk $0xffff, v12  }
0x199: {  	[tilespmem:s2+$0x40] =	vst.add.f32.msk $0xffff, v13  }
0x19a: {  	s6 =	simm.s32 $0x0;
	[tilespmem:s2+$0x50] =	vst.add.f32.msk $0xffff, v14;
	s10 =	simm.s32 $0x200  }
.LBB2_22:
0x19b: {  	s8 =	sshra.s32 s10, $0x2;
	s6 =	sadd.s32 $0x80, s6;
	[tilespmem:s2+$0x60] =	vst.add.f32.msk $0xffff, v8  }
0x19c: {  	v8 =	vld.idx.msk [tilespmem:v7+s8+$0xC70 ss:$0x1], $0xffff;
	p1 =	slt.u32 s6, $0x280  }
0x19d: {  	v9 =	vld.idx.msk [tilespmem:v7+s8+$0xC00 ss:$0x1], $0xffff  }
0x19e: {  	v10 =	vld.idx.msk [tilespmem:v7+s8+$0xC10 ss:$0x1], $0xffff  }
0x19f: {  	v11 =	vld.idx.msk [tilespmem:v7+s8+$0xC20 ss:$0x1], $0xffff  }
0x1a0: {  	v12 =	vld.idx.msk [tilespmem:v7+s8+$0xC30 ss:$0x1], $0xffff  }
0x1a1: {  	s2 =	sadd.s32 s8, s12;
	v13 =	vld.idx.msk [tilespmem:v7+s8+$0xC40 ss:$0x1], $0xffff  }
0x1a2: {  	[tilespmem:s2+$0x70] =	vst.add.f32.msk $0xffff, v8  }
0x1a3: {  	v14 =	vld.idx.msk [tilespmem:v7+s8+$0xC50 ss:$0x1], $0xffff  }
0x1a4: {  	v8 =	vld.idx.msk [tilespmem:v7+s8+$0xC60 ss:$0x1], $0xffff  }
0x1a5: {  	[tilespmem:s2+$0x0] =	vst.add.f32.msk $0xffff, v9  }
.Ltmp16:
0x1a6: {  	[tilespmem:s2+$0x10] =	vst.add.f32.msk $0xffff, v10;
	(pc) =	sbr.rel @p1 .LBB2_22-.Ltmp16, $4  }
0x1a7: {  	[tilespmem:s2+$0x20] =	vst.add.f32.msk $0xffff, v11  }
0x1a8: {  	[tilespmem:s2+$0x30] =	vst.add.f32.msk $0xffff, v12  }
0x1a9: {  	[tilespmem:s2+$0x40] =	vst.add.f32.msk $0xffff, v13  }
0x1aa: {  	s10 =	sadd.s32 $0x200, s10;
	[tilespmem:s2+$0x50] =	vst.add.f32.msk $0xffff, v14  }
0x1ab: {  	(v2sf) =	vpush v6, $0x5;
	_ =	sdelay $0xe  }
0x1ac: {  	s6 =	spop (v2sf)  }
0x1ad: {  	s8 =	sor.u32 $0x5, s1;
	s6 =	ssub.s32 s6, s28  }
0x1ae: {  	p1 =	slt.s32 s8, s24;
	s6 =	smin.u32 s6, $0x80  }
0x1af: {  	s6 =	simm.s32 @!p1 $0x80  }
0x1b0: {  	[tilespmem:s2+$0x60] =	vst.add.f32.msk $0xffff, v8;
	s8 =	sshll.u32 s6, $0x4  }
0x1b1: {  	s10 =	simm.s32 $0x0;
	[tilespmem:s8+$0x18300] =	vst.add.f32.msk $0xffff, v5  }
0x1b2: {  	v8 =	vld.idx.msk [tilespmem:v7+s10+$0xF70 ss:$0x1], $0xffff  }
0x1b3: {  	v9 =	vld.idx.msk [tilespmem:v7+s10+$0xF00 ss:$0x1], $0xffff  }
0x1b4: {  	v10 =	vld.idx.msk [tilespmem:v7+s10+$0xF10 ss:$0x1], $0xffff  }
0x1b5: {  	s17 =	smul.u32 $0xC00, s6;
	v11 =	vld.idx.msk [tilespmem:v7+s10+$0xF20 ss:$0x1], $0xffff  }
0x1b6: {  	v12 =	vld.idx.msk [tilespmem:v7+s10+$0xF30 ss:$0x1], $0xffff  }
0x1b7: {  	s12 =	sshrl.u32 s17, $0x2;
	v13 =	vld.idx.msk [tilespmem:v7+s10+$0xF40 ss:$0x1], $0xffff  }
0x1b8: {  	v14 =	vld.idx.msk [tilespmem:v7+s10+$0xF50 ss:$0x1], $0xffff;
	s2 =	sadd.s32 $0x0, s12  }
0x1b9: {  	[tilespmem:s2+$0x70] =	vst.add.f32.msk $0xffff, v8  }
0x1ba: {  	v8 =	vld.idx.msk [tilespmem:v7+s10+$0xF60 ss:$0x1], $0xffff  }
0x1bb: {  	[tilespmem:s2+$0x0] =	vst.add.f32.msk $0xffff, v9  }
0x1bc: {  	[tilespmem:s2+$0x10] =	vst.add.f32.msk $0xffff, v10  }
0x1bd: {  	[tilespmem:s2+$0x20] =	vst.add.f32.msk $0xffff, v11  }
0x1be: {  	[tilespmem:s2+$0x30] =	vst.add.f32.msk $0xffff, v12  }
0x1bf: {  	[tilespmem:s2+$0x40] =	vst.add.f32.msk $0xffff, v13  }
0x1c0: {  	s6 =	simm.s32 $0x0;
	[tilespmem:s2+$0x50] =	vst.add.f32.msk $0xffff, v14;
	s10 =	simm.s32 $0x200  }
.LBB2_24:
0x1c1: {  	s8 =	sshra.s32 s10, $0x2;
	s6 =	sadd.s32 $0x80, s6;
	[tilespmem:s2+$0x60] =	vst.add.f32.msk $0xffff, v8  }
0x1c2: {  	v8 =	vld.idx.msk [tilespmem:v7+s8+$0xF70 ss:$0x1], $0xffff;
	p1 =	slt.u32 s6, $0x280  }
0x1c3: {  	v9 =	vld.idx.msk [tilespmem:v7+s8+$0xF00 ss:$0x1], $0xffff  }
0x1c4: {  	v10 =	vld.idx.msk [tilespmem:v7+s8+$0xF10 ss:$0x1], $0xffff  }
0x1c5: {  	v11 =	vld.idx.msk [tilespmem:v7+s8+$0xF20 ss:$0x1], $0xffff  }
0x1c6: {  	v12 =	vld.idx.msk [tilespmem:v7+s8+$0xF30 ss:$0x1], $0xffff  }
0x1c7: {  	s2 =	sadd.s32 s8, s12;
	v13 =	vld.idx.msk [tilespmem:v7+s8+$0xF40 ss:$0x1], $0xffff  }
0x1c8: {  	[tilespmem:s2+$0x70] =	vst.add.f32.msk $0xffff, v8  }
0x1c9: {  	v14 =	vld.idx.msk [tilespmem:v7+s8+$0xF50 ss:$0x1], $0xffff  }
0x1ca: {  	v8 =	vld.idx.msk [tilespmem:v7+s8+$0xF60 ss:$0x1], $0xffff  }
0x1cb: {  	[tilespmem:s2+$0x0] =	vst.add.f32.msk $0xffff, v9  }
.Ltmp17:
0x1cc: {  	[tilespmem:s2+$0x10] =	vst.add.f32.msk $0xffff, v10;
	(pc) =	sbr.rel @p1 .LBB2_24-.Ltmp17, $4  }
0x1cd: {  	[tilespmem:s2+$0x20] =	vst.add.f32.msk $0xffff, v11  }
0x1ce: {  	[tilespmem:s2+$0x30] =	vst.add.f32.msk $0xffff, v12  }
0x1cf: {  	[tilespmem:s2+$0x40] =	vst.add.f32.msk $0xffff, v13  }
0x1d0: {  	s10 =	sadd.s32 $0x200, s10;
	[tilespmem:s2+$0x50] =	vst.add.f32.msk $0xffff, v14  }
0x1d1: {  	(v2sf) =	vpush v6, $0x6;
	_ =	sdelay $0xe  }
0x1d2: {  	s6 =	spop (v2sf)  }
0x1d3: {  	s8 =	sor.u32 $0x6, s1;
	s6 =	ssub.s32 s6, s28  }
0x1d4: {  	p1 =	slt.s32 s8, s24;
	s6 =	smin.u32 s6, $0x80  }
0x1d5: {  	s6 =	simm.s32 @!p1 $0x80  }
0x1d6: {  	[tilespmem:s2+$0x60] =	vst.add.f32.msk $0xffff, v8;
	s8 =	sshll.u32 s6, $0x4  }
0x1d7: {  	s10 =	simm.s32 $0x0;
	[tilespmem:s8+$0x18300] =	vst.add.f32.msk $0xffff, v5  }
0x1d8: {  	v8 =	vld.idx.msk [tilespmem:v7+s10+$0x1270 ss:$0x1], $0xffff  }
0x1d9: {  	v9 =	vld.idx.msk [tilespmem:v7+s10+$0x1200 ss:$0x1], $0xffff  }
0x1da: {  	v10 =	vld.idx.msk [tilespmem:v7+s10+$0x1210 ss:$0x1], $0xffff  }
0x1db: {  	s17 =	smul.u32 $0xC00, s6;
	v11 =	vld.idx.msk [tilespmem:v7+s10+$0x1220 ss:$0x1], $0xffff  }
0x1dc: {  	v12 =	vld.idx.msk [tilespmem:v7+s10+$0x1230 ss:$0x1], $0xffff  }
0x1dd: {  	s12 =	sshrl.u32 s17, $0x2;
	v13 =	vld.idx.msk [tilespmem:v7+s10+$0x1240 ss:$0x1], $0xffff  }
0x1de: {  	v14 =	vld.idx.msk [tilespmem:v7+s10+$0x1250 ss:$0x1], $0xffff;
	s2 =	sadd.s32 $0x0, s12  }
0x1df: {  	[tilespmem:s2+$0x70] =	vst.add.f32.msk $0xffff, v8  }
0x1e0: {  	v8 =	vld.idx.msk [tilespmem:v7+s10+$0x1260 ss:$0x1], $0xffff  }
0x1e1: {  	[tilespmem:s2+$0x0] =	vst.add.f32.msk $0xffff, v9  }
0x1e2: {  	[tilespmem:s2+$0x10] =	vst.add.f32.msk $0xffff, v10  }
0x1e3: {  	[tilespmem:s2+$0x20] =	vst.add.f32.msk $0xffff, v11  }
0x1e4: {  	[tilespmem:s2+$0x30] =	vst.add.f32.msk $0xffff, v12  }
0x1e5: {  	[tilespmem:s2+$0x40] =	vst.add.f32.msk $0xffff, v13  }
0x1e6: {  	s6 =	simm.s32 $0x0;
	[tilespmem:s2+$0x50] =	vst.add.f32.msk $0xffff, v14;
	s10 =	simm.s32 $0x200  }
.LBB2_26:
0x1e7: {  	s8 =	sshra.s32 s10, $0x2;
	s6 =	sadd.s32 $0x80, s6;
	[tilespmem:s2+$0x60] =	vst.add.f32.msk $0xffff, v8  }
0x1e8: {  	v8 =	vld.idx.msk [tilespmem:v7+s8+$0x1270 ss:$0x1], $0xffff;
	p1 =	slt.u32 s6, $0x280  }
0x1e9: {  	v9 =	vld.idx.msk [tilespmem:v7+s8+$0x1200 ss:$0x1], $0xffff  }
0x1ea: {  	v10 =	vld.idx.msk [tilespmem:v7+s8+$0x1210 ss:$0x1], $0xffff  }
0x1eb: {  	v11 =	vld.idx.msk [tilespmem:v7+s8+$0x1220 ss:$0x1], $0xffff  }
0x1ec: {  	v12 =	vld.idx.msk [tilespmem:v7+s8+$0x1230 ss:$0x1], $0xffff  }
0x1ed: {  	s2 =	sadd.s32 s8, s12;
	v13 =	vld.idx.msk [tilespmem:v7+s8+$0x1240 ss:$0x1], $0xffff  }
0x1ee: {  	[tilespmem:s2+$0x70] =	vst.add.f32.msk $0xffff, v8  }
0x1ef: {  	v14 =	vld.idx.msk [tilespmem:v7+s8+$0x1250 ss:$0x1], $0xffff  }
0x1f0: {  	v8 =	vld.idx.msk [tilespmem:v7+s8+$0x1260 ss:$0x1], $0xffff  }
0x1f1: {  	[tilespmem:s2+$0x0] =	vst.add.f32.msk $0xffff, v9  }
.Ltmp18:
0x1f2: {  	[tilespmem:s2+$0x10] =	vst.add.f32.msk $0xffff, v10;
	(pc) =	sbr.rel @p1 .LBB2_26-.Ltmp18, $4  }
0x1f3: {  	[tilespmem:s2+$0x20] =	vst.add.f32.msk $0xffff, v11  }
0x1f4: {  	[tilespmem:s2+$0x30] =	vst.add.f32.msk $0xffff, v12  }
0x1f5: {  	[tilespmem:s2+$0x40] =	vst.add.f32.msk $0xffff, v13  }
0x1f6: {  	s10 =	sadd.s32 $0x200, s10;
	[tilespmem:s2+$0x50] =	vst.add.f32.msk $0xffff, v14  }
0x1f7: {  	(v2sf) =	vpush v6, $0x7;
	_ =	sdelay $0xe  }
0x1f8: {  	s6 =	spop (v2sf)  }
0x1f9: {  	s8 =	sor.u32 $0x7, s1;
	s6 =	ssub.s32 s6, s28  }
0x1fa: {  	p1 =	slt.s32 s8, s24;
	s6 =	smin.u32 s6, $0x80  }
0x1fb: {  	s6 =	simm.s32 @!p1 $0x80  }
0x1fc: {  	[tilespmem:s2+$0x60] =	vst.add.f32.msk $0xffff, v8;
	s8 =	sshll.u32 s6, $0x4  }
0x1fd: {  	s10 =	simm.s32 $0x0;
	[tilespmem:s8+$0x18300] =	vst.add.f32.msk $0xffff, v5  }
0x1fe: {  	v8 =	vld.idx.msk [tilespmem:v7+s10+$0x1570 ss:$0x1], $0xffff  }
0x1ff: {  	v9 =	vld.idx.msk [tilespmem:v7+s10+$0x1500 ss:$0x1], $0xffff  }
0x200: {  	v10 =	vld.idx.msk [tilespmem:v7+s10+$0x1510 ss:$0x1], $0xffff  }
0x201: {  	s17 =	smul.u32 $0xC00, s6;
	v11 =	vld.idx.msk [tilespmem:v7+s10+$0x1520 ss:$0x1], $0xffff  }
0x202: {  	v12 =	vld.idx.msk [tilespmem:v7+s10+$0x1530 ss:$0x1], $0xffff  }
0x203: {  	s12 =	sshrl.u32 s17, $0x2;
	v13 =	vld.idx.msk [tilespmem:v7+s10+$0x1540 ss:$0x1], $0xffff  }
0x204: {  	v14 =	vld.idx.msk [tilespmem:v7+s10+$0x1550 ss:$0x1], $0xffff;
	s2 =	sadd.s32 $0x0, s12  }
0x205: {  	[tilespmem:s2+$0x70] =	vst.add.f32.msk $0xffff, v8  }
0x206: {  	v8 =	vld.idx.msk [tilespmem:v7+s10+$0x1560 ss:$0x1], $0xffff  }
0x207: {  	[tilespmem:s2+$0x0] =	vst.add.f32.msk $0xffff, v9  }
0x208: {  	[tilespmem:s2+$0x10] =	vst.add.f32.msk $0xffff, v10  }
0x209: {  	[tilespmem:s2+$0x20] =	vst.add.f32.msk $0xffff, v11  }
0x20a: {  	[tilespmem:s2+$0x30] =	vst.add.f32.msk $0xffff, v12  }
0x20b: {  	[tilespmem:s2+$0x40] =	vst.add.f32.msk $0xffff, v13  }
0x20c: {  	s6 =	simm.s32 $0x0;
	[tilespmem:s2+$0x50] =	vst.add.f32.msk $0xffff, v14;
	s10 =	simm.s32 $0x200  }
.LBB2_28:
0x20d: {  	s8 =	sshra.s32 s10, $0x2;
	s6 =	sadd.s32 $0x80, s6;
	[tilespmem:s2+$0x60] =	vst.add.f32.msk $0xffff, v8  }
0x20e: {  	v8 =	vld.idx.msk [tilespmem:v7+s8+$0x1570 ss:$0x1], $0xffff;
	p1 =	slt.u32 s6, $0x280  }
0x20f: {  	v9 =	vld.idx.msk [tilespmem:v7+s8+$0x1500 ss:$0x1], $0xffff  }
0x210: {  	v10 =	vld.idx.msk [tilespmem:v7+s8+$0x1510 ss:$0x1], $0xffff  }
0x211: {  	v11 =	vld.idx.msk [tilespmem:v7+s8+$0x1520 ss:$0x1], $0xffff  }
0x212: {  	v12 =	vld.idx.msk [tilespmem:v7+s8+$0x1530 ss:$0x1], $0xffff  }
0x213: {  	s2 =	sadd.s32 s8, s12;
	v13 =	vld.idx.msk [tilespmem:v7+s8+$0x1540 ss:$0x1], $0xffff  }
0x214: {  	[tilespmem:s2+$0x70] =	vst.add.f32.msk $0xffff, v8  }
0x215: {  	v14 =	vld.idx.msk [tilespmem:v7+s8+$0x1550 ss:$0x1], $0xffff  }
0x216: {  	v8 =	vld.idx.msk [tilespmem:v7+s8+$0x1560 ss:$0x1], $0xffff  }
0x217: {  	[tilespmem:s2+$0x0] =	vst.add.f32.msk $0xffff, v9  }
.Ltmp19:
0x218: {  	[tilespmem:s2+$0x10] =	vst.add.f32.msk $0xffff, v10;
	(pc) =	sbr.rel @p1 .LBB2_28-.Ltmp19, $4  }
0x219: {  	[tilespmem:s2+$0x20] =	vst.add.f32.msk $0xffff, v11  }
0x21a: {  	[tilespmem:s2+$0x30] =	vst.add.f32.msk $0xffff, v12  }
0x21b: {  	[tilespmem:s2+$0x40] =	vst.add.f32.msk $0xffff, v13  }
0x21c: {  	s10 =	sadd.s32 $0x200, s10;
	[tilespmem:s2+$0x50] =	vst.add.f32.msk $0xffff, v14  }
0x21d: {  	(v2sf) =	vpush v6, $0x8;
	_ =	sdelay $0xe  }
0x21e: {  	s6 =	spop (v2sf)  }
0x21f: {  	s8 =	sor.u32 $0x8, s1;
	s6 =	ssub.s32 s6, s28  }
0x220: {  	p1 =	slt.s32 s8, s24;
	s6 =	smin.u32 s6, $0x80  }
0x221: {  	s6 =	simm.s32 @!p1 $0x80  }
0x222: {  	[tilespmem:s2+$0x60] =	vst.add.f32.msk $0xffff, v8;
	s8 =	sshll.u32 s6, $0x4  }
0x223: {  	s10 =	simm.s32 $0x0;
	[tilespmem:s8+$0x18300] =	vst.add.f32.msk $0xffff, v5  }
0x224: {  	v8 =	vld.idx.msk [tilespmem:v7+s10+$0x1870 ss:$0x1], $0xffff  }
0x225: {  	v9 =	vld.idx.msk [tilespmem:v7+s10+$0x1800 ss:$0x1], $0xffff  }
0x226: {  	v10 =	vld.idx.msk [tilespmem:v7+s10+$0x1810 ss:$0x1], $0xffff  }
0x227: {  	s17 =	smul.u32 $0xC00, s6;
	v11 =	vld.idx.msk [tilespmem:v7+s10+$0x1820 ss:$0x1], $0xffff  }
0x228: {  	v12 =	vld.idx.msk [tilespmem:v7+s10+$0x1830 ss:$0x1], $0xffff  }
0x229: {  	s12 =	sshrl.u32 s17, $0x2;
	v13 =	vld.idx.msk [tilespmem:v7+s10+$0x1840 ss:$0x1], $0xffff  }
0x22a: {  	v14 =	vld.idx.msk [tilespmem:v7+s10+$0x1850 ss:$0x1], $0xffff;
	s2 =	sadd.s32 $0x0, s12  }
0x22b: {  	[tilespmem:s2+$0x70] =	vst.add.f32.msk $0xffff, v8  }
0x22c: {  	v8 =	vld.idx.msk [tilespmem:v7+s10+$0x1860 ss:$0x1], $0xffff  }
0x22d: {  	[tilespmem:s2+$0x0] =	vst.add.f32.msk $0xffff, v9  }
0x22e: {  	[tilespmem:s2+$0x10] =	vst.add.f32.msk $0xffff, v10  }
0x22f: {  	[tilespmem:s2+$0x20] =	vst.add.f32.msk $0xffff, v11  }
0x230: {  	[tilespmem:s2+$0x30] =	vst.add.f32.msk $0xffff, v12  }
0x231: {  	[tilespmem:s2+$0x40] =	vst.add.f32.msk $0xffff, v13  }
0x232: {  	s6 =	simm.s32 $0x0;
	[tilespmem:s2+$0x50] =	vst.add.f32.msk $0xffff, v14;
	s10 =	simm.s32 $0x200  }
.LBB2_30:
0x233: {  	s8 =	sshra.s32 s10, $0x2;
	s6 =	sadd.s32 $0x80, s6;
	[tilespmem:s2+$0x60] =	vst.add.f32.msk $0xffff, v8  }
0x234: {  	v8 =	vld.idx.msk [tilespmem:v7+s8+$0x1870 ss:$0x1], $0xffff;
	p1 =	slt.u32 s6, $0x280  }
0x235: {  	v9 =	vld.idx.msk [tilespmem:v7+s8+$0x1800 ss:$0x1], $0xffff  }
0x236: {  	v10 =	vld.idx.msk [tilespmem:v7+s8+$0x1810 ss:$0x1], $0xffff  }
0x237: {  	v11 =	vld.idx.msk [tilespmem:v7+s8+$0x1820 ss:$0x1], $0xffff  }
0x238: {  	v12 =	vld.idx.msk [tilespmem:v7+s8+$0x1830 ss:$0x1], $0xffff  }
0x239: {  	s2 =	sadd.s32 s8, s12;
	v13 =	vld.idx.msk [tilespmem:v7+s8+$0x1840 ss:$0x1], $0xffff  }
0x23a: {  	[tilespmem:s2+$0x70] =	vst.add.f32.msk $0xffff, v8  }
0x23b: {  	v14 =	vld.idx.msk [tilespmem:v7+s8+$0x1850 ss:$0x1], $0xffff  }
0x23c: {  	v8 =	vld.idx.msk [tilespmem:v7+s8+$0x1860 ss:$0x1], $0xffff  }
0x23d: {  	[tilespmem:s2+$0x0] =	vst.add.f32.msk $0xffff, v9  }
.Ltmp20:
0x23e: {  	[tilespmem:s2+$0x10] =	vst.add.f32.msk $0xffff, v10;
	(pc) =	sbr.rel @p1 .LBB2_30-.Ltmp20, $4  }
0x23f: {  	[tilespmem:s2+$0x20] =	vst.add.f32.msk $0xffff, v11  }
0x240: {  	[tilespmem:s2+$0x30] =	vst.add.f32.msk $0xffff, v12  }
0x241: {  	[tilespmem:s2+$0x40] =	vst.add.f32.msk $0xffff, v13  }
0x242: {  	s10 =	sadd.s32 $0x200, s10;
	[tilespmem:s2+$0x50] =	vst.add.f32.msk $0xffff, v14  }
0x243: {  	(v2sf) =	vpush v6, $0x9;
	_ =	sdelay $0xe  }
0x244: {  	s6 =	spop (v2sf)  }
0x245: {  	s8 =	sor.u32 $0x9, s1;
	s6 =	ssub.s32 s6, s28  }
0x246: {  	p1 =	slt.s32 s8, s24;
	s6 =	smin.u32 s6, $0x80  }
0x247: {  	s6 =	simm.s32 @!p1 $0x80  }
0x248: {  	[tilespmem:s2+$0x60] =	vst.add.f32.msk $0xffff, v8;
	s8 =	sshll.u32 s6, $0x4  }
0x249: {  	s10 =	simm.s32 $0x0;
	[tilespmem:s8+$0x18300] =	vst.add.f32.msk $0xffff, v5  }
0x24a: {  	v8 =	vld.idx.msk [tilespmem:v7+s10+$0x1B70 ss:$0x1], $0xffff  }
0x24b: {  	v9 =	vld.idx.msk [tilespmem:v7+s10+$0x1B00 ss:$0x1], $0xffff  }
0x24c: {  	v10 =	vld.idx.msk [tilespmem:v7+s10+$0x1B10 ss:$0x1], $0xffff  }
0x24d: {  	s17 =	smul.u32 $0xC00, s6;
	v11 =	vld.idx.msk [tilespmem:v7+s10+$0x1B20 ss:$0x1], $0xffff  }
0x24e: {  	v12 =	vld.idx.msk [tilespmem:v7+s10+$0x1B30 ss:$0x1], $0xffff  }
0x24f: {  	s12 =	sshrl.u32 s17, $0x2;
	v13 =	vld.idx.msk [tilespmem:v7+s10+$0x1B40 ss:$0x1], $0xffff  }
0x250: {  	v14 =	vld.idx.msk [tilespmem:v7+s10+$0x1B50 ss:$0x1], $0xffff;
	s2 =	sadd.s32 $0x0, s12  }
0x251: {  	[tilespmem:s2+$0x70] =	vst.add.f32.msk $0xffff, v8  }
0x252: {  	v8 =	vld.idx.msk [tilespmem:v7+s10+$0x1B60 ss:$0x1], $0xffff  }
0x253: {  	[tilespmem:s2+$0x0] =	vst.add.f32.msk $0xffff, v9  }
0x254: {  	[tilespmem:s2+$0x10] =	vst.add.f32.msk $0xffff, v10  }
0x255: {  	[tilespmem:s2+$0x20] =	vst.add.f32.msk $0xffff, v11  }
0x256: {  	[tilespmem:s2+$0x30] =	vst.add.f32.msk $0xffff, v12  }
0x257: {  	[tilespmem:s2+$0x40] =	vst.add.f32.msk $0xffff, v13  }
0x258: {  	s6 =	simm.s32 $0x0;
	[tilespmem:s2+$0x50] =	vst.add.f32.msk $0xffff, v14;
	s10 =	simm.s32 $0x200  }
.LBB2_32:
0x259: {  	s8 =	sshra.s32 s10, $0x2;
	s6 =	sadd.s32 $0x80, s6;
	[tilespmem:s2+$0x60] =	vst.add.f32.msk $0xffff, v8  }
0x25a: {  	v8 =	vld.idx.msk [tilespmem:v7+s8+$0x1B70 ss:$0x1], $0xffff;
	p1 =	slt.u32 s6, $0x280  }
0x25b: {  	v9 =	vld.idx.msk [tilespmem:v7+s8+$0x1B00 ss:$0x1], $0xffff  }
0x25c: {  	v10 =	vld.idx.msk [tilespmem:v7+s8+$0x1B10 ss:$0x1], $0xffff  }
0x25d: {  	v11 =	vld.idx.msk [tilespmem:v7+s8+$0x1B20 ss:$0x1], $0xffff  }
0x25e: {  	v12 =	vld.idx.msk [tilespmem:v7+s8+$0x1B30 ss:$0x1], $0xffff  }
0x25f: {  	s2 =	sadd.s32 s8, s12;
	v13 =	vld.idx.msk [tilespmem:v7+s8+$0x1B40 ss:$0x1], $0xffff  }
0x260: {  	[tilespmem:s2+$0x70] =	vst.add.f32.msk $0xffff, v8  }
0x261: {  	v14 =	vld.idx.msk [tilespmem:v7+s8+$0x1B50 ss:$0x1], $0xffff  }
0x262: {  	v8 =	vld.idx.msk [tilespmem:v7+s8+$0x1B60 ss:$0x1], $0xffff  }
0x263: {  	[tilespmem:s2+$0x0] =	vst.add.f32.msk $0xffff, v9  }
.Ltmp21:
0x264: {  	[tilespmem:s2+$0x10] =	vst.add.f32.msk $0xffff, v10;
	(pc) =	sbr.rel @p1 .LBB2_32-.Ltmp21, $4  }
0x265: {  	[tilespmem:s2+$0x20] =	vst.add.f32.msk $0xffff, v11  }
0x266: {  	[tilespmem:s2+$0x30] =	vst.add.f32.msk $0xffff, v12  }
0x267: {  	[tilespmem:s2+$0x40] =	vst.add.f32.msk $0xffff, v13  }
0x268: {  	s10 =	sadd.s32 $0x200, s10;
	[tilespmem:s2+$0x50] =	vst.add.f32.msk $0xffff, v14  }
0x269: {  	(v2sf) =	vpush v6, $0xA;
	_ =	sdelay $0xe  }
0x26a: {  	s6 =	spop (v2sf)  }
0x26b: {  	s8 =	sor.u32 $0xA, s1;
	s6 =	ssub.s32 s6, s28  }
0x26c: {  	p1 =	slt.s32 s8, s24;
	s6 =	smin.u32 s6, $0x80  }
0x26d: {  	s6 =	simm.s32 @!p1 $0x80  }
0x26e: {  	[tilespmem:s2+$0x60] =	vst.add.f32.msk $0xffff, v8;
	s8 =	sshll.u32 s6, $0x4  }
0x26f: {  	s10 =	simm.s32 $0x0;
	[tilespmem:s8+$0x18300] =	vst.add.f32.msk $0xffff, v5  }
0x270: {  	v8 =	vld.idx.msk [tilespmem:v7+s10+$0x1E70 ss:$0x1], $0xffff  }
0x271: {  	v9 =	vld.idx.msk [tilespmem:v7+s10+$0x1E00 ss:$0x1], $0xffff  }
0x272: {  	v10 =	vld.idx.msk [tilespmem:v7+s10+$0x1E10 ss:$0x1], $0xffff  }
0x273: {  	s17 =	smul.u32 $0xC00, s6;
	v11 =	vld.idx.msk [tilespmem:v7+s10+$0x1E20 ss:$0x1], $0xffff  }
0x274: {  	v12 =	vld.idx.msk [tilespmem:v7+s10+$0x1E30 ss:$0x1], $0xffff  }
0x275: {  	s12 =	sshrl.u32 s17, $0x2;
	v13 =	vld.idx.msk [tilespmem:v7+s10+$0x1E40 ss:$0x1], $0xffff  }
0x276: {  	v14 =	vld.idx.msk [tilespmem:v7+s10+$0x1E50 ss:$0x1], $0xffff;
	s2 =	sadd.s32 $0x0, s12  }
0x277: {  	[tilespmem:s2+$0x70] =	vst.add.f32.msk $0xffff, v8  }
0x278: {  	v8 =	vld.idx.msk [tilespmem:v7+s10+$0x1E60 ss:$0x1], $0xffff  }
0x279: {  	[tilespmem:s2+$0x0] =	vst.add.f32.msk $0xffff, v9  }
0x27a: {  	[tilespmem:s2+$0x10] =	vst.add.f32.msk $0xffff, v10  }
0x27b: {  	[tilespmem:s2+$0x20] =	vst.add.f32.msk $0xffff, v11  }
0x27c: {  	[tilespmem:s2+$0x30] =	vst.add.f32.msk $0xffff, v12  }
0x27d: {  	[tilespmem:s2+$0x40] =	vst.add.f32.msk $0xffff, v13  }
0x27e: {  	s6 =	simm.s32 $0x0;
	[tilespmem:s2+$0x50] =	vst.add.f32.msk $0xffff, v14;
	s10 =	simm.s32 $0x200  }
.LBB2_34:
0x27f: {  	s8 =	sshra.s32 s10, $0x2;
	s6 =	sadd.s32 $0x80, s6;
	[tilespmem:s2+$0x60] =	vst.add.f32.msk $0xffff, v8  }
0x280: {  	v8 =	vld.idx.msk [tilespmem:v7+s8+$0x1E70 ss:$0x1], $0xffff;
	p1 =	slt.u32 s6, $0x280  }
0x281: {  	v9 =	vld.idx.msk [tilespmem:v7+s8+$0x1E00 ss:$0x1], $0xffff  }
0x282: {  	v10 =	vld.idx.msk [tilespmem:v7+s8+$0x1E10 ss:$0x1], $0xffff  }
0x283: {  	v11 =	vld.idx.msk [tilespmem:v7+s8+$0x1E20 ss:$0x1], $0xffff  }
0x284: {  	v12 =	vld.idx.msk [tilespmem:v7+s8+$0x1E30 ss:$0x1], $0xffff  }
0x285: {  	s2 =	sadd.s32 s8, s12;
	v13 =	vld.idx.msk [tilespmem:v7+s8+$0x1E40 ss:$0x1], $0xffff  }
0x286: {  	[tilespmem:s2+$0x70] =	vst.add.f32.msk $0xffff, v8  }
0x287: {  	v14 =	vld.idx.msk [tilespmem:v7+s8+$0x1E50 ss:$0x1], $0xffff  }
0x288: {  	v8 =	vld.idx.msk [tilespmem:v7+s8+$0x1E60 ss:$0x1], $0xffff  }
0x289: {  	[tilespmem:s2+$0x0] =	vst.add.f32.msk $0xffff, v9  }
.Ltmp22:
0x28a: {  	[tilespmem:s2+$0x10] =	vst.add.f32.msk $0xffff, v10;
	(pc) =	sbr.rel @p1 .LBB2_34-.Ltmp22, $4  }
0x28b: {  	[tilespmem:s2+$0x20] =	vst.add.f32.msk $0xffff, v11  }
0x28c: {  	[tilespmem:s2+$0x30] =	vst.add.f32.msk $0xffff, v12  }
0x28d: {  	[tilespmem:s2+$0x40] =	vst.add.f32.msk $0xffff, v13  }
0x28e: {  	s10 =	sadd.s32 $0x200, s10;
	[tilespmem:s2+$0x50] =	vst.add.f32.msk $0xffff, v14  }
0x28f: {  	(v2sf) =	vpush v6, $0xB;
	_ =	sdelay $0xe  }
0x290: {  	s6 =	spop (v2sf)  }
0x291: {  	s8 =	sor.u32 $0xB, s1;
	s6 =	ssub.s32 s6, s28  }
0x292: {  	p1 =	slt.s32 s8, s24;
	s6 =	smin.u32 s6, $0x80  }
0x293: {  	s6 =	simm.s32 @!p1 $0x80  }
0x294: {  	[tilespmem:s2+$0x60] =	vst.add.f32.msk $0xffff, v8;
	s8 =	sshll.u32 s6, $0x4  }
0x295: {  	s10 =	simm.s32 $0x0;
	[tilespmem:s8+$0x18300] =	vst.add.f32.msk $0xffff, v5  }
0x296: {  	v8 =	vld.idx.msk [tilespmem:v7+s10+$0x2170 ss:$0x1], $0xffff  }
0x297: {  	v9 =	vld.idx.msk [tilespmem:v7+s10+$0x2100 ss:$0x1], $0xffff  }
0x298: {  	v10 =	vld.idx.msk [tilespmem:v7+s10+$0x2110 ss:$0x1], $0xffff  }
0x299: {  	s17 =	smul.u32 $0xC00, s6;
	v11 =	vld.idx.msk [tilespmem:v7+s10+$0x2120 ss:$0x1], $0xffff  }
0x29a: {  	v12 =	vld.idx.msk [tilespmem:v7+s10+$0x2130 ss:$0x1], $0xffff  }
0x29b: {  	s12 =	sshrl.u32 s17, $0x2;
	v13 =	vld.idx.msk [tilespmem:v7+s10+$0x2140 ss:$0x1], $0xffff  }
0x29c: {  	v14 =	vld.idx.msk [tilespmem:v7+s10+$0x2150 ss:$0x1], $0xffff;
	s2 =	sadd.s32 $0x0, s12  }
0x29d: {  	[tilespmem:s2+$0x70] =	vst.add.f32.msk $0xffff, v8  }
0x29e: {  	v8 =	vld.idx.msk [tilespmem:v7+s10+$0x2160 ss:$0x1], $0xffff  }
0x29f: {  	[tilespmem:s2+$0x0] =	vst.add.f32.msk $0xffff, v9  }
0x2a0: {  	[tilespmem:s2+$0x10] =	vst.add.f32.msk $0xffff, v10  }
0x2a1: {  	[tilespmem:s2+$0x20] =	vst.add.f32.msk $0xffff, v11  }
0x2a2: {  	[tilespmem:s2+$0x30] =	vst.add.f32.msk $0xffff, v12  }
0x2a3: {  	[tilespmem:s2+$0x40] =	vst.add.f32.msk $0xffff, v13  }
0x2a4: {  	s6 =	simm.s32 $0x0;
	[tilespmem:s2+$0x50] =	vst.add.f32.msk $0xffff, v14;
	s10 =	simm.s32 $0x200  }
.LBB2_36:
0x2a5: {  	s8 =	sshra.s32 s10, $0x2;
	s6 =	sadd.s32 $0x80, s6;
	[tilespmem:s2+$0x60] =	vst.add.f32.msk $0xffff, v8  }
0x2a6: {  	v8 =	vld.idx.msk [tilespmem:v7+s8+$0x2170 ss:$0x1], $0xffff;
	p1 =	slt.u32 s6, $0x280  }
0x2a7: {  	v9 =	vld.idx.msk [tilespmem:v7+s8+$0x2100 ss:$0x1], $0xffff  }
0x2a8: {  	v10 =	vld.idx.msk [tilespmem:v7+s8+$0x2110 ss:$0x1], $0xffff  }
0x2a9: {  	v11 =	vld.idx.msk [tilespmem:v7+s8+$0x2120 ss:$0x1], $0xffff  }
0x2aa: {  	v12 =	vld.idx.msk [tilespmem:v7+s8+$0x2130 ss:$0x1], $0xffff  }
0x2ab: {  	s2 =	sadd.s32 s8, s12;
	v13 =	vld.idx.msk [tilespmem:v7+s8+$0x2140 ss:$0x1], $0xffff  }
0x2ac: {  	[tilespmem:s2+$0x70] =	vst.add.f32.msk $0xffff, v8  }
0x2ad: {  	v14 =	vld.idx.msk [tilespmem:v7+s8+$0x2150 ss:$0x1], $0xffff  }
0x2ae: {  	v8 =	vld.idx.msk [tilespmem:v7+s8+$0x2160 ss:$0x1], $0xffff  }
0x2af: {  	[tilespmem:s2+$0x0] =	vst.add.f32.msk $0xffff, v9  }
.Ltmp23:
0x2b0: {  	[tilespmem:s2+$0x10] =	vst.add.f32.msk $0xffff, v10;
	(pc) =	sbr.rel @p1 .LBB2_36-.Ltmp23, $4  }
0x2b1: {  	[tilespmem:s2+$0x20] =	vst.add.f32.msk $0xffff, v11  }
0x2b2: {  	[tilespmem:s2+$0x30] =	vst.add.f32.msk $0xffff, v12  }
0x2b3: {  	[tilespmem:s2+$0x40] =	vst.add.f32.msk $0xffff, v13  }
0x2b4: {  	s10 =	sadd.s32 $0x200, s10;
	[tilespmem:s2+$0x50] =	vst.add.f32.msk $0xffff, v14  }
0x2b5: {  	(v2sf) =	vpush v6, $0xC;
	_ =	sdelay $0xe  }
0x2b6: {  	s6 =	spop (v2sf)  }
0x2b7: {  	s8 =	sor.u32 $0xC, s1;
	s6 =	ssub.s32 s6, s28  }
0x2b8: {  	p1 =	slt.s32 s8, s24;
	s6 =	smin.u32 s6, $0x80  }
0x2b9: {  	s6 =	simm.s32 @!p1 $0x80  }
0x2ba: {  	[tilespmem:s2+$0x60] =	vst.add.f32.msk $0xffff, v8;
	s8 =	sshll.u32 s6, $0x4  }
0x2bb: {  	s10 =	simm.s32 $0x0;
	[tilespmem:s8+$0x18300] =	vst.add.f32.msk $0xffff, v5  }
0x2bc: {  	v8 =	vld.idx.msk [tilespmem:v7+s10+$0x2470 ss:$0x1], $0xffff  }
0x2bd: {  	v9 =	vld.idx.msk [tilespmem:v7+s10+$0x2400 ss:$0x1], $0xffff  }
0x2be: {  	v10 =	vld.idx.msk [tilespmem:v7+s10+$0x2410 ss:$0x1], $0xffff  }
0x2bf: {  	s17 =	smul.u32 $0xC00, s6;
	v11 =	vld.idx.msk [tilespmem:v7+s10+$0x2420 ss:$0x1], $0xffff  }
0x2c0: {  	v12 =	vld.idx.msk [tilespmem:v7+s10+$0x2430 ss:$0x1], $0xffff  }
0x2c1: {  	s12 =	sshrl.u32 s17, $0x2;
	v13 =	vld.idx.msk [tilespmem:v7+s10+$0x2440 ss:$0x1], $0xffff  }
0x2c2: {  	v14 =	vld.idx.msk [tilespmem:v7+s10+$0x2450 ss:$0x1], $0xffff;
	s2 =	sadd.s32 $0x0, s12  }
0x2c3: {  	[tilespmem:s2+$0x70] =	vst.add.f32.msk $0xffff, v8  }
0x2c4: {  	v8 =	vld.idx.msk [tilespmem:v7+s10+$0x2460 ss:$0x1], $0xffff  }
0x2c5: {  	[tilespmem:s2+$0x0] =	vst.add.f32.msk $0xffff, v9  }
0x2c6: {  	[tilespmem:s2+$0x10] =	vst.add.f32.msk $0xffff, v10  }
0x2c7: {  	[tilespmem:s2+$0x20] =	vst.add.f32.msk $0xffff, v11  }
0x2c8: {  	[tilespmem:s2+$0x30] =	vst.add.f32.msk $0xffff, v12  }
0x2c9: {  	[tilespmem:s2+$0x40] =	vst.add.f32.msk $0xffff, v13  }
0x2ca: {  	s6 =	simm.s32 $0x0;
	[tilespmem:s2+$0x50] =	vst.add.f32.msk $0xffff, v14;
	s10 =	simm.s32 $0x200  }
.LBB2_38:
0x2cb: {  	s8 =	sshra.s32 s10, $0x2;
	s6 =	sadd.s32 $0x80, s6;
	[tilespmem:s2+$0x60] =	vst.add.f32.msk $0xffff, v8  }
0x2cc: {  	v8 =	vld.idx.msk [tilespmem:v7+s8+$0x2470 ss:$0x1], $0xffff;
	p1 =	slt.u32 s6, $0x280  }
0x2cd: {  	v9 =	vld.idx.msk [tilespmem:v7+s8+$0x2400 ss:$0x1], $0xffff  }
0x2ce: {  	v10 =	vld.idx.msk [tilespmem:v7+s8+$0x2410 ss:$0x1], $0xffff  }
0x2cf: {  	v11 =	vld.idx.msk [tilespmem:v7+s8+$0x2420 ss:$0x1], $0xffff  }
0x2d0: {  	v12 =	vld.idx.msk [tilespmem:v7+s8+$0x2430 ss:$0x1], $0xffff  }
0x2d1: {  	s2 =	sadd.s32 s8, s12;
	v13 =	vld.idx.msk [tilespmem:v7+s8+$0x2440 ss:$0x1], $0xffff  }
0x2d2: {  	[tilespmem:s2+$0x70] =	vst.add.f32.msk $0xffff, v8  }
0x2d3: {  	v14 =	vld.idx.msk [tilespmem:v7+s8+$0x2450 ss:$0x1], $0xffff  }
0x2d4: {  	v8 =	vld.idx.msk [tilespmem:v7+s8+$0x2460 ss:$0x1], $0xffff  }
0x2d5: {  	[tilespmem:s2+$0x0] =	vst.add.f32.msk $0xffff, v9  }
.Ltmp24:
0x2d6: {  	[tilespmem:s2+$0x10] =	vst.add.f32.msk $0xffff, v10;
	(pc) =	sbr.rel @p1 .LBB2_38-.Ltmp24, $4  }
0x2d7: {  	[tilespmem:s2+$0x20] =	vst.add.f32.msk $0xffff, v11  }
0x2d8: {  	[tilespmem:s2+$0x30] =	vst.add.f32.msk $0xffff, v12  }
0x2d9: {  	[tilespmem:s2+$0x40] =	vst.add.f32.msk $0xffff, v13  }
0x2da: {  	s10 =	sadd.s32 $0x200, s10;
	[tilespmem:s2+$0x50] =	vst.add.f32.msk $0xffff, v14  }
0x2db: {  	(v2sf) =	vpush v6, $0xD;
	_ =	sdelay $0xe  }
0x2dc: {  	s6 =	spop (v2sf)  }
0x2dd: {  	s8 =	sor.u32 $0xD, s1;
	s6 =	ssub.s32 s6, s28  }
0x2de: {  	p1 =	slt.s32 s8, s24;
	s6 =	smin.u32 s6, $0x80  }
0x2df: {  	s6 =	simm.s32 @!p1 $0x80  }
0x2e0: {  	[tilespmem:s2+$0x60] =	vst.add.f32.msk $0xffff, v8;
	s8 =	sshll.u32 s6, $0x4  }
0x2e1: {  	s10 =	simm.s32 $0x0;
	[tilespmem:s8+$0x18300] =	vst.add.f32.msk $0xffff, v5  }
0x2e2: {  	v8 =	vld.idx.msk [tilespmem:v7+s10+$0x2770 ss:$0x1], $0xffff  }
0x2e3: {  	v9 =	vld.idx.msk [tilespmem:v7+s10+$0x2700 ss:$0x1], $0xffff  }
0x2e4: {  	v10 =	vld.idx.msk [tilespmem:v7+s10+$0x2710 ss:$0x1], $0xffff  }
0x2e5: {  	s17 =	smul.u32 $0xC00, s6;
	v11 =	vld.idx.msk [tilespmem:v7+s10+$0x2720 ss:$0x1], $0xffff  }
0x2e6: {  	v12 =	vld.idx.msk [tilespmem:v7+s10+$0x2730 ss:$0x1], $0xffff  }
0x2e7: {  	s12 =	sshrl.u32 s17, $0x2;
	v13 =	vld.idx.msk [tilespmem:v7+s10+$0x2740 ss:$0x1], $0xffff  }
0x2e8: {  	v14 =	vld.idx.msk [tilespmem:v7+s10+$0x2750 ss:$0x1], $0xffff;
	s2 =	sadd.s32 $0x0, s12  }
0x2e9: {  	[tilespmem:s2+$0x70] =	vst.add.f32.msk $0xffff, v8  }
0x2ea: {  	v8 =	vld.idx.msk [tilespmem:v7+s10+$0x2760 ss:$0x1], $0xffff  }
0x2eb: {  	[tilespmem:s2+$0x0] =	vst.add.f32.msk $0xffff, v9  }
0x2ec: {  	[tilespmem:s2+$0x10] =	vst.add.f32.msk $0xffff, v10  }
0x2ed: {  	[tilespmem:s2+$0x20] =	vst.add.f32.msk $0xffff, v11  }
0x2ee: {  	[tilespmem:s2+$0x30] =	vst.add.f32.msk $0xffff, v12  }
0x2ef: {  	[tilespmem:s2+$0x40] =	vst.add.f32.msk $0xffff, v13  }
0x2f0: {  	s6 =	simm.s32 $0x0;
	[tilespmem:s2+$0x50] =	vst.add.f32.msk $0xffff, v14;
	s10 =	simm.s32 $0x200  }
.LBB2_40:
0x2f1: {  	s8 =	sshra.s32 s10, $0x2;
	s6 =	sadd.s32 $0x80, s6;
	[tilespmem:s2+$0x60] =	vst.add.f32.msk $0xffff, v8  }
0x2f2: {  	v8 =	vld.idx.msk [tilespmem:v7+s8+$0x2770 ss:$0x1], $0xffff;
	p1 =	slt.u32 s6, $0x280  }
0x2f3: {  	v9 =	vld.idx.msk [tilespmem:v7+s8+$0x2700 ss:$0x1], $0xffff  }
0x2f4: {  	v10 =	vld.idx.msk [tilespmem:v7+s8+$0x2710 ss:$0x1], $0xffff  }
0x2f5: {  	v11 =	vld.idx.msk [tilespmem:v7+s8+$0x2720 ss:$0x1], $0xffff  }
0x2f6: {  	v12 =	vld.idx.msk [tilespmem:v7+s8+$0x2730 ss:$0x1], $0xffff  }
0x2f7: {  	s2 =	sadd.s32 s8, s12;
	v13 =	vld.idx.msk [tilespmem:v7+s8+$0x2740 ss:$0x1], $0xffff  }
0x2f8: {  	[tilespmem:s2+$0x70] =	vst.add.f32.msk $0xffff, v8  }
0x2f9: {  	v14 =	vld.idx.msk [tilespmem:v7+s8+$0x2750 ss:$0x1], $0xffff  }
0x2fa: {  	v8 =	vld.idx.msk [tilespmem:v7+s8+$0x2760 ss:$0x1], $0xffff  }
0x2fb: {  	[tilespmem:s2+$0x0] =	vst.add.f32.msk $0xffff, v9  }
.Ltmp25:
0x2fc: {  	[tilespmem:s2+$0x10] =	vst.add.f32.msk $0xffff, v10;
	(pc) =	sbr.rel @p1 .LBB2_40-.Ltmp25, $4  }
0x2fd: {  	[tilespmem:s2+$0x20] =	vst.add.f32.msk $0xffff, v11  }
0x2fe: {  	[tilespmem:s2+$0x30] =	vst.add.f32.msk $0xffff, v12  }
0x2ff: {  	[tilespmem:s2+$0x40] =	vst.add.f32.msk $0xffff, v13  }
0x300: {  	s10 =	sadd.s32 $0x200, s10;
	[tilespmem:s2+$0x50] =	vst.add.f32.msk $0xffff, v14  }
0x301: {  	(v2sf) =	vpush v6, $0xE;
	_ =	sdelay $0xe  }
0x302: {  	s6 =	spop (v2sf)  }
0x303: {  	s8 =	sor.u32 $0xE, s1;
	s6 =	ssub.s32 s6, s28  }
0x304: {  	p1 =	slt.s32 s8, s24;
	s6 =	smin.u32 s6, $0x80  }
0x305: {  	s6 =	simm.s32 @!p1 $0x80  }
0x306: {  	[tilespmem:s2+$0x60] =	vst.add.f32.msk $0xffff, v8;
	s8 =	sshll.u32 s6, $0x4  }
0x307: {  	s10 =	simm.s32 $0x0;
	[tilespmem:s8+$0x18300] =	vst.add.f32.msk $0xffff, v5  }
0x308: {  	v8 =	vld.idx.msk [tilespmem:v7+s10+$0x2A70 ss:$0x1], $0xffff  }
0x309: {  	v9 =	vld.idx.msk [tilespmem:v7+s10+$0x2A00 ss:$0x1], $0xffff  }
0x30a: {  	v10 =	vld.idx.msk [tilespmem:v7+s10+$0x2A10 ss:$0x1], $0xffff  }
0x30b: {  	s17 =	smul.u32 $0xC00, s6;
	v11 =	vld.idx.msk [tilespmem:v7+s10+$0x2A20 ss:$0x1], $0xffff  }
0x30c: {  	v12 =	vld.idx.msk [tilespmem:v7+s10+$0x2A30 ss:$0x1], $0xffff  }
0x30d: {  	s12 =	sshrl.u32 s17, $0x2;
	v13 =	vld.idx.msk [tilespmem:v7+s10+$0x2A40 ss:$0x1], $0xffff  }
0x30e: {  	v14 =	vld.idx.msk [tilespmem:v7+s10+$0x2A50 ss:$0x1], $0xffff;
	s2 =	sadd.s32 $0x0, s12  }
0x30f: {  	[tilespmem:s2+$0x70] =	vst.add.f32.msk $0xffff, v8  }
0x310: {  	v8 =	vld.idx.msk [tilespmem:v7+s10+$0x2A60 ss:$0x1], $0xffff  }
0x311: {  	[tilespmem:s2+$0x0] =	vst.add.f32.msk $0xffff, v9  }
0x312: {  	[tilespmem:s2+$0x10] =	vst.add.f32.msk $0xffff, v10  }
0x313: {  	[tilespmem:s2+$0x20] =	vst.add.f32.msk $0xffff, v11  }
0x314: {  	[tilespmem:s2+$0x30] =	vst.add.f32.msk $0xffff, v12  }
0x315: {  	[tilespmem:s2+$0x40] =	vst.add.f32.msk $0xffff, v13  }
0x316: {  	s6 =	simm.s32 $0x0;
	[tilespmem:s2+$0x50] =	vst.add.f32.msk $0xffff, v14;
	s10 =	simm.s32 $0x200  }
.LBB2_42:
0x317: {  	s8 =	sshra.s32 s10, $0x2;
	s6 =	sadd.s32 $0x80, s6;
	[tilespmem:s2+$0x60] =	vst.add.f32.msk $0xffff, v8  }
0x318: {  	v8 =	vld.idx.msk [tilespmem:v7+s8+$0x2A70 ss:$0x1], $0xffff;
	p1 =	slt.u32 s6, $0x280  }
0x319: {  	v9 =	vld.idx.msk [tilespmem:v7+s8+$0x2A00 ss:$0x1], $0xffff  }
0x31a: {  	v10 =	vld.idx.msk [tilespmem:v7+s8+$0x2A10 ss:$0x1], $0xffff  }
0x31b: {  	v11 =	vld.idx.msk [tilespmem:v7+s8+$0x2A20 ss:$0x1], $0xffff  }
0x31c: {  	v12 =	vld.idx.msk [tilespmem:v7+s8+$0x2A30 ss:$0x1], $0xffff  }
0x31d: {  	s2 =	sadd.s32 s8, s12;
	v13 =	vld.idx.msk [tilespmem:v7+s8+$0x2A40 ss:$0x1], $0xffff  }
0x31e: {  	[tilespmem:s2+$0x70] =	vst.add.f32.msk $0xffff, v8  }
0x31f: {  	v14 =	vld.idx.msk [tilespmem:v7+s8+$0x2A50 ss:$0x1], $0xffff  }
0x320: {  	v8 =	vld.idx.msk [tilespmem:v7+s8+$0x2A60 ss:$0x1], $0xffff  }
0x321: {  	[tilespmem:s2+$0x0] =	vst.add.f32.msk $0xffff, v9  }
.Ltmp26:
0x322: {  	[tilespmem:s2+$0x10] =	vst.add.f32.msk $0xffff, v10;
	(pc) =	sbr.rel @p1 .LBB2_42-.Ltmp26, $4  }
0x323: {  	[tilespmem:s2+$0x20] =	vst.add.f32.msk $0xffff, v11  }
0x324: {  	[tilespmem:s2+$0x30] =	vst.add.f32.msk $0xffff, v12  }
0x325: {  	[tilespmem:s2+$0x40] =	vst.add.f32.msk $0xffff, v13  }
0x326: {  	s10 =	sadd.s32 $0x200, s10;
	[tilespmem:s2+$0x50] =	vst.add.f32.msk $0xffff, v14  }
0x327: {  	(v2sf) =	vpush v6, $0xF;
	_ =	sdelay $0xe  }
0x328: {  	s6 =	spop (v2sf)  }
0x329: {  	s1 =	sor.u32 $0xF, s1;
	s6 =	ssub.s32 s6, s28  }
0x32a: {  	p1 =	slt.s32 s1, s24;
	s1 =	smin.u32 s6, $0x80  }
0x32b: {  	s1 =	simm.s32 @!p1 $0x80  }
0x32c: {  	[tilespmem:s2+$0x60] =	vst.add.f32.msk $0xffff, v8;
	s12 =	sshll.u32 s1, $0x4  }
0x32d: {  	s17 =	simm.s32 $0x0;
	[tilespmem:s12+$0x18300] =	vst.add.f32.msk $0xffff, v5  }
0x32e: {  	v6 =	vld.idx.msk [tilespmem:v7+s17+$0x2D70 ss:$0x1], $0xffff  }
0x32f: {  	v8 =	vld.idx.msk [tilespmem:v7+s17+$0x2D00 ss:$0x1], $0xffff  }
0x330: {  	v9 =	vld.idx.msk [tilespmem:v7+s17+$0x2D10 ss:$0x1], $0xffff  }
0x331: {  	s1 =	smul.u32 $0xC00, s1;
	v10 =	vld.idx.msk [tilespmem:v7+s17+$0x2D20 ss:$0x1], $0xffff  }
0x332: {  	v11 =	vld.idx.msk [tilespmem:v7+s17+$0x2D30 ss:$0x1], $0xffff  }
0x333: {  	s1 =	sshrl.u32 s1, $0x2;
	v12 =	vld.idx.msk [tilespmem:v7+s17+$0x2D40 ss:$0x1], $0xffff  }
0x334: {  	v13 =	vld.idx.msk [tilespmem:v7+s17+$0x2D50 ss:$0x1], $0xffff;
	s6 =	sadd.s32 $0x0, s1  }
0x335: {  	[tilespmem:s6+$0x70] =	vst.add.f32.msk $0xffff, v6  }
0x336: {  	v6 =	vld.idx.msk [tilespmem:v7+s17+$0x2D60 ss:$0x1], $0xffff  }
0x337: {  	[tilespmem:s6+$0x0] =	vst.add.f32.msk $0xffff, v8  }
0x338: {  	[tilespmem:s6+$0x10] =	vst.add.f32.msk $0xffff, v9  }
0x339: {  	[tilespmem:s6+$0x20] =	vst.add.f32.msk $0xffff, v10  }
0x33a: {  	[tilespmem:s6+$0x30] =	vst.add.f32.msk $0xffff, v11  }
0x33b: {  	[tilespmem:s6+$0x40] =	vst.add.f32.msk $0xffff, v12  }
0x33c: {  	s2 =	simm.s32 $0x0;
	s10 =	simm.s32 $0x200;
	[tilespmem:s6+$0x50] =	vst.add.f32.msk $0xffff, v13  }
.LBB2_44:
0x33d: {  	s8 =	sshra.s32 s10, $0x2;
	s2 =	sadd.s32 $0x80, s2;
	[tilespmem:s6+$0x60] =	vst.add.f32.msk $0xffff, v6  }
0x33e: {  	v6 =	vld.idx.msk [tilespmem:v7+s8+$0x2D70 ss:$0x1], $0xffff;
	p1 =	slt.u32 s2, $0x280  }
0x33f: {  	v8 =	vld.idx.msk [tilespmem:v7+s8+$0x2D00 ss:$0x1], $0xffff  }
0x340: {  	v9 =	vld.idx.msk [tilespmem:v7+s8+$0x2D10 ss:$0x1], $0xffff  }
0x341: {  	v10 =	vld.idx.msk [tilespmem:v7+s8+$0x2D20 ss:$0x1], $0xffff  }
0x342: {  	v11 =	vld.idx.msk [tilespmem:v7+s8+$0x2D30 ss:$0x1], $0xffff  }
0x343: {  	s6 =	sadd.s32 s8, s1;
	v12 =	vld.idx.msk [tilespmem:v7+s8+$0x2D40 ss:$0x1], $0xffff  }
0x344: {  	[tilespmem:s6+$0x70] =	vst.add.f32.msk $0xffff, v6  }
0x345: {  	v13 =	vld.idx.msk [tilespmem:v7+s8+$0x2D50 ss:$0x1], $0xffff  }
0x346: {  	v6 =	vld.idx.msk [tilespmem:v7+s8+$0x2D60 ss:$0x1], $0xffff  }
0x347: {  	[tilespmem:s6+$0x0] =	vst.add.f32.msk $0xffff, v8  }
.Ltmp27:
0x348: {  	[tilespmem:s6+$0x10] =	vst.add.f32.msk $0xffff, v9;
	(pc) =	sbr.rel @p1 .LBB2_44-.Ltmp27, $4  }
0x349: {  	[tilespmem:s6+$0x20] =	vst.add.f32.msk $0xffff, v10  }
0x34a: {  	[tilespmem:s6+$0x30] =	vst.add.f32.msk $0xffff, v11  }
0x34b: {  	[tilespmem:s6+$0x40] =	vst.add.f32.msk $0xffff, v12  }
0x34c: {  	s10 =	sadd.s32 $0x200, s10;
	[tilespmem:s6+$0x50] =	vst.add.f32.msk $0xffff, v13  }
0x34d: {  	[tilespmem:s6+$0x60] =	vst.add.f32.msk $0xffff, v6  }
.LBB2_46:
0x34e: {  	p1 =	sge.s32 s11, s25  }
.Ltmp28:
0x34f: {  	_ = 	snop;
	(pc) =	sbr.rel @p1 .LBB2_80-.Ltmp28, $1  }
0x350: {  	_ =	sdelay $0x3  }
0x351: {  	s1 =	sadd.s32 $0x2, s18  }
0x352: {  	p1 =	sge.s32 s1, s25  }
0x353: {  	s1 =	sadd.s32 @!p1 s22, s1  }
0x354: {  	s1 =	sshll.u32 @!p1 s1, $0x4  }
0x355: {  	_ =	swait.ge [sflag:s15], $0x10;
	p2 =	slt.s32 @!p1 s1, $0x1FF0  }
0x356: {  	[sflag:s15] =	ssyncset.done $0x0;
	p2 =	por !p2, p1  }
0x357: {  	[sflag:s15] =	ssyncadd.s32 $0xFFFFFFF0;
	s1 =	simm.s32 @p2 $0x1FF0  }
0x358: {  	s6 =	simm.s32 @!p1 $0x0;
	_ =	swait.ge [sflag:s16], $0x3000;
	s1 =	sadd.s32 @!p1 s9, s1  }
0x359: {  	s8 =	simm.s32 @!p1 $0x1EF80;
	[sflag:s16] =	ssyncset.done $0x0;
	s2 =	sshrl.u32 @!p1 s1, $0x3  }
0x35a: {  	[sflag:s16] =	ssyncadd.s32 $0xFFFFD000;
	s1 =	smul.u32 @!p1 $0x300, s1;
	s2 =	sadd.s32 @!p1 s5, s2  }
0x35b: {  	[tilespmem:s8], [sflag:$0x1] =	stream.linear.gather @!p1 [hbm4b:s2+s6], $0x10, $0x38;
	[tilespmem:$0x1F080] =	vst v63  }
0x35c: {  	s1 =	sshrl.u32 @!p1 s1, $0x3  }
0x35d: {  	s2 =	simm.s32 @!p1 $0x18B80;
	s1 =	sadd.s32 @!p1 s4, s1  }
0x35e: {  	[tilespmem:s2], [sflag:$0x2] =	stream.linear.gather @!p1 [hbm4b:s1+s6], $0x3000, $0x38;
	[tilespmem:$0x1F080] =	vst v63  }
0x35f: {  	v7 =	vld [tilespmem:$0x1F000];
	_ =	sdelay $0x4  }
0x360: {  	(v2sf) =	vpush v7, $0x0;
	_ =	sdelay $0x9  }
0x361: {  	p1 =	slt.s32 s0, $0x1FF0;
	s1 =	smov.u32 s0  }
0x362: {  	s1 =	simm.s32 @!p1 $0x1FF0  }
0x363: {  	s1 =	smul.u32 $0xFFFFF400, s1;
	_ =	sdelay $0x1  }
0x364: {  	s1 =	sshra.s32 s1, $0x2  }
0x365: {  	s10 =	sadd.s32 s1, s31;
	s12 =	spop (v2sf)  }
0x366: {  	s1 =	sshll.u32 s11, $0x4;
	v6 =	vmov s10;
	s6 =	ssub.s32 s12, s28  }
0x367: {  	p1 =	slt.s32 s1, s24;
	s2 =	smin.u32 s6, $0x80  }
0x368: {  	s2 =	simm.s32 @!p1 $0x80  }
0x369: {  	s17 =	sshll.u32 s2, $0x4  }
0x36a: {  	s18 =	simm.s32 $0x0;
	[tilespmem:s17+$0x18300] =	vst.add.f32.msk $0xffff, v5  }
0x36b: {  	v8 =	vld.idx.msk [tilespmem:v6+s18+$0x3070 ss:$0x1], $0xffff  }
0x36c: {  	v9 =	vld.idx.msk [tilespmem:v6+s18+$0x3000 ss:$0x1], $0xffff  }
0x36d: {  	v10 =	vld.idx.msk [tilespmem:v6+s18+$0x3010 ss:$0x1], $0xffff  }
0x36e: {  	s2 =	smul.u32 $0xC00, s2;
	v11 =	vld.idx.msk [tilespmem:v6+s18+$0x3020 ss:$0x1], $0xffff  }
0x36f: {  	v12 =	vld.idx.msk [tilespmem:v6+s18+$0x3030 ss:$0x1], $0xffff  }
0x370: {  	s11 =	sshrl.u32 s2, $0x2;
	v13 =	vld.idx.msk [tilespmem:v6+s18+$0x3040 ss:$0x1], $0xffff  }
0x371: {  	v14 =	vld.idx.msk [tilespmem:v6+s18+$0x3050 ss:$0x1], $0xffff;
	s2 =	sadd.s32 $0x0, s11  }
0x372: {  	[tilespmem:s2+$0x70] =	vst.add.f32.msk $0xffff, v8  }
0x373: {  	v8 =	vld.idx.msk [tilespmem:v6+s18+$0x3060 ss:$0x1], $0xffff  }
0x374: {  	[tilespmem:s2+$0x0] =	vst.add.f32.msk $0xffff, v9  }
0x375: {  	[tilespmem:s2+$0x10] =	vst.add.f32.msk $0xffff, v10  }
0x376: {  	[tilespmem:s2+$0x20] =	vst.add.f32.msk $0xffff, v11  }
0x377: {  	[tilespmem:s2+$0x30] =	vst.add.f32.msk $0xffff, v12  }
0x378: {  	[tilespmem:s2+$0x40] =	vst.add.f32.msk $0xffff, v13  }
0x379: {  	s10 =	simm.s32 $0x200;
	s6 =	simm.s32 $0x0;
	[tilespmem:s2+$0x50] =	vst.add.f32.msk $0xffff, v14  }
.LBB2_48:
0x37a: {  	s8 =	sshra.s32 s10, $0x2;
	s6 =	sadd.s32 $0x80, s6;
	[tilespmem:s2+$0x60] =	vst.add.f32.msk $0xffff, v8  }
0x37b: {  	v8 =	vld.idx.msk [tilespmem:v6+s8+$0x3070 ss:$0x1], $0xffff;
	p1 =	slt.u32 s6, $0x280  }
0x37c: {  	v9 =	vld.idx.msk [tilespmem:v6+s8+$0x3000 ss:$0x1], $0xffff  }
0x37d: {  	v10 =	vld.idx.msk [tilespmem:v6+s8+$0x3010 ss:$0x1], $0xffff  }
0x37e: {  	v11 =	vld.idx.msk [tilespmem:v6+s8+$0x3020 ss:$0x1], $0xffff  }
0x37f: {  	v12 =	vld.idx.msk [tilespmem:v6+s8+$0x3030 ss:$0x1], $0xffff  }
0x380: {  	s2 =	sadd.s32 s8, s11;
	v13 =	vld.idx.msk [tilespmem:v6+s8+$0x3040 ss:$0x1], $0xffff  }
0x381: {  	[tilespmem:s2+$0x70] =	vst.add.f32.msk $0xffff, v8  }
0x382: {  	v14 =	vld.idx.msk [tilespmem:v6+s8+$0x3050 ss:$0x1], $0xffff  }
0x383: {  	v8 =	vld.idx.msk [tilespmem:v6+s8+$0x3060 ss:$0x1], $0xffff  }
0x384: {  	[tilespmem:s2+$0x0] =	vst.add.f32.msk $0xffff, v9  }
.Ltmp29:
0x385: {  	[tilespmem:s2+$0x10] =	vst.add.f32.msk $0xffff, v10;
	(pc) =	sbr.rel @p1 .LBB2_48-.Ltmp29, $4  }
0x386: {  	[tilespmem:s2+$0x20] =	vst.add.f32.msk $0xffff, v11  }
0x387: {  	[tilespmem:s2+$0x30] =	vst.add.f32.msk $0xffff, v12  }
0x388: {  	[tilespmem:s2+$0x40] =	vst.add.f32.msk $0xffff, v13  }
0x389: {  	s10 =	sadd.s32 $0x200, s10;
	[tilespmem:s2+$0x50] =	vst.add.f32.msk $0xffff, v14  }
0x38a: {  	(v2sf) =	vpush v7, $0x1;
	_ =	sdelay $0xe  }
0x38b: {  	s6 =	spop (v2sf)  }
0x38c: {  	s8 =	sor.u32 $0x1, s1;
	s6 =	ssub.s32 s6, s28  }
0x38d: {  	p1 =	slt.s32 s8, s24;
	s6 =	smin.u32 s6, $0x80  }
0x38e: {  	s6 =	simm.s32 @!p1 $0x80  }
0x38f: {  	[tilespmem:s2+$0x60] =	vst.add.f32.msk $0xffff, v8;
	s12 =	sshll.u32 s6, $0x4  }
0x390: {  	s17 =	simm.s32 $0x0;
	[tilespmem:s12+$0x18300] =	vst.add.f32.msk $0xffff, v5  }
0x391: {  	v8 =	vld.idx.msk [tilespmem:v6+s17+$0x3370 ss:$0x1], $0xffff  }
0x392: {  	v9 =	vld.idx.msk [tilespmem:v6+s17+$0x3300 ss:$0x1], $0xffff  }
0x393: {  	v10 =	vld.idx.msk [tilespmem:v6+s17+$0x3310 ss:$0x1], $0xffff  }
0x394: {  	s18 =	smul.u32 $0xC00, s6;
	v11 =	vld.idx.msk [tilespmem:v6+s17+$0x3320 ss:$0x1], $0xffff  }
0x395: {  	v12 =	vld.idx.msk [tilespmem:v6+s17+$0x3330 ss:$0x1], $0xffff  }
0x396: {  	s11 =	sshrl.u32 s18, $0x2;
	v13 =	vld.idx.msk [tilespmem:v6+s17+$0x3340 ss:$0x1], $0xffff  }
0x397: {  	v14 =	vld.idx.msk [tilespmem:v6+s17+$0x3350 ss:$0x1], $0xffff;
	s2 =	sadd.s32 $0x0, s11  }
0x398: {  	[tilespmem:s2+$0x70] =	vst.add.f32.msk $0xffff, v8  }
0x399: {  	v8 =	vld.idx.msk [tilespmem:v6+s17+$0x3360 ss:$0x1], $0xffff  }
0x39a: {  	[tilespmem:s2+$0x0] =	vst.add.f32.msk $0xffff, v9  }
0x39b: {  	[tilespmem:s2+$0x10] =	vst.add.f32.msk $0xffff, v10  }
0x39c: {  	[tilespmem:s2+$0x20] =	vst.add.f32.msk $0xffff, v11  }
0x39d: {  	[tilespmem:s2+$0x30] =	vst.add.f32.msk $0xffff, v12  }
0x39e: {  	[tilespmem:s2+$0x40] =	vst.add.f32.msk $0xffff, v13  }
0x39f: {  	s10 =	simm.s32 $0x200;
	s6 =	simm.s32 $0x0;
	[tilespmem:s2+$0x50] =	vst.add.f32.msk $0xffff, v14  }
.LBB2_50:
0x3a0: {  	s8 =	sshra.s32 s10, $0x2;
	s6 =	sadd.s32 $0x80, s6;
	[tilespmem:s2+$0x60] =	vst.add.f32.msk $0xffff, v8  }
0x3a1: {  	v8 =	vld.idx.msk [tilespmem:v6+s8+$0x3370 ss:$0x1], $0xffff;
	p1 =	slt.u32 s6, $0x280  }
0x3a2: {  	v9 =	vld.idx.msk [tilespmem:v6+s8+$0x3300 ss:$0x1], $0xffff  }
0x3a3: {  	v10 =	vld.idx.msk [tilespmem:v6+s8+$0x3310 ss:$0x1], $0xffff  }
0x3a4: {  	v11 =	vld.idx.msk [tilespmem:v6+s8+$0x3320 ss:$0x1], $0xffff  }
0x3a5: {  	v12 =	vld.idx.msk [tilespmem:v6+s8+$0x3330 ss:$0x1], $0xffff  }
0x3a6: {  	s2 =	sadd.s32 s8, s11;
	v13 =	vld.idx.msk [tilespmem:v6+s8+$0x3340 ss:$0x1], $0xffff  }
0x3a7: {  	[tilespmem:s2+$0x70] =	vst.add.f32.msk $0xffff, v8  }
0x3a8: {  	v14 =	vld.idx.msk [tilespmem:v6+s8+$0x3350 ss:$0x1], $0xffff  }
0x3a9: {  	v8 =	vld.idx.msk [tilespmem:v6+s8+$0x3360 ss:$0x1], $0xffff  }
0x3aa: {  	[tilespmem:s2+$0x0] =	vst.add.f32.msk $0xffff, v9  }
.Ltmp30:
0x3ab: {  	[tilespmem:s2+$0x10] =	vst.add.f32.msk $0xffff, v10;
	(pc) =	sbr.rel @p1 .LBB2_50-.Ltmp30, $4  }
0x3ac: {  	[tilespmem:s2+$0x20] =	vst.add.f32.msk $0xffff, v11  }
0x3ad: {  	[tilespmem:s2+$0x30] =	vst.add.f32.msk $0xffff, v12  }
0x3ae: {  	[tilespmem:s2+$0x40] =	vst.add.f32.msk $0xffff, v13  }
0x3af: {  	s10 =	sadd.s32 $0x200, s10;
	[tilespmem:s2+$0x50] =	vst.add.f32.msk $0xffff, v14  }
0x3b0: {  	(v2sf) =	vpush v7, $0x2;
	_ =	sdelay $0xe  }
0x3b1: {  	s6 =	spop (v2sf)  }
0x3b2: {  	s8 =	sor.u32 $0x2, s1;
	s6 =	ssub.s32 s6, s28  }
0x3b3: {  	p1 =	slt.s32 s8, s24;
	s6 =	smin.u32 s6, $0x80  }
0x3b4: {  	s6 =	simm.s32 @!p1 $0x80  }
0x3b5: {  	[tilespmem:s2+$0x60] =	vst.add.f32.msk $0xffff, v8;
	s12 =	sshll.u32 s6, $0x4  }
0x3b6: {  	s17 =	simm.s32 $0x0;
	[tilespmem:s12+$0x18300] =	vst.add.f32.msk $0xffff, v5  }
0x3b7: {  	v8 =	vld.idx.msk [tilespmem:v6+s17+$0x3670 ss:$0x1], $0xffff  }
0x3b8: {  	v9 =	vld.idx.msk [tilespmem:v6+s17+$0x3600 ss:$0x1], $0xffff  }
0x3b9: {  	v10 =	vld.idx.msk [tilespmem:v6+s17+$0x3610 ss:$0x1], $0xffff  }
0x3ba: {  	s18 =	smul.u32 $0xC00, s6;
	v11 =	vld.idx.msk [tilespmem:v6+s17+$0x3620 ss:$0x1], $0xffff  }
0x3bb: {  	v12 =	vld.idx.msk [tilespmem:v6+s17+$0x3630 ss:$0x1], $0xffff  }
0x3bc: {  	s11 =	sshrl.u32 s18, $0x2;
	v13 =	vld.idx.msk [tilespmem:v6+s17+$0x3640 ss:$0x1], $0xffff  }
0x3bd: {  	v14 =	vld.idx.msk [tilespmem:v6+s17+$0x3650 ss:$0x1], $0xffff;
	s2 =	sadd.s32 $0x0, s11  }
0x3be: {  	[tilespmem:s2+$0x70] =	vst.add.f32.msk $0xffff, v8  }
0x3bf: {  	v8 =	vld.idx.msk [tilespmem:v6+s17+$0x3660 ss:$0x1], $0xffff  }
0x3c0: {  	[tilespmem:s2+$0x0] =	vst.add.f32.msk $0xffff, v9  }
0x3c1: {  	[tilespmem:s2+$0x10] =	vst.add.f32.msk $0xffff, v10  }
0x3c2: {  	[tilespmem:s2+$0x20] =	vst.add.f32.msk $0xffff, v11  }
0x3c3: {  	[tilespmem:s2+$0x30] =	vst.add.f32.msk $0xffff, v12  }
0x3c4: {  	[tilespmem:s2+$0x40] =	vst.add.f32.msk $0xffff, v13  }
0x3c5: {  	s10 =	simm.s32 $0x200;
	s6 =	simm.s32 $0x0;
	[tilespmem:s2+$0x50] =	vst.add.f32.msk $0xffff, v14  }
.LBB2_52:
0x3c6: {  	s8 =	sshra.s32 s10, $0x2;
	s6 =	sadd.s32 $0x80, s6;
	[tilespmem:s2+$0x60] =	vst.add.f32.msk $0xffff, v8  }
0x3c7: {  	v8 =	vld.idx.msk [tilespmem:v6+s8+$0x3670 ss:$0x1], $0xffff;
	p1 =	slt.u32 s6, $0x280  }
0x3c8: {  	v9 =	vld.idx.msk [tilespmem:v6+s8+$0x3600 ss:$0x1], $0xffff  }
0x3c9: {  	v10 =	vld.idx.msk [tilespmem:v6+s8+$0x3610 ss:$0x1], $0xffff  }
0x3ca: {  	v11 =	vld.idx.msk [tilespmem:v6+s8+$0x3620 ss:$0x1], $0xffff  }
0x3cb: {  	v12 =	vld.idx.msk [tilespmem:v6+s8+$0x3630 ss:$0x1], $0xffff  }
0x3cc: {  	s2 =	sadd.s32 s8, s11;
	v13 =	vld.idx.msk [tilespmem:v6+s8+$0x3640 ss:$0x1], $0xffff  }
0x3cd: {  	[tilespmem:s2+$0x70] =	vst.add.f32.msk $0xffff, v8  }
0x3ce: {  	v14 =	vld.idx.msk [tilespmem:v6+s8+$0x3650 ss:$0x1], $0xffff  }
0x3cf: {  	v8 =	vld.idx.msk [tilespmem:v6+s8+$0x3660 ss:$0x1], $0xffff  }
0x3d0: {  	[tilespmem:s2+$0x0] =	vst.add.f32.msk $0xffff, v9  }
.Ltmp31:
0x3d1: {  	[tilespmem:s2+$0x10] =	vst.add.f32.msk $0xffff, v10;
	(pc) =	sbr.rel @p1 .LBB2_52-.Ltmp31, $4  }
0x3d2: {  	[tilespmem:s2+$0x20] =	vst.add.f32.msk $0xffff, v11  }
0x3d3: {  	[tilespmem:s2+$0x30] =	vst.add.f32.msk $0xffff, v12  }
0x3d4: {  	[tilespmem:s2+$0x40] =	vst.add.f32.msk $0xffff, v13  }
0x3d5: {  	s10 =	sadd.s32 $0x200, s10;
	[tilespmem:s2+$0x50] =	vst.add.f32.msk $0xffff, v14  }
0x3d6: {  	(v2sf) =	vpush v7, $0x3;
	_ =	sdelay $0xe  }
0x3d7: {  	s6 =	spop (v2sf)  }
0x3d8: {  	s8 =	sor.u32 $0x3, s1;
	s6 =	ssub.s32 s6, s28  }
0x3d9: {  	p1 =	slt.s32 s8, s24;
	s6 =	smin.u32 s6, $0x80  }
0x3da: {  	s6 =	simm.s32 @!p1 $0x80  }
0x3db: {  	[tilespmem:s2+$0x60] =	vst.add.f32.msk $0xffff, v8;
	s12 =	sshll.u32 s6, $0x4  }
0x3dc: {  	s17 =	simm.s32 $0x0;
	[tilespmem:s12+$0x18300] =	vst.add.f32.msk $0xffff, v5  }
0x3dd: {  	v8 =	vld.idx.msk [tilespmem:v6+s17+$0x3970 ss:$0x1], $0xffff  }
0x3de: {  	v9 =	vld.idx.msk [tilespmem:v6+s17+$0x3900 ss:$0x1], $0xffff  }
0x3df: {  	v10 =	vld.idx.msk [tilespmem:v6+s17+$0x3910 ss:$0x1], $0xffff  }
0x3e0: {  	s18 =	smul.u32 $0xC00, s6;
	v11 =	vld.idx.msk [tilespmem:v6+s17+$0x3920 ss:$0x1], $0xffff  }
0x3e1: {  	v12 =	vld.idx.msk [tilespmem:v6+s17+$0x3930 ss:$0x1], $0xffff  }
0x3e2: {  	s11 =	sshrl.u32 s18, $0x2;
	v13 =	vld.idx.msk [tilespmem:v6+s17+$0x3940 ss:$0x1], $0xffff  }
0x3e3: {  	v14 =	vld.idx.msk [tilespmem:v6+s17+$0x3950 ss:$0x1], $0xffff;
	s2 =	sadd.s32 $0x0, s11  }
0x3e4: {  	[tilespmem:s2+$0x70] =	vst.add.f32.msk $0xffff, v8  }
0x3e5: {  	v8 =	vld.idx.msk [tilespmem:v6+s17+$0x3960 ss:$0x1], $0xffff  }
0x3e6: {  	[tilespmem:s2+$0x0] =	vst.add.f32.msk $0xffff, v9  }
0x3e7: {  	[tilespmem:s2+$0x10] =	vst.add.f32.msk $0xffff, v10  }
0x3e8: {  	[tilespmem:s2+$0x20] =	vst.add.f32.msk $0xffff, v11  }
0x3e9: {  	[tilespmem:s2+$0x30] =	vst.add.f32.msk $0xffff, v12  }
0x3ea: {  	[tilespmem:s2+$0x40] =	vst.add.f32.msk $0xffff, v13  }
0x3eb: {  	s10 =	simm.s32 $0x200;
	s6 =	simm.s32 $0x0;
	[tilespmem:s2+$0x50] =	vst.add.f32.msk $0xffff, v14  }
.LBB2_54:
0x3ec: {  	s8 =	sshra.s32 s10, $0x2;
	s6 =	sadd.s32 $0x80, s6;
	[tilespmem:s2+$0x60] =	vst.add.f32.msk $0xffff, v8  }
0x3ed: {  	v8 =	vld.idx.msk [tilespmem:v6+s8+$0x3970 ss:$0x1], $0xffff;
	p1 =	slt.u32 s6, $0x280  }
0x3ee: {  	v9 =	vld.idx.msk [tilespmem:v6+s8+$0x3900 ss:$0x1], $0xffff  }
0x3ef: {  	v10 =	vld.idx.msk [tilespmem:v6+s8+$0x3910 ss:$0x1], $0xffff  }
0x3f0: {  	v11 =	vld.idx.msk [tilespmem:v6+s8+$0x3920 ss:$0x1], $0xffff  }
0x3f1: {  	v12 =	vld.idx.msk [tilespmem:v6+s8+$0x3930 ss:$0x1], $0xffff  }
0x3f2: {  	s2 =	sadd.s32 s8, s11;
	v13 =	vld.idx.msk [tilespmem:v6+s8+$0x3940 ss:$0x1], $0xffff  }
0x3f3: {  	[tilespmem:s2+$0x70] =	vst.add.f32.msk $0xffff, v8  }
0x3f4: {  	v14 =	vld.idx.msk [tilespmem:v6+s8+$0x3950 ss:$0x1], $0xffff  }
0x3f5: {  	v8 =	vld.idx.msk [tilespmem:v6+s8+$0x3960 ss:$0x1], $0xffff  }
0x3f6: {  	[tilespmem:s2+$0x0] =	vst.add.f32.msk $0xffff, v9  }
.Ltmp32:
0x3f7: {  	[tilespmem:s2+$0x10] =	vst.add.f32.msk $0xffff, v10;
	(pc) =	sbr.rel @p1 .LBB2_54-.Ltmp32, $4  }
0x3f8: {  	[tilespmem:s2+$0x20] =	vst.add.f32.msk $0xffff, v11  }
0x3f9: {  	[tilespmem:s2+$0x30] =	vst.add.f32.msk $0xffff, v12  }
0x3fa: {  	[tilespmem:s2+$0x40] =	vst.add.f32.msk $0xffff, v13  }
0x3fb: {  	s10 =	sadd.s32 $0x200, s10;
	[tilespmem:s2+$0x50] =	vst.add.f32.msk $0xffff, v14  }
0x3fc: {  	(v2sf) =	vpush v7, $0x4;
	_ =	sdelay $0xe  }
0x3fd: {  	s6 =	spop (v2sf)  }
0x3fe: {  	s8 =	sor.u32 $0x4, s1;
	s6 =	ssub.s32 s6, s28  }
0x3ff: {  	p1 =	slt.s32 s8, s24;
	s6 =	smin.u32 s6, $0x80  }
0x400: {  	s6 =	simm.s32 @!p1 $0x80  }
0x401: {  	[tilespmem:s2+$0x60] =	vst.add.f32.msk $0xffff, v8;
	s12 =	sshll.u32 s6, $0x4  }
0x402: {  	s17 =	simm.s32 $0x0;
	[tilespmem:s12+$0x18300] =	vst.add.f32.msk $0xffff, v5  }
0x403: {  	v8 =	vld.idx.msk [tilespmem:v6+s17+$0x3C70 ss:$0x1], $0xffff  }
0x404: {  	v9 =	vld.idx.msk [tilespmem:v6+s17+$0x3C00 ss:$0x1], $0xffff  }
0x405: {  	v10 =	vld.idx.msk [tilespmem:v6+s17+$0x3C10 ss:$0x1], $0xffff  }
0x406: {  	s18 =	smul.u32 $0xC00, s6;
	v11 =	vld.idx.msk [tilespmem:v6+s17+$0x3C20 ss:$0x1], $0xffff  }
0x407: {  	v12 =	vld.idx.msk [tilespmem:v6+s17+$0x3C30 ss:$0x1], $0xffff  }
0x408: {  	s11 =	sshrl.u32 s18, $0x2;
	v13 =	vld.idx.msk [tilespmem:v6+s17+$0x3C40 ss:$0x1], $0xffff  }
0x409: {  	v14 =	vld.idx.msk [tilespmem:v6+s17+$0x3C50 ss:$0x1], $0xffff;
	s2 =	sadd.s32 $0x0, s11  }
0x40a: {  	[tilespmem:s2+$0x70] =	vst.add.f32.msk $0xffff, v8  }
0x40b: {  	v8 =	vld.idx.msk [tilespmem:v6+s17+$0x3C60 ss:$0x1], $0xffff  }
0x40c: {  	[tilespmem:s2+$0x0] =	vst.add.f32.msk $0xffff, v9  }
0x40d: {  	[tilespmem:s2+$0x10] =	vst.add.f32.msk $0xffff, v10  }
0x40e: {  	[tilespmem:s2+$0x20] =	vst.add.f32.msk $0xffff, v11  }
0x40f: {  	[tilespmem:s2+$0x30] =	vst.add.f32.msk $0xffff, v12  }
0x410: {  	[tilespmem:s2+$0x40] =	vst.add.f32.msk $0xffff, v13  }
0x411: {  	s10 =	simm.s32 $0x200;
	s6 =	simm.s32 $0x0;
	[tilespmem:s2+$0x50] =	vst.add.f32.msk $0xffff, v14  }
.LBB2_56:
0x412: {  	s8 =	sshra.s32 s10, $0x2;
	s6 =	sadd.s32 $0x80, s6;
	[tilespmem:s2+$0x60] =	vst.add.f32.msk $0xffff, v8  }
0x413: {  	v8 =	vld.idx.msk [tilespmem:v6+s8+$0x3C70 ss:$0x1], $0xffff;
	p1 =	slt.u32 s6, $0x280  }
0x414: {  	v9 =	vld.idx.msk [tilespmem:v6+s8+$0x3C00 ss:$0x1], $0xffff  }
0x415: {  	v10 =	vld.idx.msk [tilespmem:v6+s8+$0x3C10 ss:$0x1], $0xffff  }
0x416: {  	v11 =	vld.idx.msk [tilespmem:v6+s8+$0x3C20 ss:$0x1], $0xffff  }
0x417: {  	v12 =	vld.idx.msk [tilespmem:v6+s8+$0x3C30 ss:$0x1], $0xffff  }
0x418: {  	s2 =	sadd.s32 s8, s11;
	v13 =	vld.idx.msk [tilespmem:v6+s8+$0x3C40 ss:$0x1], $0xffff  }
0x419: {  	[tilespmem:s2+$0x70] =	vst.add.f32.msk $0xffff, v8  }
0x41a: {  	v14 =	vld.idx.msk [tilespmem:v6+s8+$0x3C50 ss:$0x1], $0xffff  }
0x41b: {  	v8 =	vld.idx.msk [tilespmem:v6+s8+$0x3C60 ss:$0x1], $0xffff  }
0x41c: {  	[tilespmem:s2+$0x0] =	vst.add.f32.msk $0xffff, v9  }
.Ltmp33:
0x41d: {  	[tilespmem:s2+$0x10] =	vst.add.f32.msk $0xffff, v10;
	(pc) =	sbr.rel @p1 .LBB2_56-.Ltmp33, $4  }
0x41e: {  	[tilespmem:s2+$0x20] =	vst.add.f32.msk $0xffff, v11  }
0x41f: {  	[tilespmem:s2+$0x30] =	vst.add.f32.msk $0xffff, v12  }
0x420: {  	[tilespmem:s2+$0x40] =	vst.add.f32.msk $0xffff, v13  }
0x421: {  	s10 =	sadd.s32 $0x200, s10;
	[tilespmem:s2+$0x50] =	vst.add.f32.msk $0xffff, v14  }
0x422: {  	(v2sf) =	vpush v7, $0x5;
	_ =	sdelay $0xe  }
0x423: {  	s6 =	spop (v2sf)  }
0x424: {  	s8 =	sor.u32 $0x5, s1;
	s6 =	ssub.s32 s6, s28  }
0x425: {  	p1 =	slt.s32 s8, s24;
	s6 =	smin.u32 s6, $0x80  }
0x426: {  	s6 =	simm.s32 @!p1 $0x80  }
0x427: {  	[tilespmem:s2+$0x60] =	vst.add.f32.msk $0xffff, v8;
	s12 =	sshll.u32 s6, $0x4  }
0x428: {  	s17 =	simm.s32 $0x0;
	[tilespmem:s12+$0x18300] =	vst.add.f32.msk $0xffff, v5  }
0x429: {  	v8 =	vld.idx.msk [tilespmem:v6+s17+$0x3F70 ss:$0x1], $0xffff  }
0x42a: {  	v9 =	vld.idx.msk [tilespmem:v6+s17+$0x3F00 ss:$0x1], $0xffff  }
0x42b: {  	v10 =	vld.idx.msk [tilespmem:v6+s17+$0x3F10 ss:$0x1], $0xffff  }
0x42c: {  	s18 =	smul.u32 $0xC00, s6;
	v11 =	vld.idx.msk [tilespmem:v6+s17+$0x3F20 ss:$0x1], $0xffff  }
0x42d: {  	v12 =	vld.idx.msk [tilespmem:v6+s17+$0x3F30 ss:$0x1], $0xffff  }
0x42e: {  	s11 =	sshrl.u32 s18, $0x2;
	v13 =	vld.idx.msk [tilespmem:v6+s17+$0x3F40 ss:$0x1], $0xffff  }
0x42f: {  	v14 =	vld.idx.msk [tilespmem:v6+s17+$0x3F50 ss:$0x1], $0xffff;
	s2 =	sadd.s32 $0x0, s11  }
0x430: {  	[tilespmem:s2+$0x70] =	vst.add.f32.msk $0xffff, v8  }
0x431: {  	v8 =	vld.idx.msk [tilespmem:v6+s17+$0x3F60 ss:$0x1], $0xffff  }
0x432: {  	[tilespmem:s2+$0x0] =	vst.add.f32.msk $0xffff, v9  }
0x433: {  	[tilespmem:s2+$0x10] =	vst.add.f32.msk $0xffff, v10  }
0x434: {  	[tilespmem:s2+$0x20] =	vst.add.f32.msk $0xffff, v11  }
0x435: {  	[tilespmem:s2+$0x30] =	vst.add.f32.msk $0xffff, v12  }
0x436: {  	[tilespmem:s2+$0x40] =	vst.add.f32.msk $0xffff, v13  }
0x437: {  	s10 =	simm.s32 $0x200;
	s6 =	simm.s32 $0x0;
	[tilespmem:s2+$0x50] =	vst.add.f32.msk $0xffff, v14  }
.LBB2_58:
0x438: {  	s8 =	sshra.s32 s10, $0x2;
	s6 =	sadd.s32 $0x80, s6;
	[tilespmem:s2+$0x60] =	vst.add.f32.msk $0xffff, v8  }
0x439: {  	v8 =	vld.idx.msk [tilespmem:v6+s8+$0x3F70 ss:$0x1], $0xffff;
	p1 =	slt.u32 s6, $0x280  }
0x43a: {  	v9 =	vld.idx.msk [tilespmem:v6+s8+$0x3F00 ss:$0x1], $0xffff  }
0x43b: {  	v10 =	vld.idx.msk [tilespmem:v6+s8+$0x3F10 ss:$0x1], $0xffff  }
0x43c: {  	v11 =	vld.idx.msk [tilespmem:v6+s8+$0x3F20 ss:$0x1], $0xffff  }
0x43d: {  	v12 =	vld.idx.msk [tilespmem:v6+s8+$0x3F30 ss:$0x1], $0xffff  }
0x43e: {  	s2 =	sadd.s32 s8, s11;
	v13 =	vld.idx.msk [tilespmem:v6+s8+$0x3F40 ss:$0x1], $0xffff  }
0x43f: {  	[tilespmem:s2+$0x70] =	vst.add.f32.msk $0xffff, v8  }
0x440: {  	v14 =	vld.idx.msk [tilespmem:v6+s8+$0x3F50 ss:$0x1], $0xffff  }
0x441: {  	v8 =	vld.idx.msk [tilespmem:v6+s8+$0x3F60 ss:$0x1], $0xffff  }
0x442: {  	[tilespmem:s2+$0x0] =	vst.add.f32.msk $0xffff, v9  }
.Ltmp34:
0x443: {  	[tilespmem:s2+$0x10] =	vst.add.f32.msk $0xffff, v10;
	(pc) =	sbr.rel @p1 .LBB2_58-.Ltmp34, $4  }
0x444: {  	[tilespmem:s2+$0x20] =	vst.add.f32.msk $0xffff, v11  }
0x445: {  	[tilespmem:s2+$0x30] =	vst.add.f32.msk $0xffff, v12  }
0x446: {  	[tilespmem:s2+$0x40] =	vst.add.f32.msk $0xffff, v13  }
0x447: {  	s10 =	sadd.s32 $0x200, s10;
	[tilespmem:s2+$0x50] =	vst.add.f32.msk $0xffff, v14  }
0x448: {  	(v2sf) =	vpush v7, $0x6;
	_ =	sdelay $0xe  }
0x449: {  	s6 =	spop (v2sf)  }
0x44a: {  	s8 =	sor.u32 $0x6, s1;
	s6 =	ssub.s32 s6, s28  }
0x44b: {  	p1 =	slt.s32 s8, s24;
	s6 =	smin.u32 s6, $0x80  }
0x44c: {  	s6 =	simm.s32 @!p1 $0x80  }
0x44d: {  	[tilespmem:s2+$0x60] =	vst.add.f32.msk $0xffff, v8;
	s12 =	sshll.u32 s6, $0x4  }
0x44e: {  	s17 =	simm.s32 $0x0;
	[tilespmem:s12+$0x18300] =	vst.add.f32.msk $0xffff, v5  }
0x44f: {  	v8 =	vld.idx.msk [tilespmem:v6+s17+$0x4270 ss:$0x1], $0xffff  }
0x450: {  	v9 =	vld.idx.msk [tilespmem:v6+s17+$0x4200 ss:$0x1], $0xffff  }
0x451: {  	v10 =	vld.idx.msk [tilespmem:v6+s17+$0x4210 ss:$0x1], $0xffff  }
0x452: {  	s18 =	smul.u32 $0xC00, s6;
	v11 =	vld.idx.msk [tilespmem:v6+s17+$0x4220 ss:$0x1], $0xffff  }
0x453: {  	v12 =	vld.idx.msk [tilespmem:v6+s17+$0x4230 ss:$0x1], $0xffff  }
0x454: {  	s11 =	sshrl.u32 s18, $0x2;
	v13 =	vld.idx.msk [tilespmem:v6+s17+$0x4240 ss:$0x1], $0xffff  }
0x455: {  	v14 =	vld.idx.msk [tilespmem:v6+s17+$0x4250 ss:$0x1], $0xffff;
	s2 =	sadd.s32 $0x0, s11  }
0x456: {  	[tilespmem:s2+$0x70] =	vst.add.f32.msk $0xffff, v8  }
0x457: {  	v8 =	vld.idx.msk [tilespmem:v6+s17+$0x4260 ss:$0x1], $0xffff  }
0x458: {  	[tilespmem:s2+$0x0] =	vst.add.f32.msk $0xffff, v9  }
0x459: {  	[tilespmem:s2+$0x10] =	vst.add.f32.msk $0xffff, v10  }
0x45a: {  	[tilespmem:s2+$0x20] =	vst.add.f32.msk $0xffff, v11  }
0x45b: {  	[tilespmem:s2+$0x30] =	vst.add.f32.msk $0xffff, v12  }
0x45c: {  	[tilespmem:s2+$0x40] =	vst.add.f32.msk $0xffff, v13  }
0x45d: {  	s10 =	simm.s32 $0x200;
	s6 =	simm.s32 $0x0;
	[tilespmem:s2+$0x50] =	vst.add.f32.msk $0xffff, v14  }
.LBB2_60:
0x45e: {  	s8 =	sshra.s32 s10, $0x2;
	s6 =	sadd.s32 $0x80, s6;
	[tilespmem:s2+$0x60] =	vst.add.f32.msk $0xffff, v8  }
0x45f: {  	v8 =	vld.idx.msk [tilespmem:v6+s8+$0x4270 ss:$0x1], $0xffff;
	p1 =	slt.u32 s6, $0x280  }
0x460: {  	v9 =	vld.idx.msk [tilespmem:v6+s8+$0x4200 ss:$0x1], $0xffff  }
0x461: {  	v10 =	vld.idx.msk [tilespmem:v6+s8+$0x4210 ss:$0x1], $0xffff  }
0x462: {  	v11 =	vld.idx.msk [tilespmem:v6+s8+$0x4220 ss:$0x1], $0xffff  }
0x463: {  	v12 =	vld.idx.msk [tilespmem:v6+s8+$0x4230 ss:$0x1], $0xffff  }
0x464: {  	s2 =	sadd.s32 s8, s11;
	v13 =	vld.idx.msk [tilespmem:v6+s8+$0x4240 ss:$0x1], $0xffff  }
0x465: {  	[tilespmem:s2+$0x70] =	vst.add.f32.msk $0xffff, v8  }
0x466: {  	v14 =	vld.idx.msk [tilespmem:v6+s8+$0x4250 ss:$0x1], $0xffff  }
0x467: {  	v8 =	vld.idx.msk [tilespmem:v6+s8+$0x4260 ss:$0x1], $0xffff  }
0x468: {  	[tilespmem:s2+$0x0] =	vst.add.f32.msk $0xffff, v9  }
.Ltmp35:
0x469: {  	[tilespmem:s2+$0x10] =	vst.add.f32.msk $0xffff, v10;
	(pc) =	sbr.rel @p1 .LBB2_60-.Ltmp35, $4  }
0x46a: {  	[tilespmem:s2+$0x20] =	vst.add.f32.msk $0xffff, v11  }
0x46b: {  	[tilespmem:s2+$0x30] =	vst.add.f32.msk $0xffff, v12  }
0x46c: {  	[tilespmem:s2+$0x40] =	vst.add.f32.msk $0xffff, v13  }
0x46d: {  	s10 =	sadd.s32 $0x200, s10;
	[tilespmem:s2+$0x50] =	vst.add.f32.msk $0xffff, v14  }
0x46e: {  	(v2sf) =	vpush v7, $0x7;
	_ =	sdelay $0xe  }
0x46f: {  	s6 =	spop (v2sf)  }
0x470: {  	s8 =	sor.u32 $0x7, s1;
	s6 =	ssub.s32 s6, s28  }
0x471: {  	p1 =	slt.s32 s8, s24;
	s6 =	smin.u32 s6, $0x80  }
0x472: {  	s6 =	simm.s32 @!p1 $0x80  }
0x473: {  	[tilespmem:s2+$0x60] =	vst.add.f32.msk $0xffff, v8;
	s12 =	sshll.u32 s6, $0x4  }
0x474: {  	s17 =	simm.s32 $0x0;
	[tilespmem:s12+$0x18300] =	vst.add.f32.msk $0xffff, v5  }
0x475: {  	v8 =	vld.idx.msk [tilespmem:v6+s17+$0x4570 ss:$0x1], $0xffff  }
0x476: {  	v9 =	vld.idx.msk [tilespmem:v6+s17+$0x4500 ss:$0x1], $0xffff  }
0x477: {  	v10 =	vld.idx.msk [tilespmem:v6+s17+$0x4510 ss:$0x1], $0xffff  }
0x478: {  	s18 =	smul.u32 $0xC00, s6;
	v11 =	vld.idx.msk [tilespmem:v6+s17+$0x4520 ss:$0x1], $0xffff  }
0x479: {  	v12 =	vld.idx.msk [tilespmem:v6+s17+$0x4530 ss:$0x1], $0xffff  }
0x47a: {  	s11 =	sshrl.u32 s18, $0x2;
	v13 =	vld.idx.msk [tilespmem:v6+s17+$0x4540 ss:$0x1], $0xffff  }
0x47b: {  	v14 =	vld.idx.msk [tilespmem:v6+s17+$0x4550 ss:$0x1], $0xffff;
	s2 =	sadd.s32 $0x0, s11  }
0x47c: {  	[tilespmem:s2+$0x70] =	vst.add.f32.msk $0xffff, v8  }
0x47d: {  	v8 =	vld.idx.msk [tilespmem:v6+s17+$0x4560 ss:$0x1], $0xffff  }
0x47e: {  	[tilespmem:s2+$0x0] =	vst.add.f32.msk $0xffff, v9  }
0x47f: {  	[tilespmem:s2+$0x10] =	vst.add.f32.msk $0xffff, v10  }
0x480: {  	[tilespmem:s2+$0x20] =	vst.add.f32.msk $0xffff, v11  }
0x481: {  	[tilespmem:s2+$0x30] =	vst.add.f32.msk $0xffff, v12  }
0x482: {  	[tilespmem:s2+$0x40] =	vst.add.f32.msk $0xffff, v13  }
0x483: {  	s10 =	simm.s32 $0x200;
	s6 =	simm.s32 $0x0;
	[tilespmem:s2+$0x50] =	vst.add.f32.msk $0xffff, v14  }
.LBB2_62:
0x484: {  	s8 =	sshra.s32 s10, $0x2;
	s6 =	sadd.s32 $0x80, s6;
	[tilespmem:s2+$0x60] =	vst.add.f32.msk $0xffff, v8  }
0x485: {  	v8 =	vld.idx.msk [tilespmem:v6+s8+$0x4570 ss:$0x1], $0xffff;
	p1 =	slt.u32 s6, $0x280  }
0x486: {  	v9 =	vld.idx.msk [tilespmem:v6+s8+$0x4500 ss:$0x1], $0xffff  }
0x487: {  	v10 =	vld.idx.msk [tilespmem:v6+s8+$0x4510 ss:$0x1], $0xffff  }
0x488: {  	v11 =	vld.idx.msk [tilespmem:v6+s8+$0x4520 ss:$0x1], $0xffff  }
0x489: {  	v12 =	vld.idx.msk [tilespmem:v6+s8+$0x4530 ss:$0x1], $0xffff  }
0x48a: {  	s2 =	sadd.s32 s8, s11;
	v13 =	vld.idx.msk [tilespmem:v6+s8+$0x4540 ss:$0x1], $0xffff  }
0x48b: {  	[tilespmem:s2+$0x70] =	vst.add.f32.msk $0xffff, v8  }
0x48c: {  	v14 =	vld.idx.msk [tilespmem:v6+s8+$0x4550 ss:$0x1], $0xffff  }
0x48d: {  	v8 =	vld.idx.msk [tilespmem:v6+s8+$0x4560 ss:$0x1], $0xffff  }
0x48e: {  	[tilespmem:s2+$0x0] =	vst.add.f32.msk $0xffff, v9  }
.Ltmp36:
0x48f: {  	[tilespmem:s2+$0x10] =	vst.add.f32.msk $0xffff, v10;
	(pc) =	sbr.rel @p1 .LBB2_62-.Ltmp36, $4  }
0x490: {  	[tilespmem:s2+$0x20] =	vst.add.f32.msk $0xffff, v11  }
0x491: {  	[tilespmem:s2+$0x30] =	vst.add.f32.msk $0xffff, v12  }
0x492: {  	[tilespmem:s2+$0x40] =	vst.add.f32.msk $0xffff, v13  }
0x493: {  	s10 =	sadd.s32 $0x200, s10;
	[tilespmem:s2+$0x50] =	vst.add.f32.msk $0xffff, v14  }
0x494: {  	(v2sf) =	vpush v7, $0x8;
	_ =	sdelay $0xe  }
0x495: {  	s6 =	spop (v2sf)  }
0x496: {  	s8 =	sor.u32 $0x8, s1;
	s6 =	ssub.s32 s6, s28  }
0x497: {  	p1 =	slt.s32 s8, s24;
	s6 =	smin.u32 s6, $0x80  }
0x498: {  	s6 =	simm.s32 @!p1 $0x80  }
0x499: {  	[tilespmem:s2+$0x60] =	vst.add.f32.msk $0xffff, v8;
	s12 =	sshll.u32 s6, $0x4  }
0x49a: {  	s17 =	simm.s32 $0x0;
	[tilespmem:s12+$0x18300] =	vst.add.f32.msk $0xffff, v5  }
0x49b: {  	v8 =	vld.idx.msk [tilespmem:v6+s17+$0x4870 ss:$0x1], $0xffff  }
0x49c: {  	v9 =	vld.idx.msk [tilespmem:v6+s17+$0x4800 ss:$0x1], $0xffff  }
0x49d: {  	v10 =	vld.idx.msk [tilespmem:v6+s17+$0x4810 ss:$0x1], $0xffff  }
0x49e: {  	s18 =	smul.u32 $0xC00, s6;
	v11 =	vld.idx.msk [tilespmem:v6+s17+$0x4820 ss:$0x1], $0xffff  }
0x49f: {  	v12 =	vld.idx.msk [tilespmem:v6+s17+$0x4830 ss:$0x1], $0xffff  }
0x4a0: {  	s11 =	sshrl.u32 s18, $0x2;
	v13 =	vld.idx.msk [tilespmem:v6+s17+$0x4840 ss:$0x1], $0xffff  }
0x4a1: {  	v14 =	vld.idx.msk [tilespmem:v6+s17+$0x4850 ss:$0x1], $0xffff;
	s2 =	sadd.s32 $0x0, s11  }
0x4a2: {  	[tilespmem:s2+$0x70] =	vst.add.f32.msk $0xffff, v8  }
0x4a3: {  	v8 =	vld.idx.msk [tilespmem:v6+s17+$0x4860 ss:$0x1], $0xffff  }
0x4a4: {  	[tilespmem:s2+$0x0] =	vst.add.f32.msk $0xffff, v9  }
0x4a5: {  	[tilespmem:s2+$0x10] =	vst.add.f32.msk $0xffff, v10  }
0x4a6: {  	[tilespmem:s2+$0x20] =	vst.add.f32.msk $0xffff, v11  }
0x4a7: {  	[tilespmem:s2+$0x30] =	vst.add.f32.msk $0xffff, v12  }
0x4a8: {  	[tilespmem:s2+$0x40] =	vst.add.f32.msk $0xffff, v13  }
0x4a9: {  	s10 =	simm.s32 $0x200;
	s6 =	simm.s32 $0x0;
	[tilespmem:s2+$0x50] =	vst.add.f32.msk $0xffff, v14  }
.LBB2_64:
0x4aa: {  	s8 =	sshra.s32 s10, $0x2;
	s6 =	sadd.s32 $0x80, s6;
	[tilespmem:s2+$0x60] =	vst.add.f32.msk $0xffff, v8  }
0x4ab: {  	v8 =	vld.idx.msk [tilespmem:v6+s8+$0x4870 ss:$0x1], $0xffff;
	p1 =	slt.u32 s6, $0x280  }
0x4ac: {  	v9 =	vld.idx.msk [tilespmem:v6+s8+$0x4800 ss:$0x1], $0xffff  }
0x4ad: {  	v10 =	vld.idx.msk [tilespmem:v6+s8+$0x4810 ss:$0x1], $0xffff  }
0x4ae: {  	v11 =	vld.idx.msk [tilespmem:v6+s8+$0x4820 ss:$0x1], $0xffff  }
0x4af: {  	v12 =	vld.idx.msk [tilespmem:v6+s8+$0x4830 ss:$0x1], $0xffff  }
0x4b0: {  	s2 =	sadd.s32 s8, s11;
	v13 =	vld.idx.msk [tilespmem:v6+s8+$0x4840 ss:$0x1], $0xffff  }
0x4b1: {  	[tilespmem:s2+$0x70] =	vst.add.f32.msk $0xffff, v8  }
0x4b2: {  	v14 =	vld.idx.msk [tilespmem:v6+s8+$0x4850 ss:$0x1], $0xffff  }
0x4b3: {  	v8 =	vld.idx.msk [tilespmem:v6+s8+$0x4860 ss:$0x1], $0xffff  }
0x4b4: {  	[tilespmem:s2+$0x0] =	vst.add.f32.msk $0xffff, v9  }
.Ltmp37:
0x4b5: {  	[tilespmem:s2+$0x10] =	vst.add.f32.msk $0xffff, v10;
	(pc) =	sbr.rel @p1 .LBB2_64-.Ltmp37, $4  }
0x4b6: {  	[tilespmem:s2+$0x20] =	vst.add.f32.msk $0xffff, v11  }
0x4b7: {  	[tilespmem:s2+$0x30] =	vst.add.f32.msk $0xffff, v12  }
0x4b8: {  	[tilespmem:s2+$0x40] =	vst.add.f32.msk $0xffff, v13  }
0x4b9: {  	s10 =	sadd.s32 $0x200, s10;
	[tilespmem:s2+$0x50] =	vst.add.f32.msk $0xffff, v14  }
0x4ba: {  	(v2sf) =	vpush v7, $0x9;
	_ =	sdelay $0xe  }
0x4bb: {  	s6 =	spop (v2sf)  }
0x4bc: {  	s8 =	sor.u32 $0x9, s1;
	s6 =	ssub.s32 s6, s28  }
0x4bd: {  	p1 =	slt.s32 s8, s24;
	s6 =	smin.u32 s6, $0x80  }
0x4be: {  	s6 =	simm.s32 @!p1 $0x80  }
0x4bf: {  	[tilespmem:s2+$0x60] =	vst.add.f32.msk $0xffff, v8;
	s12 =	sshll.u32 s6, $0x4  }
0x4c0: {  	s17 =	simm.s32 $0x0;
	[tilespmem:s12+$0x18300] =	vst.add.f32.msk $0xffff, v5  }
0x4c1: {  	v8 =	vld.idx.msk [tilespmem:v6+s17+$0x4B70 ss:$0x1], $0xffff  }
0x4c2: {  	v9 =	vld.idx.msk [tilespmem:v6+s17+$0x4B00 ss:$0x1], $0xffff  }
0x4c3: {  	v10 =	vld.idx.msk [tilespmem:v6+s17+$0x4B10 ss:$0x1], $0xffff  }
0x4c4: {  	s18 =	smul.u32 $0xC00, s6;
	v11 =	vld.idx.msk [tilespmem:v6+s17+$0x4B20 ss:$0x1], $0xffff  }
0x4c5: {  	v12 =	vld.idx.msk [tilespmem:v6+s17+$0x4B30 ss:$0x1], $0xffff  }
0x4c6: {  	s11 =	sshrl.u32 s18, $0x2;
	v13 =	vld.idx.msk [tilespmem:v6+s17+$0x4B40 ss:$0x1], $0xffff  }
0x4c7: {  	v14 =	vld.idx.msk [tilespmem:v6+s17+$0x4B50 ss:$0x1], $0xffff;
	s2 =	sadd.s32 $0x0, s11  }
0x4c8: {  	[tilespmem:s2+$0x70] =	vst.add.f32.msk $0xffff, v8  }
0x4c9: {  	v8 =	vld.idx.msk [tilespmem:v6+s17+$0x4B60 ss:$0x1], $0xffff  }
0x4ca: {  	[tilespmem:s2+$0x0] =	vst.add.f32.msk $0xffff, v9  }
0x4cb: {  	[tilespmem:s2+$0x10] =	vst.add.f32.msk $0xffff, v10  }
0x4cc: {  	[tilespmem:s2+$0x20] =	vst.add.f32.msk $0xffff, v11  }
0x4cd: {  	[tilespmem:s2+$0x30] =	vst.add.f32.msk $0xffff, v12  }
0x4ce: {  	[tilespmem:s2+$0x40] =	vst.add.f32.msk $0xffff, v13  }
0x4cf: {  	s10 =	simm.s32 $0x200;
	s6 =	simm.s32 $0x0;
	[tilespmem:s2+$0x50] =	vst.add.f32.msk $0xffff, v14  }
.LBB2_66:
0x4d0: {  	s8 =	sshra.s32 s10, $0x2;
	s6 =	sadd.s32 $0x80, s6;
	[tilespmem:s2+$0x60] =	vst.add.f32.msk $0xffff, v8  }
0x4d1: {  	v8 =	vld.idx.msk [tilespmem:v6+s8+$0x4B70 ss:$0x1], $0xffff;
	p1 =	slt.u32 s6, $0x280  }
0x4d2: {  	v9 =	vld.idx.msk [tilespmem:v6+s8+$0x4B00 ss:$0x1], $0xffff  }
0x4d3: {  	v10 =	vld.idx.msk [tilespmem:v6+s8+$0x4B10 ss:$0x1], $0xffff  }
0x4d4: {  	v11 =	vld.idx.msk [tilespmem:v6+s8+$0x4B20 ss:$0x1], $0xffff  }
0x4d5: {  	v12 =	vld.idx.msk [tilespmem:v6+s8+$0x4B30 ss:$0x1], $0xffff  }
0x4d6: {  	s2 =	sadd.s32 s8, s11;
	v13 =	vld.idx.msk [tilespmem:v6+s8+$0x4B40 ss:$0x1], $0xffff  }
0x4d7: {  	[tilespmem:s2+$0x70] =	vst.add.f32.msk $0xffff, v8  }
0x4d8: {  	v14 =	vld.idx.msk [tilespmem:v6+s8+$0x4B50 ss:$0x1], $0xffff  }
0x4d9: {  	v8 =	vld.idx.msk [tilespmem:v6+s8+$0x4B60 ss:$0x1], $0xffff  }
0x4da: {  	[tilespmem:s2+$0x0] =	vst.add.f32.msk $0xffff, v9  }
.Ltmp38:
0x4db: {  	[tilespmem:s2+$0x10] =	vst.add.f32.msk $0xffff, v10;
	(pc) =	sbr.rel @p1 .LBB2_66-.Ltmp38, $4  }
0x4dc: {  	[tilespmem:s2+$0x20] =	vst.add.f32.msk $0xffff, v11  }
0x4dd: {  	[tilespmem:s2+$0x30] =	vst.add.f32.msk $0xffff, v12  }
0x4de: {  	[tilespmem:s2+$0x40] =	vst.add.f32.msk $0xffff, v13  }
0x4df: {  	s10 =	sadd.s32 $0x200, s10;
	[tilespmem:s2+$0x50] =	vst.add.f32.msk $0xffff, v14  }
0x4e0: {  	(v2sf) =	vpush v7, $0xA;
	_ =	sdelay $0xe  }
0x4e1: {  	s6 =	spop (v2sf)  }
0x4e2: {  	s8 =	sor.u32 $0xA, s1;
	s6 =	ssub.s32 s6, s28  }
0x4e3: {  	p1 =	slt.s32 s8, s24;
	s6 =	smin.u32 s6, $0x80  }
0x4e4: {  	s6 =	simm.s32 @!p1 $0x80  }
0x4e5: {  	[tilespmem:s2+$0x60] =	vst.add.f32.msk $0xffff, v8;
	s12 =	sshll.u32 s6, $0x4  }
0x4e6: {  	s17 =	simm.s32 $0x0;
	[tilespmem:s12+$0x18300] =	vst.add.f32.msk $0xffff, v5  }
0x4e7: {  	v8 =	vld.idx.msk [tilespmem:v6+s17+$0x4E70 ss:$0x1], $0xffff  }
0x4e8: {  	v9 =	vld.idx.msk [tilespmem:v6+s17+$0x4E00 ss:$0x1], $0xffff  }
0x4e9: {  	v10 =	vld.idx.msk [tilespmem:v6+s17+$0x4E10 ss:$0x1], $0xffff  }
0x4ea: {  	s18 =	smul.u32 $0xC00, s6;
	v11 =	vld.idx.msk [tilespmem:v6+s17+$0x4E20 ss:$0x1], $0xffff  }
0x4eb: {  	v12 =	vld.idx.msk [tilespmem:v6+s17+$0x4E30 ss:$0x1], $0xffff  }
0x4ec: {  	s11 =	sshrl.u32 s18, $0x2;
	v13 =	vld.idx.msk [tilespmem:v6+s17+$0x4E40 ss:$0x1], $0xffff  }
0x4ed: {  	v14 =	vld.idx.msk [tilespmem:v6+s17+$0x4E50 ss:$0x1], $0xffff;
	s2 =	sadd.s32 $0x0, s11  }
0x4ee: {  	[tilespmem:s2+$0x70] =	vst.add.f32.msk $0xffff, v8  }
0x4ef: {  	v8 =	vld.idx.msk [tilespmem:v6+s17+$0x4E60 ss:$0x1], $0xffff  }
0x4f0: {  	[tilespmem:s2+$0x0] =	vst.add.f32.msk $0xffff, v9  }
0x4f1: {  	[tilespmem:s2+$0x10] =	vst.add.f32.msk $0xffff, v10  }
0x4f2: {  	[tilespmem:s2+$0x20] =	vst.add.f32.msk $0xffff, v11  }
0x4f3: {  	[tilespmem:s2+$0x30] =	vst.add.f32.msk $0xffff, v12  }
0x4f4: {  	[tilespmem:s2+$0x40] =	vst.add.f32.msk $0xffff, v13  }
0x4f5: {  	s10 =	simm.s32 $0x200;
	s6 =	simm.s32 $0x0;
	[tilespmem:s2+$0x50] =	vst.add.f32.msk $0xffff, v14  }
.LBB2_68:
0x4f6: {  	s8 =	sshra.s32 s10, $0x2;
	s6 =	sadd.s32 $0x80, s6;
	[tilespmem:s2+$0x60] =	vst.add.f32.msk $0xffff, v8  }
0x4f7: {  	v8 =	vld.idx.msk [tilespmem:v6+s8+$0x4E70 ss:$0x1], $0xffff;
	p1 =	slt.u32 s6, $0x280  }
0x4f8: {  	v9 =	vld.idx.msk [tilespmem:v6+s8+$0x4E00 ss:$0x1], $0xffff  }
0x4f9: {  	v10 =	vld.idx.msk [tilespmem:v6+s8+$0x4E10 ss:$0x1], $0xffff  }
0x4fa: {  	v11 =	vld.idx.msk [tilespmem:v6+s8+$0x4E20 ss:$0x1], $0xffff  }
0x4fb: {  	v12 =	vld.idx.msk [tilespmem:v6+s8+$0x4E30 ss:$0x1], $0xffff  }
0x4fc: {  	s2 =	sadd.s32 s8, s11;
	v13 =	vld.idx.msk [tilespmem:v6+s8+$0x4E40 ss:$0x1], $0xffff  }
0x4fd: {  	[tilespmem:s2+$0x70] =	vst.add.f32.msk $0xffff, v8  }
0x4fe: {  	v14 =	vld.idx.msk [tilespmem:v6+s8+$0x4E50 ss:$0x1], $0xffff  }
0x4ff: {  	v8 =	vld.idx.msk [tilespmem:v6+s8+$0x4E60 ss:$0x1], $0xffff  }
0x500: {  	[tilespmem:s2+$0x0] =	vst.add.f32.msk $0xffff, v9  }
.Ltmp39:
0x501: {  	[tilespmem:s2+$0x10] =	vst.add.f32.msk $0xffff, v10;
	(pc) =	sbr.rel @p1 .LBB2_68-.Ltmp39, $4  }
0x502: {  	[tilespmem:s2+$0x20] =	vst.add.f32.msk $0xffff, v11  }
0x503: {  	[tilespmem:s2+$0x30] =	vst.add.f32.msk $0xffff, v12  }
0x504: {  	[tilespmem:s2+$0x40] =	vst.add.f32.msk $0xffff, v13  }
0x505: {  	s10 =	sadd.s32 $0x200, s10;
	[tilespmem:s2+$0x50] =	vst.add.f32.msk $0xffff, v14  }
0x506: {  	(v2sf) =	vpush v7, $0xB;
	_ =	sdelay $0xe  }
0x507: {  	s6 =	spop (v2sf)  }
0x508: {  	s8 =	sor.u32 $0xB, s1;
	s6 =	ssub.s32 s6, s28  }
0x509: {  	p1 =	slt.s32 s8, s24;
	s6 =	smin.u32 s6, $0x80  }
0x50a: {  	s6 =	simm.s32 @!p1 $0x80  }
0x50b: {  	[tilespmem:s2+$0x60] =	vst.add.f32.msk $0xffff, v8;
	s12 =	sshll.u32 s6, $0x4  }
0x50c: {  	s17 =	simm.s32 $0x0;
	[tilespmem:s12+$0x18300] =	vst.add.f32.msk $0xffff, v5  }
0x50d: {  	v8 =	vld.idx.msk [tilespmem:v6+s17+$0x5170 ss:$0x1], $0xffff  }
0x50e: {  	v9 =	vld.idx.msk [tilespmem:v6+s17+$0x5100 ss:$0x1], $0xffff  }
0x50f: {  	v10 =	vld.idx.msk [tilespmem:v6+s17+$0x5110 ss:$0x1], $0xffff  }
0x510: {  	s18 =	smul.u32 $0xC00, s6;
	v11 =	vld.idx.msk [tilespmem:v6+s17+$0x5120 ss:$0x1], $0xffff  }
0x511: {  	v12 =	vld.idx.msk [tilespmem:v6+s17+$0x5130 ss:$0x1], $0xffff  }
0x512: {  	s11 =	sshrl.u32 s18, $0x2;
	v13 =	vld.idx.msk [tilespmem:v6+s17+$0x5140 ss:$0x1], $0xffff  }
0x513: {  	v14 =	vld.idx.msk [tilespmem:v6+s17+$0x5150 ss:$0x1], $0xffff;
	s2 =	sadd.s32 $0x0, s11  }
0x514: {  	[tilespmem:s2+$0x70] =	vst.add.f32.msk $0xffff, v8  }
0x515: {  	v8 =	vld.idx.msk [tilespmem:v6+s17+$0x5160 ss:$0x1], $0xffff  }
0x516: {  	[tilespmem:s2+$0x0] =	vst.add.f32.msk $0xffff, v9  }
0x517: {  	[tilespmem:s2+$0x10] =	vst.add.f32.msk $0xffff, v10  }
0x518: {  	[tilespmem:s2+$0x20] =	vst.add.f32.msk $0xffff, v11  }
0x519: {  	[tilespmem:s2+$0x30] =	vst.add.f32.msk $0xffff, v12  }
0x51a: {  	[tilespmem:s2+$0x40] =	vst.add.f32.msk $0xffff, v13  }
0x51b: {  	s10 =	simm.s32 $0x200;
	s6 =	simm.s32 $0x0;
	[tilespmem:s2+$0x50] =	vst.add.f32.msk $0xffff, v14  }
.LBB2_70:
0x51c: {  	s8 =	sshra.s32 s10, $0x2;
	s6 =	sadd.s32 $0x80, s6;
	[tilespmem:s2+$0x60] =	vst.add.f32.msk $0xffff, v8  }
0x51d: {  	v8 =	vld.idx.msk [tilespmem:v6+s8+$0x5170 ss:$0x1], $0xffff;
	p1 =	slt.u32 s6, $0x280  }
0x51e: {  	v9 =	vld.idx.msk [tilespmem:v6+s8+$0x5100 ss:$0x1], $0xffff  }
0x51f: {  	v10 =	vld.idx.msk [tilespmem:v6+s8+$0x5110 ss:$0x1], $0xffff  }
0x520: {  	v11 =	vld.idx.msk [tilespmem:v6+s8+$0x5120 ss:$0x1], $0xffff  }
0x521: {  	v12 =	vld.idx.msk [tilespmem:v6+s8+$0x5130 ss:$0x1], $0xffff  }
0x522: {  	s2 =	sadd.s32 s8, s11;
	v13 =	vld.idx.msk [tilespmem:v6+s8+$0x5140 ss:$0x1], $0xffff  }
0x523: {  	[tilespmem:s2+$0x70] =	vst.add.f32.msk $0xffff, v8  }
0x524: {  	v14 =	vld.idx.msk [tilespmem:v6+s8+$0x5150 ss:$0x1], $0xffff  }
0x525: {  	v8 =	vld.idx.msk [tilespmem:v6+s8+$0x5160 ss:$0x1], $0xffff  }
0x526: {  	[tilespmem:s2+$0x0] =	vst.add.f32.msk $0xffff, v9  }
.Ltmp40:
0x527: {  	[tilespmem:s2+$0x10] =	vst.add.f32.msk $0xffff, v10;
	(pc) =	sbr.rel @p1 .LBB2_70-.Ltmp40, $4  }
0x528: {  	[tilespmem:s2+$0x20] =	vst.add.f32.msk $0xffff, v11  }
0x529: {  	[tilespmem:s2+$0x30] =	vst.add.f32.msk $0xffff, v12  }
0x52a: {  	[tilespmem:s2+$0x40] =	vst.add.f32.msk $0xffff, v13  }
0x52b: {  	s10 =	sadd.s32 $0x200, s10;
	[tilespmem:s2+$0x50] =	vst.add.f32.msk $0xffff, v14  }
0x52c: {  	(v2sf) =	vpush v7, $0xC;
	_ =	sdelay $0xe  }
0x52d: {  	s6 =	spop (v2sf)  }
0x52e: {  	s8 =	sor.u32 $0xC, s1;
	s6 =	ssub.s32 s6, s28  }
0x52f: {  	p1 =	slt.s32 s8, s24;
	s6 =	smin.u32 s6, $0x80  }
0x530: {  	s6 =	simm.s32 @!p1 $0x80  }
0x531: {  	[tilespmem:s2+$0x60] =	vst.add.f32.msk $0xffff, v8;
	s12 =	sshll.u32 s6, $0x4  }
0x532: {  	s17 =	simm.s32 $0x0;
	[tilespmem:s12+$0x18300] =	vst.add.f32.msk $0xffff, v5  }
0x533: {  	v8 =	vld.idx.msk [tilespmem:v6+s17+$0x5470 ss:$0x1], $0xffff  }
0x534: {  	v9 =	vld.idx.msk [tilespmem:v6+s17+$0x5400 ss:$0x1], $0xffff  }
0x535: {  	v10 =	vld.idx.msk [tilespmem:v6+s17+$0x5410 ss:$0x1], $0xffff  }
0x536: {  	s18 =	smul.u32 $0xC00, s6;
	v11 =	vld.idx.msk [tilespmem:v6+s17+$0x5420 ss:$0x1], $0xffff  }
0x537: {  	v12 =	vld.idx.msk [tilespmem:v6+s17+$0x5430 ss:$0x1], $0xffff  }
0x538: {  	s11 =	sshrl.u32 s18, $0x2;
	v13 =	vld.idx.msk [tilespmem:v6+s17+$0x5440 ss:$0x1], $0xffff  }
0x539: {  	v14 =	vld.idx.msk [tilespmem:v6+s17+$0x5450 ss:$0x1], $0xffff;
	s2 =	sadd.s32 $0x0, s11  }
0x53a: {  	[tilespmem:s2+$0x70] =	vst.add.f32.msk $0xffff, v8  }
0x53b: {  	v8 =	vld.idx.msk [tilespmem:v6+s17+$0x5460 ss:$0x1], $0xffff  }
0x53c: {  	[tilespmem:s2+$0x0] =	vst.add.f32.msk $0xffff, v9  }
0x53d: {  	[tilespmem:s2+$0x10] =	vst.add.f32.msk $0xffff, v10  }
0x53e: {  	[tilespmem:s2+$0x20] =	vst.add.f32.msk $0xffff, v11  }
0x53f: {  	[tilespmem:s2+$0x30] =	vst.add.f32.msk $0xffff, v12  }
0x540: {  	[tilespmem:s2+$0x40] =	vst.add.f32.msk $0xffff, v13  }
0x541: {  	s10 =	simm.s32 $0x200;
	s6 =	simm.s32 $0x0;
	[tilespmem:s2+$0x50] =	vst.add.f32.msk $0xffff, v14  }
.LBB2_72:
0x542: {  	s8 =	sshra.s32 s10, $0x2;
	s6 =	sadd.s32 $0x80, s6;
	[tilespmem:s2+$0x60] =	vst.add.f32.msk $0xffff, v8  }
0x543: {  	v8 =	vld.idx.msk [tilespmem:v6+s8+$0x5470 ss:$0x1], $0xffff;
	p1 =	slt.u32 s6, $0x280  }
0x544: {  	v9 =	vld.idx.msk [tilespmem:v6+s8+$0x5400 ss:$0x1], $0xffff  }
0x545: {  	v10 =	vld.idx.msk [tilespmem:v6+s8+$0x5410 ss:$0x1], $0xffff  }
0x546: {  	v11 =	vld.idx.msk [tilespmem:v6+s8+$0x5420 ss:$0x1], $0xffff  }
0x547: {  	v12 =	vld.idx.msk [tilespmem:v6+s8+$0x5430 ss:$0x1], $0xffff  }
0x548: {  	s2 =	sadd.s32 s8, s11;
	v13 =	vld.idx.msk [tilespmem:v6+s8+$0x5440 ss:$0x1], $0xffff  }
0x549: {  	[tilespmem:s2+$0x70] =	vst.add.f32.msk $0xffff, v8  }
0x54a: {  	v14 =	vld.idx.msk [tilespmem:v6+s8+$0x5450 ss:$0x1], $0xffff  }
0x54b: {  	v8 =	vld.idx.msk [tilespmem:v6+s8+$0x5460 ss:$0x1], $0xffff  }
0x54c: {  	[tilespmem:s2+$0x0] =	vst.add.f32.msk $0xffff, v9  }
.Ltmp41:
0x54d: {  	[tilespmem:s2+$0x10] =	vst.add.f32.msk $0xffff, v10;
	(pc) =	sbr.rel @p1 .LBB2_72-.Ltmp41, $4  }
0x54e: {  	[tilespmem:s2+$0x20] =	vst.add.f32.msk $0xffff, v11  }
0x54f: {  	[tilespmem:s2+$0x30] =	vst.add.f32.msk $0xffff, v12  }
0x550: {  	[tilespmem:s2+$0x40] =	vst.add.f32.msk $0xffff, v13  }
0x551: {  	s10 =	sadd.s32 $0x200, s10;
	[tilespmem:s2+$0x50] =	vst.add.f32.msk $0xffff, v14  }
0x552: {  	(v2sf) =	vpush v7, $0xD;
	_ =	sdelay $0xe  }
0x553: {  	s6 =	spop (v2sf)  }
0x554: {  	s8 =	sor.u32 $0xD, s1;
	s6 =	ssub.s32 s6, s28  }
0x555: {  	p1 =	slt.s32 s8, s24;
	s6 =	smin.u32 s6, $0x80  }
0x556: {  	s6 =	simm.s32 @!p1 $0x80  }
0x557: {  	[tilespmem:s2+$0x60] =	vst.add.f32.msk $0xffff, v8;
	s12 =	sshll.u32 s6, $0x4  }
0x558: {  	s17 =	simm.s32 $0x0;
	[tilespmem:s12+$0x18300] =	vst.add.f32.msk $0xffff, v5  }
0x559: {  	v8 =	vld.idx.msk [tilespmem:v6+s17+$0x5770 ss:$0x1], $0xffff  }
0x55a: {  	v9 =	vld.idx.msk [tilespmem:v6+s17+$0x5700 ss:$0x1], $0xffff  }
0x55b: {  	v10 =	vld.idx.msk [tilespmem:v6+s17+$0x5710 ss:$0x1], $0xffff  }
0x55c: {  	s18 =	smul.u32 $0xC00, s6;
	v11 =	vld.idx.msk [tilespmem:v6+s17+$0x5720 ss:$0x1], $0xffff  }
0x55d: {  	v12 =	vld.idx.msk [tilespmem:v6+s17+$0x5730 ss:$0x1], $0xffff  }
0x55e: {  	s11 =	sshrl.u32 s18, $0x2;
	v13 =	vld.idx.msk [tilespmem:v6+s17+$0x5740 ss:$0x1], $0xffff  }
0x55f: {  	v14 =	vld.idx.msk [tilespmem:v6+s17+$0x5750 ss:$0x1], $0xffff;
	s2 =	sadd.s32 $0x0, s11  }
0x560: {  	[tilespmem:s2+$0x70] =	vst.add.f32.msk $0xffff, v8  }
0x561: {  	v8 =	vld.idx.msk [tilespmem:v6+s17+$0x5760 ss:$0x1], $0xffff  }
0x562: {  	[tilespmem:s2+$0x0] =	vst.add.f32.msk $0xffff, v9  }
0x563: {  	[tilespmem:s2+$0x10] =	vst.add.f32.msk $0xffff, v10  }
0x564: {  	[tilespmem:s2+$0x20] =	vst.add.f32.msk $0xffff, v11  }
0x565: {  	[tilespmem:s2+$0x30] =	vst.add.f32.msk $0xffff, v12  }
0x566: {  	[tilespmem:s2+$0x40] =	vst.add.f32.msk $0xffff, v13  }
0x567: {  	s10 =	simm.s32 $0x200;
	s6 =	simm.s32 $0x0;
	[tilespmem:s2+$0x50] =	vst.add.f32.msk $0xffff, v14  }
.LBB2_74:
0x568: {  	s8 =	sshra.s32 s10, $0x2;
	s6 =	sadd.s32 $0x80, s6;
	[tilespmem:s2+$0x60] =	vst.add.f32.msk $0xffff, v8  }
0x569: {  	v8 =	vld.idx.msk [tilespmem:v6+s8+$0x5770 ss:$0x1], $0xffff;
	p1 =	slt.u32 s6, $0x280  }
0x56a: {  	v9 =	vld.idx.msk [tilespmem:v6+s8+$0x5700 ss:$0x1], $0xffff  }
0x56b: {  	v10 =	vld.idx.msk [tilespmem:v6+s8+$0x5710 ss:$0x1], $0xffff  }
0x56c: {  	v11 =	vld.idx.msk [tilespmem:v6+s8+$0x5720 ss:$0x1], $0xffff  }
0x56d: {  	v12 =	vld.idx.msk [tilespmem:v6+s8+$0x5730 ss:$0x1], $0xffff  }
0x56e: {  	s2 =	sadd.s32 s8, s11;
	v13 =	vld.idx.msk [tilespmem:v6+s8+$0x5740 ss:$0x1], $0xffff  }
0x56f: {  	[tilespmem:s2+$0x70] =	vst.add.f32.msk $0xffff, v8  }
0x570: {  	v14 =	vld.idx.msk [tilespmem:v6+s8+$0x5750 ss:$0x1], $0xffff  }
0x571: {  	v8 =	vld.idx.msk [tilespmem:v6+s8+$0x5760 ss:$0x1], $0xffff  }
0x572: {  	[tilespmem:s2+$0x0] =	vst.add.f32.msk $0xffff, v9  }
.Ltmp42:
0x573: {  	[tilespmem:s2+$0x10] =	vst.add.f32.msk $0xffff, v10;
	(pc) =	sbr.rel @p1 .LBB2_74-.Ltmp42, $4  }
0x574: {  	[tilespmem:s2+$0x20] =	vst.add.f32.msk $0xffff, v11  }
0x575: {  	[tilespmem:s2+$0x30] =	vst.add.f32.msk $0xffff, v12  }
0x576: {  	[tilespmem:s2+$0x40] =	vst.add.f32.msk $0xffff, v13  }
0x577: {  	s10 =	sadd.s32 $0x200, s10;
	[tilespmem:s2+$0x50] =	vst.add.f32.msk $0xffff, v14  }
0x578: {  	(v2sf) =	vpush v7, $0xE;
	_ =	sdelay $0xe  }
0x579: {  	s6 =	spop (v2sf)  }
0x57a: {  	s8 =	sor.u32 $0xE, s1;
	s6 =	ssub.s32 s6, s28  }
0x57b: {  	p1 =	slt.s32 s8, s24;
	s6 =	smin.u32 s6, $0x80  }
0x57c: {  	s6 =	simm.s32 @!p1 $0x80  }
0x57d: {  	[tilespmem:s2+$0x60] =	vst.add.f32.msk $0xffff, v8;
	s12 =	sshll.u32 s6, $0x4  }
0x57e: {  	s17 =	simm.s32 $0x0;
	[tilespmem:s12+$0x18300] =	vst.add.f32.msk $0xffff, v5  }
0x57f: {  	v8 =	vld.idx.msk [tilespmem:v6+s17+$0x5A70 ss:$0x1], $0xffff  }
0x580: {  	v9 =	vld.idx.msk [tilespmem:v6+s17+$0x5A00 ss:$0x1], $0xffff  }
0x581: {  	v10 =	vld.idx.msk [tilespmem:v6+s17+$0x5A10 ss:$0x1], $0xffff  }
0x582: {  	s18 =	smul.u32 $0xC00, s6;
	v11 =	vld.idx.msk [tilespmem:v6+s17+$0x5A20 ss:$0x1], $0xffff  }
0x583: {  	v12 =	vld.idx.msk [tilespmem:v6+s17+$0x5A30 ss:$0x1], $0xffff  }
0x584: {  	s11 =	sshrl.u32 s18, $0x2;
	v13 =	vld.idx.msk [tilespmem:v6+s17+$0x5A40 ss:$0x1], $0xffff  }
0x585: {  	v14 =	vld.idx.msk [tilespmem:v6+s17+$0x5A50 ss:$0x1], $0xffff;
	s2 =	sadd.s32 $0x0, s11  }
0x586: {  	[tilespmem:s2+$0x70] =	vst.add.f32.msk $0xffff, v8  }
0x587: {  	v8 =	vld.idx.msk [tilespmem:v6+s17+$0x5A60 ss:$0x1], $0xffff  }
0x588: {  	[tilespmem:s2+$0x0] =	vst.add.f32.msk $0xffff, v9  }
0x589: {  	[tilespmem:s2+$0x10] =	vst.add.f32.msk $0xffff, v10  }
0x58a: {  	[tilespmem:s2+$0x20] =	vst.add.f32.msk $0xffff, v11  }
0x58b: {  	[tilespmem:s2+$0x30] =	vst.add.f32.msk $0xffff, v12  }
0x58c: {  	[tilespmem:s2+$0x40] =	vst.add.f32.msk $0xffff, v13  }
0x58d: {  	s10 =	simm.s32 $0x200;
	s6 =	simm.s32 $0x0;
	[tilespmem:s2+$0x50] =	vst.add.f32.msk $0xffff, v14  }
.LBB2_76:
0x58e: {  	s8 =	sshra.s32 s10, $0x2;
	s6 =	sadd.s32 $0x80, s6;
	[tilespmem:s2+$0x60] =	vst.add.f32.msk $0xffff, v8  }
0x58f: {  	v8 =	vld.idx.msk [tilespmem:v6+s8+$0x5A70 ss:$0x1], $0xffff;
	p1 =	slt.u32 s6, $0x280  }
0x590: {  	v9 =	vld.idx.msk [tilespmem:v6+s8+$0x5A00 ss:$0x1], $0xffff  }
0x591: {  	v10 =	vld.idx.msk [tilespmem:v6+s8+$0x5A10 ss:$0x1], $0xffff  }
0x592: {  	v11 =	vld.idx.msk [tilespmem:v6+s8+$0x5A20 ss:$0x1], $0xffff  }
0x593: {  	v12 =	vld.idx.msk [tilespmem:v6+s8+$0x5A30 ss:$0x1], $0xffff  }
0x594: {  	s2 =	sadd.s32 s8, s11;
	v13 =	vld.idx.msk [tilespmem:v6+s8+$0x5A40 ss:$0x1], $0xffff  }
0x595: {  	[tilespmem:s2+$0x70] =	vst.add.f32.msk $0xffff, v8  }
0x596: {  	v14 =	vld.idx.msk [tilespmem:v6+s8+$0x5A50 ss:$0x1], $0xffff  }
0x597: {  	v8 =	vld.idx.msk [tilespmem:v6+s8+$0x5A60 ss:$0x1], $0xffff  }
0x598: {  	[tilespmem:s2+$0x0] =	vst.add.f32.msk $0xffff, v9  }
.Ltmp43:
0x599: {  	[tilespmem:s2+$0x10] =	vst.add.f32.msk $0xffff, v10;
	(pc) =	sbr.rel @p1 .LBB2_76-.Ltmp43, $4  }
0x59a: {  	[tilespmem:s2+$0x20] =	vst.add.f32.msk $0xffff, v11  }
0x59b: {  	[tilespmem:s2+$0x30] =	vst.add.f32.msk $0xffff, v12  }
0x59c: {  	[tilespmem:s2+$0x40] =	vst.add.f32.msk $0xffff, v13  }
0x59d: {  	s10 =	sadd.s32 $0x200, s10;
	[tilespmem:s2+$0x50] =	vst.add.f32.msk $0xffff, v14  }
0x59e: {  	(v2sf) =	vpush v7, $0xF;
	_ =	sdelay $0xe  }
0x59f: {  	s6 =	spop (v2sf)  }
0x5a0: {  	s1 =	sor.u32 $0xF, s1;
	s6 =	ssub.s32 s6, s28  }
0x5a1: {  	p1 =	slt.s32 s1, s24;
	s1 =	smin.u32 s6, $0x80  }
0x5a2: {  	s1 =	simm.s32 @!p1 $0x80  }
0x5a3: {  	[tilespmem:s2+$0x60] =	vst.add.f32.msk $0xffff, v8;
	s17 =	sshll.u32 s1, $0x4  }
0x5a4: {  	s18 =	simm.s32 $0x0;
	[tilespmem:s17+$0x18300] =	vst.add.f32.msk $0xffff, v5  }
0x5a5: {  	v7 =	vld.idx.msk [tilespmem:v6+s18+$0x5D70 ss:$0x1], $0xffff  }
0x5a6: {  	v8 =	vld.idx.msk [tilespmem:v6+s18+$0x5D00 ss:$0x1], $0xffff  }
0x5a7: {  	v9 =	vld.idx.msk [tilespmem:v6+s18+$0x5D10 ss:$0x1], $0xffff  }
0x5a8: {  	s1 =	smul.u32 $0xC00, s1;
	v10 =	vld.idx.msk [tilespmem:v6+s18+$0x5D20 ss:$0x1], $0xffff  }
0x5a9: {  	v11 =	vld.idx.msk [tilespmem:v6+s18+$0x5D30 ss:$0x1], $0xffff  }
0x5aa: {  	s1 =	sshrl.u32 s1, $0x2;
	v12 =	vld.idx.msk [tilespmem:v6+s18+$0x5D40 ss:$0x1], $0xffff  }
0x5ab: {  	v13 =	vld.idx.msk [tilespmem:v6+s18+$0x5D50 ss:$0x1], $0xffff;
	s6 =	sadd.s32 $0x0, s1  }
0x5ac: {  	[tilespmem:s6+$0x70] =	vst.add.f32.msk $0xffff, v7  }
0x5ad: {  	v7 =	vld.idx.msk [tilespmem:v6+s18+$0x5D60 ss:$0x1], $0xffff  }
0x5ae: {  	[tilespmem:s6+$0x0] =	vst.add.f32.msk $0xffff, v8  }
0x5af: {  	[tilespmem:s6+$0x10] =	vst.add.f32.msk $0xffff, v9  }
0x5b0: {  	[tilespmem:s6+$0x20] =	vst.add.f32.msk $0xffff, v10  }
0x5b1: {  	[tilespmem:s6+$0x30] =	vst.add.f32.msk $0xffff, v11  }
0x5b2: {  	[tilespmem:s6+$0x40] =	vst.add.f32.msk $0xffff, v12  }
0x5b3: {  	s2 =	simm.s32 $0x0;
	s10 =	simm.s32 $0x200;
	[tilespmem:s6+$0x50] =	vst.add.f32.msk $0xffff, v13  }
.LBB2_78:
0x5b4: {  	s8 =	sshra.s32 s10, $0x2;
	s2 =	sadd.s32 $0x80, s2;
	[tilespmem:s6+$0x60] =	vst.add.f32.msk $0xffff, v7  }
0x5b5: {  	v7 =	vld.idx.msk [tilespmem:v6+s8+$0x5D70 ss:$0x1], $0xffff;
	p1 =	slt.u32 s2, $0x280  }
0x5b6: {  	v8 =	vld.idx.msk [tilespmem:v6+s8+$0x5D00 ss:$0x1], $0xffff  }
0x5b7: {  	v9 =	vld.idx.msk [tilespmem:v6+s8+$0x5D10 ss:$0x1], $0xffff  }
0x5b8: {  	v10 =	vld.idx.msk [tilespmem:v6+s8+$0x5D20 ss:$0x1], $0xffff  }
0x5b9: {  	v11 =	vld.idx.msk [tilespmem:v6+s8+$0x5D30 ss:$0x1], $0xffff  }
0x5ba: {  	s6 =	sadd.s32 s8, s1;
	v12 =	vld.idx.msk [tilespmem:v6+s8+$0x5D40 ss:$0x1], $0xffff  }
0x5bb: {  	[tilespmem:s6+$0x70] =	vst.add.f32.msk $0xffff, v7  }
0x5bc: {  	v13 =	vld.idx.msk [tilespmem:v6+s8+$0x5D50 ss:$0x1], $0xffff  }
0x5bd: {  	v7 =	vld.idx.msk [tilespmem:v6+s8+$0x5D60 ss:$0x1], $0xffff  }
0x5be: {  	[tilespmem:s6+$0x0] =	vst.add.f32.msk $0xffff, v8  }
.Ltmp44:
0x5bf: {  	[tilespmem:s6+$0x10] =	vst.add.f32.msk $0xffff, v9;
	(pc) =	sbr.rel @p1 .LBB2_78-.Ltmp44, $4  }
0x5c0: {  	[tilespmem:s6+$0x20] =	vst.add.f32.msk $0xffff, v10  }
0x5c1: {  	[tilespmem:s6+$0x30] =	vst.add.f32.msk $0xffff, v11  }
0x5c2: {  	[tilespmem:s6+$0x40] =	vst.add.f32.msk $0xffff, v12  }
0x5c3: {  	s10 =	sadd.s32 $0x200, s10;
	[tilespmem:s6+$0x50] =	vst.add.f32.msk $0xffff, v13  }
.Ltmp45:
0x5c4: {  	_ = 	snop;
	(pc) =	sbr.rel .LBB2_79-.Ltmp45, $1  }
0x5c5: {  	_ =	sdelay $0x3  }
.LBB2_83:
0x5c6: {  	_ =	sfence.sel $0x180000  }
0x5c7: {  	[bflag:$0x0] =	sbarrier.arrive $0xFFFF  }
0x5c8: {  	_ =	strace $0x90000047  }
0x5c9: {  	s0 =	stileid.u32;
	[bflag:$0x2] =	sbarrier.arrive $0xFFFF  }
0x5ca: {  	p0 =	sne.s32 s0, $0x0;
	s0 =	rddreg [dreg:$0x2]  }
0x5cb: {  	s0 =	sadd.s32 @!p0 $0x100000, s0  }
0x5cc: {  	[sflag:s0] =	ssyncadd.tile.s32 @!p0 $0x1;
	_ =	shalt  }
.Lfunc_end2:
_tile_overlayer_lowered:
.L_overlay_start_2:
0x5cd: {  	(tag) =	ssettag $0x2  }
0x5ce: {  	s0 =	rddreg [dreg:$0x0];
	s2 =	stileid.u32  }
0x5cf: {  	s1 =	rddreg [dreg:$0x1];
	p0 =	sne.s32 s2, $0x0  }
0x5d0: {  	s3 =	rddreg [dreg:$0x2];
	[bflag:$0x3] =	sbarrier.arrive $0xFFFF;
	s2 =	simm.s32 @!p0 $0x1C05  }
0x5d1: {  	[timem:s3], [sflag:s2] =	dma.local @!p0 [hbm:s0], s1  }
0x5d2: {  	s0 =	simm.s32 @!p0 $0x5  }
0x5d3: {  	_ =	swait.ge @!p0 [sflag:s0], s1  }
0x5d4: {  	s1 =	ssub.s32 @!p0 $0x0, s1;
	[sflag:s0] =	ssyncset.done @!p0 $0x0  }
0x5d5: {  	[sflag:s0] =	ssyncadd.s32 @!p0 s1  }
0x5d6: {  	[bflag:$0x3] =	sbarrier.arrive $0xFFFF  }
0x5d7: {  	_ =	shalt  }

</sc_bundles>
